<compile_context>
chip_gen: v7x
topology: tpu7x:2x2x1
jax: 0.10.2.dev20260603
libtpu: 0.0.44.dev20260713+nightly
codegen_flags: <defaults>
</compile_context>

<pallas_src>
import functools

import jax
import jax.numpy as jnp
from jax import lax
from jax.experimental import pallas as pl
from jax.experimental.pallas import tpu as pltpu
from jax.experimental.pallas import tpu_sc as plsc

NSEG = 4
CELL = 512
BLK = 256
G = 64
G2 = 8
EPW = 2


def _gelu_exact(x):
    return 0.5 * x * (1.0 + lax.erf(x * 0.7071067811865476))



def _make_sc_gather(T, D, e0):
    NITER = CELL // 16
    NCW = T // CELL
    PW = EPW * T
    mesh = plsc.VectorSubcoreMesh(core_axis_name="c", subcore_axis_name="s")

    @functools.partial(
        pl.kernel,
        mesh=mesh,
        out_type=[
            jax.ShapeDtypeStruct((PW, D), jnp.float32),
            jax.ShapeDtypeStruct((PW,), jnp.float32),
        ],
        scratch_types=[
            pltpu.VMEM((CELL,), jnp.float32),
            pltpu.VMEM((CELL,), jnp.float32),
            pltpu.VMEM((CELL,), jnp.int32),
            pltpu.VMEM((CELL,), jnp.float32),
            pltpu.VMEM((G, D), jnp.float32),
            pltpu.VMEM((16,), jnp.int32),
            pltpu.SemaphoreType.DMA,
        ],
        compiler_params=pltpu.CompilerParams(needs_layout_passes=False),
    )
    def sc_gather(fdT_hbm, fcT_hbm, flat_hbm, bases_hbm,
                  xcomp_hbm, fccomp_hbm,
                  fd_v, fc_v, idx_v, fcc_v, rows_v, base_v, sem):
        wid = lax.axis_index("s") * 2 + lax.axis_index("c")
        e = e0 + wid // NCW
        cell = wid % NCW
        tok0 = cell * CELL

        pltpu.sync_copy(bases_hbm.at[wid], base_v)
        lanes = lax.iota(jnp.int32, 16)
        base = base_v[...][0]

        pltpu.sync_copy(fdT_hbm.at[e, pl.ds(tok0, CELL)], fd_v)
        pltpu.sync_copy(fcT_hbm.at[e, pl.ds(tok0, CELL)], fc_v)

        def zbody(i, _):
            idx_v[pl.ds(i * 16, 16)] = jnp.zeros((16,), jnp.int32)
            return 0
        lax.fori_loop(0, NITER, zbody, 0)

        def cbody(i, ptr):
            fd16 = fd_v[pl.ds(i * 16, 16)]
            m = fd16 > 0.0
            ids = lanes + (tok0 + i * 16)
            _, sids, _ = plsc.sort_key_val(lanes, ids, mask=m)
            idx_v[pl.ds(ptr, 16)] = sids
            fc16 = fc_v[pl.ds(i * 16, 16)]
            _, sfc, _ = plsc.sort_key_val(lanes, fc16, mask=m)
            fcc_v[pl.ds(ptr, 16)] = sfc
            return ptr + plsc.all_reduce_population_count(m)[0]
        cnt = lax.fori_loop(0, NITER, cbody, jnp.int32(0))

        nfull = cnt // G

        def gbody(j, _):
            idxs = idx_v.at[pl.ds(j * G, G)]
            pltpu.async_copy(flat_hbm.at[idxs], rows_v, sem).wait()
            dst = pl.multiple_of(base + j * G, G2)
            pltpu.sync_copy(rows_v, xcomp_hbm.at[pl.ds(dst, G)])
            pltpu.sync_copy(fcc_v.at[pl.ds(j * G, G)],
                            fccomp_hbm.at[pl.ds(dst, G)])
            return 0
        lax.fori_loop(0, nfull, gbody, 0)

        rem = cnt - nfull * G
        nres = (rem + (G2 - 1)) // G2
        rows8 = rows_v.at[pl.ds(0, G2)]

        def rbody(j, _):
            off = pl.multiple_of(nfull * G + j * G2, G2)
            idxs = idx_v.at[pl.ds(off, G2)]
            pltpu.async_copy(flat_hbm.at[idxs], rows8, sem).wait()
            dst = pl.multiple_of(base + off, G2)
            pltpu.sync_copy(rows8, xcomp_hbm.at[pl.ds(dst, G2)])
            pltpu.sync_copy(fcc_v.at[pl.ds(off, G2)],
                            fccomp_hbm.at[pl.ds(dst, G2)])
            return 0
        lax.fori_loop(0, nres, rbody, 0)

    return sc_gather



def _grouped_body(be_ref, nb_ref, x_ref, fc_ref, gw_ref, vw_ref, ow_ref,
                  out_ref, *, blk, d, h, hc):
    i = pl.program_id(0)

    @pl.when(i < nb_ref[0])
    def _compute():
        x = x_ref[...]
        acc = jnp.zeros((blk, d), jnp.float32)
        for hi in range(h // hc):
            gw = gw_ref[0, hi * hc:(hi + 1) * hc, :]
            vw = vw_ref[0, hi * hc:(hi + 1) * hc, :]
            ow = ow_ref[0, :, hi * hc:(hi + 1) * hc]
            g = lax.dot_general(x, gw, (((1,), (1,)), ((), ())),
                                preferred_element_type=jnp.float32)
            v = lax.dot_general(x, vw, (((1,), (1,)), ((), ())),
                                preferred_element_type=jnp.float32)
            gv = _gelu_exact(g) * v
            acc = acc + lax.dot_general(gv, ow, (((1,), (1,)), ((), ())),
                                        preferred_element_type=jnp.float32)
        w = fc_ref[0, 0, :].reshape(blk, 1)
        out_ref[...] = acc * w


def _clampmap(i, be, nb):
    j = jnp.maximum(jnp.minimum(i, nb[0] - 1), 0)
    return j


@jax.jit
def kernel(tokens, dispatch_weights, combine_weights, gate_W, value_W, out_W, out_scale):
    B, N, D = tokens.shape
    E = dispatch_weights.shape[-1]
    H = gate_W.shape[1]
    T = B * N
    SEG = T // NSEG
    HC = 512
    NWAVE = E // EPW
    PW = EPW * T
    NBW = PW // BLK
    NCW = T // CELL

    flat = tokens.reshape(T, D)
    fdT = dispatch_weights.reshape(T, E).T
    fcT = combine_weights.reshape(T, E).T
    ow_scaled = out_W * out_scale[:, None, None]

    maskT = fdT > 0
    scnt = maskT.reshape(E, NCW, CELL).sum(-1).astype(jnp.int32)
    subcap = ((scnt + 7) // 8) * 8
    segsub = subcap.reshape(E, NSEG, NCW // NSEG)
    segtot = segsub.sum(-1)
    cap = ((segtot + BLK - 1) // BLK) * BLK

    capw = cap.reshape(NWAVE, EPW * NSEG)
    basew = (jnp.cumsum(capw, axis=1) - capw)
    base_es = basew.reshape(E, NSEG)
    suboff = jnp.cumsum(segsub, axis=-1) - segsub
    subbase = base_es[:, :, None] + suboff
    subbase_flat = subbase.reshape(E, NCW)

    widx = jnp.arange(32)
    bases_tables = []
    for g in range(NWAVE):
        ew = g * EPW + widx // NCW
        cw = widx % NCW
        bw = subbase_flat[ew, cw].astype(jnp.int32)
        bases_tables.append(jnp.broadcast_to(bw[:, None], (32, 16)))

    jidx = jnp.arange(NBW, dtype=jnp.int32)
    block_experts, nbs = [], []
    for g in range(NWAVE):
        caps_flat = capw[g]
        nblk = caps_flat // BLK
        cumnb = jnp.cumsum(nblk)
        nb_g = cumnb[-1]
        reg = jnp.minimum(jnp.searchsorted(cumnb, jidx, side="right"),
                          EPW * NSEG - 1)
        be_g = (g * EPW + reg // NSEG).astype(jnp.int32)
        last_e = be_g[jnp.maximum(nb_g - 1, 0)]
        block_experts.append(jnp.where(jidx < nb_g, be_g, last_e))
        nbs.append(nb_g)

    cum = jnp.cumsum(maskT, axis=1).astype(jnp.int32)
    cellpref = (jnp.cumsum(scnt, axis=1) - scnt)
    cell_of_t = (jnp.arange(T) // CELL).astype(jnp.int32)
    pos = (subbase_flat[:, cell_of_t]
           + (cum - 1 - cellpref[:, cell_of_t]))
    pos = jnp.clip(pos, 0, PW - 1)

    body = functools.partial(_grouped_body, blk=BLK, d=D, h=H, hc=HC)
    grid_spec = pltpu.PrefetchScalarGridSpec(
        num_scalar_prefetch=2,
        grid=(NBW,),
        in_specs=[
            pl.BlockSpec((BLK, D), lambda i, be, nb: (_clampmap(i, be, nb), 0)),
            pl.BlockSpec((1, 1, BLK),
                         lambda i, be, nb: (_clampmap(i, be, nb), 0, 0)),
            pl.BlockSpec((1, H, D), lambda i, be, nb: (be[i], 0, 0)),
            pl.BlockSpec((1, H, D), lambda i, be, nb: (be[i], 0, 0)),
            pl.BlockSpec((1, D, H), lambda i, be, nb: (be[i], 0, 0)),
        ],
        out_specs=pl.BlockSpec((BLK, D),
                               lambda i, be, nb: (_clampmap(i, be, nb), 0)),
    )

    gathered = []
    for g in range(NWAVE):
        sc_gather = _make_sc_gather(T, D, g * EPW)
        gathered.append(sc_gather(fdT, fcT, flat, bases_tables[g]))
    ys = []
    for g in range(NWAVE):
        x_w, fc_w = gathered[g]
        ys.append(pl.pallas_call(
            body,
            grid_spec=grid_spec,
            out_shape=jax.ShapeDtypeStruct((PW, D), jnp.float32),
        )(block_experts[g], nbs[g][None], x_w,
          fc_w.reshape(NBW, 1, BLK), gate_W, value_W, ow_scaled))
    out = jnp.zeros((T, D), jnp.float32)
    for g in range(NWAVE):
        for el in range(EPW):
            e = g * EPW + el
            ye = ys[g][pos[e]]
            out = out + jnp.where(maskT[e][:, None], ye, 0.0)
    return out.reshape(B, N, D)

# --- scband reference (transcript-rebuilt; emitter-appended) ---
"""Pipeline reference for scband-group-cexpert-pool-78288663872351 (READ-ONLY COPY).

The authoritative reference and input builder live on the scoring server;
editing this copy changes nothing except your own understanding.
"""

import jax, jax.numpy as jnp
import numpy as np

B, N, D, E, H = 4, 2048, 768, 8, 1536


def _xavier(key, shape, gain=1.0):
    fan_out, fan_in = shape
    limit = gain * np.sqrt(6.0 / (fan_in + fan_out))
    return jax.random.uniform(key, shape, minval=-limit, maxval=limit, dtype=jnp.float32)


def setup_inputs(seed: int = 0) -> dict:
    key = jax.random.key(seed)
    k_tok, k_disp, k_comb, k_w = jax.random.split(key, 4)
    tokens = jax.random.normal(k_tok, (B, N, D), dtype=jnp.float32)
    dispatch_weights = jax.random.normal(k_disp, (B, N, E), dtype=jnp.float32)
    combine_weights = jax.random.uniform(k_comb, (B, N, E), dtype=jnp.float32)
    wk = jax.random.split(k_w, 3 * E)
    gate_W = jnp.stack([_xavier(wk[e], (H, D)) for e in range(E)])
    value_W = jnp.stack([_xavier(wk[E + e], (H, D)) for e in range(E)])
    out_W = jnp.stack([_xavier(wk[2 * E + e], (D, H), gain=0.02) for e in range(E)])
    out_scale = jnp.full((E,), 1.0 / E, dtype=jnp.float32)
    return {"tokens": tokens, "dispatch_weights": dispatch_weights, "combine_weights": combine_weights,
            "gate_W": gate_W, "value_W": value_W, "out_W": out_W, "out_scale": out_scale}


def reference(tokens, dispatch_weights, combine_weights, gate_W, value_W, out_W, out_scale):
    Bb, Nn, Dd = tokens.shape
    Ee = dispatch_weights.shape[-1]
    flat = tokens.reshape(Bb * Nn, Dd)
    fd = dispatch_weights.reshape(Bb * Nn, Ee)
    fc = combine_weights.reshape(Bb * Nn, Ee)
    output = jnp.zeros_like(flat)
    for e in range(Ee):
        mask = (fd[:, e] > 0)[:, None]
        g = jax.nn.gelu(flat @ gate_W[e].T, approximate=False)
        v = flat @ value_W[e].T
        eo = ((g * v) @ out_W[e].T) * out_scale[e]
        w = fc[:, e][:, None]
        output = output + jnp.where(mask, eo * w, 0.0)
    return output.reshape(Bb, Nn, Dd)

if __name__ == "__main__":
    import jax
    _d = setup_inputs()
    print(jax.jit(kernel)(*tuple(_d.values())))

</pallas_src>

<mosaic_0001>
#map = affine_map<(d0, d1) -> (0, 0)>
#map1 = affine_map<(d0, d1) -> (0)>
module attributes {stable_mosaic.version = 14 : i64} {
  func.func @sc_gather(%arg0: i32, %arg1: i32, %arg2: memref<8x8192xf32, #tpu.memory_space<hbm>>, %arg3: memref<8x8192xf32, #tpu.memory_space<hbm>>, %arg4: memref<8192x768xf32, #tpu.memory_space<hbm>>, %arg5: memref<32x16xi32, #tpu.memory_space<hbm>>, %arg6: memref<16384x768xf32, #tpu.memory_space<hbm>>, %arg7: memref<16384xf32, #tpu.memory_space<hbm>>, %arg8: memref<512xf32, #tpu.memory_space<vmem>>, %arg9: memref<512xf32, #tpu.memory_space<vmem>>, %arg10: memref<512xi32, #tpu.memory_space<vmem>>, %arg11: memref<512xf32, #tpu.memory_space<vmem>>, %arg12: memref<64x768xf32, #tpu.memory_space<vmem>>, %arg13: memref<16xi32, #tpu.memory_space<vmem>>, %arg14: memref<!tpu.dma_semaphore, #tpu.memory_space<semaphore_mem>>) attributes {dimension_semantics = [#tpu.dimension_semantics<core_parallel>, #tpu.dimension_semantics<subcore_parallel>], iteration_bounds = array<i64: 2, 16>, scalar_prefetch = 0 : i64, scratch_operands = 7 : i64, tpu.core_type = #tpu.core_type<sc_vector_subcore>, window_params = [{transform_indices = #map}, {transform_indices = #map}, {transform_indices = #map}, {transform_indices = #map}, {transform_indices = #map}, {transform_indices = #map1}]} {
    %mul3A = arith.constant 2 : i32
    %mul3A_0 = arith.muli %arg1, %mul3A : i32
    %add3A = arith.addi %mul3A_0, %arg0 : i32
    %jit3A = arith.constant 16 : i32
    %div3A = arith.divsi %add3A, %jit3A : i32
    %sign3A = arith.constant 0 : i32
    %sign3A_1 = arith.cmpi sgt, %add3A, %sign3A : i32
    %sign3A_2 = arith.extui %sign3A_1 : i1 to i32
    %sign3A_3 = arith.constant 0 : i32
    %sign3A_4 = arith.cmpi slt, %add3A, %sign3A_3 : i32
    %sign3A_5 = arith.extui %sign3A_4 : i1 to i32
    %sign3A_6 = arith.subi %sign3A_2, %sign3A_5 : i32
    %sign3A_7 = arith.constant 0 : i32
    %sign3A_8 = arith.cmpi sgt, %jit3A, %sign3A_7 : i32
    %sign3A_9 = arith.extui %sign3A_8 : i1 to i32
    %sign3A_10 = arith.constant 0 : i32
    %sign3A_11 = arith.cmpi slt, %jit3A, %sign3A_10 : i32
    %sign3A_12 = arith.extui %sign3A_11 : i1 to i32
    %sign3A_13 = arith.subi %sign3A_9, %sign3A_12 : i32
    %ne3A = arith.cmpi ne, %sign3A_6, %sign3A_13 : i32
    %rem3A = arith.remsi %add3A, %jit3A : i32
    %ne3A_14 = arith.constant 0 : i32
    %ne3A_15 = arith.cmpi ne, %rem3A, %ne3A_14 : i32
    %and3A = arith.andi %ne3A, %ne3A_15 : i1
    %sub3A = arith.constant 1 : i32
    %sub3A_16 = arith.subi %div3A, %sub3A : i32
    %select_n3A = arith.select %and3A, %sub3A_16, %div3A : i32
    %add3A_17 = arith.constant 0 : i32
    %add3A_18 = arith.addi %add3A_17, %select_n3A : i32
    %jit3A_19 = arith.constant 16 : i32
    %eq3A = arith.constant 0 : i32
    %eq3A_20 = arith.cmpi eq, %jit3A_19, %eq3A : i32
    %jit3A_21 = arith.constant 1 : i32
    %select_n3A_22 = arith.select %eq3A_20, %jit3A_21, %jit3A_19 : i32
    %rem3A_23 = arith.remsi %add3A, %select_n3A_22 : i32
    %ne3A_24 = arith.constant 0 : i32
    %ne3A_25 = arith.cmpi ne, %rem3A_23, %ne3A_24 : i32
    %lt3A = arith.constant 0 : i32
    %lt3A_26 = arith.cmpi slt, %rem3A_23, %lt3A : i32
    %lt3A_27 = arith.constant 0 : i32
    %lt3A_28 = arith.cmpi slt, %select_n3A_22, %lt3A_27 : i32
    %ne3A_29 = arith.xori %lt3A_26, %lt3A_28 : i1
    %and3A_30 = arith.andi %ne3A_29, %ne3A_25 : i1
    %add3A_31 = arith.addi %rem3A_23, %select_n3A_22 : i32
    %select_n3A_32 = arith.select %and3A_30, %add3A_31, %rem3A_23 : i32
    %mul3A_33 = arith.constant 512 : i32
    %mul3A_34 = arith.muli %select_n3A_32, %mul3A_33 : i32
    "tpu.region"() ({
      %run_scoped3A = tpu.sem_alloc : memref<!tpu.dma_semaphore, #tpu.memory_space<semaphore_mem>>
      %dma_start3A = arith.constant 0 : i32
      %dma_start3A_125 = tpu.memref_slice %arg5[%add3A, %dma_start3A] : memref<32x16xi32, #tpu.memory_space<hbm>> -> memref<1x16xi32, #tpu.memory_space<hbm>>
      %dma_start3A_126 = tpu.memref_squeeze %dma_start3A_125 : memref<1x16xi32, #tpu.memory_space<hbm>> -> memref<16xi32, #tpu.memory_space<hbm>>
      %dma_start3A_127 = arith.constant 0 : i32
      %dma_start3A_128 = tpu.memref_slice %arg5[%add3A, %dma_start3A_127] : memref<32x16xi32, #tpu.memory_space<hbm>> -> memref<1x16xi32, #tpu.memory_space<hbm>>
      %dma_start3A_129 = tpu.memref_squeeze %dma_start3A_128 : memref<1x16xi32, #tpu.memory_space<hbm>> -> memref<16xi32, #tpu.memory_space<hbm>>
      tpu.enqueue_dma source(%dma_start3A_129 : memref<16xi32, #tpu.memory_space<hbm>>) target(%arg13 : memref<16xi32, #tpu.memory_space<vmem>>) target_semaphore(%run_scoped3A : memref<!tpu.dma_semaphore, #tpu.memory_space<semaphore_mem>>)
      %dma_wait3A = arith.constant 0 : i32
      %dma_wait3A_130 = tpu.memref_slice %arg5[%add3A, %dma_wait3A] : memref<32x16xi32, #tpu.memory_space<hbm>> -> memref<1x16xi32, #tpu.memory_space<hbm>>
      %dma_wait3A_131 = tpu.memref_squeeze %dma_wait3A_130 : memref<1x16xi32, #tpu.memory_space<hbm>> -> memref<16xi32, #tpu.memory_space<hbm>>
      %dma_wait3A_132 = arith.constant 0 : i32
      %dma_wait3A_133 = tpu.memref_slice %arg5[%add3A, %dma_wait3A_132] : memref<32x16xi32, #tpu.memory_space<hbm>> -> memref<1x16xi32, #tpu.memory_space<hbm>>
      %dma_wait3A_134 = tpu.memref_squeeze %dma_wait3A_133 : memref<1x16xi32, #tpu.memory_space<hbm>> -> memref<16xi32, #tpu.memory_space<hbm>>
      tpu.wait_dma2 semaphore(%run_scoped3A : memref<!tpu.dma_semaphore, #tpu.memory_space<semaphore_mem>>) src(%dma_wait3A_134 : memref<16xi32, #tpu.memory_space<hbm>>) dst(%arg13 : memref<16xi32, #tpu.memory_space<vmem>>)
      tpu.yield
    }) : () -> ()
    %iota3A = tpu.iota {dimensions = array<i32: 0>} : vector<16xi32>
    %get3A = arith.constant 0 : index
    %get3A_35 = tpu.vector_load %arg13[%get3A] {strides = array<i32>} : memref<16xi32, #tpu.memory_space<vmem>>, vector<16xi32>,
    %slice3A = vector.extract_strided_slice %get3A_35 {offsets = [0], sizes = [1], strides = [1]} : vector<16xi32> to vector<1xi32>
    %squeeze3A = vector.extract %slice3A[0] : i32 from vector<1xi32>
    "tpu.region"() ({
      %run_scoped3A = tpu.sem_alloc : memref<!tpu.dma_semaphore, #tpu.memory_space<semaphore_mem>>
      %dma_start3A = tpu.memref_slice %arg2[%add3A_18, %mul3A_34] : memref<8x8192xf32, #tpu.memory_space<hbm>> -> memref<1x512xf32, #tpu.memory_space<hbm>>
      %dma_start3A_125 = tpu.memref_squeeze %dma_start3A : memref<1x512xf32, #tpu.memory_space<hbm>> -> memref<512xf32, #tpu.memory_space<hbm>>
      %dma_start3A_126 = tpu.memref_slice %arg2[%add3A_18, %mul3A_34] : memref<8x8192xf32, #tpu.memory_space<hbm>> -> memref<1x512xf32, #tpu.memory_space<hbm>>
      %dma_start3A_127 = tpu.memref_squeeze %dma_start3A_126 : memref<1x512xf32, #tpu.memory_space<hbm>> -> memref<512xf32, #tpu.memory_space<hbm>>
      tpu.enqueue_dma source(%dma_start3A_127 : memref<512xf32, #tpu.memory_space<hbm>>) target(%arg8 : memref<512xf32, #tpu.memory_space<vmem>>) target_semaphore(%run_scoped3A : memref<!tpu.dma_semaphore, #tpu.memory_space<semaphore_mem>>)
      %dma_wait3A = tpu.memref_slice %arg2[%add3A_18, %mul3A_34] : memref<8x8192xf32, #tpu.memory_space<hbm>> -> memref<1x512xf32, #tpu.memory_space<hbm>>
      %dma_wait3A_128 = tpu.memref_squeeze %dma_wait3A : memref<1x512xf32, #tpu.memory_space<hbm>> -> memref<512xf32, #tpu.memory_space<hbm>>
      %dma_wait3A_129 = tpu.memref_slice %arg2[%add3A_18, %mul3A_34] : memref<8x8192xf32, #tpu.memory_space<hbm>> -> memref<1x512xf32, #tpu.memory_space<hbm>>
      %dma_wait3A_130 = tpu.memref_squeeze %dma_wait3A_129 : memref<1x512xf32, #tpu.memory_space<hbm>> -> memref<512xf32, #tpu.memory_space<hbm>>
      tpu.wait_dma2 semaphore(%run_scoped3A : memref<!tpu.dma_semaphore, #tpu.memory_space<semaphore_mem>>) src(%dma_wait3A_130 : memref<512xf32, #tpu.memory_space<hbm>>) dst(%arg8 : memref<512xf32, #tpu.memory_space<vmem>>)
      tpu.yield
    }) : () -> ()
    "tpu.region"() ({
      %run_scoped3A = tpu.sem_alloc : memref<!tpu.dma_semaphore, #tpu.memory_space<semaphore_mem>>
      %dma_start3A = tpu.memref_slice %arg3[%add3A_18, %mul3A_34] : memref<8x8192xf32, #tpu.memory_space<hbm>> -> memref<1x512xf32, #tpu.memory_space<hbm>>
      %dma_start3A_125 = tpu.memref_squeeze %dma_start3A : memref<1x512xf32, #tpu.memory_space<hbm>> -> memref<512xf32, #tpu.memory_space<hbm>>
      %dma_start3A_126 = tpu.memref_slice %arg3[%add3A_18, %mul3A_34] : memref<8x8192xf32, #tpu.memory_space<hbm>> -> memref<1x512xf32, #tpu.memory_space<hbm>>
      %dma_start3A_127 = tpu.memref_squeeze %dma_start3A_126 : memref<1x512xf32, #tpu.memory_space<hbm>> -> memref<512xf32, #tpu.memory_space<hbm>>
      tpu.enqueue_dma source(%dma_start3A_127 : memref<512xf32, #tpu.memory_space<hbm>>) target(%arg9 : memref<512xf32, #tpu.memory_space<vmem>>) target_semaphore(%run_scoped3A : memref<!tpu.dma_semaphore, #tpu.memory_space<semaphore_mem>>)
      %dma_wait3A = tpu.memref_slice %arg3[%add3A_18, %mul3A_34] : memref<8x8192xf32, #tpu.memory_space<hbm>> -> memref<1x512xf32, #tpu.memory_space<hbm>>
      %dma_wait3A_128 = tpu.memref_squeeze %dma_wait3A : memref<1x512xf32, #tpu.memory_space<hbm>> -> memref<512xf32, #tpu.memory_space<hbm>>
      %dma_wait3A_129 = tpu.memref_slice %arg3[%add3A_18, %mul3A_34] : memref<8x8192xf32, #tpu.memory_space<hbm>> -> memref<1x512xf32, #tpu.memory_space<hbm>>
      %dma_wait3A_130 = tpu.memref_squeeze %dma_wait3A_129 : memref<1x512xf32, #tpu.memory_space<hbm>> -> memref<512xf32, #tpu.memory_space<hbm>>
      tpu.wait_dma2 semaphore(%run_scoped3A : memref<!tpu.dma_semaphore, #tpu.memory_space<semaphore_mem>>) src(%dma_wait3A_130 : memref<512xf32, #tpu.memory_space<hbm>>) dst(%arg9 : memref<512xf32, #tpu.memory_space<vmem>>)
      tpu.yield
    }) : () -> ()
    %scan3A = arith.constant 0 : i32
    %scan3A_36 = arith.constant 0 : i32
    %scan3A_37 = arith.constant 32 : i32
    %scan3A_38 = arith.addi %scan3A_36, %scan3A_37 : i32
    %scan3A_39 = arith.constant 1 : i32
    %scan3A_40 = scf.for %scan3A_125 = %scan3A_36 to %scan3A_38 step %scan3A_39 iter_args(%scan3A_126 = %scan3A) -> (i32)  : i32 {
      %broadcast_in_dim3A = arith.constant 0 : i32
      %broadcast_in_dim3A_127 = vector.broadcast %broadcast_in_dim3A : i32 to vector<16xi32>
      %mul3A_128 = arith.constant 16 : i32
      %mul3A_129 = arith.muli %scan3A_125, %mul3A_128 : i32
      %swap3A = arith.index_cast %mul3A_129 : i32 to index
      %swap3A_130 = tpu.vector_load %arg10[%swap3A] {strides = array<i32>} : memref<512xi32, #tpu.memory_space<vmem>>, vector<16xi32>,
      tpu.vector_store %arg10[%swap3A], %broadcast_in_dim3A_127 {strides = array<i32>} : memref<512xi32, #tpu.memory_space<vmem>>, vector<16xi32>,
      %scan3A_131 = arith.constant 0 : i32
      scf.yield %scan3A_131 : i32
    }
    %scan3A_41 = arith.constant 32 : i32
    %scan3A_42 = arith.constant 0 : i32
    %scan3A_43 = arith.constant 0 : i32
    %scan3A_44 = arith.constant 32 : i32
    %scan3A_45 = arith.addi %scan3A_43, %scan3A_44 : i32
    %scan3A_46 = arith.constant 1 : i32
    %scan3A_47 = scf.for %scan3A_125 = %scan3A_43 to %scan3A_45 step %scan3A_46 iter_args(%scan3A_126 = %scan3A_42) -> (i32)  : i32 {
      %mul3A_127 = arith.constant 16 : i32
      %mul3A_128 = arith.muli %scan3A_125, %mul3A_127 : i32
      %get3A_129 = arith.index_cast %mul3A_128 : i32 to index
      %get3A_130 = tpu.vector_load %arg8[%get3A_129] {strides = array<i32>} : memref<512xf32, #tpu.memory_space<vmem>>, vector<16xf32>,
      %gt3A = arith.constant 0.000000e+00 : f32
      %gt3A_131 = vector.broadcast %gt3A : f32 to vector<16xf32>
      %gt3A_132 = arith.cmpf ogt, %get3A_130, %gt3A_131 : vector<16xf32>
      %mul3A_133 = arith.constant 16 : i32
      %mul3A_134 = arith.muli %scan3A_125, %mul3A_133 : i32
      %add3A_135 = arith.addi %mul3A_34, %mul3A_134 : i32
      %add3A_136 = vector.broadcast %add3A_135 : i32 to vector<16xi32>
      %add3A_137 = arith.addi %iota3A, %add3A_136 : vector<16xi32>
      %masked_sort3A = arith.constant -2147483648 : i32
      %masked_sort3A_138 = vector.broadcast %masked_sort3A : i32 to vector<16xi32>
      %masked_sort3A_139 = arith.xori %iota3A, %masked_sort3A_138 : vector<16xi32>
      %masked_sort3A_140, %masked_sort3A_141, %masked_sort3A_142 = tpu.sort %masked_sort3A_139, %add3A_137 masked %gt3A_132 : (vector<16xi32>, vector<16xi32>, vector<16xi1>) -> (vector<16xi1>, vector<16xi32>, vector<16xi32>)
      %masked_sort3A_143 = arith.xori %masked_sort3A_141, %masked_sort3A_138 : vector<16xi32>
      %swap3A = arith.index_cast %scan3A_126 : i32 to index
      %swap3A_144 = tpu.vector_load %arg10[%swap3A] {strides = array<i32>} : memref<512xi32, #tpu.memory_space<vmem>>, vector<16xi32>,
      tpu.vector_store %arg10[%swap3A], %masked_sort3A_142 {strides = array<i32>} : memref<512xi32, #tpu.memory_space<vmem>>, vector<16xi32>,
      %mul3A_145 = arith.constant 16 : i32
      %mul3A_146 = arith.muli %scan3A_125, %mul3A_145 : i32
      %get3A_147 = arith.index_cast %mul3A_146 : i32 to index
      %get3A_148 = tpu.vector_load %arg9[%get3A_147] {strides = array<i32>} : memref<512xf32, #tpu.memory_space<vmem>>, vector<16xf32>,
      %masked_sort3A_149 = arith.constant -2147483648 : i32
      %masked_sort3A_150 = vector.broadcast %masked_sort3A_149 : i32 to vector<16xi32>
      %masked_sort3A_151 = arith.xori %iota3A, %masked_sort3A_150 : vector<16xi32>
      %masked_sort3A_152, %masked_sort3A_153, %masked_sort3A_154 = tpu.sort %masked_sort3A_151, %get3A_148 masked %gt3A_132 : (vector<16xi32>, vector<16xf32>, vector<16xi1>) -> (vector<16xi1>, vector<16xi32>, vector<16xf32>)
      %masked_sort3A_155 = arith.xori %masked_sort3A_153, %masked_sort3A_150 : vector<16xi32>
      %swap3A_156 = arith.index_cast %scan3A_126 : i32 to index
      %swap3A_157 = tpu.vector_load %arg11[%swap3A_156] {strides = array<i32>} : memref<512xf32, #tpu.memory_space<vmem>>, vector<16xf32>,
      tpu.vector_store %arg11[%swap3A_156], %masked_sort3A_154 {strides = array<i32>} : memref<512xf32, #tpu.memory_space<vmem>>, vector<16xf32>,
      %all_reduce_population_count3A = tpu.all_reduce %gt3A_132 {dim = 0 : i64, kind = #tpu.reduction_kind<sum>} : vector<16xi1> -> vector<16xi32>
      %slice3A_158 = vector.extract_strided_slice %all_reduce_population_count3A {offsets = [0], sizes = [1], strides = [1]} : vector<16xi32> to vector<1xi32>
      %squeeze3A_159 = vector.extract %slice3A_158[0] : i32 from vector<1xi32>
      %add3A_160 = arith.addi %scan3A_126, %squeeze3A_159 : i32
      scf.yield %add3A_160 : i32
    }
    %scan3A_48 = arith.constant 32 : i32
    %jit3A_49 = arith.constant 64 : i32
    %div3A_50 = arith.divsi %scan3A_47, %jit3A_49 : i32
    %sign3A_51 = arith.constant 0 : i32
    %sign3A_52 = arith.cmpi sgt, %scan3A_47, %sign3A_51 : i32
    %sign3A_53 = arith.extui %sign3A_52 : i1 to i32
    %sign3A_54 = arith.constant 0 : i32
    %sign3A_55 = arith.cmpi slt, %scan3A_47, %sign3A_54 : i32
    %sign3A_56 = arith.extui %sign3A_55 : i1 to i32
    %sign3A_57 = arith.subi %sign3A_53, %sign3A_56 : i32
    %sign3A_58 = arith.constant 0 : i32
    %sign3A_59 = arith.cmpi sgt, %jit3A_49, %sign3A_58 : i32
    %sign3A_60 = arith.extui %sign3A_59 : i1 to i32
    %sign3A_61 = arith.constant 0 : i32
    %sign3A_62 = arith.cmpi slt, %jit3A_49, %sign3A_61 : i32
    %sign3A_63 = arith.extui %sign3A_62 : i1 to i32
    %sign3A_64 = arith.subi %sign3A_60, %sign3A_63 : i32
    %ne3A_65 = arith.cmpi ne, %sign3A_57, %sign3A_64 : i32
    %rem3A_66 = arith.remsi %scan3A_47, %jit3A_49 : i32
    %ne3A_67 = arith.constant 0 : i32
    %ne3A_68 = arith.cmpi ne, %rem3A_66, %ne3A_67 : i32
    %and3A_69 = arith.andi %ne3A_65, %ne3A_68 : i1
    %sub3A_70 = arith.constant 1 : i32
    %sub3A_71 = arith.subi %div3A_50, %sub3A_70 : i32
    %select_n3A_72 = arith.select %and3A_69, %sub3A_71, %div3A_50 : i32
    %while3A = arith.constant 0 : i32
    %while3A_73 = arith.constant 0 : i32
    %while3A_74 = arith.subi %select_n3A_72, %while3A : i32
    %while3A_75 = arith.addi %while3A, %while3A_74 : i32
    %while3A_76 = arith.constant 1 : i32
    %while3A_77 = arith.divsi %while3A_74, %while3A_76 : i32
    %while3A_78 = arith.muli %while3A_77, %while3A_76 : i32
    %while3A_79 = arith.addi %while3A, %while3A_78 : i32
    %while3A_80 = arith.constant 1 : i32
    %while3A_81 = scf.for %while3A_125 = %while3A to %while3A_79 step %while3A_80 iter_args(%while3A_126 = %while3A_73) -> (i32)  : i32 {
      %mul3A_127 = arith.constant 64 : i32
      %mul3A_128 = arith.muli %while3A_125, %mul3A_127 : i32
      %dma_start3A = tpu.memref_slice %arg10[%mul3A_128] : memref<512xi32, #tpu.memory_space<vmem>> -> memref<64xi32, #tpu.memory_space<vmem>>
      %dma_start3A_129 = arith.constant 0 : i32
      %dma_start3A_130 = arith.constant 0 : i32
      %dma_start3A_131 = tpu.memref_slice %arg4[%dma_start3A_129, %dma_start3A_130] : memref<8192x768xf32, #tpu.memory_space<hbm>> -> memref<8192x768xf32, #tpu.memory_space<hbm>>
      tpu.enqueue_indirect_dma source(%dma_start3A_131 : memref<8192x768xf32, #tpu.memory_space<hbm>>) target(%arg12 : memref<64x768xf32, #tpu.memory_space<vmem>>) offsets(%dma_start3A : memref<64xi32, #tpu.memory_space<vmem>>) semaphore(%arg14 : memref<!tpu.dma_semaphore, #tpu.memory_space<semaphore_mem>>)
      %dma_wait3A = tpu.memref_slice %arg10[%mul3A_128] : memref<512xi32, #tpu.memory_space<vmem>> -> memref<64xi32, #tpu.memory_space<vmem>>
      %dma_wait3A_132 = arith.constant 0 : i32
      %dma_wait3A_133 = arith.constant 0 : i32
      %dma_wait3A_134 = tpu.memref_slice %arg4[%dma_wait3A_132, %dma_wait3A_133] : memref<8192x768xf32, #tpu.memory_space<hbm>> -> memref<8192x768xf32, #tpu.memory_space<hbm>>
      tpu.wait_indirect_dma semaphore(%arg14 : memref<!tpu.dma_semaphore, #tpu.memory_space<semaphore_mem>>) src(%dma_wait3A_134 : memref<8192x768xf32, #tpu.memory_space<hbm>>) dst(%arg12 : memref<64x768xf32, #tpu.memory_space<vmem>>)
      %mul3A_135 = arith.constant 64 : i32
      %mul3A_136 = arith.muli %while3A_125, %mul3A_135 : i32
      %add3A_137 = arith.addi %squeeze3A, %mul3A_136 : i32
      %multiple_of3A = tpu.assume_multiple %add3A_137, 8 : i32
      "tpu.region"() ({
        %run_scoped3A = tpu.sem_alloc : memref<!tpu.dma_semaphore, #tpu.memory_space<semaphore_mem>>
        %dma_start3A_141 = arith.constant 0 : i32
        %dma_start3A_142 = tpu.memref_slice %arg6[%multiple_of3A, %dma_start3A_141] : memref<16384x768xf32, #tpu.memory_space<hbm>> -> memref<64x768xf32, #tpu.memory_space<hbm>>
        %dma_start3A_143 = arith.constant 0 : i32
        %dma_start3A_144 = tpu.memref_slice %arg6[%multiple_of3A, %dma_start3A_143] : memref<16384x768xf32, #tpu.memory_space<hbm>> -> memref<64x768xf32, #tpu.memory_space<hbm>>
        tpu.enqueue_dma source(%arg12 : memref<64x768xf32, #tpu.memory_space<vmem>>) target(%dma_start3A_144 : memref<64x768xf32, #tpu.memory_space<hbm>>) target_semaphore(%run_scoped3A : memref<!tpu.dma_semaphore, #tpu.memory_space<semaphore_mem>>)
        %dma_wait3A_145 = arith.constant 0 : i32
        %dma_wait3A_146 = tpu.memref_slice %arg6[%multiple_of3A, %dma_wait3A_145] : memref<16384x768xf32, #tpu.memory_space<hbm>> -> memref<64x768xf32, #tpu.memory_space<hbm>>
        %dma_wait3A_147 = arith.constant 0 : i32
        %dma_wait3A_148 = tpu.memref_slice %arg6[%multiple_of3A, %dma_wait3A_147] : memref<16384x768xf32, #tpu.memory_space<hbm>> -> memref<64x768xf32, #tpu.memory_space<hbm>>
        tpu.wait_dma2 semaphore(%run_scoped3A : memref<!tpu.dma_semaphore, #tpu.memory_space<semaphore_mem>>) src(%arg12 : memref<64x768xf32, #tpu.memory_space<vmem>>) dst(%dma_wait3A_148 : memref<64x768xf32, #tpu.memory_space<hbm>>)
        tpu.yield
      }) : () -> ()
      %mul3A_138 = arith.constant 64 : i32
      %mul3A_139 = arith.muli %while3A_125, %mul3A_138 : i32
      "tpu.region"() ({
        %run_scoped3A = tpu.sem_alloc : memref<!tpu.dma_semaphore, #tpu.memory_space<semaphore_mem>>
        %dma_start3A_141 = tpu.memref_slice %arg11[%mul3A_139] : memref<512xf32, #tpu.memory_space<vmem>> -> memref<64xf32, #tpu.memory_space<vmem>>
        %dma_start3A_142 = tpu.memref_slice %arg7[%multiple_of3A] : memref<16384xf32, #tpu.memory_space<hbm>> -> memref<64xf32, #tpu.memory_space<hbm>>
        %dma_start3A_143 = tpu.memref_slice %arg7[%multiple_of3A] : memref<16384xf32, #tpu.memory_space<hbm>> -> memref<64xf32, #tpu.memory_space<hbm>>
        %dma_start3A_144 = tpu.memref_slice %arg11[%mul3A_139] : memref<512xf32, #tpu.memory_space<vmem>> -> memref<64xf32, #tpu.memory_space<vmem>>
        tpu.enqueue_dma source(%dma_start3A_144 : memref<64xf32, #tpu.memory_space<vmem>>) target(%dma_start3A_143 : memref<64xf32, #tpu.memory_space<hbm>>) target_semaphore(%run_scoped3A : memref<!tpu.dma_semaphore, #tpu.memory_space<semaphore_mem>>)
        %dma_wait3A_145 = tpu.memref_slice %arg11[%mul3A_139] : memref<512xf32, #tpu.memory_space<vmem>> -> memref<64xf32, #tpu.memory_space<vmem>>
        %dma_wait3A_146 = tpu.memref_slice %arg7[%multiple_of3A] : memref<16384xf32, #tpu.memory_space<hbm>> -> memref<64xf32, #tpu.memory_space<hbm>>
        %dma_wait3A_147 = tpu.memref_slice %arg7[%multiple_of3A] : memref<16384xf32, #tpu.memory_space<hbm>> -> memref<64xf32, #tpu.memory_space<hbm>>
        %dma_wait3A_148 = tpu.memref_slice %arg11[%mul3A_139] : memref<512xf32, #tpu.memory_space<vmem>> -> memref<64xf32, #tpu.memory_space<vmem>>
        tpu.wait_dma2 semaphore(%run_scoped3A : memref<!tpu.dma_semaphore, #tpu.memory_space<semaphore_mem>>) src(%dma_wait3A_148 : memref<64xf32, #tpu.memory_space<vmem>>) dst(%dma_wait3A_147 : memref<64xf32, #tpu.memory_space<hbm>>)
        tpu.yield
      }) : () -> ()
      %while3A_140 = arith.constant 0 : i32
      scf.yield %while3A_140 : i32
    }
    %while3A_82 = arith.constant 1 : i32
    %while3A_83 = scf.for %while3A_125 = %while3A_79 to %while3A_75 step %while3A_82 iter_args(%while3A_126 = %while3A_81) -> (i32)  : i32 {
      %mul3A_127 = arith.constant 64 : i32
      %mul3A_128 = arith.muli %while3A_125, %mul3A_127 : i32
      %dma_start3A = tpu.memref_slice %arg10[%mul3A_128] : memref<512xi32, #tpu.memory_space<vmem>> -> memref<64xi32, #tpu.memory_space<vmem>>
      %dma_start3A_129 = arith.constant 0 : i32
      %dma_start3A_130 = arith.constant 0 : i32
      %dma_start3A_131 = tpu.memref_slice %arg4[%dma_start3A_129, %dma_start3A_130] : memref<8192x768xf32, #tpu.memory_space<hbm>> -> memref<8192x768xf32, #tpu.memory_space<hbm>>
      tpu.enqueue_indirect_dma source(%dma_start3A_131 : memref<8192x768xf32, #tpu.memory_space<hbm>>) target(%arg12 : memref<64x768xf32, #tpu.memory_space<vmem>>) offsets(%dma_start3A : memref<64xi32, #tpu.memory_space<vmem>>) semaphore(%arg14 : memref<!tpu.dma_semaphore, #tpu.memory_space<semaphore_mem>>)
      %dma_wait3A = tpu.memref_slice %arg10[%mul3A_128] : memref<512xi32, #tpu.memory_space<vmem>> -> memref<64xi32, #tpu.memory_space<vmem>>
      %dma_wait3A_132 = arith.constant 0 : i32
      %dma_wait3A_133 = arith.constant 0 : i32
      %dma_wait3A_134 = tpu.memref_slice %arg4[%dma_wait3A_132, %dma_wait3A_133] : memref<8192x768xf32, #tpu.memory_space<hbm>> -> memref<8192x768xf32, #tpu.memory_space<hbm>>
      tpu.wait_indirect_dma semaphore(%arg14 : memref<!tpu.dma_semaphore, #tpu.memory_space<semaphore_mem>>) src(%dma_wait3A_134 : memref<8192x768xf32, #tpu.memory_space<hbm>>) dst(%arg12 : memref<64x768xf32, #tpu.memory_space<vmem>>)
      %mul3A_135 = arith.constant 64 : i32
      %mul3A_136 = arith.muli %while3A_125, %mul3A_135 : i32
      %add3A_137 = arith.addi %squeeze3A, %mul3A_136 : i32
      %multiple_of3A = tpu.assume_multiple %add3A_137, 8 : i32
      "tpu.region"() ({
        %run_scoped3A = tpu.sem_alloc : memref<!tpu.dma_semaphore, #tpu.memory_space<semaphore_mem>>
        %dma_start3A_141 = arith.constant 0 : i32
        %dma_start3A_142 = tpu.memref_slice %arg6[%multiple_of3A, %dma_start3A_141] : memref<16384x768xf32, #tpu.memory_space<hbm>> -> memref<64x768xf32, #tpu.memory_space<hbm>>
        %dma_start3A_143 = arith.constant 0 : i32
        %dma_start3A_144 = tpu.memref_slice %arg6[%multiple_of3A, %dma_start3A_143] : memref<16384x768xf32, #tpu.memory_space<hbm>> -> memref<64x768xf32, #tpu.memory_space<hbm>>
        tpu.enqueue_dma source(%arg12 : memref<64x768xf32, #tpu.memory_space<vmem>>) target(%dma_start3A_144 : memref<64x768xf32, #tpu.memory_space<hbm>>) target_semaphore(%run_scoped3A : memref<!tpu.dma_semaphore, #tpu.memory_space<semaphore_mem>>)
        %dma_wait3A_145 = arith.constant 0 : i32
        %dma_wait3A_146 = tpu.memref_slice %arg6[%multiple_of3A, %dma_wait3A_145] : memref<16384x768xf32, #tpu.memory_space<hbm>> -> memref<64x768xf32, #tpu.memory_space<hbm>>
        %dma_wait3A_147 = arith.constant 0 : i32
        %dma_wait3A_148 = tpu.memref_slice %arg6[%multiple_of3A, %dma_wait3A_147] : memref<16384x768xf32, #tpu.memory_space<hbm>> -> memref<64x768xf32, #tpu.memory_space<hbm>>
        tpu.wait_dma2 semaphore(%run_scoped3A : memref<!tpu.dma_semaphore, #tpu.memory_space<semaphore_mem>>) src(%arg12 : memref<64x768xf32, #tpu.memory_space<vmem>>) dst(%dma_wait3A_148 : memref<64x768xf32, #tpu.memory_space<hbm>>)
        tpu.yield
      }) : () -> ()
      %mul3A_138 = arith.constant 64 : i32
      %mul3A_139 = arith.muli %while3A_125, %mul3A_138 : i32
      "tpu.region"() ({
        %run_scoped3A = tpu.sem_alloc : memref<!tpu.dma_semaphore, #tpu.memory_space<semaphore_mem>>
        %dma_start3A_141 = tpu.memref_slice %arg11[%mul3A_139] : memref<512xf32, #tpu.memory_space<vmem>> -> memref<64xf32, #tpu.memory_space<vmem>>
        %dma_start3A_142 = tpu.memref_slice %arg7[%multiple_of3A] : memref<16384xf32, #tpu.memory_space<hbm>> -> memref<64xf32, #tpu.memory_space<hbm>>
        %dma_start3A_143 = tpu.memref_slice %arg7[%multiple_of3A] : memref<16384xf32, #tpu.memory_space<hbm>> -> memref<64xf32, #tpu.memory_space<hbm>>
        %dma_start3A_144 = tpu.memref_slice %arg11[%mul3A_139] : memref<512xf32, #tpu.memory_space<vmem>> -> memref<64xf32, #tpu.memory_space<vmem>>
        tpu.enqueue_dma source(%dma_start3A_144 : memref<64xf32, #tpu.memory_space<vmem>>) target(%dma_start3A_143 : memref<64xf32, #tpu.memory_space<hbm>>) target_semaphore(%run_scoped3A : memref<!tpu.dma_semaphore, #tpu.memory_space<semaphore_mem>>)
        %dma_wait3A_145 = tpu.memref_slice %arg11[%mul3A_139] : memref<512xf32, #tpu.memory_space<vmem>> -> memref<64xf32, #tpu.memory_space<vmem>>
        %dma_wait3A_146 = tpu.memref_slice %arg7[%multiple_of3A] : memref<16384xf32, #tpu.memory_space<hbm>> -> memref<64xf32, #tpu.memory_space<hbm>>
        %dma_wait3A_147 = tpu.memref_slice %arg7[%multiple_of3A] : memref<16384xf32, #tpu.memory_space<hbm>> -> memref<64xf32, #tpu.memory_space<hbm>>
        %dma_wait3A_148 = tpu.memref_slice %arg11[%mul3A_139] : memref<512xf32, #tpu.memory_space<vmem>> -> memref<64xf32, #tpu.memory_space<vmem>>
        tpu.wait_dma2 semaphore(%run_scoped3A : memref<!tpu.dma_semaphore, #tpu.memory_space<semaphore_mem>>) src(%dma_wait3A_148 : memref<64xf32, #tpu.memory_space<vmem>>) dst(%dma_wait3A_147 : memref<64xf32, #tpu.memory_space<hbm>>)
        tpu.yield
      }) : () -> ()
      %while3A_140 = arith.constant 0 : i32
      scf.yield %while3A_140 : i32
    }
    %mul3A_84 = arith.constant 64 : i32
    %mul3A_85 = arith.muli %select_n3A_72, %mul3A_84 : i32
    %sub3A_86 = arith.subi %scan3A_47, %mul3A_85 : i32
    %add3A_87 = arith.constant 7 : i32
    %add3A_88 = arith.addi %sub3A_86, %add3A_87 : i32
    %jit3A_89 = arith.constant 8 : i32
    %div3A_90 = arith.divsi %add3A_88, %jit3A_89 : i32
    %sign3A_91 = arith.constant 0 : i32
    %sign3A_92 = arith.cmpi sgt, %add3A_88, %sign3A_91 : i32
    %sign3A_93 = arith.extui %sign3A_92 : i1 to i32
    %sign3A_94 = arith.constant 0 : i32
    %sign3A_95 = arith.cmpi slt, %add3A_88, %sign3A_94 : i32
    %sign3A_96 = arith.extui %sign3A_95 : i1 to i32
    %sign3A_97 = arith.subi %sign3A_93, %sign3A_96 : i32
    %sign3A_98 = arith.constant 0 : i32
    %sign3A_99 = arith.cmpi sgt, %jit3A_89, %sign3A_98 : i32
    %sign3A_100 = arith.extui %sign3A_99 : i1 to i32
    %sign3A_101 = arith.constant 0 : i32
    %sign3A_102 = arith.cmpi slt, %jit3A_89, %sign3A_101 : i32
    %sign3A_103 = arith.extui %sign3A_102 : i1 to i32
    %sign3A_104 = arith.subi %sign3A_100, %sign3A_103 : i32
    %ne3A_105 = arith.cmpi ne, %sign3A_97, %sign3A_104 : i32
    %rem3A_106 = arith.remsi %add3A_88, %jit3A_89 : i32
    %ne3A_107 = arith.constant 0 : i32
    %ne3A_108 = arith.cmpi ne, %rem3A_106, %ne3A_107 : i32
    %and3A_109 = arith.andi %ne3A_105, %ne3A_108 : i1
    %sub3A_110 = arith.constant 1 : i32
    %sub3A_111 = arith.subi %div3A_90, %sub3A_110 : i32
    %select_n3A_112 = arith.select %and3A_109, %sub3A_111, %div3A_90 : i32
    %while3A_113 = arith.constant 0 : i32
    %while3A_114 = arith.constant 0 : i32
    %while3A_115 = arith.subi %select_n3A_112, %while3A_113 : i32
    %while3A_116 = arith.addi %while3A_113, %while3A_115 : i32
    %while3A_117 = arith.constant 1 : i32
    %while3A_118 = arith.divsi %while3A_115, %while3A_117 : i32
    %while3A_119 = arith.muli %while3A_118, %while3A_117 : i32
    %while3A_120 = arith.addi %while3A_113, %while3A_119 : i32
    %while3A_121 = arith.constant 1 : i32
    %while3A_122 = scf.for %while3A_125 = %while3A_113 to %while3A_120 step %while3A_121 iter_args(%while3A_126 = %while3A_114) -> (i32)  : i32 {
      %mul3A_127 = arith.constant 64 : i32
      %mul3A_128 = arith.muli %select_n3A_72, %mul3A_127 : i32
      %mul3A_129 = arith.constant 8 : i32
      %mul3A_130 = arith.muli %while3A_125, %mul3A_129 : i32
      %add3A_131 = arith.addi %mul3A_128, %mul3A_130 : i32
      %multiple_of3A = tpu.assume_multiple %add3A_131, 8 : i32
      %dma_start3A = arith.constant 0 : i32
      %dma_start3A_132 = arith.constant 0 : i32
      %dma_start3A_133 = tpu.memref_slice %arg12[%dma_start3A, %dma_start3A_132] : memref<64x768xf32, #tpu.memory_space<vmem>> -> memref<8x768xf32, #tpu.memory_space<vmem>>
      %dma_start3A_134 = tpu.memref_slice %arg10[%multiple_of3A] : memref<512xi32, #tpu.memory_space<vmem>> -> memref<8xi32, #tpu.memory_space<vmem>>
      %dma_start3A_135 = arith.constant 0 : i32
      %dma_start3A_136 = arith.constant 0 : i32
      %dma_start3A_137 = tpu.memref_slice %arg4[%dma_start3A_135, %dma_start3A_136] : memref<8192x768xf32, #tpu.memory_space<hbm>> -> memref<8192x768xf32, #tpu.memory_space<hbm>>
      tpu.enqueue_indirect_dma source(%dma_start3A_137 : memref<8192x768xf32, #tpu.memory_space<hbm>>) target(%dma_start3A_133 : memref<8x768xf32, #tpu.memory_space<vmem>>) offsets(%dma_start3A_134 : memref<8xi32, #tpu.memory_space<vmem>>) semaphore(%arg14 : memref<!tpu.dma_semaphore, #tpu.memory_space<semaphore_mem>>)
      %dma_wait3A = arith.constant 0 : i32
      %dma_wait3A_138 = arith.constant 0 : i32
      %dma_wait3A_139 = tpu.memref_slice %arg12[%dma_wait3A, %dma_wait3A_138] : memref<64x768xf32, #tpu.memory_space<vmem>> -> memref<8x768xf32, #tpu.memory_space<vmem>>
      %dma_wait3A_140 = tpu.memref_slice %arg10[%multiple_of3A] : memref<512xi32, #tpu.memory_space<vmem>> -> memref<8xi32, #tpu.memory_space<vmem>>
      %dma_wait3A_141 = arith.constant 0 : i32
      %dma_wait3A_142 = arith.constant 0 : i32
      %dma_wait3A_143 = tpu.memref_slice %arg4[%dma_wait3A_141, %dma_wait3A_142] : memref<8192x768xf32, #tpu.memory_space<hbm>> -> memref<8192x768xf32, #tpu.memory_space<hbm>>
      tpu.wait_indirect_dma semaphore(%arg14 : memref<!tpu.dma_semaphore, #tpu.memory_space<semaphore_mem>>) src(%dma_wait3A_143 : memref<8192x768xf32, #tpu.memory_space<hbm>>) dst(%dma_wait3A_139 : memref<8x768xf32, #tpu.memory_space<vmem>>)
      %add3A_144 = arith.addi %squeeze3A, %multiple_of3A : i32
      %multiple_of3A_145 = tpu.assume_multiple %add3A_144, 8 : i32
      "tpu.region"() ({
        %run_scoped3A = tpu.sem_alloc : memref<!tpu.dma_semaphore, #tpu.memory_space<semaphore_mem>>
        %dma_start3A_147 = arith.constant 0 : i32
        %dma_start3A_148 = arith.constant 0 : i32
        %dma_start3A_149 = tpu.memref_slice %arg12[%dma_start3A_147, %dma_start3A_148] : memref<64x768xf32, #tpu.memory_space<vmem>> -> memref<8x768xf32, #tpu.memory_space<vmem>>
        %dma_start3A_150 = arith.constant 0 : i32
        %dma_start3A_151 = tpu.memref_slice %arg6[%multiple_of3A_145, %dma_start3A_150] : memref<16384x768xf32, #tpu.memory_space<hbm>> -> memref<8x768xf32, #tpu.memory_space<hbm>>
        %dma_start3A_152 = arith.constant 0 : i32
        %dma_start3A_153 = tpu.memref_slice %arg6[%multiple_of3A_145, %dma_start3A_152] : memref<16384x768xf32, #tpu.memory_space<hbm>> -> memref<8x768xf32, #tpu.memory_space<hbm>>
        %dma_start3A_154 = arith.constant 0 : i32
        %dma_start3A_155 = arith.constant 0 : i32
        %dma_start3A_156 = tpu.memref_slice %arg12[%dma_start3A_154, %dma_start3A_155] : memref<64x768xf32, #tpu.memory_space<vmem>> -> memref<8x768xf32, #tpu.memory_space<vmem>>
        tpu.enqueue_dma source(%dma_start3A_156 : memref<8x768xf32, #tpu.memory_space<vmem>>) target(%dma_start3A_153 : memref<8x768xf32, #tpu.memory_space<hbm>>) target_semaphore(%run_scoped3A : memref<!tpu.dma_semaphore, #tpu.memory_space<semaphore_mem>>)
        %dma_wait3A_157 = arith.constant 0 : i32
        %dma_wait3A_158 = arith.constant 0 : i32
        %dma_wait3A_159 = tpu.memref_slice %arg12[%dma_wait3A_157, %dma_wait3A_158] : memref<64x768xf32, #tpu.memory_space<vmem>> -> memref<8x768xf32, #tpu.memory_space<vmem>>
        %dma_wait3A_160 = arith.constant 0 : i32
        %dma_wait3A_161 = tpu.memref_slice %arg6[%multiple_of3A_145, %dma_wait3A_160] : memref<16384x768xf32, #tpu.memory_space<hbm>> -> memref<8x768xf32, #tpu.memory_space<hbm>>
        %dma_wait3A_162 = arith.constant 0 : i32
        %dma_wait3A_163 = tpu.memref_slice %arg6[%multiple_of3A_145, %dma_wait3A_162] : memref<16384x768xf32, #tpu.memory_space<hbm>> -> memref<8x768xf32, #tpu.memory_space<hbm>>
        %dma_wait3A_164 = arith.constant 0 : i32
        %dma_wait3A_165 = arith.constant 0 : i32
        %dma_wait3A_166 = tpu.memref_slice %arg12[%dma_wait3A_164, %dma_wait3A_165] : memref<64x768xf32, #tpu.memory_space<vmem>> -> memref<8x768xf32, #tpu.memory_space<vmem>>
        tpu.wait_dma2 semaphore(%run_scoped3A : memref<!tpu.dma_semaphore, #tpu.memory_space<semaphore_mem>>) src(%dma_wait3A_166 : memref<8x768xf32, #tpu.memory_space<vmem>>) dst(%dma_wait3A_163 : memref<8x768xf32, #tpu.memory_space<hbm>>)
        tpu.yield
      }) : () -> ()
      "tpu.region"() ({
        %run_scoped3A = tpu.sem_alloc : memref<!tpu.dma_semaphore, #tpu.memory_space<semaphore_mem>>
        %dma_start3A_147 = tpu.memref_slice %arg11[%multiple_of3A] : memref<512xf32, #tpu.memory_space<vmem>> -> memref<8xf32, #tpu.memory_space<vmem>>
        %dma_start3A_148 = tpu.memref_slice %arg7[%multiple_of3A_145] : memref<16384xf32, #tpu.memory_space<hbm>> -> memref<8xf32, #tpu.memory_space<hbm>>
        %dma_start3A_149 = tpu.memref_slice %arg7[%multiple_of3A_145] : memref<16384xf32, #tpu.memory_space<hbm>> -> memref<8xf32, #tpu.memory_space<hbm>>
        %dma_start3A_150 = tpu.memref_slice %arg11[%multiple_of3A] : memref<512xf32, #tpu.memory_space<vmem>> -> memref<8xf32, #tpu.memory_space<vmem>>
        tpu.enqueue_dma source(%dma_start3A_150 : memref<8xf32, #tpu.memory_space<vmem>>) target(%dma_start3A_149 : memref<8xf32, #tpu.memory_space<hbm>>) target_semaphore(%run_scoped3A : memref<!tpu.dma_semaphore, #tpu.memory_space<semaphore_mem>>)
        %dma_wait3A_151 = tpu.memref_slice %arg11[%multiple_of3A] : memref<512xf32, #tpu.memory_space<vmem>> -> memref<8xf32, #tpu.memory_space<vmem>>
        %dma_wait3A_152 = tpu.memref_slice %arg7[%multiple_of3A_145] : memref<16384xf32, #tpu.memory_space<hbm>> -> memref<8xf32, #tpu.memory_space<hbm>>
        %dma_wait3A_153 = tpu.memref_slice %arg7[%multiple_of3A_145] : memref<16384xf32, #tpu.memory_space<hbm>> -> memref<8xf32, #tpu.memory_space<hbm>>
        %dma_wait3A_154 = tpu.memref_slice %arg11[%multiple_of3A] : memref<512xf32, #tpu.memory_space<vmem>> -> memref<8xf32, #tpu.memory_space<vmem>>
        tpu.wait_dma2 semaphore(%run_scoped3A : memref<!tpu.dma_semaphore, #tpu.memory_space<semaphore_mem>>) src(%dma_wait3A_154 : memref<8xf32, #tpu.memory_space<vmem>>) dst(%dma_wait3A_153 : memref<8xf32, #tpu.memory_space<hbm>>)
        tpu.yield
      }) : () -> ()
      %while3A_146 = arith.constant 0 : i32
      scf.yield %while3A_146 : i32
    }
    %while3A_123 = arith.constant 1 : i32
    %while3A_124 = scf.for %while3A_125 = %while3A_120 to %while3A_116 step %while3A_123 iter_args(%while3A_126 = %while3A_122) -> (i32)  : i32 {
      %mul3A_127 = arith.constant 64 : i32
      %mul3A_128 = arith.muli %select_n3A_72, %mul3A_127 : i32
      %mul3A_129 = arith.constant 8 : i32
      %mul3A_130 = arith.muli %while3A_125, %mul3A_129 : i32
      %add3A_131 = arith.addi %mul3A_128, %mul3A_130 : i32
      %multiple_of3A = tpu.assume_multiple %add3A_131, 8 : i32
      %dma_start3A = arith.constant 0 : i32
      %dma_start3A_132 = arith.constant 0 : i32
      %dma_start3A_133 = tpu.memref_slice %arg12[%dma_start3A, %dma_start3A_132] : memref<64x768xf32, #tpu.memory_space<vmem>> -> memref<8x768xf32, #tpu.memory_space<vmem>>
      %dma_start3A_134 = tpu.memref_slice %arg10[%multiple_of3A] : memref<512xi32, #tpu.memory_space<vmem>> -> memref<8xi32, #tpu.memory_space<vmem>>
      %dma_start3A_135 = arith.constant 0 : i32
      %dma_start3A_136 = arith.constant 0 : i32
      %dma_start3A_137 = tpu.memref_slice %arg4[%dma_start3A_135, %dma_start3A_136] : memref<8192x768xf32, #tpu.memory_space<hbm>> -> memref<8192x768xf32, #tpu.memory_space<hbm>>
      tpu.enqueue_indirect_dma source(%dma_start3A_137 : memref<8192x768xf32, #tpu.memory_space<hbm>>) target(%dma_start3A_133 : memref<8x768xf32, #tpu.memory_space<vmem>>) offsets(%dma_start3A_134 : memref<8xi32, #tpu.memory_space<vmem>>) semaphore(%arg14 : memref<!tpu.dma_semaphore, #tpu.memory_space<semaphore_mem>>)
      %dma_wait3A = arith.constant 0 : i32
      %dma_wait3A_138 = arith.constant 0 : i32
      %dma_wait3A_139 = tpu.memref_slice %arg12[%dma_wait3A, %dma_wait3A_138] : memref<64x768xf32, #tpu.memory_space<vmem>> -> memref<8x768xf32, #tpu.memory_space<vmem>>
      %dma_wait3A_140 = tpu.memref_slice %arg10[%multiple_of3A] : memref<512xi32, #tpu.memory_space<vmem>> -> memref<8xi32, #tpu.memory_space<vmem>>
      %dma_wait3A_141 = arith.constant 0 : i32
      %dma_wait3A_142 = arith.constant 0 : i32
      %dma_wait3A_143 = tpu.memref_slice %arg4[%dma_wait3A_141, %dma_wait3A_142] : memref<8192x768xf32, #tpu.memory_space<hbm>> -> memref<8192x768xf32, #tpu.memory_space<hbm>>
      tpu.wait_indirect_dma semaphore(%arg14 : memref<!tpu.dma_semaphore, #tpu.memory_space<semaphore_mem>>) src(%dma_wait3A_143 : memref<8192x768xf32, #tpu.memory_space<hbm>>) dst(%dma_wait3A_139 : memref<8x768xf32, #tpu.memory_space<vmem>>)
      %add3A_144 = arith.addi %squeeze3A, %multiple_of3A : i32
      %multiple_of3A_145 = tpu.assume_multiple %add3A_144, 8 : i32
      "tpu.region"() ({
        %run_scoped3A = tpu.sem_alloc : memref<!tpu.dma_semaphore, #tpu.memory_space<semaphore_mem>>
        %dma_start3A_147 = arith.constant 0 : i32
        %dma_start3A_148 = arith.constant 0 : i32
        %dma_start3A_149 = tpu.memref_slice %arg12[%dma_start3A_147, %dma_start3A_148] : memref<64x768xf32, #tpu.memory_space<vmem>> -> memref<8x768xf32, #tpu.memory_space<vmem>>
        %dma_start3A_150 = arith.constant 0 : i32
        %dma_start3A_151 = tpu.memref_slice %arg6[%multiple_of3A_145, %dma_start3A_150] : memref<16384x768xf32, #tpu.memory_space<hbm>> -> memref<8x768xf32, #tpu.memory_space<hbm>>
        %dma_start3A_152 = arith.constant 0 : i32
        %dma_start3A_153 = tpu.memref_slice %arg6[%multiple_of3A_145, %dma_start3A_152] : memref<16384x768xf32, #tpu.memory_space<hbm>> -> memref<8x768xf32, #tpu.memory_space<hbm>>
        %dma_start3A_154 = arith.constant 0 : i32
        %dma_start3A_155 = arith.constant 0 : i32
        %dma_start3A_156 = tpu.memref_slice %arg12[%dma_start3A_154, %dma_start3A_155] : memref<64x768xf32, #tpu.memory_space<vmem>> -> memref<8x768xf32, #tpu.memory_space<vmem>>
        tpu.enqueue_dma source(%dma_start3A_156 : memref<8x768xf32, #tpu.memory_space<vmem>>) target(%dma_start3A_153 : memref<8x768xf32, #tpu.memory_space<hbm>>) target_semaphore(%run_scoped3A : memref<!tpu.dma_semaphore, #tpu.memory_space<semaphore_mem>>)
        %dma_wait3A_157 = arith.constant 0 : i32
        %dma_wait3A_158 = arith.constant 0 : i32
        %dma_wait3A_159 = tpu.memref_slice %arg12[%dma_wait3A_157, %dma_wait3A_158] : memref<64x768xf32, #tpu.memory_space<vmem>> -> memref<8x768xf32, #tpu.memory_space<vmem>>
        %dma_wait3A_160 = arith.constant 0 : i32
        %dma_wait3A_161 = tpu.memref_slice %arg6[%multiple_of3A_145, %dma_wait3A_160] : memref<16384x768xf32, #tpu.memory_space<hbm>> -> memref<8x768xf32, #tpu.memory_space<hbm>>
        %dma_wait3A_162 = arith.constant 0 : i32
        %dma_wait3A_163 = tpu.memref_slice %arg6[%multiple_of3A_145, %dma_wait3A_162] : memref<16384x768xf32, #tpu.memory_space<hbm>> -> memref<8x768xf32, #tpu.memory_space<hbm>>
        %dma_wait3A_164 = arith.constant 0 : i32
        %dma_wait3A_165 = arith.constant 0 : i32
        %dma_wait3A_166 = tpu.memref_slice %arg12[%dma_wait3A_164, %dma_wait3A_165] : memref<64x768xf32, #tpu.memory_space<vmem>> -> memref<8x768xf32, #tpu.memory_space<vmem>>
        tpu.wait_dma2 semaphore(%run_scoped3A : memref<!tpu.dma_semaphore, #tpu.memory_space<semaphore_mem>>) src(%dma_wait3A_166 : memref<8x768xf32, #tpu.memory_space<vmem>>) dst(%dma_wait3A_163 : memref<8x768xf32, #tpu.memory_space<hbm>>)
        tpu.yield
      }) : () -> ()
      "tpu.region"() ({
        %run_scoped3A = tpu.sem_alloc : memref<!tpu.dma_semaphore, #tpu.memory_space<semaphore_mem>>
        %dma_start3A_147 = tpu.memref_slice %arg11[%multiple_of3A] : memref<512xf32, #tpu.memory_space<vmem>> -> memref<8xf32, #tpu.memory_space<vmem>>
        %dma_start3A_148 = tpu.memref_slice %arg7[%multiple_of3A_145] : memref<16384xf32, #tpu.memory_space<hbm>> -> memref<8xf32, #tpu.memory_space<hbm>>
        %dma_start3A_149 = tpu.memref_slice %arg7[%multiple_of3A_145] : memref<16384xf32, #tpu.memory_space<hbm>> -> memref<8xf32, #tpu.memory_space<hbm>>
        %dma_start3A_150 = tpu.memref_slice %arg11[%multiple_of3A] : memref<512xf32, #tpu.memory_space<vmem>> -> memref<8xf32, #tpu.memory_space<vmem>>
        tpu.enqueue_dma source(%dma_start3A_150 : memref<8xf32, #tpu.memory_space<vmem>>) target(%dma_start3A_149 : memref<8xf32, #tpu.memory_space<hbm>>) target_semaphore(%run_scoped3A : memref<!tpu.dma_semaphore, #tpu.memory_space<semaphore_mem>>)
        %dma_wait3A_151 = tpu.memref_slice %arg11[%multiple_of3A] : memref<512xf32, #tpu.memory_space<vmem>> -> memref<8xf32, #tpu.memory_space<vmem>>
        %dma_wait3A_152 = tpu.memref_slice %arg7[%multiple_of3A_145] : memref<16384xf32, #tpu.memory_space<hbm>> -> memref<8xf32, #tpu.memory_space<hbm>>
        %dma_wait3A_153 = tpu.memref_slice %arg7[%multiple_of3A_145] : memref<16384xf32, #tpu.memory_space<hbm>> -> memref<8xf32, #tpu.memory_space<hbm>>
        %dma_wait3A_154 = tpu.memref_slice %arg11[%multiple_of3A] : memref<512xf32, #tpu.memory_space<vmem>> -> memref<8xf32, #tpu.memory_space<vmem>>
        tpu.wait_dma2 semaphore(%run_scoped3A : memref<!tpu.dma_semaphore, #tpu.memory_space<semaphore_mem>>) src(%dma_wait3A_154 : memref<8xf32, #tpu.memory_space<vmem>>) dst(%dma_wait3A_153 : memref<8xf32, #tpu.memory_space<hbm>>)
        tpu.yield
      }) : () -> ()
      %while3A_146 = arith.constant 0 : i32
      scf.yield %while3A_146 : i32
    }
    return
  }
}

#map = affine_map<(d0, d1) -> (0, 0)>
#map1 = affine_map<(d0, d1) -> (0)>
module attributes {stable_mosaic.version = 14 : i64} {
  func.func @sc_gather(%arg0: i32, %arg1: i32, %arg2: memref<8x8192xf32, #tpu.memory_space<hbm>>, %arg3: memref<8x8192xf32, #tpu.memory_space<hbm>>, %arg4: memref<8192x768xf32, #tpu.memory_space<hbm>>, %arg5: memref<32x16xi32, #tpu.memory_space<hbm>>, %arg6: memref<16384x768xf32, #tpu.memory_space<hbm>>, %arg7: memref<16384xf32, #tpu.memory_space<hbm>>, %arg8: memref<512xf32, #tpu.memory_space<vmem>>, %arg9: memref<512xf32, #tpu.memory_space<vmem>>, %arg10: memref<512xi32, #tpu.memory_space<vmem>>, %arg11: memref<512xf32, #tpu.memory_space<vmem>>, %arg12: memref<64x768xf32, #tpu.memory_space<vmem>>, %arg13: memref<16xi32, #tpu.memory_space<vmem>>, %arg14: memref<!tpu.dma_semaphore, #tpu.memory_space<semaphore_mem>>) attributes {dimension_semantics = [#tpu.dimension_semantics<core_parallel>, #tpu.dimension_semantics<subcore_parallel>], iteration_bounds = array<i64: 2, 16>, scalar_prefetch = 0 : i64, scratch_operands = 7 : i64, tpu.core_type = #tpu.core_type<sc_vector_subcore>, window_params = [{transform_indices = #map}, {transform_indices = #map}, {transform_indices = #map}, {transform_indices = #map}, {transform_indices = #map}, {transform_indices = #map1}]} {
    %mul3A = arith.constant 2 : i32
    %mul3A_0 = arith.muli %arg1, %mul3A : i32
    %add3A = arith.addi %mul3A_0, %arg0 : i32
    %jit3A = arith.constant 16 : i32
    %div3A = arith.divsi %add3A, %jit3A : i32
    %sign3A = arith.constant 0 : i32
    %sign3A_1 = arith.cmpi sgt, %add3A, %sign3A : i32
    %sign3A_2 = arith.extui %sign3A_1 : i1 to i32
    %sign3A_3 = arith.constant 0 : i32
    %sign3A_4 = arith.cmpi slt, %add3A, %sign3A_3 : i32
    %sign3A_5 = arith.extui %sign3A_4 : i1 to i32
    %sign3A_6 = arith.subi %sign3A_2, %sign3A_5 : i32
    %sign3A_7 = arith.constant 0 : i32
    %sign3A_8 = arith.cmpi sgt, %jit3A, %sign3A_7 : i32
    %sign3A_9 = arith.extui %sign3A_8 : i1 to i32
    %sign3A_10 = arith.constant 0 : i32
    %sign3A_11 = arith.cmpi slt, %jit3A, %sign3A_10 : i32
    %sign3A_12 = arith.extui %sign3A_11 : i1 to i32
    %sign3A_13 = arith.subi %sign3A_9, %sign3A_12 : i32
    %ne3A = arith.cmpi ne, %sign3A_6, %sign3A_13 : i32
    %rem3A = arith.remsi %add3A, %jit3A : i32
    %ne3A_14 = arith.constant 0 : i32
    %ne3A_15 = arith.cmpi ne, %rem3A, %ne3A_14 : i32
    %and3A = arith.andi %ne3A, %ne3A_15 : i1
    %sub3A = arith.constant 1 : i32
    %sub3A_16 = arith.subi %div3A, %sub3A : i32
    %select_n3A = arith.select %and3A, %sub3A_16, %div3A : i32
    %add3A_17 = arith.constant 4 : i32
    %add3A_18 = arith.addi %add3A_17, %select_n3A : i32
    %jit3A_19 = arith.constant 16 : i32
    %eq3A = arith.constant 0 : i32
    %eq3A_20 = arith.cmpi eq, %jit3A_19, %eq3A : i32
    %jit3A_21 = arith.constant 1 : i32
    %select_n3A_22 = arith.select %eq3A_20, %jit3A_21, %jit3A_19 : i32
    %rem3A_23 = arith.remsi %add3A, %select_n3A_22 : i32
    %ne3A_24 = arith.constant 0 : i32
    %ne3A_25 = arith.cmpi ne, %rem3A_23, %ne3A_24 : i32
    %lt3A = arith.constant 0 : i32
    %lt3A_26 = arith.cmpi slt, %rem3A_23, %lt3A : i32
    %lt3A_27 = arith.constant 0 : i32
    %lt3A_28 = arith.cmpi slt, %select_n3A_22, %lt3A_27 : i32
    %ne3A_29 = arith.xori %lt3A_26, %lt3A_28 : i1
    %and3A_30 = arith.andi %ne3A_29, %ne3A_25 : i1
    %add3A_31 = arith.addi %rem3A_23, %select_n3A_22 : i32
    %select_n3A_32 = arith.select %and3A_30, %add3A_31, %rem3A_23 : i32
    %mul3A_33 = arith.constant 512 : i32
    %mul3A_34 = arith.muli %select_n3A_32, %mul3A_33 : i32
    "tpu.region"() ({
      %run_scoped3A = tpu.sem_alloc : memref<!tpu.dma_semaphore, #tpu.memory_space<semaphore_mem>>
      %dma_start3A = arith.constant 0 : i32
      %dma_start3A_125 = tpu.memref_slice %arg5[%add3A, %dma_start3A] : memref<32x16xi32, #tpu.memory_space<hbm>> -> memref<1x16xi32, #tpu.memory_space<hbm>>
      %dma_start3A_126 = tpu.memref_squeeze %dma_start3A_125 : memref<1x16xi32, #tpu.memory_space<hbm>> -> memref<16xi32, #tpu.memory_space<hbm>>
      %dma_start3A_127 = arith.constant 0 : i32
      %dma_start3A_128 = tpu.memref_slice %arg5[%add3A, %dma_start3A_127] : memref<32x16xi32, #tpu.memory_space<hbm>> -> memref<1x16xi32, #tpu.memory_space<hbm>>
      %dma_start3A_129 = tpu.memref_squeeze %dma_start3A_128 : memref<1x16xi32, #tpu.memory_space<hbm>> -> memref<16xi32, #tpu.memory_space<hbm>>
      tpu.enqueue_dma source(%dma_start3A_129 : memref<16xi32, #tpu.memory_space<hbm>>) target(%arg13 : memref<16xi32, #tpu.memory_space<vmem>>) target_semaphore(%run_scoped3A : memref<!tpu.dma_semaphore, #tpu.memory_space<semaphore_mem>>)
      %dma_wait3A = arith.constant 0 : i32
      %dma_wait3A_130 = tpu.memref_slice %arg5[%add3A, %dma_wait3A] : memref<32x16xi32, #tpu.memory_space<hbm>> -> memref<1x16xi32, #tpu.memory_space<hbm>>
      %dma_wait3A_131 = tpu.memref_squeeze %dma_wait3A_130 : memref<1x16xi32, #tpu.memory_space<hbm>> -> memref<16xi32, #tpu.memory_space<hbm>>
      %dma_wait3A_132 = arith.constant 0 : i32
      %dma_wait3A_133 = tpu.memref_slice %arg5[%add3A, %dma_wait3A_132] : memref<32x16xi32, #tpu.memory_space<hbm>> -> memref<1x16xi32, #tpu.memory_space<hbm>>
      %dma_wait3A_134 = tpu.memref_squeeze %dma_wait3A_133 : memref<1x16xi32, #tpu.memory_space<hbm>> -> memref<16xi32, #tpu.memory_space<hbm>>
      tpu.wait_dma2 semaphore(%run_scoped3A : memref<!tpu.dma_semaphore, #tpu.memory_space<semaphore_mem>>) src(%dma_wait3A_134 : memref<16xi32, #tpu.memory_space<hbm>>) dst(%arg13 : memref<16xi32, #tpu.memory_space<vmem>>)
      tpu.yield
    }) : () -> ()
    %iota3A = tpu.iota {dimensions = array<i32: 0>} : vector<16xi32>
    %get3A = arith.constant 0 : index
    %get3A_35 = tpu.vector_load %arg13[%get3A] {strides = array<i32>} : memref<16xi32, #tpu.memory_space<vmem>>, vector<16xi32>,
    %slice3A = vector.extract_strided_slice %get3A_35 {offsets = [0], sizes = [1], strides = [1]} : vector<16xi32> to vector<1xi32>
    %squeeze3A = vector.extract %slice3A[0] : i32 from vector<1xi32>
    "tpu.region"() ({
      %run_scoped3A = tpu.sem_alloc : memref<!tpu.dma_semaphore, #tpu.memory_space<semaphore_mem>>
      %dma_start3A = tpu.memref_slice %arg2[%add3A_18, %mul3A_34] : memref<8x8192xf32, #tpu.memory_space<hbm>> -> memref<1x512xf32, #tpu.memory_space<hbm>>
      %dma_start3A_125 = tpu.memref_squeeze %dma_start3A : memref<1x512xf32, #tpu.memory_space<hbm>> -> memref<512xf32, #tpu.memory_space<hbm>>
      %dma_start3A_126 = tpu.memref_slice %arg2[%add3A_18, %mul3A_34] : memref<8x8192xf32, #tpu.memory_space<hbm>> -> memref<1x512xf32, #tpu.memory_space<hbm>>
      %dma_start3A_127 = tpu.memref_squeeze %dma_start3A_126 : memref<1x512xf32, #tpu.memory_space<hbm>> -> memref<512xf32, #tpu.memory_space<hbm>>
      tpu.enqueue_dma source(%dma_start3A_127 : memref<512xf32, #tpu.memory_space<hbm>>) target(%arg8 : memref<512xf32, #tpu.memory_space<vmem>>) target_semaphore(%run_scoped3A : memref<!tpu.dma_semaphore, #tpu.memory_space<semaphore_mem>>)
      %dma_wait3A = tpu.memref_slice %arg2[%add3A_18, %mul3A_34] : memref<8x8192xf32, #tpu.memory_space<hbm>> -> memref<1x512xf32, #tpu.memory_space<hbm>>
      %dma_wait3A_128 = tpu.memref_squeeze %dma_wait3A : memref<1x512xf32, #tpu.memory_space<hbm>> -> memref<512xf32, #tpu.memory_space<hbm>>
      %dma_wait3A_129 = tpu.memref_slice %arg2[%add3A_18, %mul3A_34] : memref<8x8192xf32, #tpu.memory_space<hbm>> -> memref<1x512xf32, #tpu.memory_space<hbm>>
      %dma_wait3A_130 = tpu.memref_squeeze %dma_wait3A_129 : memref<1x512xf32, #tpu.memory_space<hbm>> -> memref<512xf32, #tpu.memory_space<hbm>>
      tpu.wait_dma2 semaphore(%run_scoped3A : memref<!tpu.dma_semaphore, #tpu.memory_space<semaphore_mem>>) src(%dma_wait3A_130 : memref<512xf32, #tpu.memory_space<hbm>>) dst(%arg8 : memref<512xf32, #tpu.memory_space<vmem>>)
      tpu.yield
    }) : () -> ()
    "tpu.region"() ({
      %run_scoped3A = tpu.sem_alloc : memref<!tpu.dma_semaphore, #tpu.memory_space<semaphore_mem>>
      %dma_start3A = tpu.memref_slice %arg3[%add3A_18, %mul3A_34] : memref<8x8192xf32, #tpu.memory_space<hbm>> -> memref<1x512xf32, #tpu.memory_space<hbm>>
      %dma_start3A_125 = tpu.memref_squeeze %dma_start3A : memref<1x512xf32, #tpu.memory_space<hbm>> -> memref<512xf32, #tpu.memory_space<hbm>>
      %dma_start3A_126 = tpu.memref_slice %arg3[%add3A_18, %mul3A_34] : memref<8x8192xf32, #tpu.memory_space<hbm>> -> memref<1x512xf32, #tpu.memory_space<hbm>>
      %dma_start3A_127 = tpu.memref_squeeze %dma_start3A_126 : memref<1x512xf32, #tpu.memory_space<hbm>> -> memref<512xf32, #tpu.memory_space<hbm>>
      tpu.enqueue_dma source(%dma_start3A_127 : memref<512xf32, #tpu.memory_space<hbm>>) target(%arg9 : memref<512xf32, #tpu.memory_space<vmem>>) target_semaphore(%run_scoped3A : memref<!tpu.dma_semaphore, #tpu.memory_space<semaphore_mem>>)
      %dma_wait3A = tpu.memref_slice %arg3[%add3A_18, %mul3A_34] : memref<8x8192xf32, #tpu.memory_space<hbm>> -> memref<1x512xf32, #tpu.memory_space<hbm>>
      %dma_wait3A_128 = tpu.memref_squeeze %dma_wait3A : memref<1x512xf32, #tpu.memory_space<hbm>> -> memref<512xf32, #tpu.memory_space<hbm>>
      %dma_wait3A_129 = tpu.memref_slice %arg3[%add3A_18, %mul3A_34] : memref<8x8192xf32, #tpu.memory_space<hbm>> -> memref<1x512xf32, #tpu.memory_space<hbm>>
      %dma_wait3A_130 = tpu.memref_squeeze %dma_wait3A_129 : memref<1x512xf32, #tpu.memory_space<hbm>> -> memref<512xf32, #tpu.memory_space<hbm>>
      tpu.wait_dma2 semaphore(%run_scoped3A : memref<!tpu.dma_semaphore, #tpu.memory_space<semaphore_mem>>) src(%dma_wait3A_130 : memref<512xf32, #tpu.memory_space<hbm>>) dst(%arg9 : memref<512xf32, #tpu.memory_space<vmem>>)
      tpu.yield
    }) : () -> ()
    %scan3A = arith.constant 0 : i32
    %scan3A_36 = arith.constant 0 : i32
    %scan3A_37 = arith.constant 32 : i32
    %scan3A_38 = arith.addi %scan3A_36, %scan3A_37 : i32
    %scan3A_39 = arith.constant 1 : i32
    %scan3A_40 = scf.for %scan3A_125 = %scan3A_36 to %scan3A_38 step %scan3A_39 iter_args(%scan3A_126 = %scan3A) -> (i32)  : i32 {
      %broadcast_in_dim3A = arith.constant 0 : i32
      %broadcast_in_dim3A_127 = vector.broadcast %broadcast_in_dim3A : i32 to vector<16xi32>
      %mul3A_128 = arith.constant 16 : i32
      %mul3A_129 = arith.muli %scan3A_125, %mul3A_128 : i32
      %swap3A = arith.index_cast %mul3A_129 : i32 to index
      %swap3A_130 = tpu.vector_load %arg10[%swap3A] {strides = array<i32>} : memref<512xi32, #tpu.memory_space<vmem>>, vector<16xi32>,
      tpu.vector_store %arg10[%swap3A], %broadcast_in_dim3A_127 {strides = array<i32>} : memref<512xi32, #tpu.memory_space<vmem>>, vector<16xi32>,
      %scan3A_131 = arith.constant 0 : i32
      scf.yield %scan3A_131 : i32
    }
    %scan3A_41 = arith.constant 32 : i32
    %scan3A_42 = arith.constant 0 : i32
    %scan3A_43 = arith.constant 0 : i32
    %scan3A_44 = arith.constant 32 : i32
    %scan3A_45 = arith.addi %scan3A_43, %scan3A_44 : i32
    %scan3A_46 = arith.constant 1 : i32
    %scan3A_47 = scf.for %scan3A_125 = %scan3A_43 to %scan3A_45 step %scan3A_46 iter_args(%scan3A_126 = %scan3A_42) -> (i32)  : i32 {
      %mul3A_127 = arith.constant 16 : i32
      %mul3A_128 = arith.muli %scan3A_125, %mul3A_127 : i32
      %get3A_129 = arith.index_cast %mul3A_128 : i32 to index
      %get3A_130 = tpu.vector_load %arg8[%get3A_129] {strides = array<i32>} : memref<512xf32, #tpu.memory_space<vmem>>, vector<16xf32>,
      %gt3A = arith.constant 0.000000e+00 : f32
      %gt3A_131 = vector.broadcast %gt3A : f32 to vector<16xf32>
      %gt3A_132 = arith.cmpf ogt, %get3A_130, %gt3A_131 : vector<16xf32>
      %mul3A_133 = arith.constant 16 : i32
      %mul3A_134 = arith.muli %scan3A_125, %mul3A_133 : i32
      %add3A_135 = arith.addi %mul3A_34, %mul3A_134 : i32
      %add3A_136 = vector.broadcast %add3A_135 : i32 to vector<16xi32>
      %add3A_137 = arith.addi %iota3A, %add3A_136 : vector<16xi32>
      %masked_sort3A = arith.constant -2147483648 : i32
      %masked_sort3A_138 = vector.broadcast %masked_sort3A : i32 to vector<16xi32>
      %masked_sort3A_139 = arith.xori %iota3A, %masked_sort3A_138 : vector<16xi32>
      %masked_sort3A_140, %masked_sort3A_141, %masked_sort3A_142 = tpu.sort %masked_sort3A_139, %add3A_137 masked %gt3A_132 : (vector<16xi32>, vector<16xi32>, vector<16xi1>) -> (vector<16xi1>, vector<16xi32>, vector<16xi32>)
      %masked_sort3A_143 = arith.xori %masked_sort3A_141, %masked_sort3A_138 : vector<16xi32>
      %swap3A = arith.index_cast %scan3A_126 : i32 to index
      %swap3A_144 = tpu.vector_load %arg10[%swap3A] {strides = array<i32>} : memref<512xi32, #tpu.memory_space<vmem>>, vector<16xi32>,
      tpu.vector_store %arg10[%swap3A], %masked_sort3A_142 {strides = array<i32>} : memref<512xi32, #tpu.memory_space<vmem>>, vector<16xi32>,
      %mul3A_145 = arith.constant 16 : i32
      %mul3A_146 = arith.muli %scan3A_125, %mul3A_145 : i32
      %get3A_147 = arith.index_cast %mul3A_146 : i32 to index
      %get3A_148 = tpu.vector_load %arg9[%get3A_147] {strides = array<i32>} : memref<512xf32, #tpu.memory_space<vmem>>, vector<16xf32>,
      %masked_sort3A_149 = arith.constant -2147483648 : i32
      %masked_sort3A_150 = vector.broadcast %masked_sort3A_149 : i32 to vector<16xi32>
      %masked_sort3A_151 = arith.xori %iota3A, %masked_sort3A_150 : vector<16xi32>
      %masked_sort3A_152, %masked_sort3A_153, %masked_sort3A_154 = tpu.sort %masked_sort3A_151, %get3A_148 masked %gt3A_132 : (vector<16xi32>, vector<16xf32>, vector<16xi1>) -> (vector<16xi1>, vector<16xi32>, vector<16xf32>)
      %masked_sort3A_155 = arith.xori %masked_sort3A_153, %masked_sort3A_150 : vector<16xi32>
      %swap3A_156 = arith.index_cast %scan3A_126 : i32 to index
      %swap3A_157 = tpu.vector_load %arg11[%swap3A_156] {strides = array<i32>} : memref<512xf32, #tpu.memory_space<vmem>>, vector<16xf32>,
      tpu.vector_store %arg11[%swap3A_156], %masked_sort3A_154 {strides = array<i32>} : memref<512xf32, #tpu.memory_space<vmem>>, vector<16xf32>,
      %all_reduce_population_count3A = tpu.all_reduce %gt3A_132 {dim = 0 : i64, kind = #tpu.reduction_kind<sum>} : vector<16xi1> -> vector<16xi32>
      %slice3A_158 = vector.extract_strided_slice %all_reduce_population_count3A {offsets = [0], sizes = [1], strides = [1]} : vector<16xi32> to vector<1xi32>
      %squeeze3A_159 = vector.extract %slice3A_158[0] : i32 from vector<1xi32>
      %add3A_160 = arith.addi %scan3A_126, %squeeze3A_159 : i32
      scf.yield %add3A_160 : i32
    }
    %scan3A_48 = arith.constant 32 : i32
    %jit3A_49 = arith.constant 64 : i32
    %div3A_50 = arith.divsi %scan3A_47, %jit3A_49 : i32
    %sign3A_51 = arith.constant 0 : i32
    %sign3A_52 = arith.cmpi sgt, %scan3A_47, %sign3A_51 : i32
    %sign3A_53 = arith.extui %sign3A_52 : i1 to i32
    %sign3A_54 = arith.constant 0 : i32
    %sign3A_55 = arith.cmpi slt, %scan3A_47, %sign3A_54 : i32
    %sign3A_56 = arith.extui %sign3A_55 : i1 to i32
    %sign3A_57 = arith.subi %sign3A_53, %sign3A_56 : i32
    %sign3A_58 = arith.constant 0 : i32
    %sign3A_59 = arith.cmpi sgt, %jit3A_49, %sign3A_58 : i32
    %sign3A_60 = arith.extui %sign3A_59 : i1 to i32
    %sign3A_61 = arith.constant 0 : i32
    %sign3A_62 = arith.cmpi slt, %jit3A_49, %sign3A_61 : i32
    %sign3A_63 = arith.extui %sign3A_62 : i1 to i32
    %sign3A_64 = arith.subi %sign3A_60, %sign3A_63 : i32
    %ne3A_65 = arith.cmpi ne, %sign3A_57, %sign3A_64 : i32
    %rem3A_66 = arith.remsi %scan3A_47, %jit3A_49 : i32
    %ne3A_67 = arith.constant 0 : i32
    %ne3A_68 = arith.cmpi ne, %rem3A_66, %ne3A_67 : i32
    %and3A_69 = arith.andi %ne3A_65, %ne3A_68 : i1
    %sub3A_70 = arith.constant 1 : i32
    %sub3A_71 = arith.subi %div3A_50, %sub3A_70 : i32
    %select_n3A_72 = arith.select %and3A_69, %sub3A_71, %div3A_50 : i32
    %while3A = arith.constant 0 : i32
    %while3A_73 = arith.constant 0 : i32
    %while3A_74 = arith.subi %select_n3A_72, %while3A : i32
    %while3A_75 = arith.addi %while3A, %while3A_74 : i32
    %while3A_76 = arith.constant 1 : i32
    %while3A_77 = arith.divsi %while3A_74, %while3A_76 : i32
    %while3A_78 = arith.muli %while3A_77, %while3A_76 : i32
    %while3A_79 = arith.addi %while3A, %while3A_78 : i32
    %while3A_80 = arith.constant 1 : i32
    %while3A_81 = scf.for %while3A_125 = %while3A to %while3A_79 step %while3A_80 iter_args(%while3A_126 = %while3A_73) -> (i32)  : i32 {
      %mul3A_127 = arith.constant 64 : i32
      %mul3A_128 = arith.muli %while3A_125, %mul3A_127 : i32
      %dma_start3A = tpu.memref_slice %arg10[%mul3A_128] : memref<512xi32, #tpu.memory_space<vmem>> -> memref<64xi32, #tpu.memory_space<vmem>>
      %dma_start3A_129 = arith.constant 0 : i32
      %dma_start3A_130 = arith.constant 0 : i32
      %dma_start3A_131 = tpu.memref_slice %arg4[%dma_start3A_129, %dma_start3A_130] : memref<8192x768xf32, #tpu.memory_space<hbm>> -> memref<8192x768xf32, #tpu.memory_space<hbm>>
      tpu.enqueue_indirect_dma source(%dma_start3A_131 : memref<8192x768xf32, #tpu.memory_space<hbm>>) target(%arg12 : memref<64x768xf32, #tpu.memory_space<vmem>>) offsets(%dma_start3A : memref<64xi32, #tpu.memory_space<vmem>>) semaphore(%arg14 : memref<!tpu.dma_semaphore, #tpu.memory_space<semaphore_mem>>)
      %dma_wait3A = tpu.memref_slice %arg10[%mul3A_128] : memref<512xi32, #tpu.memory_space<vmem>> -> memref<64xi32, #tpu.memory_space<vmem>>
      %dma_wait3A_132 = arith.constant 0 : i32
      %dma_wait3A_133 = arith.constant 0 : i32
      %dma_wait3A_134 = tpu.memref_slice %arg4[%dma_wait3A_132, %dma_wait3A_133] : memref<8192x768xf32, #tpu.memory_space<hbm>> -> memref<8192x768xf32, #tpu.memory_space<hbm>>
      tpu.wait_indirect_dma semaphore(%arg14 : memref<!tpu.dma_semaphore, #tpu.memory_space<semaphore_mem>>) src(%dma_wait3A_134 : memref<8192x768xf32, #tpu.memory_space<hbm>>) dst(%arg12 : memref<64x768xf32, #tpu.memory_space<vmem>>)
      %mul3A_135 = arith.constant 64 : i32
      %mul3A_136 = arith.muli %while3A_125, %mul3A_135 : i32
      %add3A_137 = arith.addi %squeeze3A, %mul3A_136 : i32
      %multiple_of3A = tpu.assume_multiple %add3A_137, 8 : i32
      "tpu.region"() ({
        %run_scoped3A = tpu.sem_alloc : memref<!tpu.dma_semaphore, #tpu.memory_space<semaphore_mem>>
        %dma_start3A_141 = arith.constant 0 : i32
        %dma_start3A_142 = tpu.memref_slice %arg6[%multiple_of3A, %dma_start3A_141] : memref<16384x768xf32, #tpu.memory_space<hbm>> -> memref<64x768xf32, #tpu.memory_space<hbm>>
        %dma_start3A_143 = arith.constant 0 : i32
        %dma_start3A_144 = tpu.memref_slice %arg6[%multiple_of3A, %dma_start3A_143] : memref<16384x768xf32, #tpu.memory_space<hbm>> -> memref<64x768xf32, #tpu.memory_space<hbm>>
        tpu.enqueue_dma source(%arg12 : memref<64x768xf32, #tpu.memory_space<vmem>>) target(%dma_start3A_144 : memref<64x768xf32, #tpu.memory_space<hbm>>) target_semaphore(%run_scoped3A : memref<!tpu.dma_semaphore, #tpu.memory_space<semaphore_mem>>)
        %dma_wait3A_145 = arith.constant 0 : i32
        %dma_wait3A_146 = tpu.memref_slice %arg6[%multiple_of3A, %dma_wait3A_145] : memref<16384x768xf32, #tpu.memory_space<hbm>> -> memref<64x768xf32, #tpu.memory_space<hbm>>
        %dma_wait3A_147 = arith.constant 0 : i32
        %dma_wait3A_148 = tpu.memref_slice %arg6[%multiple_of3A, %dma_wait3A_147] : memref<16384x768xf32, #tpu.memory_space<hbm>> -> memref<64x768xf32, #tpu.memory_space<hbm>>
        tpu.wait_dma2 semaphore(%run_scoped3A : memref<!tpu.dma_semaphore, #tpu.memory_space<semaphore_mem>>) src(%arg12 : memref<64x768xf32, #tpu.memory_space<vmem>>) dst(%dma_wait3A_148 : memref<64x768xf32, #tpu.memory_space<hbm>>)
        tpu.yield
      }) : () -> ()
      %mul3A_138 = arith.constant 64 : i32
      %mul3A_139 = arith.muli %while3A_125, %mul3A_138 : i32
      "tpu.region"() ({
        %run_scoped3A = tpu.sem_alloc : memref<!tpu.dma_semaphore, #tpu.memory_space<semaphore_mem>>
        %dma_start3A_141 = tpu.memref_slice %arg11[%mul3A_139] : memref<512xf32, #tpu.memory_space<vmem>> -> memref<64xf32, #tpu.memory_space<vmem>>
        %dma_start3A_142 = tpu.memref_slice %arg7[%multiple_of3A] : memref<16384xf32, #tpu.memory_space<hbm>> -> memref<64xf32, #tpu.memory_space<hbm>>
        %dma_start3A_143 = tpu.memref_slice %arg7[%multiple_of3A] : memref<16384xf32, #tpu.memory_space<hbm>> -> memref<64xf32, #tpu.memory_space<hbm>>
        %dma_start3A_144 = tpu.memref_slice %arg11[%mul3A_139] : memref<512xf32, #tpu.memory_space<vmem>> -> memref<64xf32, #tpu.memory_space<vmem>>
        tpu.enqueue_dma source(%dma_start3A_144 : memref<64xf32, #tpu.memory_space<vmem>>) target(%dma_start3A_143 : memref<64xf32, #tpu.memory_space<hbm>>) target_semaphore(%run_scoped3A : memref<!tpu.dma_semaphore, #tpu.memory_space<semaphore_mem>>)
        %dma_wait3A_145 = tpu.memref_slice %arg11[%mul3A_139] : memref<512xf32, #tpu.memory_space<vmem>> -> memref<64xf32, #tpu.memory_space<vmem>>
        %dma_wait3A_146 = tpu.memref_slice %arg7[%multiple_of3A] : memref<16384xf32, #tpu.memory_space<hbm>> -> memref<64xf32, #tpu.memory_space<hbm>>
        %dma_wait3A_147 = tpu.memref_slice %arg7[%multiple_of3A] : memref<16384xf32, #tpu.memory_space<hbm>> -> memref<64xf32, #tpu.memory_space<hbm>>
        %dma_wait3A_148 = tpu.memref_slice %arg11[%mul3A_139] : memref<512xf32, #tpu.memory_space<vmem>> -> memref<64xf32, #tpu.memory_space<vmem>>
        tpu.wait_dma2 semaphore(%run_scoped3A : memref<!tpu.dma_semaphore, #tpu.memory_space<semaphore_mem>>) src(%dma_wait3A_148 : memref<64xf32, #tpu.memory_space<vmem>>) dst(%dma_wait3A_147 : memref<64xf32, #tpu.memory_space<hbm>>)
        tpu.yield
      }) : () -> ()
      %while3A_140 = arith.constant 0 : i32
      scf.yield %while3A_140 : i32
    }
    %while3A_82 = arith.constant 1 : i32
    %while3A_83 = scf.for %while3A_125 = %while3A_79 to %while3A_75 step %while3A_82 iter_args(%while3A_126 = %while3A_81) -> (i32)  : i32 {
      %mul3A_127 = arith.constant 64 : i32
      %mul3A_128 = arith.muli %while3A_125, %mul3A_127 : i32
      %dma_start3A = tpu.memref_slice %arg10[%mul3A_128] : memref<512xi32, #tpu.memory_space<vmem>> -> memref<64xi32, #tpu.memory_space<vmem>>
      %dma_start3A_129 = arith.constant 0 : i32
      %dma_start3A_130 = arith.constant 0 : i32
      %dma_start3A_131 = tpu.memref_slice %arg4[%dma_start3A_129, %dma_start3A_130] : memref<8192x768xf32, #tpu.memory_space<hbm>> -> memref<8192x768xf32, #tpu.memory_space<hbm>>
      tpu.enqueue_indirect_dma source(%dma_start3A_131 : memref<8192x768xf32, #tpu.memory_space<hbm>>) target(%arg12 : memref<64x768xf32, #tpu.memory_space<vmem>>) offsets(%dma_start3A : memref<64xi32, #tpu.memory_space<vmem>>) semaphore(%arg14 : memref<!tpu.dma_semaphore, #tpu.memory_space<semaphore_mem>>)
      %dma_wait3A = tpu.memref_slice %arg10[%mul3A_128] : memref<512xi32, #tpu.memory_space<vmem>> -> memref<64xi32, #tpu.memory_space<vmem>>
      %dma_wait3A_132 = arith.constant 0 : i32
      %dma_wait3A_133 = arith.constant 0 : i32
      %dma_wait3A_134 = tpu.memref_slice %arg4[%dma_wait3A_132, %dma_wait3A_133] : memref<8192x768xf32, #tpu.memory_space<hbm>> -> memref<8192x768xf32, #tpu.memory_space<hbm>>
      tpu.wait_indirect_dma semaphore(%arg14 : memref<!tpu.dma_semaphore, #tpu.memory_space<semaphore_mem>>) src(%dma_wait3A_134 : memref<8192x768xf32, #tpu.memory_space<hbm>>) dst(%arg12 : memref<64x768xf32, #tpu.memory_space<vmem>>)
      %mul3A_135 = arith.constant 64 : i32
      %mul3A_136 = arith.muli %while3A_125, %mul3A_135 : i32
      %add3A_137 = arith.addi %squeeze3A, %mul3A_136 : i32
      %multiple_of3A = tpu.assume_multiple %add3A_137, 8 : i32
      "tpu.region"() ({
        %run_scoped3A = tpu.sem_alloc : memref<!tpu.dma_semaphore, #tpu.memory_space<semaphore_mem>>
        %dma_start3A_141 = arith.constant 0 : i32
        %dma_start3A_142 = tpu.memref_slice %arg6[%multiple_of3A, %dma_start3A_141] : memref<16384x768xf32, #tpu.memory_space<hbm>> -> memref<64x768xf32, #tpu.memory_space<hbm>>
        %dma_start3A_143 = arith.constant 0 : i32
        %dma_start3A_144 = tpu.memref_slice %arg6[%multiple_of3A, %dma_start3A_143] : memref<16384x768xf32, #tpu.memory_space<hbm>> -> memref<64x768xf32, #tpu.memory_space<hbm>>
        tpu.enqueue_dma source(%arg12 : memref<64x768xf32, #tpu.memory_space<vmem>>) target(%dma_start3A_144 : memref<64x768xf32, #tpu.memory_space<hbm>>) target_semaphore(%run_scoped3A : memref<!tpu.dma_semaphore, #tpu.memory_space<semaphore_mem>>)
        %dma_wait3A_145 = arith.constant 0 : i32
        %dma_wait3A_146 = tpu.memref_slice %arg6[%multiple_of3A, %dma_wait3A_145] : memref<16384x768xf32, #tpu.memory_space<hbm>> -> memref<64x768xf32, #tpu.memory_space<hbm>>
        %dma_wait3A_147 = arith.constant 0 : i32
        %dma_wait3A_148 = tpu.memref_slice %arg6[%multiple_of3A, %dma_wait3A_147] : memref<16384x768xf32, #tpu.memory_space<hbm>> -> memref<64x768xf32, #tpu.memory_space<hbm>>
        tpu.wait_dma2 semaphore(%run_scoped3A : memref<!tpu.dma_semaphore, #tpu.memory_space<semaphore_mem>>) src(%arg12 : memref<64x768xf32, #tpu.memory_space<vmem>>) dst(%dma_wait3A_148 : memref<64x768xf32, #tpu.memory_space<hbm>>)
        tpu.yield
      }) : () -> ()
      %mul3A_138 = arith.constant 64 : i32
      %mul3A_139 = arith.muli %while3A_125, %mul3A_138 : i32
      "tpu.region"() ({
        %run_scoped3A = tpu.sem_alloc : memref<!tpu.dma_semaphore, #tpu.memory_space<semaphore_mem>>
        %dma_start3A_141 = tpu.memref_slice %arg11[%mul3A_139] : memref<512xf32, #tpu.memory_space<vmem>> -> memref<64xf32, #tpu.memory_space<vmem>>
        %dma_start3A_142 = tpu.memref_slice %arg7[%multiple_of3A] : memref<16384xf32, #tpu.memory_space<hbm>> -> memref<64xf32, #tpu.memory_space<hbm>>
        %dma_start3A_143 = tpu.memref_slice %arg7[%multiple_of3A] : memref<16384xf32, #tpu.memory_space<hbm>> -> memref<64xf32, #tpu.memory_space<hbm>>
        %dma_start3A_144 = tpu.memref_slice %arg11[%mul3A_139] : memref<512xf32, #tpu.memory_space<vmem>> -> memref<64xf32, #tpu.memory_space<vmem>>
        tpu.enqueue_dma source(%dma_start3A_144 : memref<64xf32, #tpu.memory_space<vmem>>) target(%dma_start3A_143 : memref<64xf32, #tpu.memory_space<hbm>>) target_semaphore(%run_scoped3A : memref<!tpu.dma_semaphore, #tpu.memory_space<semaphore_mem>>)
        %dma_wait3A_145 = tpu.memref_slice %arg11[%mul3A_139] : memref<512xf32, #tpu.memory_space<vmem>> -> memref<64xf32, #tpu.memory_space<vmem>>
        %dma_wait3A_146 = tpu.memref_slice %arg7[%multiple_of3A] : memref<16384xf32, #tpu.memory_space<hbm>> -> memref<64xf32, #tpu.memory_space<hbm>>
        %dma_wait3A_147 = tpu.memref_slice %arg7[%multiple_of3A] : memref<16384xf32, #tpu.memory_space<hbm>> -> memref<64xf32, #tpu.memory_space<hbm>>
        %dma_wait3A_148 = tpu.memref_slice %arg11[%mul3A_139] : memref<512xf32, #tpu.memory_space<vmem>> -> memref<64xf32, #tpu.memory_space<vmem>>
        tpu.wait_dma2 semaphore(%run_scoped3A : memref<!tpu.dma_semaphore, #tpu.memory_space<semaphore_mem>>) src(%dma_wait3A_148 : memref<64xf32, #tpu.memory_space<vmem>>) dst(%dma_wait3A_147 : memref<64xf32, #tpu.memory_space<hbm>>)
        tpu.yield
      }) : () -> ()
      %while3A_140 = arith.constant 0 : i32
      scf.yield %while3A_140 : i32
    }
    %mul3A_84 = arith.constant 64 : i32
    %mul3A_85 = arith.muli %select_n3A_72, %mul3A_84 : i32
    %sub3A_86 = arith.subi %scan3A_47, %mul3A_85 : i32
    %add3A_87 = arith.constant 7 : i32
    %add3A_88 = arith.addi %sub3A_86, %add3A_87 : i32
    %jit3A_89 = arith.constant 8 : i32
    %div3A_90 = arith.divsi %add3A_88, %jit3A_89 : i32
    %sign3A_91 = arith.constant 0 : i32
    %sign3A_92 = arith.cmpi sgt, %add3A_88, %sign3A_91 : i32
    %sign3A_93 = arith.extui %sign3A_92 : i1 to i32
    %sign3A_94 = arith.constant 0 : i32
    %sign3A_95 = arith.cmpi slt, %add3A_88, %sign3A_94 : i32
    %sign3A_96 = arith.extui %sign3A_95 : i1 to i32
    %sign3A_97 = arith.subi %sign3A_93, %sign3A_96 : i32
    %sign3A_98 = arith.constant 0 : i32
    %sign3A_99 = arith.cmpi sgt, %jit3A_89, %sign3A_98 : i32
    %sign3A_100 = arith.extui %sign3A_99 : i1 to i32
    %sign3A_101 = arith.constant 0 : i32
    %sign3A_102 = arith.cmpi slt, %jit3A_89, %sign3A_101 : i32
    %sign3A_103 = arith.extui %sign3A_102 : i1 to i32
    %sign3A_104 = arith.subi %sign3A_100, %sign3A_103 : i32
    %ne3A_105 = arith.cmpi ne, %sign3A_97, %sign3A_104 : i32
    %rem3A_106 = arith.remsi %add3A_88, %jit3A_89 : i32
    %ne3A_107 = arith.constant 0 : i32
    %ne3A_108 = arith.cmpi ne, %rem3A_106, %ne3A_107 : i32
    %and3A_109 = arith.andi %ne3A_105, %ne3A_108 : i1
    %sub3A_110 = arith.constant 1 : i32
    %sub3A_111 = arith.subi %div3A_90, %sub3A_110 : i32
    %select_n3A_112 = arith.select %and3A_109, %sub3A_111, %div3A_90 : i32
    %while3A_113 = arith.constant 0 : i32
    %while3A_114 = arith.constant 0 : i32
    %while3A_115 = arith.subi %select_n3A_112, %while3A_113 : i32
    %while3A_116 = arith.addi %while3A_113, %while3A_115 : i32
    %while3A_117 = arith.constant 1 : i32
    %while3A_118 = arith.divsi %while3A_115, %while3A_117 : i32
    %while3A_119 = arith.muli %while3A_118, %while3A_117 : i32
    %while3A_120 = arith.addi %while3A_113, %while3A_119 : i32
    %while3A_121 = arith.constant 1 : i32
    %while3A_122 = scf.for %while3A_125 = %while3A_113 to %while3A_120 step %while3A_121 iter_args(%while3A_126 = %while3A_114) -> (i32)  : i32 {
      %mul3A_127 = arith.constant 64 : i32
      %mul3A_128 = arith.muli %select_n3A_72, %mul3A_127 : i32
      %mul3A_129 = arith.constant 8 : i32
      %mul3A_130 = arith.muli %while3A_125, %mul3A_129 : i32
      %add3A_131 = arith.addi %mul3A_128, %mul3A_130 : i32
      %multiple_of3A = tpu.assume_multiple %add3A_131, 8 : i32
      %dma_start3A = arith.constant 0 : i32
      %dma_start3A_132 = arith.constant 0 : i32
      %dma_start3A_133 = tpu.memref_slice %arg12[%dma_start3A, %dma_start3A_132] : memref<64x768xf32, #tpu.memory_space<vmem>> -> memref<8x768xf32, #tpu.memory_space<vmem>>
      %dma_start3A_134 = tpu.memref_slice %arg10[%multiple_of3A] : memref<512xi32, #tpu.memory_space<vmem>> -> memref<8xi32, #tpu.memory_space<vmem>>
      %dma_start3A_135 = arith.constant 0 : i32
      %dma_start3A_136 = arith.constant 0 : i32
      %dma_start3A_137 = tpu.memref_slice %arg4[%dma_start3A_135, %dma_start3A_136] : memref<8192x768xf32, #tpu.memory_space<hbm>> -> memref<8192x768xf32, #tpu.memory_space<hbm>>
      tpu.enqueue_indirect_dma source(%dma_start3A_137 : memref<8192x768xf32, #tpu.memory_space<hbm>>) target(%dma_start3A_133 : memref<8x768xf32, #tpu.memory_space<vmem>>) offsets(%dma_start3A_134 : memref<8xi32, #tpu.memory_space<vmem>>) semaphore(%arg14 : memref<!tpu.dma_semaphore, #tpu.memory_space<semaphore_mem>>)
      %dma_wait3A = arith.constant 0 : i32
      %dma_wait3A_138 = arith.constant 0 : i32
      %dma_wait3A_139 = tpu.memref_slice %arg12[%dma_wait3A, %dma_wait3A_138] : memref<64x768xf32, #tpu.memory_space<vmem>> -> memref<8x768xf32, #tpu.memory_space<vmem>>
      %dma_wait3A_140 = tpu.memref_slice %arg10[%multiple_of3A] : memref<512xi32, #tpu.memory_space<vmem>> -> memref<8xi32, #tpu.memory_space<vmem>>
      %dma_wait3A_141 = arith.constant 0 : i32
      %dma_wait3A_142 = arith.constant 0 : i32
      %dma_wait3A_143 = tpu.memref_slice %arg4[%dma_wait3A_141, %dma_wait3A_142] : memref<8192x768xf32, #tpu.memory_space<hbm>> -> memref<8192x768xf32, #tpu.memory_space<hbm>>
      tpu.wait_indirect_dma semaphore(%arg14 : memref<!tpu.dma_semaphore, #tpu.memory_space<semaphore_mem>>) src(%dma_wait3A_143 : memref<8192x768xf32, #tpu.memory_space<hbm>>) dst(%dma_wait3A_139 : memref<8x768xf32, #tpu.memory_space<vmem>>)
      %add3A_144 = arith.addi %squeeze3A, %multiple_of3A : i32
      %multiple_of3A_145 = tpu.assume_multiple %add3A_144, 8 : i32
      "tpu.region"() ({
        %run_scoped3A = tpu.sem_alloc : memref<!tpu.dma_semaphore, #tpu.memory_space<semaphore_mem>>
        %dma_start3A_147 = arith.constant 0 : i32
        %dma_start3A_148 = arith.constant 0 : i32
        %dma_start3A_149 = tpu.memref_slice %arg12[%dma_start3A_147, %dma_start3A_148] : memref<64x768xf32, #tpu.memory_space<vmem>> -> memref<8x768xf32, #tpu.memory_space<vmem>>
        %dma_start3A_150 = arith.constant 0 : i32
        %dma_start3A_151 = tpu.memref_slice %arg6[%multiple_of3A_145, %dma_start3A_150] : memref<16384x768xf32, #tpu.memory_space<hbm>> -> memref<8x768xf32, #tpu.memory_space<hbm>>
        %dma_start3A_152 = arith.constant 0 : i32
        %dma_start3A_153 = tpu.memref_slice %arg6[%multiple_of3A_145, %dma_start3A_152] : memref<16384x768xf32, #tpu.memory_space<hbm>> -> memref<8x768xf32, #tpu.memory_space<hbm>>
        %dma_start3A_154 = arith.constant 0 : i32
        %dma_start3A_155 = arith.constant 0 : i32
        %dma_start3A_156 = tpu.memref_slice %arg12[%dma_start3A_154, %dma_start3A_155] : memref<64x768xf32, #tpu.memory_space<vmem>> -> memref<8x768xf32, #tpu.memory_space<vmem>>
        tpu.enqueue_dma source(%dma_start3A_156 : memref<8x768xf32, #tpu.memory_space<vmem>>) target(%dma_start3A_153 : memref<8x768xf32, #tpu.memory_space<hbm>>) target_semaphore(%run_scoped3A : memref<!tpu.dma_semaphore, #tpu.memory_space<semaphore_mem>>)
        %dma_wait3A_157 = arith.constant 0 : i32
        %dma_wait3A_158 = arith.constant 0 : i32
        %dma_wait3A_159 = tpu.memref_slice %arg12[%dma_wait3A_157, %dma_wait3A_158] : memref<64x768xf32, #tpu.memory_space<vmem>> -> memref<8x768xf32, #tpu.memory_space<vmem>>
        %dma_wait3A_160 = arith.constant 0 : i32
        %dma_wait3A_161 = tpu.memref_slice %arg6[%multiple_of3A_145, %dma_wait3A_160] : memref<16384x768xf32, #tpu.memory_space<hbm>> -> memref<8x768xf32, #tpu.memory_space<hbm>>
        %dma_wait3A_162 = arith.constant 0 : i32
        %dma_wait3A_163 = tpu.memref_slice %arg6[%multiple_of3A_145, %dma_wait3A_162] : memref<16384x768xf32, #tpu.memory_space<hbm>> -> memref<8x768xf32, #tpu.memory_space<hbm>>
        %dma_wait3A_164 = arith.constant 0 : i32
        %dma_wait3A_165 = arith.constant 0 : i32
        %dma_wait3A_166 = tpu.memref_slice %arg12[%dma_wait3A_164, %dma_wait3A_165] : memref<64x768xf32, #tpu.memory_space<vmem>> -> memref<8x768xf32, #tpu.memory_space<vmem>>
        tpu.wait_dma2 semaphore(%run_scoped3A : memref<!tpu.dma_semaphore, #tpu.memory_space<semaphore_mem>>) src(%dma_wait3A_166 : memref<8x768xf32, #tpu.memory_space<vmem>>) dst(%dma_wait3A_163 : memref<8x768xf32, #tpu.memory_space<hbm>>)
        tpu.yield
      }) : () -> ()
      "tpu.region"() ({
        %run_scoped3A = tpu.sem_alloc : memref<!tpu.dma_semaphore, #tpu.memory_space<semaphore_mem>>
        %dma_start3A_147 = tpu.memref_slice %arg11[%multiple_of3A] : memref<512xf32, #tpu.memory_space<vmem>> -> memref<8xf32, #tpu.memory_space<vmem>>
        %dma_start3A_148 = tpu.memref_slice %arg7[%multiple_of3A_145] : memref<16384xf32, #tpu.memory_space<hbm>> -> memref<8xf32, #tpu.memory_space<hbm>>
        %dma_start3A_149 = tpu.memref_slice %arg7[%multiple_of3A_145] : memref<16384xf32, #tpu.memory_space<hbm>> -> memref<8xf32, #tpu.memory_space<hbm>>
        %dma_start3A_150 = tpu.memref_slice %arg11[%multiple_of3A] : memref<512xf32, #tpu.memory_space<vmem>> -> memref<8xf32, #tpu.memory_space<vmem>>
        tpu.enqueue_dma source(%dma_start3A_150 : memref<8xf32, #tpu.memory_space<vmem>>) target(%dma_start3A_149 : memref<8xf32, #tpu.memory_space<hbm>>) target_semaphore(%run_scoped3A : memref<!tpu.dma_semaphore, #tpu.memory_space<semaphore_mem>>)
        %dma_wait3A_151 = tpu.memref_slice %arg11[%multiple_of3A] : memref<512xf32, #tpu.memory_space<vmem>> -> memref<8xf32, #tpu.memory_space<vmem>>
        %dma_wait3A_152 = tpu.memref_slice %arg7[%multiple_of3A_145] : memref<16384xf32, #tpu.memory_space<hbm>> -> memref<8xf32, #tpu.memory_space<hbm>>
        %dma_wait3A_153 = tpu.memref_slice %arg7[%multiple_of3A_145] : memref<16384xf32, #tpu.memory_space<hbm>> -> memref<8xf32, #tpu.memory_space<hbm>>
        %dma_wait3A_154 = tpu.memref_slice %arg11[%multiple_of3A] : memref<512xf32, #tpu.memory_space<vmem>> -> memref<8xf32, #tpu.memory_space<vmem>>
        tpu.wait_dma2 semaphore(%run_scoped3A : memref<!tpu.dma_semaphore, #tpu.memory_space<semaphore_mem>>) src(%dma_wait3A_154 : memref<8xf32, #tpu.memory_space<vmem>>) dst(%dma_wait3A_153 : memref<8xf32, #tpu.memory_space<hbm>>)
        tpu.yield
      }) : () -> ()
      %while3A_146 = arith.constant 0 : i32
      scf.yield %while3A_146 : i32
    }
    %while3A_123 = arith.constant 1 : i32
    %while3A_124 = scf.for %while3A_125 = %while3A_120 to %while3A_116 step %while3A_123 iter_args(%while3A_126 = %while3A_122) -> (i32)  : i32 {
      %mul3A_127 = arith.constant 64 : i32
      %mul3A_128 = arith.muli %select_n3A_72, %mul3A_127 : i32
      %mul3A_129 = arith.constant 8 : i32
      %mul3A_130 = arith.muli %while3A_125, %mul3A_129 : i32
      %add3A_131 = arith.addi %mul3A_128, %mul3A_130 : i32
      %multiple_of3A = tpu.assume_multiple %add3A_131, 8 : i32
      %dma_start3A = arith.constant 0 : i32
      %dma_start3A_132 = arith.constant 0 : i32
      %dma_start3A_133 = tpu.memref_slice %arg12[%dma_start3A, %dma_start3A_132] : memref<64x768xf32, #tpu.memory_space<vmem>> -> memref<8x768xf32, #tpu.memory_space<vmem>>
      %dma_start3A_134 = tpu.memref_slice %arg10[%multiple_of3A] : memref<512xi32, #tpu.memory_space<vmem>> -> memref<8xi32, #tpu.memory_space<vmem>>
      %dma_start3A_135 = arith.constant 0 : i32
      %dma_start3A_136 = arith.constant 0 : i32
      %dma_start3A_137 = tpu.memref_slice %arg4[%dma_start3A_135, %dma_start3A_136] : memref<8192x768xf32, #tpu.memory_space<hbm>> -> memref<8192x768xf32, #tpu.memory_space<hbm>>
      tpu.enqueue_indirect_dma source(%dma_start3A_137 : memref<8192x768xf32, #tpu.memory_space<hbm>>) target(%dma_start3A_133 : memref<8x768xf32, #tpu.memory_space<vmem>>) offsets(%dma_start3A_134 : memref<8xi32, #tpu.memory_space<vmem>>) semaphore(%arg14 : memref<!tpu.dma_semaphore, #tpu.memory_space<semaphore_mem>>)
      %dma_wait3A = arith.constant 0 : i32
      %dma_wait3A_138 = arith.constant 0 : i32
      %dma_wait3A_139 = tpu.memref_slice %arg12[%dma_wait3A, %dma_wait3A_138] : memref<64x768xf32, #tpu.memory_space<vmem>> -> memref<8x768xf32, #tpu.memory_space<vmem>>
      %dma_wait3A_140 = tpu.memref_slice %arg10[%multiple_of3A] : memref<512xi32, #tpu.memory_space<vmem>> -> memref<8xi32, #tpu.memory_space<vmem>>
      %dma_wait3A_141 = arith.constant 0 : i32
      %dma_wait3A_142 = arith.constant 0 : i32
      %dma_wait3A_143 = tpu.memref_slice %arg4[%dma_wait3A_141, %dma_wait3A_142] : memref<8192x768xf32, #tpu.memory_space<hbm>> -> memref<8192x768xf32, #tpu.memory_space<hbm>>
      tpu.wait_indirect_dma semaphore(%arg14 : memref<!tpu.dma_semaphore, #tpu.memory_space<semaphore_mem>>) src(%dma_wait3A_143 : memref<8192x768xf32, #tpu.memory_space<hbm>>) dst(%dma_wait3A_139 : memref<8x768xf32, #tpu.memory_space<vmem>>)
      %add3A_144 = arith.addi %squeeze3A, %multiple_of3A : i32
      %multiple_of3A_145 = tpu.assume_multiple %add3A_144, 8 : i32
      "tpu.region"() ({
        %run_scoped3A = tpu.sem_alloc : memref<!tpu.dma_semaphore, #tpu.memory_space<semaphore_mem>>
        %dma_start3A_147 = arith.constant 0 : i32
        %dma_start3A_148 = arith.constant 0 : i32
        %dma_start3A_149 = tpu.memref_slice %arg12[%dma_start3A_147, %dma_start3A_148] : memref<64x768xf32, #tpu.memory_space<vmem>> -> memref<8x768xf32, #tpu.memory_space<vmem>>
        %dma_start3A_150 = arith.constant 0 : i32
        %dma_start3A_151 = tpu.memref_slice %arg6[%multiple_of3A_145, %dma_start3A_150] : memref<16384x768xf32, #tpu.memory_space<hbm>> -> memref<8x768xf32, #tpu.memory_space<hbm>>
        %dma_start3A_152 = arith.constant 0 : i32
        %dma_start3A_153 = tpu.memref_slice %arg6[%multiple_of3A_145, %dma_start3A_152] : memref<16384x768xf32, #tpu.memory_space<hbm>> -> memref<8x768xf32, #tpu.memory_space<hbm>>
        %dma_start3A_154 = arith.constant 0 : i32
        %dma_start3A_155 = arith.constant 0 : i32
        %dma_start3A_156 = tpu.memref_slice %arg12[%dma_start3A_154, %dma_start3A_155] : memref<64x768xf32, #tpu.memory_space<vmem>> -> memref<8x768xf32, #tpu.memory_space<vmem>>
        tpu.enqueue_dma source(%dma_start3A_156 : memref<8x768xf32, #tpu.memory_space<vmem>>) target(%dma_start3A_153 : memref<8x768xf32, #tpu.memory_space<hbm>>) target_semaphore(%run_scoped3A : memref<!tpu.dma_semaphore, #tpu.memory_space<semaphore_mem>>)
        %dma_wait3A_157 = arith.constant 0 : i32
        %dma_wait3A_158 = arith.constant 0 : i32
        %dma_wait3A_159 = tpu.memref_slice %arg12[%dma_wait3A_157, %dma_wait3A_158] : memref<64x768xf32, #tpu.memory_space<vmem>> -> memref<8x768xf32, #tpu.memory_space<vmem>>
        %dma_wait3A_160 = arith.constant 0 : i32
        %dma_wait3A_161 = tpu.memref_slice %arg6[%multiple_of3A_145, %dma_wait3A_160] : memref<16384x768xf32, #tpu.memory_space<hbm>> -> memref<8x768xf32, #tpu.memory_space<hbm>>
        %dma_wait3A_162 = arith.constant 0 : i32
        %dma_wait3A_163 = tpu.memref_slice %arg6[%multiple_of3A_145, %dma_wait3A_162] : memref<16384x768xf32, #tpu.memory_space<hbm>> -> memref<8x768xf32, #tpu.memory_space<hbm>>
        %dma_wait3A_164 = arith.constant 0 : i32
        %dma_wait3A_165 = arith.constant 0 : i32
        %dma_wait3A_166 = tpu.memref_slice %arg12[%dma_wait3A_164, %dma_wait3A_165] : memref<64x768xf32, #tpu.memory_space<vmem>> -> memref<8x768xf32, #tpu.memory_space<vmem>>
        tpu.wait_dma2 semaphore(%run_scoped3A : memref<!tpu.dma_semaphore, #tpu.memory_space<semaphore_mem>>) src(%dma_wait3A_166 : memref<8x768xf32, #tpu.memory_space<vmem>>) dst(%dma_wait3A_163 : memref<8x768xf32, #tpu.memory_space<hbm>>)
        tpu.yield
      }) : () -> ()
      "tpu.region"() ({
        %run_scoped3A = tpu.sem_alloc : memref<!tpu.dma_semaphore, #tpu.memory_space<semaphore_mem>>
        %dma_start3A_147 = tpu.memref_slice %arg11[%multiple_of3A] : memref<512xf32, #tpu.memory_space<vmem>> -> memref<8xf32, #tpu.memory_space<vmem>>
        %dma_start3A_148 = tpu.memref_slice %arg7[%multiple_of3A_145] : memref<16384xf32, #tpu.memory_space<hbm>> -> memref<8xf32, #tpu.memory_space<hbm>>
        %dma_start3A_149 = tpu.memref_slice %arg7[%multiple_of3A_145] : memref<16384xf32, #tpu.memory_space<hbm>> -> memref<8xf32, #tpu.memory_space<hbm>>
        %dma_start3A_150 = tpu.memref_slice %arg11[%multiple_of3A] : memref<512xf32, #tpu.memory_space<vmem>> -> memref<8xf32, #tpu.memory_space<vmem>>
        tpu.enqueue_dma source(%dma_start3A_150 : memref<8xf32, #tpu.memory_space<vmem>>) target(%dma_start3A_149 : memref<8xf32, #tpu.memory_space<hbm>>) target_semaphore(%run_scoped3A : memref<!tpu.dma_semaphore, #tpu.memory_space<semaphore_mem>>)
        %dma_wait3A_151 = tpu.memref_slice %arg11[%multiple_of3A] : memref<512xf32, #tpu.memory_space<vmem>> -> memref<8xf32, #tpu.memory_space<vmem>>
        %dma_wait3A_152 = tpu.memref_slice %arg7[%multiple_of3A_145] : memref<16384xf32, #tpu.memory_space<hbm>> -> memref<8xf32, #tpu.memory_space<hbm>>
        %dma_wait3A_153 = tpu.memref_slice %arg7[%multiple_of3A_145] : memref<16384xf32, #tpu.memory_space<hbm>> -> memref<8xf32, #tpu.memory_space<hbm>>
        %dma_wait3A_154 = tpu.memref_slice %arg11[%multiple_of3A] : memref<512xf32, #tpu.memory_space<vmem>> -> memref<8xf32, #tpu.memory_space<vmem>>
        tpu.wait_dma2 semaphore(%run_scoped3A : memref<!tpu.dma_semaphore, #tpu.memory_space<semaphore_mem>>) src(%dma_wait3A_154 : memref<8xf32, #tpu.memory_space<vmem>>) dst(%dma_wait3A_153 : memref<8xf32, #tpu.memory_space<hbm>>)
        tpu.yield
      }) : () -> ()
      %while3A_146 = arith.constant 0 : i32
      scf.yield %while3A_146 : i32
    }
    return
  }
}

#map = affine_map<(d0, d1) -> (0, 0)>
#map1 = affine_map<(d0, d1) -> (0)>
module attributes {stable_mosaic.version = 14 : i64} {
  func.func @sc_gather(%arg0: i32, %arg1: i32, %arg2: memref<8x8192xf32, #tpu.memory_space<hbm>>, %arg3: memref<8x8192xf32, #tpu.memory_space<hbm>>, %arg4: memref<8192x768xf32, #tpu.memory_space<hbm>>, %arg5: memref<32x16xi32, #tpu.memory_space<hbm>>, %arg6: memref<16384x768xf32, #tpu.memory_space<hbm>>, %arg7: memref<16384xf32, #tpu.memory_space<hbm>>, %arg8: memref<512xf32, #tpu.memory_space<vmem>>, %arg9: memref<512xf32, #tpu.memory_space<vmem>>, %arg10: memref<512xi32, #tpu.memory_space<vmem>>, %arg11: memref<512xf32, #tpu.memory_space<vmem>>, %arg12: memref<64x768xf32, #tpu.memory_space<vmem>>, %arg13: memref<16xi32, #tpu.memory_space<vmem>>, %arg14: memref<!tpu.dma_semaphore, #tpu.memory_space<semaphore_mem>>) attributes {dimension_semantics = [#tpu.dimension_semantics<core_parallel>, #tpu.dimension_semantics<subcore_parallel>], iteration_bounds = array<i64: 2, 16>, scalar_prefetch = 0 : i64, scratch_operands = 7 : i64, tpu.core_type = #tpu.core_type<sc_vector_subcore>, window_params = [{transform_indices = #map}, {transform_indices = #map}, {transform_indices = #map}, {transform_indices = #map}, {transform_indices = #map}, {transform_indices = #map1}]} {
    %mul3A = arith.constant 2 : i32
    %mul3A_0 = arith.muli %arg1, %mul3A : i32
    %add3A = arith.addi %mul3A_0, %arg0 : i32
    %jit3A = arith.constant 16 : i32
    %div3A = arith.divsi %add3A, %jit3A : i32
    %sign3A = arith.constant 0 : i32
    %sign3A_1 = arith.cmpi sgt, %add3A, %sign3A : i32
    %sign3A_2 = arith.extui %sign3A_1 : i1 to i32
    %sign3A_3 = arith.constant 0 : i32
    %sign3A_4 = arith.cmpi slt, %add3A, %sign3A_3 : i32
    %sign3A_5 = arith.extui %sign3A_4 : i1 to i32
    %sign3A_6 = arith.subi %sign3A_2, %sign3A_5 : i32
    %sign3A_7 = arith.constant 0 : i32
    %sign3A_8 = arith.cmpi sgt, %jit3A, %sign3A_7 : i32
    %sign3A_9 = arith.extui %sign3A_8 : i1 to i32
    %sign3A_10 = arith.constant 0 : i32
    %sign3A_11 = arith.cmpi slt, %jit3A, %sign3A_10 : i32
    %sign3A_12 = arith.extui %sign3A_11 : i1 to i32
    %sign3A_13 = arith.subi %sign3A_9, %sign3A_12 : i32
    %ne3A = arith.cmpi ne, %sign3A_6, %sign3A_13 : i32
    %rem3A = arith.remsi %add3A, %jit3A : i32
    %ne3A_14 = arith.constant 0 : i32
    %ne3A_15 = arith.cmpi ne, %rem3A, %ne3A_14 : i32
    %and3A = arith.andi %ne3A, %ne3A_15 : i1
    %sub3A = arith.constant 1 : i32
    %sub3A_16 = arith.subi %div3A, %sub3A : i32
    %select_n3A = arith.select %and3A, %sub3A_16, %div3A : i32
    %add3A_17 = arith.constant 6 : i32
    %add3A_18 = arith.addi %add3A_17, %select_n3A : i32
    %jit3A_19 = arith.constant 16 : i32
    %eq3A = arith.constant 0 : i32
    %eq3A_20 = arith.cmpi eq, %jit3A_19, %eq3A : i32
    %jit3A_21 = arith.constant 1 : i32
    %select_n3A_22 = arith.select %eq3A_20, %jit3A_21, %jit3A_19 : i32
    %rem3A_23 = arith.remsi %add3A, %select_n3A_22 : i32
    %ne3A_24 = arith.constant 0 : i32
    %ne3A_25 = arith.cmpi ne, %rem3A_23, %ne3A_24 : i32
    %lt3A = arith.constant 0 : i32
    %lt3A_26 = arith.cmpi slt, %rem3A_23, %lt3A : i32
    %lt3A_27 = arith.constant 0 : i32
    %lt3A_28 = arith.cmpi slt, %select_n3A_22, %lt3A_27 : i32
    %ne3A_29 = arith.xori %lt3A_26, %lt3A_28 : i1
    %and3A_30 = arith.andi %ne3A_29, %ne3A_25 : i1
    %add3A_31 = arith.addi %rem3A_23, %select_n3A_22 : i32
    %select_n3A_32 = arith.select %and3A_30, %add3A_31, %rem3A_23 : i32
    %mul3A_33 = arith.constant 512 : i32
    %mul3A_34 = arith.muli %select_n3A_32, %mul3A_33 : i32
    "tpu.region"() ({
      %run_scoped3A = tpu.sem_alloc : memref<!tpu.dma_semaphore, #tpu.memory_space<semaphore_mem>>
      %dma_start3A = arith.constant 0 : i32
      %dma_start3A_125 = tpu.memref_slice %arg5[%add3A, %dma_start3A] : memref<32x16xi32, #tpu.memory_space<hbm>> -> memref<1x16xi32, #tpu.memory_space<hbm>>
      %dma_start3A_126 = tpu.memref_squeeze %dma_start3A_125 : memref<1x16xi32, #tpu.memory_space<hbm>> -> memref<16xi32, #tpu.memory_space<hbm>>
      %dma_start3A_127 = arith.constant 0 : i32
      %dma_start3A_128 = tpu.memref_slice %arg5[%add3A, %dma_start3A_127] : memref<32x16xi32, #tpu.memory_space<hbm>> -> memref<1x16xi32, #tpu.memory_space<hbm>>
      %dma_start3A_129 = tpu.memref_squeeze %dma_start3A_128 : memref<1x16xi32, #tpu.memory_space<hbm>> -> memref<16xi32, #tpu.memory_space<hbm>>
      tpu.enqueue_dma source(%dma_start3A_129 : memref<16xi32, #tpu.memory_space<hbm>>) target(%arg13 : memref<16xi32, #tpu.memory_space<vmem>>) target_semaphore(%run_scoped3A : memref<!tpu.dma_semaphore, #tpu.memory_space<semaphore_mem>>)
      %dma_wait3A = arith.constant 0 : i32
      %dma_wait3A_130 = tpu.memref_slice %arg5[%add3A, %dma_wait3A] : memref<32x16xi32, #tpu.memory_space<hbm>> -> memref<1x16xi32, #tpu.memory_space<hbm>>
      %dma_wait3A_131 = tpu.memref_squeeze %dma_wait3A_130 : memref<1x16xi32, #tpu.memory_space<hbm>> -> memref<16xi32, #tpu.memory_space<hbm>>
      %dma_wait3A_132 = arith.constant 0 : i32
      %dma_wait3A_133 = tpu.memref_slice %arg5[%add3A, %dma_wait3A_132] : memref<32x16xi32, #tpu.memory_space<hbm>> -> memref<1x16xi32, #tpu.memory_space<hbm>>
      %dma_wait3A_134 = tpu.memref_squeeze %dma_wait3A_133 : memref<1x16xi32, #tpu.memory_space<hbm>> -> memref<16xi32, #tpu.memory_space<hbm>>
      tpu.wait_dma2 semaphore(%run_scoped3A : memref<!tpu.dma_semaphore, #tpu.memory_space<semaphore_mem>>) src(%dma_wait3A_134 : memref<16xi32, #tpu.memory_space<hbm>>) dst(%arg13 : memref<16xi32, #tpu.memory_space<vmem>>)
      tpu.yield
    }) : () -> ()
    %iota3A = tpu.iota {dimensions = array<i32: 0>} : vector<16xi32>
    %get3A = arith.constant 0 : index
    %get3A_35 = tpu.vector_load %arg13[%get3A] {strides = array<i32>} : memref<16xi32, #tpu.memory_space<vmem>>, vector<16xi32>,
    %slice3A = vector.extract_strided_slice %get3A_35 {offsets = [0], sizes = [1], strides = [1]} : vector<16xi32> to vector<1xi32>
    %squeeze3A = vector.extract %slice3A[0] : i32 from vector<1xi32>
    "tpu.region"() ({
      %run_scoped3A = tpu.sem_alloc : memref<!tpu.dma_semaphore, #tpu.memory_space<semaphore_mem>>
      %dma_start3A = tpu.memref_slice %arg2[%add3A_18, %mul3A_34] : memref<8x8192xf32, #tpu.memory_space<hbm>> -> memref<1x512xf32, #tpu.memory_space<hbm>>
      %dma_start3A_125 = tpu.memref_squeeze %dma_start3A : memref<1x512xf32, #tpu.memory_space<hbm>> -> memref<512xf32, #tpu.memory_space<hbm>>
      %dma_start3A_126 = tpu.memref_slice %arg2[%add3A_18, %mul3A_34] : memref<8x8192xf32, #tpu.memory_space<hbm>> -> memref<1x512xf32, #tpu.memory_space<hbm>>
      %dma_start3A_127 = tpu.memref_squeeze %dma_start3A_126 : memref<1x512xf32, #tpu.memory_space<hbm>> -> memref<512xf32, #tpu.memory_space<hbm>>
      tpu.enqueue_dma source(%dma_start3A_127 : memref<512xf32, #tpu.memory_space<hbm>>) target(%arg8 : memref<512xf32, #tpu.memory_space<vmem>>) target_semaphore(%run_scoped3A : memref<!tpu.dma_semaphore, #tpu.memory_space<semaphore_mem>>)
      %dma_wait3A = tpu.memref_slice %arg2[%add3A_18, %mul3A_34] : memref<8x8192xf32, #tpu.memory_space<hbm>> -> memref<1x512xf32, #tpu.memory_space<hbm>>
      %dma_wait3A_128 = tpu.memref_squeeze %dma_wait3A : memref<1x512xf32, #tpu.memory_space<hbm>> -> memref<512xf32, #tpu.memory_space<hbm>>
      %dma_wait3A_129 = tpu.memref_slice %arg2[%add3A_18, %mul3A_34] : memref<8x8192xf32, #tpu.memory_space<hbm>> -> memref<1x512xf32, #tpu.memory_space<hbm>>
      %dma_wait3A_130 = tpu.memref_squeeze %dma_wait3A_129 : memref<1x512xf32, #tpu.memory_space<hbm>> -> memref<512xf32, #tpu.memory_space<hbm>>
      tpu.wait_dma2 semaphore(%run_scoped3A : memref<!tpu.dma_semaphore, #tpu.memory_space<semaphore_mem>>) src(%dma_wait3A_130 : memref<512xf32, #tpu.memory_space<hbm>>) dst(%arg8 : memref<512xf32, #tpu.memory_space<vmem>>)
      tpu.yield
    }) : () -> ()
    "tpu.region"() ({
      %run_scoped3A = tpu.sem_alloc : memref<!tpu.dma_semaphore, #tpu.memory_space<semaphore_mem>>
      %dma_start3A = tpu.memref_slice %arg3[%add3A_18, %mul3A_34] : memref<8x8192xf32, #tpu.memory_space<hbm>> -> memref<1x512xf32, #tpu.memory_space<hbm>>
      %dma_start3A_125 = tpu.memref_squeeze %dma_start3A : memref<1x512xf32, #tpu.memory_space<hbm>> -> memref<512xf32, #tpu.memory_space<hbm>>
      %dma_start3A_126 = tpu.memref_slice %arg3[%add3A_18, %mul3A_34] : memref<8x8192xf32, #tpu.memory_space<hbm>> -> memref<1x512xf32, #tpu.memory_space<hbm>>
      %dma_start3A_127 = tpu.memref_squeeze %dma_start3A_126 : memref<1x512xf32, #tpu.memory_space<hbm>> -> memref<512xf32, #tpu.memory_space<hbm>>
      tpu.enqueue_dma source(%dma_start3A_127 : memref<512xf32, #tpu.memory_space<hbm>>) target(%arg9 : memref<512xf32, #tpu.memory_space<vmem>>) target_semaphore(%run_scoped3A : memref<!tpu.dma_semaphore, #tpu.memory_space<semaphore_mem>>)
      %dma_wait3A = tpu.memref_slice %arg3[%add3A_18, %mul3A_34] : memref<8x8192xf32, #tpu.memory_space<hbm>> -> memref<1x512xf32, #tpu.memory_space<hbm>>
      %dma_wait3A_128 = tpu.memref_squeeze %dma_wait3A : memref<1x512xf32, #tpu.memory_space<hbm>> -> memref<512xf32, #tpu.memory_space<hbm>>
      %dma_wait3A_129 = tpu.memref_slice %arg3[%add3A_18, %mul3A_34] : memref<8x8192xf32, #tpu.memory_space<hbm>> -> memref<1x512xf32, #tpu.memory_space<hbm>>
      %dma_wait3A_130 = tpu.memref_squeeze %dma_wait3A_129 : memref<1x512xf32, #tpu.memory_space<hbm>> -> memref<512xf32, #tpu.memory_space<hbm>>
      tpu.wait_dma2 semaphore(%run_scoped3A : memref<!tpu.dma_semaphore, #tpu.memory_space<semaphore_mem>>) src(%dma_wait3A_130 : memref<512xf32, #tpu.memory_space<hbm>>) dst(%arg9 : memref<512xf32, #tpu.memory_space<vmem>>)
      tpu.yield
    }) : () -> ()
    %scan3A = arith.constant 0 : i32
    %scan3A_36 = arith.constant 0 : i32
    %scan3A_37 = arith.constant 32 : i32
    %scan3A_38 = arith.addi %scan3A_36, %scan3A_37 : i32
    %scan3A_39 = arith.constant 1 : i32
    %scan3A_40 = scf.for %scan3A_125 = %scan3A_36 to %scan3A_38 step %scan3A_39 iter_args(%scan3A_126 = %scan3A) -> (i32)  : i32 {
      %broadcast_in_dim3A = arith.constant 0 : i32
      %broadcast_in_dim3A_127 = vector.broadcast %broadcast_in_dim3A : i32 to vector<16xi32>
      %mul3A_128 = arith.constant 16 : i32
      %mul3A_129 = arith.muli %scan3A_125, %mul3A_128 : i32
      %swap3A = arith.index_cast %mul3A_129 : i32 to index
      %swap3A_130 = tpu.vector_load %arg10[%swap3A] {strides = array<i32>} : memref<512xi32, #tpu.memory_space<vmem>>, vector<16xi32>,
      tpu.vector_store %arg10[%swap3A], %broadcast_in_dim3A_127 {strides = array<i32>} : memref<512xi32, #tpu.memory_space<vmem>>, vector<16xi32>,
      %scan3A_131 = arith.constant 0 : i32
      scf.yield %scan3A_131 : i32
    }
    %scan3A_41 = arith.constant 32 : i32
    %scan3A_42 = arith.constant 0 : i32
    %scan3A_43 = arith.constant 0 : i32
    %scan3A_44 = arith.constant 32 : i32
    %scan3A_45 = arith.addi %scan3A_43, %scan3A_44 : i32
    %scan3A_46 = arith.constant 1 : i32
    %scan3A_47 = scf.for %scan3A_125 = %scan3A_43 to %scan3A_45 step %scan3A_46 iter_args(%scan3A_126 = %scan3A_42) -> (i32)  : i32 {
      %mul3A_127 = arith.constant 16 : i32
      %mul3A_128 = arith.muli %scan3A_125, %mul3A_127 : i32
      %get3A_129 = arith.index_cast %mul3A_128 : i32 to index
      %get3A_130 = tpu.vector_load %arg8[%get3A_129] {strides = array<i32>} : memref<512xf32, #tpu.memory_space<vmem>>, vector<16xf32>,
      %gt3A = arith.constant 0.000000e+00 : f32
      %gt3A_131 = vector.broadcast %gt3A : f32 to vector<16xf32>
      %gt3A_132 = arith.cmpf ogt, %get3A_130, %gt3A_131 : vector<16xf32>
      %mul3A_133 = arith.constant 16 : i32
      %mul3A_134 = arith.muli %scan3A_125, %mul3A_133 : i32
      %add3A_135 = arith.addi %mul3A_34, %mul3A_134 : i32
      %add3A_136 = vector.broadcast %add3A_135 : i32 to vector<16xi32>
      %add3A_137 = arith.addi %iota3A, %add3A_136 : vector<16xi32>
      %masked_sort3A = arith.constant -2147483648 : i32
      %masked_sort3A_138 = vector.broadcast %masked_sort3A : i32 to vector<16xi32>
      %masked_sort3A_139 = arith.xori %iota3A, %masked_sort3A_138 : vector<16xi32>
      %masked_sort3A_140, %masked_sort3A_141, %masked_sort3A_142 = tpu.sort %masked_sort3A_139, %add3A_137 masked %gt3A_132 : (vector<16xi32>, vector<16xi32>, vector<16xi1>) -> (vector<16xi1>, vector<16xi32>, vector<16xi32>)
      %masked_sort3A_143 = arith.xori %masked_sort3A_141, %masked_sort3A_138 : vector<16xi32>
      %swap3A = arith.index_cast %scan3A_126 : i32 to index
      %swap3A_144 = tpu.vector_load %arg10[%swap3A] {strides = array<i32>} : memref<512xi32, #tpu.memory_space<vmem>>, vector<16xi32>,
      tpu.vector_store %arg10[%swap3A], %masked_sort3A_142 {strides = array<i32>} : memref<512xi32, #tpu.memory_space<vmem>>, vector<16xi32>,
      %mul3A_145 = arith.constant 16 : i32
      %mul3A_146 = arith.muli %scan3A_125, %mul3A_145 : i32
      %get3A_147 = arith.index_cast %mul3A_146 : i32 to index
      %get3A_148 = tpu.vector_load %arg9[%get3A_147] {strides = array<i32>} : memref<512xf32, #tpu.memory_space<vmem>>, vector<16xf32>,
      %masked_sort3A_149 = arith.constant -2147483648 : i32
      %masked_sort3A_150 = vector.broadcast %masked_sort3A_149 : i32 to vector<16xi32>
      %masked_sort3A_151 = arith.xori %iota3A, %masked_sort3A_150 : vector<16xi32>
      %masked_sort3A_152, %masked_sort3A_153, %masked_sort3A_154 = tpu.sort %masked_sort3A_151, %get3A_148 masked %gt3A_132 : (vector<16xi32>, vector<16xf32>, vector<16xi1>) -> (vector<16xi1>, vector<16xi32>, vector<16xf32>)
      %masked_sort3A_155 = arith.xori %masked_sort3A_153, %masked_sort3A_150 : vector<16xi32>
      %swap3A_156 = arith.index_cast %scan3A_126 : i32 to index
      %swap3A_157 = tpu.vector_load %arg11[%swap3A_156] {strides = array<i32>} : memref<512xf32, #tpu.memory_space<vmem>>, vector<16xf32>,
      tpu.vector_store %arg11[%swap3A_156], %masked_sort3A_154 {strides = array<i32>} : memref<512xf32, #tpu.memory_space<vmem>>, vector<16xf32>,
      %all_reduce_population_count3A = tpu.all_reduce %gt3A_132 {dim = 0 : i64, kind = #tpu.reduction_kind<sum>} : vector<16xi1> -> vector<16xi32>
      %slice3A_158 = vector.extract_strided_slice %all_reduce_population_count3A {offsets = [0], sizes = [1], strides = [1]} : vector<16xi32> to vector<1xi32>
      %squeeze3A_159 = vector.extract %slice3A_158[0] : i32 from vector<1xi32>
      %add3A_160 = arith.addi %scan3A_126, %squeeze3A_159 : i32
      scf.yield %add3A_160 : i32
    }
    %scan3A_48 = arith.constant 32 : i32
    %jit3A_49 = arith.constant 64 : i32
    %div3A_50 = arith.divsi %scan3A_47, %jit3A_49 : i32
    %sign3A_51 = arith.constant 0 : i32
    %sign3A_52 = arith.cmpi sgt, %scan3A_47, %sign3A_51 : i32
    %sign3A_53 = arith.extui %sign3A_52 : i1 to i32
    %sign3A_54 = arith.constant 0 : i32
    %sign3A_55 = arith.cmpi slt, %scan3A_47, %sign3A_54 : i32
    %sign3A_56 = arith.extui %sign3A_55 : i1 to i32
    %sign3A_57 = arith.subi %sign3A_53, %sign3A_56 : i32
    %sign3A_58 = arith.constant 0 : i32
    %sign3A_59 = arith.cmpi sgt, %jit3A_49, %sign3A_58 : i32
    %sign3A_60 = arith.extui %sign3A_59 : i1 to i32
    %sign3A_61 = arith.constant 0 : i32
    %sign3A_62 = arith.cmpi slt, %jit3A_49, %sign3A_61 : i32
    %sign3A_63 = arith.extui %sign3A_62 : i1 to i32
    %sign3A_64 = arith.subi %sign3A_60, %sign3A_63 : i32
    %ne3A_65 = arith.cmpi ne, %sign3A_57, %sign3A_64 : i32
    %rem3A_66 = arith.remsi %scan3A_47, %jit3A_49 : i32
    %ne3A_67 = arith.constant 0 : i32
    %ne3A_68 = arith.cmpi ne, %rem3A_66, %ne3A_67 : i32
    %and3A_69 = arith.andi %ne3A_65, %ne3A_68 : i1
    %sub3A_70 = arith.constant 1 : i32
    %sub3A_71 = arith.subi %div3A_50, %sub3A_70 : i32
    %select_n3A_72 = arith.select %and3A_69, %sub3A_71, %div3A_50 : i32
    %while3A = arith.constant 0 : i32
    %while3A_73 = arith.constant 0 : i32
    %while3A_74 = arith.subi %select_n3A_72, %while3A : i32
    %while3A_75 = arith.addi %while3A, %while3A_74 : i32
    %while3A_76 = arith.constant 1 : i32
    %while3A_77 = arith.divsi %while3A_74, %while3A_76 : i32
    %while3A_78 = arith.muli %while3A_77, %while3A_76 : i32
    %while3A_79 = arith.addi %while3A, %while3A_78 : i32
    %while3A_80 = arith.constant 1 : i32
    %while3A_81 = scf.for %while3A_125 = %while3A to %while3A_79 step %while3A_80 iter_args(%while3A_126 = %while3A_73) -> (i32)  : i32 {
      %mul3A_127 = arith.constant 64 : i32
      %mul3A_128 = arith.muli %while3A_125, %mul3A_127 : i32
      %dma_start3A = tpu.memref_slice %arg10[%mul3A_128] : memref<512xi32, #tpu.memory_space<vmem>> -> memref<64xi32, #tpu.memory_space<vmem>>
      %dma_start3A_129 = arith.constant 0 : i32
      %dma_start3A_130 = arith.constant 0 : i32
      %dma_start3A_131 = tpu.memref_slice %arg4[%dma_start3A_129, %dma_start3A_130] : memref<8192x768xf32, #tpu.memory_space<hbm>> -> memref<8192x768xf32, #tpu.memory_space<hbm>>
      tpu.enqueue_indirect_dma source(%dma_start3A_131 : memref<8192x768xf32, #tpu.memory_space<hbm>>) target(%arg12 : memref<64x768xf32, #tpu.memory_space<vmem>>) offsets(%dma_start3A : memref<64xi32, #tpu.memory_space<vmem>>) semaphore(%arg14 : memref<!tpu.dma_semaphore, #tpu.memory_space<semaphore_mem>>)
      %dma_wait3A = tpu.memref_slice %arg10[%mul3A_128] : memref<512xi32, #tpu.memory_space<vmem>> -> memref<64xi32, #tpu.memory_space<vmem>>
      %dma_wait3A_132 = arith.constant 0 : i32
      %dma_wait3A_133 = arith.constant 0 : i32
      %dma_wait3A_134 = tpu.memref_slice %arg4[%dma_wait3A_132, %dma_wait3A_133] : memref<8192x768xf32, #tpu.memory_space<hbm>> -> memref<8192x768xf32, #tpu.memory_space<hbm>>
      tpu.wait_indirect_dma semaphore(%arg14 : memref<!tpu.dma_semaphore, #tpu.memory_space<semaphore_mem>>) src(%dma_wait3A_134 : memref<8192x768xf32, #tpu.memory_space<hbm>>) dst(%arg12 : memref<64x768xf32, #tpu.memory_space<vmem>>)
      %mul3A_135 = arith.constant 64 : i32
      %mul3A_136 = arith.muli %while3A_125, %mul3A_135 : i32
      %add3A_137 = arith.addi %squeeze3A, %mul3A_136 : i32
      %multiple_of3A = tpu.assume_multiple %add3A_137, 8 : i32
      "tpu.region"() ({
        %run_scoped3A = tpu.sem_alloc : memref<!tpu.dma_semaphore, #tpu.memory_space<semaphore_mem>>
        %dma_start3A_141 = arith.constant 0 : i32
        %dma_start3A_142 = tpu.memref_slice %arg6[%multiple_of3A, %dma_start3A_141] : memref<16384x768xf32, #tpu.memory_space<hbm>> -> memref<64x768xf32, #tpu.memory_space<hbm>>
        %dma_start3A_143 = arith.constant 0 : i32
        %dma_start3A_144 = tpu.memref_slice %arg6[%multiple_of3A, %dma_start3A_143] : memref<16384x768xf32, #tpu.memory_space<hbm>> -> memref<64x768xf32, #tpu.memory_space<hbm>>
        tpu.enqueue_dma source(%arg12 : memref<64x768xf32, #tpu.memory_space<vmem>>) target(%dma_start3A_144 : memref<64x768xf32, #tpu.memory_space<hbm>>) target_semaphore(%run_scoped3A : memref<!tpu.dma_semaphore, #tpu.memory_space<semaphore_mem>>)
        %dma_wait3A_145 = arith.constant 0 : i32
        %dma_wait3A_146 = tpu.memref_slice %arg6[%multiple_of3A, %dma_wait3A_145] : memref<16384x768xf32, #tpu.memory_space<hbm>> -> memref<64x768xf32, #tpu.memory_space<hbm>>
        %dma_wait3A_147 = arith.constant 0 : i32
        %dma_wait3A_148 = tpu.memref_slice %arg6[%multiple_of3A, %dma_wait3A_147] : memref<16384x768xf32, #tpu.memory_space<hbm>> -> memref<64x768xf32, #tpu.memory_space<hbm>>
        tpu.wait_dma2 semaphore(%run_scoped3A : memref<!tpu.dma_semaphore, #tpu.memory_space<semaphore_mem>>) src(%arg12 : memref<64x768xf32, #tpu.memory_space<vmem>>) dst(%dma_wait3A_148 : memref<64x768xf32, #tpu.memory_space<hbm>>)
        tpu.yield
      }) : () -> ()
      %mul3A_138 = arith.constant 64 : i32
      %mul3A_139 = arith.muli %while3A_125, %mul3A_138 : i32
      "tpu.region"() ({
        %run_scoped3A = tpu.sem_alloc : memref<!tpu.dma_semaphore, #tpu.memory_space<semaphore_mem>>
        %dma_start3A_141 = tpu.memref_slice %arg11[%mul3A_139] : memref<512xf32, #tpu.memory_space<vmem>> -> memref<64xf32, #tpu.memory_space<vmem>>
        %dma_start3A_142 = tpu.memref_slice %arg7[%multiple_of3A] : memref<16384xf32, #tpu.memory_space<hbm>> -> memref<64xf32, #tpu.memory_space<hbm>>
        %dma_start3A_143 = tpu.memref_slice %arg7[%multiple_of3A] : memref<16384xf32, #tpu.memory_space<hbm>> -> memref<64xf32, #tpu.memory_space<hbm>>
        %dma_start3A_144 = tpu.memref_slice %arg11[%mul3A_139] : memref<512xf32, #tpu.memory_space<vmem>> -> memref<64xf32, #tpu.memory_space<vmem>>
        tpu.enqueue_dma source(%dma_start3A_144 : memref<64xf32, #tpu.memory_space<vmem>>) target(%dma_start3A_143 : memref<64xf32, #tpu.memory_space<hbm>>) target_semaphore(%run_scoped3A : memref<!tpu.dma_semaphore, #tpu.memory_space<semaphore_mem>>)
        %dma_wait3A_145 = tpu.memref_slice %arg11[%mul3A_139] : memref<512xf32, #tpu.memory_space<vmem>> -> memref<64xf32, #tpu.memory_space<vmem>>
        %dma_wait3A_146 = tpu.memref_slice %arg7[%multiple_of3A] : memref<16384xf32, #tpu.memory_space<hbm>> -> memref<64xf32, #tpu.memory_space<hbm>>
        %dma_wait3A_147 = tpu.memref_slice %arg7[%multiple_of3A] : memref<16384xf32, #tpu.memory_space<hbm>> -> memref<64xf32, #tpu.memory_space<hbm>>
        %dma_wait3A_148 = tpu.memref_slice %arg11[%mul3A_139] : memref<512xf32, #tpu.memory_space<vmem>> -> memref<64xf32, #tpu.memory_space<vmem>>
        tpu.wait_dma2 semaphore(%run_scoped3A : memref<!tpu.dma_semaphore, #tpu.memory_space<semaphore_mem>>) src(%dma_wait3A_148 : memref<64xf32, #tpu.memory_space<vmem>>) dst(%dma_wait3A_147 : memref<64xf32, #tpu.memory_space<hbm>>)
        tpu.yield
      }) : () -> ()
      %while3A_140 = arith.constant 0 : i32
      scf.yield %while3A_140 : i32
    }
    %while3A_82 = arith.constant 1 : i32
    %while3A_83 = scf.for %while3A_125 = %while3A_79 to %while3A_75 step %while3A_82 iter_args(%while3A_126 = %while3A_81) -> (i32)  : i32 {
      %mul3A_127 = arith.constant 64 : i32
      %mul3A_128 = arith.muli %while3A_125, %mul3A_127 : i32
      %dma_start3A = tpu.memref_slice %arg10[%mul3A_128] : memref<512xi32, #tpu.memory_space<vmem>> -> memref<64xi32, #tpu.memory_space<vmem>>
      %dma_start3A_129 = arith.constant 0 : i32
      %dma_start3A_130 = arith.constant 0 : i32
      %dma_start3A_131 = tpu.memref_slice %arg4[%dma_start3A_129, %dma_start3A_130] : memref<8192x768xf32, #tpu.memory_space<hbm>> -> memref<8192x768xf32, #tpu.memory_space<hbm>>
      tpu.enqueue_indirect_dma source(%dma_start3A_131 : memref<8192x768xf32, #tpu.memory_space<hbm>>) target(%arg12 : memref<64x768xf32, #tpu.memory_space<vmem>>) offsets(%dma_start3A : memref<64xi32, #tpu.memory_space<vmem>>) semaphore(%arg14 : memref<!tpu.dma_semaphore, #tpu.memory_space<semaphore_mem>>)
      %dma_wait3A = tpu.memref_slice %arg10[%mul3A_128] : memref<512xi32, #tpu.memory_space<vmem>> -> memref<64xi32, #tpu.memory_space<vmem>>
      %dma_wait3A_132 = arith.constant 0 : i32
      %dma_wait3A_133 = arith.constant 0 : i32
      %dma_wait3A_134 = tpu.memref_slice %arg4[%dma_wait3A_132, %dma_wait3A_133] : memref<8192x768xf32, #tpu.memory_space<hbm>> -> memref<8192x768xf32, #tpu.memory_space<hbm>>
      tpu.wait_indirect_dma semaphore(%arg14 : memref<!tpu.dma_semaphore, #tpu.memory_space<semaphore_mem>>) src(%dma_wait3A_134 : memref<8192x768xf32, #tpu.memory_space<hbm>>) dst(%arg12 : memref<64x768xf32, #tpu.memory_space<vmem>>)
      %mul3A_135 = arith.constant 64 : i32
      %mul3A_136 = arith.muli %while3A_125, %mul3A_135 : i32
      %add3A_137 = arith.addi %squeeze3A, %mul3A_136 : i32
      %multiple_of3A = tpu.assume_multiple %add3A_137, 8 : i32
      "tpu.region"() ({
        %run_scoped3A = tpu.sem_alloc : memref<!tpu.dma_semaphore, #tpu.memory_space<semaphore_mem>>
        %dma_start3A_141 = arith.constant 0 : i32
        %dma_start3A_142 = tpu.memref_slice %arg6[%multiple_of3A, %dma_start3A_141] : memref<16384x768xf32, #tpu.memory_space<hbm>> -> memref<64x768xf32, #tpu.memory_space<hbm>>
        %dma_start3A_143 = arith.constant 0 : i32
        %dma_start3A_144 = tpu.memref_slice %arg6[%multiple_of3A, %dma_start3A_143] : memref<16384x768xf32, #tpu.memory_space<hbm>> -> memref<64x768xf32, #tpu.memory_space<hbm>>
        tpu.enqueue_dma source(%arg12 : memref<64x768xf32, #tpu.memory_space<vmem>>) target(%dma_start3A_144 : memref<64x768xf32, #tpu.memory_space<hbm>>) target_semaphore(%run_scoped3A : memref<!tpu.dma_semaphore, #tpu.memory_space<semaphore_mem>>)
        %dma_wait3A_145 = arith.constant 0 : i32
        %dma_wait3A_146 = tpu.memref_slice %arg6[%multiple_of3A, %dma_wait3A_145] : memref<16384x768xf32, #tpu.memory_space<hbm>> -> memref<64x768xf32, #tpu.memory_space<hbm>>
        %dma_wait3A_147 = arith.constant 0 : i32
        %dma_wait3A_148 = tpu.memref_slice %arg6[%multiple_of3A, %dma_wait3A_147] : memref<16384x768xf32, #tpu.memory_space<hbm>> -> memref<64x768xf32, #tpu.memory_space<hbm>>
        tpu.wait_dma2 semaphore(%run_scoped3A : memref<!tpu.dma_semaphore, #tpu.memory_space<semaphore_mem>>) src(%arg12 : memref<64x768xf32, #tpu.memory_space<vmem>>) dst(%dma_wait3A_148 : memref<64x768xf32, #tpu.memory_space<hbm>>)
        tpu.yield
      }) : () -> ()
      %mul3A_138 = arith.constant 64 : i32
      %mul3A_139 = arith.muli %while3A_125, %mul3A_138 : i32
      "tpu.region"() ({
        %run_scoped3A = tpu.sem_alloc : memref<!tpu.dma_semaphore, #tpu.memory_space<semaphore_mem>>
        %dma_start3A_141 = tpu.memref_slice %arg11[%mul3A_139] : memref<512xf32, #tpu.memory_space<vmem>> -> memref<64xf32, #tpu.memory_space<vmem>>
        %dma_start3A_142 = tpu.memref_slice %arg7[%multiple_of3A] : memref<16384xf32, #tpu.memory_space<hbm>> -> memref<64xf32, #tpu.memory_space<hbm>>
        %dma_start3A_143 = tpu.memref_slice %arg7[%multiple_of3A] : memref<16384xf32, #tpu.memory_space<hbm>> -> memref<64xf32, #tpu.memory_space<hbm>>
        %dma_start3A_144 = tpu.memref_slice %arg11[%mul3A_139] : memref<512xf32, #tpu.memory_space<vmem>> -> memref<64xf32, #tpu.memory_space<vmem>>
        tpu.enqueue_dma source(%dma_start3A_144 : memref<64xf32, #tpu.memory_space<vmem>>) target(%dma_start3A_143 : memref<64xf32, #tpu.memory_space<hbm>>) target_semaphore(%run_scoped3A : memref<!tpu.dma_semaphore, #tpu.memory_space<semaphore_mem>>)
        %dma_wait3A_145 = tpu.memref_slice %arg11[%mul3A_139] : memref<512xf32, #tpu.memory_space<vmem>> -> memref<64xf32, #tpu.memory_space<vmem>>
        %dma_wait3A_146 = tpu.memref_slice %arg7[%multiple_of3A] : memref<16384xf32, #tpu.memory_space<hbm>> -> memref<64xf32, #tpu.memory_space<hbm>>
        %dma_wait3A_147 = tpu.memref_slice %arg7[%multiple_of3A] : memref<16384xf32, #tpu.memory_space<hbm>> -> memref<64xf32, #tpu.memory_space<hbm>>
        %dma_wait3A_148 = tpu.memref_slice %arg11[%mul3A_139] : memref<512xf32, #tpu.memory_space<vmem>> -> memref<64xf32, #tpu.memory_space<vmem>>
        tpu.wait_dma2 semaphore(%run_scoped3A : memref<!tpu.dma_semaphore, #tpu.memory_space<semaphore_mem>>) src(%dma_wait3A_148 : memref<64xf32, #tpu.memory_space<vmem>>) dst(%dma_wait3A_147 : memref<64xf32, #tpu.memory_space<hbm>>)
        tpu.yield
      }) : () -> ()
      %while3A_140 = arith.constant 0 : i32
      scf.yield %while3A_140 : i32
    }
    %mul3A_84 = arith.constant 64 : i32
    %mul3A_85 = arith.muli %select_n3A_72, %mul3A_84 : i32
    %sub3A_86 = arith.subi %scan3A_47, %mul3A_85 : i32
    %add3A_87 = arith.constant 7 : i32
    %add3A_88 = arith.addi %sub3A_86, %add3A_87 : i32
    %jit3A_89 = arith.constant 8 : i32
    %div3A_90 = arith.divsi %add3A_88, %jit3A_89 : i32
    %sign3A_91 = arith.constant 0 : i32
    %sign3A_92 = arith.cmpi sgt, %add3A_88, %sign3A_91 : i32
    %sign3A_93 = arith.extui %sign3A_92 : i1 to i32
    %sign3A_94 = arith.constant 0 : i32
    %sign3A_95 = arith.cmpi slt, %add3A_88, %sign3A_94 : i32
    %sign3A_96 = arith.extui %sign3A_95 : i1 to i32
    %sign3A_97 = arith.subi %sign3A_93, %sign3A_96 : i32
    %sign3A_98 = arith.constant 0 : i32
    %sign3A_99 = arith.cmpi sgt, %jit3A_89, %sign3A_98 : i32
    %sign3A_100 = arith.extui %sign3A_99 : i1 to i32
    %sign3A_101 = arith.constant 0 : i32
    %sign3A_102 = arith.cmpi slt, %jit3A_89, %sign3A_101 : i32
    %sign3A_103 = arith.extui %sign3A_102 : i1 to i32
    %sign3A_104 = arith.subi %sign3A_100, %sign3A_103 : i32
    %ne3A_105 = arith.cmpi ne, %sign3A_97, %sign3A_104 : i32
    %rem3A_106 = arith.remsi %add3A_88, %jit3A_89 : i32
    %ne3A_107 = arith.constant 0 : i32
    %ne3A_108 = arith.cmpi ne, %rem3A_106, %ne3A_107 : i32
    %and3A_109 = arith.andi %ne3A_105, %ne3A_108 : i1
    %sub3A_110 = arith.constant 1 : i32
    %sub3A_111 = arith.subi %div3A_90, %sub3A_110 : i32
    %select_n3A_112 = arith.select %and3A_109, %sub3A_111, %div3A_90 : i32
    %while3A_113 = arith.constant 0 : i32
    %while3A_114 = arith.constant 0 : i32
    %while3A_115 = arith.subi %select_n3A_112, %while3A_113 : i32
    %while3A_116 = arith.addi %while3A_113, %while3A_115 : i32
    %while3A_117 = arith.constant 1 : i32
    %while3A_118 = arith.divsi %while3A_115, %while3A_117 : i32
    %while3A_119 = arith.muli %while3A_118, %while3A_117 : i32
    %while3A_120 = arith.addi %while3A_113, %while3A_119 : i32
    %while3A_121 = arith.constant 1 : i32
    %while3A_122 = scf.for %while3A_125 = %while3A_113 to %while3A_120 step %while3A_121 iter_args(%while3A_126 = %while3A_114) -> (i32)  : i32 {
      %mul3A_127 = arith.constant 64 : i32
      %mul3A_128 = arith.muli %select_n3A_72, %mul3A_127 : i32
      %mul3A_129 = arith.constant 8 : i32
      %mul3A_130 = arith.muli %while3A_125, %mul3A_129 : i32
      %add3A_131 = arith.addi %mul3A_128, %mul3A_130 : i32
      %multiple_of3A = tpu.assume_multiple %add3A_131, 8 : i32
      %dma_start3A = arith.constant 0 : i32
      %dma_start3A_132 = arith.constant 0 : i32
      %dma_start3A_133 = tpu.memref_slice %arg12[%dma_start3A, %dma_start3A_132] : memref<64x768xf32, #tpu.memory_space<vmem>> -> memref<8x768xf32, #tpu.memory_space<vmem>>
      %dma_start3A_134 = tpu.memref_slice %arg10[%multiple_of3A] : memref<512xi32, #tpu.memory_space<vmem>> -> memref<8xi32, #tpu.memory_space<vmem>>
      %dma_start3A_135 = arith.constant 0 : i32
      %dma_start3A_136 = arith.constant 0 : i32
      %dma_start3A_137 = tpu.memref_slice %arg4[%dma_start3A_135, %dma_start3A_136] : memref<8192x768xf32, #tpu.memory_space<hbm>> -> memref<8192x768xf32, #tpu.memory_space<hbm>>
      tpu.enqueue_indirect_dma source(%dma_start3A_137 : memref<8192x768xf32, #tpu.memory_space<hbm>>) target(%dma_start3A_133 : memref<8x768xf32, #tpu.memory_space<vmem>>) offsets(%dma_start3A_134 : memref<8xi32, #tpu.memory_space<vmem>>) semaphore(%arg14 : memref<!tpu.dma_semaphore, #tpu.memory_space<semaphore_mem>>)
      %dma_wait3A = arith.constant 0 : i32
      %dma_wait3A_138 = arith.constant 0 : i32
      %dma_wait3A_139 = tpu.memref_slice %arg12[%dma_wait3A, %dma_wait3A_138] : memref<64x768xf32, #tpu.memory_space<vmem>> -> memref<8x768xf32, #tpu.memory_space<vmem>>
      %dma_wait3A_140 = tpu.memref_slice %arg10[%multiple_of3A] : memref<512xi32, #tpu.memory_space<vmem>> -> memref<8xi32, #tpu.memory_space<vmem>>
      %dma_wait3A_141 = arith.constant 0 : i32
      %dma_wait3A_142 = arith.constant 0 : i32
      %dma_wait3A_143 = tpu.memref_slice %arg4[%dma_wait3A_141, %dma_wait3A_142] : memref<8192x768xf32, #tpu.memory_space<hbm>> -> memref<8192x768xf32, #tpu.memory_space<hbm>>
      tpu.wait_indirect_dma semaphore(%arg14 : memref<!tpu.dma_semaphore, #tpu.memory_space<semaphore_mem>>) src(%dma_wait3A_143 : memref<8192x768xf32, #tpu.memory_space<hbm>>) dst(%dma_wait3A_139 : memref<8x768xf32, #tpu.memory_space<vmem>>)
      %add3A_144 = arith.addi %squeeze3A, %multiple_of3A : i32
      %multiple_of3A_145 = tpu.assume_multiple %add3A_144, 8 : i32
      "tpu.region"() ({
        %run_scoped3A = tpu.sem_alloc : memref<!tpu.dma_semaphore, #tpu.memory_space<semaphore_mem>>
        %dma_start3A_147 = arith.constant 0 : i32
        %dma_start3A_148 = arith.constant 0 : i32
        %dma_start3A_149 = tpu.memref_slice %arg12[%dma_start3A_147, %dma_start3A_148] : memref<64x768xf32, #tpu.memory_space<vmem>> -> memref<8x768xf32, #tpu.memory_space<vmem>>
        %dma_start3A_150 = arith.constant 0 : i32
        %dma_start3A_151 = tpu.memref_slice %arg6[%multiple_of3A_145, %dma_start3A_150] : memref<16384x768xf32, #tpu.memory_space<hbm>> -> memref<8x768xf32, #tpu.memory_space<hbm>>
        %dma_start3A_152 = arith.constant 0 : i32
        %dma_start3A_153 = tpu.memref_slice %arg6[%multiple_of3A_145, %dma_start3A_152] : memref<16384x768xf32, #tpu.memory_space<hbm>> -> memref<8x768xf32, #tpu.memory_space<hbm>>
        %dma_start3A_154 = arith.constant 0 : i32
        %dma_start3A_155 = arith.constant 0 : i32
        %dma_start3A_156 = tpu.memref_slice %arg12[%dma_start3A_154, %dma_start3A_155] : memref<64x768xf32, #tpu.memory_space<vmem>> -> memref<8x768xf32, #tpu.memory_space<vmem>>
        tpu.enqueue_dma source(%dma_start3A_156 : memref<8x768xf32, #tpu.memory_space<vmem>>) target(%dma_start3A_153 : memref<8x768xf32, #tpu.memory_space<hbm>>) target_semaphore(%run_scoped3A : memref<!tpu.dma_semaphore, #tpu.memory_space<semaphore_mem>>)
        %dma_wait3A_157 = arith.constant 0 : i32
        %dma_wait3A_158 = arith.constant 0 : i32
        %dma_wait3A_159 = tpu.memref_slice %arg12[%dma_wait3A_157, %dma_wait3A_158] : memref<64x768xf32, #tpu.memory_space<vmem>> -> memref<8x768xf32, #tpu.memory_space<vmem>>
        %dma_wait3A_160 = arith.constant 0 : i32
        %dma_wait3A_161 = tpu.memref_slice %arg6[%multiple_of3A_145, %dma_wait3A_160] : memref<16384x768xf32, #tpu.memory_space<hbm>> -> memref<8x768xf32, #tpu.memory_space<hbm>>
        %dma_wait3A_162 = arith.constant 0 : i32
        %dma_wait3A_163 = tpu.memref_slice %arg6[%multiple_of3A_145, %dma_wait3A_162] : memref<16384x768xf32, #tpu.memory_space<hbm>> -> memref<8x768xf32, #tpu.memory_space<hbm>>
        %dma_wait3A_164 = arith.constant 0 : i32
        %dma_wait3A_165 = arith.constant 0 : i32
        %dma_wait3A_166 = tpu.memref_slice %arg12[%dma_wait3A_164, %dma_wait3A_165] : memref<64x768xf32, #tpu.memory_space<vmem>> -> memref<8x768xf32, #tpu.memory_space<vmem>>
        tpu.wait_dma2 semaphore(%run_scoped3A : memref<!tpu.dma_semaphore, #tpu.memory_space<semaphore_mem>>) src(%dma_wait3A_166 : memref<8x768xf32, #tpu.memory_space<vmem>>) dst(%dma_wait3A_163 : memref<8x768xf32, #tpu.memory_space<hbm>>)
        tpu.yield
      }) : () -> ()
      "tpu.region"() ({
        %run_scoped3A = tpu.sem_alloc : memref<!tpu.dma_semaphore, #tpu.memory_space<semaphore_mem>>
        %dma_start3A_147 = tpu.memref_slice %arg11[%multiple_of3A] : memref<512xf32, #tpu.memory_space<vmem>> -> memref<8xf32, #tpu.memory_space<vmem>>
        %dma_start3A_148 = tpu.memref_slice %arg7[%multiple_of3A_145] : memref<16384xf32, #tpu.memory_space<hbm>> -> memref<8xf32, #tpu.memory_space<hbm>>
        %dma_start3A_149 = tpu.memref_slice %arg7[%multiple_of3A_145] : memref<16384xf32, #tpu.memory_space<hbm>> -> memref<8xf32, #tpu.memory_space<hbm>>
        %dma_start3A_150 = tpu.memref_slice %arg11[%multiple_of3A] : memref<512xf32, #tpu.memory_space<vmem>> -> memref<8xf32, #tpu.memory_space<vmem>>
        tpu.enqueue_dma source(%dma_start3A_150 : memref<8xf32, #tpu.memory_space<vmem>>) target(%dma_start3A_149 : memref<8xf32, #tpu.memory_space<hbm>>) target_semaphore(%run_scoped3A : memref<!tpu.dma_semaphore, #tpu.memory_space<semaphore_mem>>)
        %dma_wait3A_151 = tpu.memref_slice %arg11[%multiple_of3A] : memref<512xf32, #tpu.memory_space<vmem>> -> memref<8xf32, #tpu.memory_space<vmem>>
        %dma_wait3A_152 = tpu.memref_slice %arg7[%multiple_of3A_145] : memref<16384xf32, #tpu.memory_space<hbm>> -> memref<8xf32, #tpu.memory_space<hbm>>
        %dma_wait3A_153 = tpu.memref_slice %arg7[%multiple_of3A_145] : memref<16384xf32, #tpu.memory_space<hbm>> -> memref<8xf32, #tpu.memory_space<hbm>>
        %dma_wait3A_154 = tpu.memref_slice %arg11[%multiple_of3A] : memref<512xf32, #tpu.memory_space<vmem>> -> memref<8xf32, #tpu.memory_space<vmem>>
        tpu.wait_dma2 semaphore(%run_scoped3A : memref<!tpu.dma_semaphore, #tpu.memory_space<semaphore_mem>>) src(%dma_wait3A_154 : memref<8xf32, #tpu.memory_space<vmem>>) dst(%dma_wait3A_153 : memref<8xf32, #tpu.memory_space<hbm>>)
        tpu.yield
      }) : () -> ()
      %while3A_146 = arith.constant 0 : i32
      scf.yield %while3A_146 : i32
    }
    %while3A_123 = arith.constant 1 : i32
    %while3A_124 = scf.for %while3A_125 = %while3A_120 to %while3A_116 step %while3A_123 iter_args(%while3A_126 = %while3A_122) -> (i32)  : i32 {
      %mul3A_127 = arith.constant 64 : i32
      %mul3A_128 = arith.muli %select_n3A_72, %mul3A_127 : i32
      %mul3A_129 = arith.constant 8 : i32
      %mul3A_130 = arith.muli %while3A_125, %mul3A_129 : i32
      %add3A_131 = arith.addi %mul3A_128, %mul3A_130 : i32
      %multiple_of3A = tpu.assume_multiple %add3A_131, 8 : i32
      %dma_start3A = arith.constant 0 : i32
      %dma_start3A_132 = arith.constant 0 : i32
      %dma_start3A_133 = tpu.memref_slice %arg12[%dma_start3A, %dma_start3A_132] : memref<64x768xf32, #tpu.memory_space<vmem>> -> memref<8x768xf32, #tpu.memory_space<vmem>>
      %dma_start3A_134 = tpu.memref_slice %arg10[%multiple_of3A] : memref<512xi32, #tpu.memory_space<vmem>> -> memref<8xi32, #tpu.memory_space<vmem>>
      %dma_start3A_135 = arith.constant 0 : i32
      %dma_start3A_136 = arith.constant 0 : i32
      %dma_start3A_137 = tpu.memref_slice %arg4[%dma_start3A_135, %dma_start3A_136] : memref<8192x768xf32, #tpu.memory_space<hbm>> -> memref<8192x768xf32, #tpu.memory_space<hbm>>
      tpu.enqueue_indirect_dma source(%dma_start3A_137 : memref<8192x768xf32, #tpu.memory_space<hbm>>) target(%dma_start3A_133 : memref<8x768xf32, #tpu.memory_space<vmem>>) offsets(%dma_start3A_134 : memref<8xi32, #tpu.memory_space<vmem>>) semaphore(%arg14 : memref<!tpu.dma_semaphore, #tpu.memory_space<semaphore_mem>>)
      %dma_wait3A = arith.constant 0 : i32
      %dma_wait3A_138 = arith.constant 0 : i32
      %dma_wait3A_139 = tpu.memref_slice %arg12[%dma_wait3A, %dma_wait3A_138] : memref<64x768xf32, #tpu.memory_space<vmem>> -> memref<8x768xf32, #tpu.memory_space<vmem>>
      %dma_wait3A_140 = tpu.memref_slice %arg10[%multiple_of3A] : memref<512xi32, #tpu.memory_space<vmem>> -> memref<8xi32, #tpu.memory_space<vmem>>
      %dma_wait3A_141 = arith.constant 0 : i32
      %dma_wait3A_142 = arith.constant 0 : i32
      %dma_wait3A_143 = tpu.memref_slice %arg4[%dma_wait3A_141, %dma_wait3A_142] : memref<8192x768xf32, #tpu.memory_space<hbm>> -> memref<8192x768xf32, #tpu.memory_space<hbm>>
      tpu.wait_indirect_dma semaphore(%arg14 : memref<!tpu.dma_semaphore, #tpu.memory_space<semaphore_mem>>) src(%dma_wait3A_143 : memref<8192x768xf32, #tpu.memory_space<hbm>>) dst(%dma_wait3A_139 : memref<8x768xf32, #tpu.memory_space<vmem>>)
      %add3A_144 = arith.addi %squeeze3A, %multiple_of3A : i32
      %multiple_of3A_145 = tpu.assume_multiple %add3A_144, 8 : i32
      "tpu.region"() ({
        %run_scoped3A = tpu.sem_alloc : memref<!tpu.dma_semaphore, #tpu.memory_space<semaphore_mem>>
        %dma_start3A_147 = arith.constant 0 : i32
        %dma_start3A_148 = arith.constant 0 : i32
        %dma_start3A_149 = tpu.memref_slice %arg12[%dma_start3A_147, %dma_start3A_148] : memref<64x768xf32, #tpu.memory_space<vmem>> -> memref<8x768xf32, #tpu.memory_space<vmem>>
        %dma_start3A_150 = arith.constant 0 : i32
        %dma_start3A_151 = tpu.memref_slice %arg6[%multiple_of3A_145, %dma_start3A_150] : memref<16384x768xf32, #tpu.memory_space<hbm>> -> memref<8x768xf32, #tpu.memory_space<hbm>>
        %dma_start3A_152 = arith.constant 0 : i32
        %dma_start3A_153 = tpu.memref_slice %arg6[%multiple_of3A_145, %dma_start3A_152] : memref<16384x768xf32, #tpu.memory_space<hbm>> -> memref<8x768xf32, #tpu.memory_space<hbm>>
        %dma_start3A_154 = arith.constant 0 : i32
        %dma_start3A_155 = arith.constant 0 : i32
        %dma_start3A_156 = tpu.memref_slice %arg12[%dma_start3A_154, %dma_start3A_155] : memref<64x768xf32, #tpu.memory_space<vmem>> -> memref<8x768xf32, #tpu.memory_space<vmem>>
        tpu.enqueue_dma source(%dma_start3A_156 : memref<8x768xf32, #tpu.memory_space<vmem>>) target(%dma_start3A_153 : memref<8x768xf32, #tpu.memory_space<hbm>>) target_semaphore(%run_scoped3A : memref<!tpu.dma_semaphore, #tpu.memory_space<semaphore_mem>>)
        %dma_wait3A_157 = arith.constant 0 : i32
        %dma_wait3A_158 = arith.constant 0 : i32
        %dma_wait3A_159 = tpu.memref_slice %arg12[%dma_wait3A_157, %dma_wait3A_158] : memref<64x768xf32, #tpu.memory_space<vmem>> -> memref<8x768xf32, #tpu.memory_space<vmem>>
        %dma_wait3A_160 = arith.constant 0 : i32
        %dma_wait3A_161 = tpu.memref_slice %arg6[%multiple_of3A_145, %dma_wait3A_160] : memref<16384x768xf32, #tpu.memory_space<hbm>> -> memref<8x768xf32, #tpu.memory_space<hbm>>
        %dma_wait3A_162 = arith.constant 0 : i32
        %dma_wait3A_163 = tpu.memref_slice %arg6[%multiple_of3A_145, %dma_wait3A_162] : memref<16384x768xf32, #tpu.memory_space<hbm>> -> memref<8x768xf32, #tpu.memory_space<hbm>>
        %dma_wait3A_164 = arith.constant 0 : i32
        %dma_wait3A_165 = arith.constant 0 : i32
        %dma_wait3A_166 = tpu.memref_slice %arg12[%dma_wait3A_164, %dma_wait3A_165] : memref<64x768xf32, #tpu.memory_space<vmem>> -> memref<8x768xf32, #tpu.memory_space<vmem>>
        tpu.wait_dma2 semaphore(%run_scoped3A : memref<!tpu.dma_semaphore, #tpu.memory_space<semaphore_mem>>) src(%dma_wait3A_166 : memref<8x768xf32, #tpu.memory_space<vmem>>) dst(%dma_wait3A_163 : memref<8x768xf32, #tpu.memory_space<hbm>>)
        tpu.yield
      }) : () -> ()
      "tpu.region"() ({
        %run_scoped3A = tpu.sem_alloc : memref<!tpu.dma_semaphore, #tpu.memory_space<semaphore_mem>>
        %dma_start3A_147 = tpu.memref_slice %arg11[%multiple_of3A] : memref<512xf32, #tpu.memory_space<vmem>> -> memref<8xf32, #tpu.memory_space<vmem>>
        %dma_start3A_148 = tpu.memref_slice %arg7[%multiple_of3A_145] : memref<16384xf32, #tpu.memory_space<hbm>> -> memref<8xf32, #tpu.memory_space<hbm>>
        %dma_start3A_149 = tpu.memref_slice %arg7[%multiple_of3A_145] : memref<16384xf32, #tpu.memory_space<hbm>> -> memref<8xf32, #tpu.memory_space<hbm>>
        %dma_start3A_150 = tpu.memref_slice %arg11[%multiple_of3A] : memref<512xf32, #tpu.memory_space<vmem>> -> memref<8xf32, #tpu.memory_space<vmem>>
        tpu.enqueue_dma source(%dma_start3A_150 : memref<8xf32, #tpu.memory_space<vmem>>) target(%dma_start3A_149 : memref<8xf32, #tpu.memory_space<hbm>>) target_semaphore(%run_scoped3A : memref<!tpu.dma_semaphore, #tpu.memory_space<semaphore_mem>>)
        %dma_wait3A_151 = tpu.memref_slice %arg11[%multiple_of3A] : memref<512xf32, #tpu.memory_space<vmem>> -> memref<8xf32, #tpu.memory_space<vmem>>
        %dma_wait3A_152 = tpu.memref_slice %arg7[%multiple_of3A_145] : memref<16384xf32, #tpu.memory_space<hbm>> -> memref<8xf32, #tpu.memory_space<hbm>>
        %dma_wait3A_153 = tpu.memref_slice %arg7[%multiple_of3A_145] : memref<16384xf32, #tpu.memory_space<hbm>> -> memref<8xf32, #tpu.memory_space<hbm>>
        %dma_wait3A_154 = tpu.memref_slice %arg11[%multiple_of3A] : memref<512xf32, #tpu.memory_space<vmem>> -> memref<8xf32, #tpu.memory_space<vmem>>
        tpu.wait_dma2 semaphore(%run_scoped3A : memref<!tpu.dma_semaphore, #tpu.memory_space<semaphore_mem>>) src(%dma_wait3A_154 : memref<8xf32, #tpu.memory_space<vmem>>) dst(%dma_wait3A_153 : memref<8xf32, #tpu.memory_space<hbm>>)
        tpu.yield
      }) : () -> ()
      %while3A_146 = arith.constant 0 : i32
      scf.yield %while3A_146 : i32
    }
    return
  }
}

#map = affine_map<(d0, d1) -> (0, 0)>
#map1 = affine_map<(d0, d1) -> (0)>
module attributes {stable_mosaic.version = 14 : i64} {
  func.func @sc_gather(%arg0: i32, %arg1: i32, %arg2: memref<8x8192xf32, #tpu.memory_space<hbm>>, %arg3: memref<8x8192xf32, #tpu.memory_space<hbm>>, %arg4: memref<8192x768xf32, #tpu.memory_space<hbm>>, %arg5: memref<32x16xi32, #tpu.memory_space<hbm>>, %arg6: memref<16384x768xf32, #tpu.memory_space<hbm>>, %arg7: memref<16384xf32, #tpu.memory_space<hbm>>, %arg8: memref<512xf32, #tpu.memory_space<vmem>>, %arg9: memref<512xf32, #tpu.memory_space<vmem>>, %arg10: memref<512xi32, #tpu.memory_space<vmem>>, %arg11: memref<512xf32, #tpu.memory_space<vmem>>, %arg12: memref<64x768xf32, #tpu.memory_space<vmem>>, %arg13: memref<16xi32, #tpu.memory_space<vmem>>, %arg14: memref<!tpu.dma_semaphore, #tpu.memory_space<semaphore_mem>>) attributes {dimension_semantics = [#tpu.dimension_semantics<core_parallel>, #tpu.dimension_semantics<subcore_parallel>], iteration_bounds = array<i64: 2, 16>, scalar_prefetch = 0 : i64, scratch_operands = 7 : i64, tpu.core_type = #tpu.core_type<sc_vector_subcore>, window_params = [{transform_indices = #map}, {transform_indices = #map}, {transform_indices = #map}, {transform_indices = #map}, {transform_indices = #map}, {transform_indices = #map1}]} {
    %mul3A = arith.constant 2 : i32
    %mul3A_0 = arith.muli %arg1, %mul3A : i32
    %add3A = arith.addi %mul3A_0, %arg0 : i32
    %jit3A = arith.constant 16 : i32
    %div3A = arith.divsi %add3A, %jit3A : i32
    %sign3A = arith.constant 0 : i32
    %sign3A_1 = arith.cmpi sgt, %add3A, %sign3A : i32
    %sign3A_2 = arith.extui %sign3A_1 : i1 to i32
    %sign3A_3 = arith.constant 0 : i32
    %sign3A_4 = arith.cmpi slt, %add3A, %sign3A_3 : i32
    %sign3A_5 = arith.extui %sign3A_4 : i1 to i32
    %sign3A_6 = arith.subi %sign3A_2, %sign3A_5 : i32
    %sign3A_7 = arith.constant 0 : i32
    %sign3A_8 = arith.cmpi sgt, %jit3A, %sign3A_7 : i32
    %sign3A_9 = arith.extui %sign3A_8 : i1 to i32
    %sign3A_10 = arith.constant 0 : i32
    %sign3A_11 = arith.cmpi slt, %jit3A, %sign3A_10 : i32
    %sign3A_12 = arith.extui %sign3A_11 : i1 to i32
    %sign3A_13 = arith.subi %sign3A_9, %sign3A_12 : i32
    %ne3A = arith.cmpi ne, %sign3A_6, %sign3A_13 : i32
    %rem3A = arith.remsi %add3A, %jit3A : i32
    %ne3A_14 = arith.constant 0 : i32
    %ne3A_15 = arith.cmpi ne, %rem3A, %ne3A_14 : i32
    %and3A = arith.andi %ne3A, %ne3A_15 : i1
    %sub3A = arith.constant 1 : i32
    %sub3A_16 = arith.subi %div3A, %sub3A : i32
    %select_n3A = arith.select %and3A, %sub3A_16, %div3A : i32
    %add3A_17 = arith.constant 2 : i32
    %add3A_18 = arith.addi %add3A_17, %select_n3A : i32
    %jit3A_19 = arith.constant 16 : i32
    %eq3A = arith.constant 0 : i32
    %eq3A_20 = arith.cmpi eq, %jit3A_19, %eq3A : i32
    %jit3A_21 = arith.constant 1 : i32
    %select_n3A_22 = arith.select %eq3A_20, %jit3A_21, %jit3A_19 : i32
    %rem3A_23 = arith.remsi %add3A, %select_n3A_22 : i32
    %ne3A_24 = arith.constant 0 : i32
    %ne3A_25 = arith.cmpi ne, %rem3A_23, %ne3A_24 : i32
    %lt3A = arith.constant 0 : i32
    %lt3A_26 = arith.cmpi slt, %rem3A_23, %lt3A : i32
    %lt3A_27 = arith.constant 0 : i32
    %lt3A_28 = arith.cmpi slt, %select_n3A_22, %lt3A_27 : i32
    %ne3A_29 = arith.xori %lt3A_26, %lt3A_28 : i1
    %and3A_30 = arith.andi %ne3A_29, %ne3A_25 : i1
    %add3A_31 = arith.addi %rem3A_23, %select_n3A_22 : i32
    %select_n3A_32 = arith.select %and3A_30, %add3A_31, %rem3A_23 : i32
    %mul3A_33 = arith.constant 512 : i32
    %mul3A_34 = arith.muli %select_n3A_32, %mul3A_33 : i32
    "tpu.region"() ({
      %run_scoped3A = tpu.sem_alloc : memref<!tpu.dma_semaphore, #tpu.memory_space<semaphore_mem>>
      %dma_start3A = arith.constant 0 : i32
      %dma_start3A_125 = tpu.memref_slice %arg5[%add3A, %dma_start3A] : memref<32x16xi32, #tpu.memory_space<hbm>> -> memref<1x16xi32, #tpu.memory_space<hbm>>
      %dma_start3A_126 = tpu.memref_squeeze %dma_start3A_125 : memref<1x16xi32, #tpu.memory_space<hbm>> -> memref<16xi32, #tpu.memory_space<hbm>>
      %dma_start3A_127 = arith.constant 0 : i32
      %dma_start3A_128 = tpu.memref_slice %arg5[%add3A, %dma_start3A_127] : memref<32x16xi32, #tpu.memory_space<hbm>> -> memref<1x16xi32, #tpu.memory_space<hbm>>
      %dma_start3A_129 = tpu.memref_squeeze %dma_start3A_128 : memref<1x16xi32, #tpu.memory_space<hbm>> -> memref<16xi32, #tpu.memory_space<hbm>>
      tpu.enqueue_dma source(%dma_start3A_129 : memref<16xi32, #tpu.memory_space<hbm>>) target(%arg13 : memref<16xi32, #tpu.memory_space<vmem>>) target_semaphore(%run_scoped3A : memref<!tpu.dma_semaphore, #tpu.memory_space<semaphore_mem>>)
      %dma_wait3A = arith.constant 0 : i32
      %dma_wait3A_130 = tpu.memref_slice %arg5[%add3A, %dma_wait3A] : memref<32x16xi32, #tpu.memory_space<hbm>> -> memref<1x16xi32, #tpu.memory_space<hbm>>
      %dma_wait3A_131 = tpu.memref_squeeze %dma_wait3A_130 : memref<1x16xi32, #tpu.memory_space<hbm>> -> memref<16xi32, #tpu.memory_space<hbm>>
      %dma_wait3A_132 = arith.constant 0 : i32
      %dma_wait3A_133 = tpu.memref_slice %arg5[%add3A, %dma_wait3A_132] : memref<32x16xi32, #tpu.memory_space<hbm>> -> memref<1x16xi32, #tpu.memory_space<hbm>>
      %dma_wait3A_134 = tpu.memref_squeeze %dma_wait3A_133 : memref<1x16xi32, #tpu.memory_space<hbm>> -> memref<16xi32, #tpu.memory_space<hbm>>
      tpu.wait_dma2 semaphore(%run_scoped3A : memref<!tpu.dma_semaphore, #tpu.memory_space<semaphore_mem>>) src(%dma_wait3A_134 : memref<16xi32, #tpu.memory_space<hbm>>) dst(%arg13 : memref<16xi32, #tpu.memory_space<vmem>>)
      tpu.yield
    }) : () -> ()
    %iota3A = tpu.iota {dimensions = array<i32: 0>} : vector<16xi32>
    %get3A = arith.constant 0 : index
    %get3A_35 = tpu.vector_load %arg13[%get3A] {strides = array<i32>} : memref<16xi32, #tpu.memory_space<vmem>>, vector<16xi32>,
    %slice3A = vector.extract_strided_slice %get3A_35 {offsets = [0], sizes = [1], strides = [1]} : vector<16xi32> to vector<1xi32>
    %squeeze3A = vector.extract %slice3A[0] : i32 from vector<1xi32>
    "tpu.region"() ({
      %run_scoped3A = tpu.sem_alloc : memref<!tpu.dma_semaphore, #tpu.memory_space<semaphore_mem>>
      %dma_start3A = tpu.memref_slice %arg2[%add3A_18, %mul3A_34] : memref<8x8192xf32, #tpu.memory_space<hbm>> -> memref<1x512xf32, #tpu.memory_space<hbm>>
      %dma_start3A_125 = tpu.memref_squeeze %dma_start3A : memref<1x512xf32, #tpu.memory_space<hbm>> -> memref<512xf32, #tpu.memory_space<hbm>>
      %dma_start3A_126 = tpu.memref_slice %arg2[%add3A_18, %mul3A_34] : memref<8x8192xf32, #tpu.memory_space<hbm>> -> memref<1x512xf32, #tpu.memory_space<hbm>>
      %dma_start3A_127 = tpu.memref_squeeze %dma_start3A_126 : memref<1x512xf32, #tpu.memory_space<hbm>> -> memref<512xf32, #tpu.memory_space<hbm>>
      tpu.enqueue_dma source(%dma_start3A_127 : memref<512xf32, #tpu.memory_space<hbm>>) target(%arg8 : memref<512xf32, #tpu.memory_space<vmem>>) target_semaphore(%run_scoped3A : memref<!tpu.dma_semaphore, #tpu.memory_space<semaphore_mem>>)
      %dma_wait3A = tpu.memref_slice %arg2[%add3A_18, %mul3A_34] : memref<8x8192xf32, #tpu.memory_space<hbm>> -> memref<1x512xf32, #tpu.memory_space<hbm>>
      %dma_wait3A_128 = tpu.memref_squeeze %dma_wait3A : memref<1x512xf32, #tpu.memory_space<hbm>> -> memref<512xf32, #tpu.memory_space<hbm>>
      %dma_wait3A_129 = tpu.memref_slice %arg2[%add3A_18, %mul3A_34] : memref<8x8192xf32, #tpu.memory_space<hbm>> -> memref<1x512xf32, #tpu.memory_space<hbm>>
      %dma_wait3A_130 = tpu.memref_squeeze %dma_wait3A_129 : memref<1x512xf32, #tpu.memory_space<hbm>> -> memref<512xf32, #tpu.memory_space<hbm>>
      tpu.wait_dma2 semaphore(%run_scoped3A : memref<!tpu.dma_semaphore, #tpu.memory_space<semaphore_mem>>) src(%dma_wait3A_130 : memref<512xf32, #tpu.memory_space<hbm>>) dst(%arg8 : memref<512xf32, #tpu.memory_space<vmem>>)
      tpu.yield
    }) : () -> ()
    "tpu.region"() ({
      %run_scoped3A = tpu.sem_alloc : memref<!tpu.dma_semaphore, #tpu.memory_space<semaphore_mem>>
      %dma_start3A = tpu.memref_slice %arg3[%add3A_18, %mul3A_34] : memref<8x8192xf32, #tpu.memory_space<hbm>> -> memref<1x512xf32, #tpu.memory_space<hbm>>
      %dma_start3A_125 = tpu.memref_squeeze %dma_start3A : memref<1x512xf32, #tpu.memory_space<hbm>> -> memref<512xf32, #tpu.memory_space<hbm>>
      %dma_start3A_126 = tpu.memref_slice %arg3[%add3A_18, %mul3A_34] : memref<8x8192xf32, #tpu.memory_space<hbm>> -> memref<1x512xf32, #tpu.memory_space<hbm>>
      %dma_start3A_127 = tpu.memref_squeeze %dma_start3A_126 : memref<1x512xf32, #tpu.memory_space<hbm>> -> memref<512xf32, #tpu.memory_space<hbm>>
      tpu.enqueue_dma source(%dma_start3A_127 : memref<512xf32, #tpu.memory_space<hbm>>) target(%arg9 : memref<512xf32, #tpu.memory_space<vmem>>) target_semaphore(%run_scoped3A : memref<!tpu.dma_semaphore, #tpu.memory_space<semaphore_mem>>)
      %dma_wait3A = tpu.memref_slice %arg3[%add3A_18, %mul3A_34] : memref<8x8192xf32, #tpu.memory_space<hbm>> -> memref<1x512xf32, #tpu.memory_space<hbm>>
      %dma_wait3A_128 = tpu.memref_squeeze %dma_wait3A : memref<1x512xf32, #tpu.memory_space<hbm>> -> memref<512xf32, #tpu.memory_space<hbm>>
      %dma_wait3A_129 = tpu.memref_slice %arg3[%add3A_18, %mul3A_34] : memref<8x8192xf32, #tpu.memory_space<hbm>> -> memref<1x512xf32, #tpu.memory_space<hbm>>
      %dma_wait3A_130 = tpu.memref_squeeze %dma_wait3A_129 : memref<1x512xf32, #tpu.memory_space<hbm>> -> memref<512xf32, #tpu.memory_space<hbm>>
      tpu.wait_dma2 semaphore(%run_scoped3A : memref<!tpu.dma_semaphore, #tpu.memory_space<semaphore_mem>>) src(%dma_wait3A_130 : memref<512xf32, #tpu.memory_space<hbm>>) dst(%arg9 : memref<512xf32, #tpu.memory_space<vmem>>)
      tpu.yield
    }) : () -> ()
    %scan3A = arith.constant 0 : i32
    %scan3A_36 = arith.constant 0 : i32
    %scan3A_37 = arith.constant 32 : i32
    %scan3A_38 = arith.addi %scan3A_36, %scan3A_37 : i32
    %scan3A_39 = arith.constant 1 : i32
    %scan3A_40 = scf.for %scan3A_125 = %scan3A_36 to %scan3A_38 step %scan3A_39 iter_args(%scan3A_126 = %scan3A) -> (i32)  : i32 {
      %broadcast_in_dim3A = arith.constant 0 : i32
      %broadcast_in_dim3A_127 = vector.broadcast %broadcast_in_dim3A : i32 to vector<16xi32>
      %mul3A_128 = arith.constant 16 : i32
      %mul3A_129 = arith.muli %scan3A_125, %mul3A_128 : i32
      %swap3A = arith.index_cast %mul3A_129 : i32 to index
      %swap3A_130 = tpu.vector_load %arg10[%swap3A] {strides = array<i32>} : memref<512xi32, #tpu.memory_space<vmem>>, vector<16xi32>,
      tpu.vector_store %arg10[%swap3A], %broadcast_in_dim3A_127 {strides = array<i32>} : memref<512xi32, #tpu.memory_space<vmem>>, vector<16xi32>,
      %scan3A_131 = arith.constant 0 : i32
      scf.yield %scan3A_131 : i32
    }
    %scan3A_41 = arith.constant 32 : i32
    %scan3A_42 = arith.constant 0 : i32
    %scan3A_43 = arith.constant 0 : i32
    %scan3A_44 = arith.constant 32 : i32
    %scan3A_45 = arith.addi %scan3A_43, %scan3A_44 : i32
    %scan3A_46 = arith.constant 1 : i32
    %scan3A_47 = scf.for %scan3A_125 = %scan3A_43 to %scan3A_45 step %scan3A_46 iter_args(%scan3A_126 = %scan3A_42) -> (i32)  : i32 {
      %mul3A_127 = arith.constant 16 : i32
      %mul3A_128 = arith.muli %scan3A_125, %mul3A_127 : i32
      %get3A_129 = arith.index_cast %mul3A_128 : i32 to index
      %get3A_130 = tpu.vector_load %arg8[%get3A_129] {strides = array<i32>} : memref<512xf32, #tpu.memory_space<vmem>>, vector<16xf32>,
      %gt3A = arith.constant 0.000000e+00 : f32
      %gt3A_131 = vector.broadcast %gt3A : f32 to vector<16xf32>
      %gt3A_132 = arith.cmpf ogt, %get3A_130, %gt3A_131 : vector<16xf32>
      %mul3A_133 = arith.constant 16 : i32
      %mul3A_134 = arith.muli %scan3A_125, %mul3A_133 : i32
      %add3A_135 = arith.addi %mul3A_34, %mul3A_134 : i32
      %add3A_136 = vector.broadcast %add3A_135 : i32 to vector<16xi32>
      %add3A_137 = arith.addi %iota3A, %add3A_136 : vector<16xi32>
      %masked_sort3A = arith.constant -2147483648 : i32
      %masked_sort3A_138 = vector.broadcast %masked_sort3A : i32 to vector<16xi32>
      %masked_sort3A_139 = arith.xori %iota3A, %masked_sort3A_138 : vector<16xi32>
      %masked_sort3A_140, %masked_sort3A_141, %masked_sort3A_142 = tpu.sort %masked_sort3A_139, %add3A_137 masked %gt3A_132 : (vector<16xi32>, vector<16xi32>, vector<16xi1>) -> (vector<16xi1>, vector<16xi32>, vector<16xi32>)
      %masked_sort3A_143 = arith.xori %masked_sort3A_141, %masked_sort3A_138 : vector<16xi32>
      %swap3A = arith.index_cast %scan3A_126 : i32 to index
      %swap3A_144 = tpu.vector_load %arg10[%swap3A] {strides = array<i32>} : memref<512xi32, #tpu.memory_space<vmem>>, vector<16xi32>,
      tpu.vector_store %arg10[%swap3A], %masked_sort3A_142 {strides = array<i32>} : memref<512xi32, #tpu.memory_space<vmem>>, vector<16xi32>,
      %mul3A_145 = arith.constant 16 : i32
      %mul3A_146 = arith.muli %scan3A_125, %mul3A_145 : i32
      %get3A_147 = arith.index_cast %mul3A_146 : i32 to index
      %get3A_148 = tpu.vector_load %arg9[%get3A_147] {strides = array<i32>} : memref<512xf32, #tpu.memory_space<vmem>>, vector<16xf32>,
      %masked_sort3A_149 = arith.constant -2147483648 : i32
      %masked_sort3A_150 = vector.broadcast %masked_sort3A_149 : i32 to vector<16xi32>
      %masked_sort3A_151 = arith.xori %iota3A, %masked_sort3A_150 : vector<16xi32>
      %masked_sort3A_152, %masked_sort3A_153, %masked_sort3A_154 = tpu.sort %masked_sort3A_151, %get3A_148 masked %gt3A_132 : (vector<16xi32>, vector<16xf32>, vector<16xi1>) -> (vector<16xi1>, vector<16xi32>, vector<16xf32>)
      %masked_sort3A_155 = arith.xori %masked_sort3A_153, %masked_sort3A_150 : vector<16xi32>
      %swap3A_156 = arith.index_cast %scan3A_126 : i32 to index
      %swap3A_157 = tpu.vector_load %arg11[%swap3A_156] {strides = array<i32>} : memref<512xf32, #tpu.memory_space<vmem>>, vector<16xf32>,
      tpu.vector_store %arg11[%swap3A_156], %masked_sort3A_154 {strides = array<i32>} : memref<512xf32, #tpu.memory_space<vmem>>, vector<16xf32>,
      %all_reduce_population_count3A = tpu.all_reduce %gt3A_132 {dim = 0 : i64, kind = #tpu.reduction_kind<sum>} : vector<16xi1> -> vector<16xi32>
      %slice3A_158 = vector.extract_strided_slice %all_reduce_population_count3A {offsets = [0], sizes = [1], strides = [1]} : vector<16xi32> to vector<1xi32>
      %squeeze3A_159 = vector.extract %slice3A_158[0] : i32 from vector<1xi32>
      %add3A_160 = arith.addi %scan3A_126, %squeeze3A_159 : i32
      scf.yield %add3A_160 : i32
    }
    %scan3A_48 = arith.constant 32 : i32
    %jit3A_49 = arith.constant 64 : i32
    %div3A_50 = arith.divsi %scan3A_47, %jit3A_49 : i32
    %sign3A_51 = arith.constant 0 : i32
    %sign3A_52 = arith.cmpi sgt, %scan3A_47, %sign3A_51 : i32
    %sign3A_53 = arith.extui %sign3A_52 : i1 to i32
    %sign3A_54 = arith.constant 0 : i32
    %sign3A_55 = arith.cmpi slt, %scan3A_47, %sign3A_54 : i32
    %sign3A_56 = arith.extui %sign3A_55 : i1 to i32
    %sign3A_57 = arith.subi %sign3A_53, %sign3A_56 : i32
    %sign3A_58 = arith.constant 0 : i32
    %sign3A_59 = arith.cmpi sgt, %jit3A_49, %sign3A_58 : i32
    %sign3A_60 = arith.extui %sign3A_59 : i1 to i32
    %sign3A_61 = arith.constant 0 : i32
    %sign3A_62 = arith.cmpi slt, %jit3A_49, %sign3A_61 : i32
    %sign3A_63 = arith.extui %sign3A_62 : i1 to i32
    %sign3A_64 = arith.subi %sign3A_60, %sign3A_63 : i32
    %ne3A_65 = arith.cmpi ne, %sign3A_57, %sign3A_64 : i32
    %rem3A_66 = arith.remsi %scan3A_47, %jit3A_49 : i32
    %ne3A_67 = arith.constant 0 : i32
    %ne3A_68 = arith.cmpi ne, %rem3A_66, %ne3A_67 : i32
    %and3A_69 = arith.andi %ne3A_65, %ne3A_68 : i1
    %sub3A_70 = arith.constant 1 : i32
    %sub3A_71 = arith.subi %div3A_50, %sub3A_70 : i32
    %select_n3A_72 = arith.select %and3A_69, %sub3A_71, %div3A_50 : i32
    %while3A = arith.constant 0 : i32
    %while3A_73 = arith.constant 0 : i32
    %while3A_74 = arith.subi %select_n3A_72, %while3A : i32
    %while3A_75 = arith.addi %while3A, %while3A_74 : i32
    %while3A_76 = arith.constant 1 : i32
    %while3A_77 = arith.divsi %while3A_74, %while3A_76 : i32
    %while3A_78 = arith.muli %while3A_77, %while3A_76 : i32
    %while3A_79 = arith.addi %while3A, %while3A_78 : i32
    %while3A_80 = arith.constant 1 : i32
    %while3A_81 = scf.for %while3A_125 = %while3A to %while3A_79 step %while3A_80 iter_args(%while3A_126 = %while3A_73) -> (i32)  : i32 {
      %mul3A_127 = arith.constant 64 : i32
      %mul3A_128 = arith.muli %while3A_125, %mul3A_127 : i32
      %dma_start3A = tpu.memref_slice %arg10[%mul3A_128] : memref<512xi32, #tpu.memory_space<vmem>> -> memref<64xi32, #tpu.memory_space<vmem>>
      %dma_start3A_129 = arith.constant 0 : i32
      %dma_start3A_130 = arith.constant 0 : i32
      %dma_start3A_131 = tpu.memref_slice %arg4[%dma_start3A_129, %dma_start3A_130] : memref<8192x768xf32, #tpu.memory_space<hbm>> -> memref<8192x768xf32, #tpu.memory_space<hbm>>
      tpu.enqueue_indirect_dma source(%dma_start3A_131 : memref<8192x768xf32, #tpu.memory_space<hbm>>) target(%arg12 : memref<64x768xf32, #tpu.memory_space<vmem>>) offsets(%dma_start3A : memref<64xi32, #tpu.memory_space<vmem>>) semaphore(%arg14 : memref<!tpu.dma_semaphore, #tpu.memory_space<semaphore_mem>>)
      %dma_wait3A = tpu.memref_slice %arg10[%mul3A_128] : memref<512xi32, #tpu.memory_space<vmem>> -> memref<64xi32, #tpu.memory_space<vmem>>
      %dma_wait3A_132 = arith.constant 0 : i32
      %dma_wait3A_133 = arith.constant 0 : i32
      %dma_wait3A_134 = tpu.memref_slice %arg4[%dma_wait3A_132, %dma_wait3A_133] : memref<8192x768xf32, #tpu.memory_space<hbm>> -> memref<8192x768xf32, #tpu.memory_space<hbm>>
      tpu.wait_indirect_dma semaphore(%arg14 : memref<!tpu.dma_semaphore, #tpu.memory_space<semaphore_mem>>) src(%dma_wait3A_134 : memref<8192x768xf32, #tpu.memory_space<hbm>>) dst(%arg12 : memref<64x768xf32, #tpu.memory_space<vmem>>)
      %mul3A_135 = arith.constant 64 : i32
      %mul3A_136 = arith.muli %while3A_125, %mul3A_135 : i32
      %add3A_137 = arith.addi %squeeze3A, %mul3A_136 : i32
      %multiple_of3A = tpu.assume_multiple %add3A_137, 8 : i32
      "tpu.region"() ({
        %run_scoped3A = tpu.sem_alloc : memref<!tpu.dma_semaphore, #tpu.memory_space<semaphore_mem>>
        %dma_start3A_141 = arith.constant 0 : i32
        %dma_start3A_142 = tpu.memref_slice %arg6[%multiple_of3A, %dma_start3A_141] : memref<16384x768xf32, #tpu.memory_space<hbm>> -> memref<64x768xf32, #tpu.memory_space<hbm>>
        %dma_start3A_143 = arith.constant 0 : i32
        %dma_start3A_144 = tpu.memref_slice %arg6[%multiple_of3A, %dma_start3A_143] : memref<16384x768xf32, #tpu.memory_space<hbm>> -> memref<64x768xf32, #tpu.memory_space<hbm>>
        tpu.enqueue_dma source(%arg12 : memref<64x768xf32, #tpu.memory_space<vmem>>) target(%dma_start3A_144 : memref<64x768xf32, #tpu.memory_space<hbm>>) target_semaphore(%run_scoped3A : memref<!tpu.dma_semaphore, #tpu.memory_space<semaphore_mem>>)
        %dma_wait3A_145 = arith.constant 0 : i32
        %dma_wait3A_146 = tpu.memref_slice %arg6[%multiple_of3A, %dma_wait3A_145] : memref<16384x768xf32, #tpu.memory_space<hbm>> -> memref<64x768xf32, #tpu.memory_space<hbm>>
        %dma_wait3A_147 = arith.constant 0 : i32
        %dma_wait3A_148 = tpu.memref_slice %arg6[%multiple_of3A, %dma_wait3A_147] : memref<16384x768xf32, #tpu.memory_space<hbm>> -> memref<64x768xf32, #tpu.memory_space<hbm>>
        tpu.wait_dma2 semaphore(%run_scoped3A : memref<!tpu.dma_semaphore, #tpu.memory_space<semaphore_mem>>) src(%arg12 : memref<64x768xf32, #tpu.memory_space<vmem>>) dst(%dma_wait3A_148 : memref<64x768xf32, #tpu.memory_space<hbm>>)
        tpu.yield
      }) : () -> ()
      %mul3A_138 = arith.constant 64 : i32
      %mul3A_139 = arith.muli %while3A_125, %mul3A_138 : i32
      "tpu.region"() ({
        %run_scoped3A = tpu.sem_alloc : memref<!tpu.dma_semaphore, #tpu.memory_space<semaphore_mem>>
        %dma_start3A_141 = tpu.memref_slice %arg11[%mul3A_139] : memref<512xf32, #tpu.memory_space<vmem>> -> memref<64xf32, #tpu.memory_space<vmem>>
        %dma_start3A_142 = tpu.memref_slice %arg7[%multiple_of3A] : memref<16384xf32, #tpu.memory_space<hbm>> -> memref<64xf32, #tpu.memory_space<hbm>>
        %dma_start3A_143 = tpu.memref_slice %arg7[%multiple_of3A] : memref<16384xf32, #tpu.memory_space<hbm>> -> memref<64xf32, #tpu.memory_space<hbm>>
        %dma_start3A_144 = tpu.memref_slice %arg11[%mul3A_139] : memref<512xf32, #tpu.memory_space<vmem>> -> memref<64xf32, #tpu.memory_space<vmem>>
        tpu.enqueue_dma source(%dma_start3A_144 : memref<64xf32, #tpu.memory_space<vmem>>) target(%dma_start3A_143 : memref<64xf32, #tpu.memory_space<hbm>>) target_semaphore(%run_scoped3A : memref<!tpu.dma_semaphore, #tpu.memory_space<semaphore_mem>>)
        %dma_wait3A_145 = tpu.memref_slice %arg11[%mul3A_139] : memref<512xf32, #tpu.memory_space<vmem>> -> memref<64xf32, #tpu.memory_space<vmem>>
        %dma_wait3A_146 = tpu.memref_slice %arg7[%multiple_of3A] : memref<16384xf32, #tpu.memory_space<hbm>> -> memref<64xf32, #tpu.memory_space<hbm>>
        %dma_wait3A_147 = tpu.memref_slice %arg7[%multiple_of3A] : memref<16384xf32, #tpu.memory_space<hbm>> -> memref<64xf32, #tpu.memory_space<hbm>>
        %dma_wait3A_148 = tpu.memref_slice %arg11[%mul3A_139] : memref<512xf32, #tpu.memory_space<vmem>> -> memref<64xf32, #tpu.memory_space<vmem>>
        tpu.wait_dma2 semaphore(%run_scoped3A : memref<!tpu.dma_semaphore, #tpu.memory_space<semaphore_mem>>) src(%dma_wait3A_148 : memref<64xf32, #tpu.memory_space<vmem>>) dst(%dma_wait3A_147 : memref<64xf32, #tpu.memory_space<hbm>>)
        tpu.yield
      }) : () -> ()
      %while3A_140 = arith.constant 0 : i32
      scf.yield %while3A_140 : i32
    }
    %while3A_82 = arith.constant 1 : i32
    %while3A_83 = scf.for %while3A_125 = %while3A_79 to %while3A_75 step %while3A_82 iter_args(%while3A_126 = %while3A_81) -> (i32)  : i32 {
      %mul3A_127 = arith.constant 64 : i32
      %mul3A_128 = arith.muli %while3A_125, %mul3A_127 : i32
      %dma_start3A = tpu.memref_slice %arg10[%mul3A_128] : memref<512xi32, #tpu.memory_space<vmem>> -> memref<64xi32, #tpu.memory_space<vmem>>
      %dma_start3A_129 = arith.constant 0 : i32
      %dma_start3A_130 = arith.constant 0 : i32
      %dma_start3A_131 = tpu.memref_slice %arg4[%dma_start3A_129, %dma_start3A_130] : memref<8192x768xf32, #tpu.memory_space<hbm>> -> memref<8192x768xf32, #tpu.memory_space<hbm>>
      tpu.enqueue_indirect_dma source(%dma_start3A_131 : memref<8192x768xf32, #tpu.memory_space<hbm>>) target(%arg12 : memref<64x768xf32, #tpu.memory_space<vmem>>) offsets(%dma_start3A : memref<64xi32, #tpu.memory_space<vmem>>) semaphore(%arg14 : memref<!tpu.dma_semaphore, #tpu.memory_space<semaphore_mem>>)
      %dma_wait3A = tpu.memref_slice %arg10[%mul3A_128] : memref<512xi32, #tpu.memory_space<vmem>> -> memref<64xi32, #tpu.memory_space<vmem>>
      %dma_wait3A_132 = arith.constant 0 : i32
      %dma_wait3A_133 = arith.constant 0 : i32
      %dma_wait3A_134 = tpu.memref_slice %arg4[%dma_wait3A_132, %dma_wait3A_133] : memref<8192x768xf32, #tpu.memory_space<hbm>> -> memref<8192x768xf32, #tpu.memory_space<hbm>>
      tpu.wait_indirect_dma semaphore(%arg14 : memref<!tpu.dma_semaphore, #tpu.memory_space<semaphore_mem>>) src(%dma_wait3A_134 : memref<8192x768xf32, #tpu.memory_space<hbm>>) dst(%arg12 : memref<64x768xf32, #tpu.memory_space<vmem>>)
      %mul3A_135 = arith.constant 64 : i32
      %mul3A_136 = arith.muli %while3A_125, %mul3A_135 : i32
      %add3A_137 = arith.addi %squeeze3A, %mul3A_136 : i32
      %multiple_of3A = tpu.assume_multiple %add3A_137, 8 : i32
      "tpu.region"() ({
        %run_scoped3A = tpu.sem_alloc : memref<!tpu.dma_semaphore, #tpu.memory_space<semaphore_mem>>
        %dma_start3A_141 = arith.constant 0 : i32
        %dma_start3A_142 = tpu.memref_slice %arg6[%multiple_of3A, %dma_start3A_141] : memref<16384x768xf32, #tpu.memory_space<hbm>> -> memref<64x768xf32, #tpu.memory_space<hbm>>
        %dma_start3A_143 = arith.constant 0 : i32
        %dma_start3A_144 = tpu.memref_slice %arg6[%multiple_of3A, %dma_start3A_143] : memref<16384x768xf32, #tpu.memory_space<hbm>> -> memref<64x768xf32, #tpu.memory_space<hbm>>
        tpu.enqueue_dma source(%arg12 : memref<64x768xf32, #tpu.memory_space<vmem>>) target(%dma_start3A_144 : memref<64x768xf32, #tpu.memory_space<hbm>>) target_semaphore(%run_scoped3A : memref<!tpu.dma_semaphore, #tpu.memory_space<semaphore_mem>>)
        %dma_wait3A_145 = arith.constant 0 : i32
        %dma_wait3A_146 = tpu.memref_slice %arg6[%multiple_of3A, %dma_wait3A_145] : memref<16384x768xf32, #tpu.memory_space<hbm>> -> memref<64x768xf32, #tpu.memory_space<hbm>>
        %dma_wait3A_147 = arith.constant 0 : i32
        %dma_wait3A_148 = tpu.memref_slice %arg6[%multiple_of3A, %dma_wait3A_147] : memref<16384x768xf32, #tpu.memory_space<hbm>> -> memref<64x768xf32, #tpu.memory_space<hbm>>
        tpu.wait_dma2 semaphore(%run_scoped3A : memref<!tpu.dma_semaphore, #tpu.memory_space<semaphore_mem>>) src(%arg12 : memref<64x768xf32, #tpu.memory_space<vmem>>) dst(%dma_wait3A_148 : memref<64x768xf32, #tpu.memory_space<hbm>>)
        tpu.yield
      }) : () -> ()
      %mul3A_138 = arith.constant 64 : i32
      %mul3A_139 = arith.muli %while3A_125, %mul3A_138 : i32
      "tpu.region"() ({
        %run_scoped3A = tpu.sem_alloc : memref<!tpu.dma_semaphore, #tpu.memory_space<semaphore_mem>>
        %dma_start3A_141 = tpu.memref_slice %arg11[%mul3A_139] : memref<512xf32, #tpu.memory_space<vmem>> -> memref<64xf32, #tpu.memory_space<vmem>>
        %dma_start3A_142 = tpu.memref_slice %arg7[%multiple_of3A] : memref<16384xf32, #tpu.memory_space<hbm>> -> memref<64xf32, #tpu.memory_space<hbm>>
        %dma_start3A_143 = tpu.memref_slice %arg7[%multiple_of3A] : memref<16384xf32, #tpu.memory_space<hbm>> -> memref<64xf32, #tpu.memory_space<hbm>>
        %dma_start3A_144 = tpu.memref_slice %arg11[%mul3A_139] : memref<512xf32, #tpu.memory_space<vmem>> -> memref<64xf32, #tpu.memory_space<vmem>>
        tpu.enqueue_dma source(%dma_start3A_144 : memref<64xf32, #tpu.memory_space<vmem>>) target(%dma_start3A_143 : memref<64xf32, #tpu.memory_space<hbm>>) target_semaphore(%run_scoped3A : memref<!tpu.dma_semaphore, #tpu.memory_space<semaphore_mem>>)
        %dma_wait3A_145 = tpu.memref_slice %arg11[%mul3A_139] : memref<512xf32, #tpu.memory_space<vmem>> -> memref<64xf32, #tpu.memory_space<vmem>>
        %dma_wait3A_146 = tpu.memref_slice %arg7[%multiple_of3A] : memref<16384xf32, #tpu.memory_space<hbm>> -> memref<64xf32, #tpu.memory_space<hbm>>
        %dma_wait3A_147 = tpu.memref_slice %arg7[%multiple_of3A] : memref<16384xf32, #tpu.memory_space<hbm>> -> memref<64xf32, #tpu.memory_space<hbm>>
        %dma_wait3A_148 = tpu.memref_slice %arg11[%mul3A_139] : memref<512xf32, #tpu.memory_space<vmem>> -> memref<64xf32, #tpu.memory_space<vmem>>
        tpu.wait_dma2 semaphore(%run_scoped3A : memref<!tpu.dma_semaphore, #tpu.memory_space<semaphore_mem>>) src(%dma_wait3A_148 : memref<64xf32, #tpu.memory_space<vmem>>) dst(%dma_wait3A_147 : memref<64xf32, #tpu.memory_space<hbm>>)
        tpu.yield
      }) : () -> ()
      %while3A_140 = arith.constant 0 : i32
      scf.yield %while3A_140 : i32
    }
    %mul3A_84 = arith.constant 64 : i32
    %mul3A_85 = arith.muli %select_n3A_72, %mul3A_84 : i32
    %sub3A_86 = arith.subi %scan3A_47, %mul3A_85 : i32
    %add3A_87 = arith.constant 7 : i32
    %add3A_88 = arith.addi %sub3A_86, %add3A_87 : i32
    %jit3A_89 = arith.constant 8 : i32
    %div3A_90 = arith.divsi %add3A_88, %jit3A_89 : i32
    %sign3A_91 = arith.constant 0 : i32
    %sign3A_92 = arith.cmpi sgt, %add3A_88, %sign3A_91 : i32
    %sign3A_93 = arith.extui %sign3A_92 : i1 to i32
    %sign3A_94 = arith.constant 0 : i32
    %sign3A_95 = arith.cmpi slt, %add3A_88, %sign3A_94 : i32
    %sign3A_96 = arith.extui %sign3A_95 : i1 to i32
    %sign3A_97 = arith.subi %sign3A_93, %sign3A_96 : i32
    %sign3A_98 = arith.constant 0 : i32
    %sign3A_99 = arith.cmpi sgt, %jit3A_89, %sign3A_98 : i32
    %sign3A_100 = arith.extui %sign3A_99 : i1 to i32
    %sign3A_101 = arith.constant 0 : i32
    %sign3A_102 = arith.cmpi slt, %jit3A_89, %sign3A_101 : i32
    %sign3A_103 = arith.extui %sign3A_102 : i1 to i32
    %sign3A_104 = arith.subi %sign3A_100, %sign3A_103 : i32
    %ne3A_105 = arith.cmpi ne, %sign3A_97, %sign3A_104 : i32
    %rem3A_106 = arith.remsi %add3A_88, %jit3A_89 : i32
    %ne3A_107 = arith.constant 0 : i32
    %ne3A_108 = arith.cmpi ne, %rem3A_106, %ne3A_107 : i32
    %and3A_109 = arith.andi %ne3A_105, %ne3A_108 : i1
    %sub3A_110 = arith.constant 1 : i32
    %sub3A_111 = arith.subi %div3A_90, %sub3A_110 : i32
    %select_n3A_112 = arith.select %and3A_109, %sub3A_111, %div3A_90 : i32
    %while3A_113 = arith.constant 0 : i32
    %while3A_114 = arith.constant 0 : i32
    %while3A_115 = arith.subi %select_n3A_112, %while3A_113 : i32
    %while3A_116 = arith.addi %while3A_113, %while3A_115 : i32
    %while3A_117 = arith.constant 1 : i32
    %while3A_118 = arith.divsi %while3A_115, %while3A_117 : i32
    %while3A_119 = arith.muli %while3A_118, %while3A_117 : i32
    %while3A_120 = arith.addi %while3A_113, %while3A_119 : i32
    %while3A_121 = arith.constant 1 : i32
    %while3A_122 = scf.for %while3A_125 = %while3A_113 to %while3A_120 step %while3A_121 iter_args(%while3A_126 = %while3A_114) -> (i32)  : i32 {
      %mul3A_127 = arith.constant 64 : i32
      %mul3A_128 = arith.muli %select_n3A_72, %mul3A_127 : i32
      %mul3A_129 = arith.constant 8 : i32
      %mul3A_130 = arith.muli %while3A_125, %mul3A_129 : i32
      %add3A_131 = arith.addi %mul3A_128, %mul3A_130 : i32
      %multiple_of3A = tpu.assume_multiple %add3A_131, 8 : i32
      %dma_start3A = arith.constant 0 : i32
      %dma_start3A_132 = arith.constant 0 : i32
      %dma_start3A_133 = tpu.memref_slice %arg12[%dma_start3A, %dma_start3A_132] : memref<64x768xf32, #tpu.memory_space<vmem>> -> memref<8x768xf32, #tpu.memory_space<vmem>>
      %dma_start3A_134 = tpu.memref_slice %arg10[%multiple_of3A] : memref<512xi32, #tpu.memory_space<vmem>> -> memref<8xi32, #tpu.memory_space<vmem>>
      %dma_start3A_135 = arith.constant 0 : i32
      %dma_start3A_136 = arith.constant 0 : i32
      %dma_start3A_137 = tpu.memref_slice %arg4[%dma_start3A_135, %dma_start3A_136] : memref<8192x768xf32, #tpu.memory_space<hbm>> -> memref<8192x768xf32, #tpu.memory_space<hbm>>
      tpu.enqueue_indirect_dma source(%dma_start3A_137 : memref<8192x768xf32, #tpu.memory_space<hbm>>) target(%dma_start3A_133 : memref<8x768xf32, #tpu.memory_space<vmem>>) offsets(%dma_start3A_134 : memref<8xi32, #tpu.memory_space<vmem>>) semaphore(%arg14 : memref<!tpu.dma_semaphore, #tpu.memory_space<semaphore_mem>>)
      %dma_wait3A = arith.constant 0 : i32
      %dma_wait3A_138 = arith.constant 0 : i32
      %dma_wait3A_139 = tpu.memref_slice %arg12[%dma_wait3A, %dma_wait3A_138] : memref<64x768xf32, #tpu.memory_space<vmem>> -> memref<8x768xf32, #tpu.memory_space<vmem>>
      %dma_wait3A_140 = tpu.memref_slice %arg10[%multiple_of3A] : memref<512xi32, #tpu.memory_space<vmem>> -> memref<8xi32, #tpu.memory_space<vmem>>
      %dma_wait3A_141 = arith.constant 0 : i32
      %dma_wait3A_142 = arith.constant 0 : i32
      %dma_wait3A_143 = tpu.memref_slice %arg4[%dma_wait3A_141, %dma_wait3A_142] : memref<8192x768xf32, #tpu.memory_space<hbm>> -> memref<8192x768xf32, #tpu.memory_space<hbm>>
      tpu.wait_indirect_dma semaphore(%arg14 : memref<!tpu.dma_semaphore, #tpu.memory_space<semaphore_mem>>) src(%dma_wait3A_143 : memref<8192x768xf32, #tpu.memory_space<hbm>>) dst(%dma_wait3A_139 : memref<8x768xf32, #tpu.memory_space<vmem>>)
      %add3A_144 = arith.addi %squeeze3A, %multiple_of3A : i32
      %multiple_of3A_145 = tpu.assume_multiple %add3A_144, 8 : i32
      "tpu.region"() ({
        %run_scoped3A = tpu.sem_alloc : memref<!tpu.dma_semaphore, #tpu.memory_space<semaphore_mem>>
        %dma_start3A_147 = arith.constant 0 : i32
        %dma_start3A_148 = arith.constant 0 : i32
        %dma_start3A_149 = tpu.memref_slice %arg12[%dma_start3A_147, %dma_start3A_148] : memref<64x768xf32, #tpu.memory_space<vmem>> -> memref<8x768xf32, #tpu.memory_space<vmem>>
        %dma_start3A_150 = arith.constant 0 : i32
        %dma_start3A_151 = tpu.memref_slice %arg6[%multiple_of3A_145, %dma_start3A_150] : memref<16384x768xf32, #tpu.memory_space<hbm>> -> memref<8x768xf32, #tpu.memory_space<hbm>>
        %dma_start3A_152 = arith.constant 0 : i32
        %dma_start3A_153 = tpu.memref_slice %arg6[%multiple_of3A_145, %dma_start3A_152] : memref<16384x768xf32, #tpu.memory_space<hbm>> -> memref<8x768xf32, #tpu.memory_space<hbm>>
        %dma_start3A_154 = arith.constant 0 : i32
        %dma_start3A_155 = arith.constant 0 : i32
        %dma_start3A_156 = tpu.memref_slice %arg12[%dma_start3A_154, %dma_start3A_155] : memref<64x768xf32, #tpu.memory_space<vmem>> -> memref<8x768xf32, #tpu.memory_space<vmem>>
        tpu.enqueue_dma source(%dma_start3A_156 : memref<8x768xf32, #tpu.memory_space<vmem>>) target(%dma_start3A_153 : memref<8x768xf32, #tpu.memory_space<hbm>>) target_semaphore(%run_scoped3A : memref<!tpu.dma_semaphore, #tpu.memory_space<semaphore_mem>>)
        %dma_wait3A_157 = arith.constant 0 : i32
        %dma_wait3A_158 = arith.constant 0 : i32
        %dma_wait3A_159 = tpu.memref_slice %arg12[%dma_wait3A_157, %dma_wait3A_158] : memref<64x768xf32, #tpu.memory_space<vmem>> -> memref<8x768xf32, #tpu.memory_space<vmem>>
        %dma_wait3A_160 = arith.constant 0 : i32
        %dma_wait3A_161 = tpu.memref_slice %arg6[%multiple_of3A_145, %dma_wait3A_160] : memref<16384x768xf32, #tpu.memory_space<hbm>> -> memref<8x768xf32, #tpu.memory_space<hbm>>
        %dma_wait3A_162 = arith.constant 0 : i32
        %dma_wait3A_163 = tpu.memref_slice %arg6[%multiple_of3A_145, %dma_wait3A_162] : memref<16384x768xf32, #tpu.memory_space<hbm>> -> memref<8x768xf32, #tpu.memory_space<hbm>>
        %dma_wait3A_164 = arith.constant 0 : i32
        %dma_wait3A_165 = arith.constant 0 : i32
        %dma_wait3A_166 = tpu.memref_slice %arg12[%dma_wait3A_164, %dma_wait3A_165] : memref<64x768xf32, #tpu.memory_space<vmem>> -> memref<8x768xf32, #tpu.memory_space<vmem>>
        tpu.wait_dma2 semaphore(%run_scoped3A : memref<!tpu.dma_semaphore, #tpu.memory_space<semaphore_mem>>) src(%dma_wait3A_166 : memref<8x768xf32, #tpu.memory_space<vmem>>) dst(%dma_wait3A_163 : memref<8x768xf32, #tpu.memory_space<hbm>>)
        tpu.yield
      }) : () -> ()
      "tpu.region"() ({
        %run_scoped3A = tpu.sem_alloc : memref<!tpu.dma_semaphore, #tpu.memory_space<semaphore_mem>>
        %dma_start3A_147 = tpu.memref_slice %arg11[%multiple_of3A] : memref<512xf32, #tpu.memory_space<vmem>> -> memref<8xf32, #tpu.memory_space<vmem>>
        %dma_start3A_148 = tpu.memref_slice %arg7[%multiple_of3A_145] : memref<16384xf32, #tpu.memory_space<hbm>> -> memref<8xf32, #tpu.memory_space<hbm>>
        %dma_start3A_149 = tpu.memref_slice %arg7[%multiple_of3A_145] : memref<16384xf32, #tpu.memory_space<hbm>> -> memref<8xf32, #tpu.memory_space<hbm>>
        %dma_start3A_150 = tpu.memref_slice %arg11[%multiple_of3A] : memref<512xf32, #tpu.memory_space<vmem>> -> memref<8xf32, #tpu.memory_space<vmem>>
        tpu.enqueue_dma source(%dma_start3A_150 : memref<8xf32, #tpu.memory_space<vmem>>) target(%dma_start3A_149 : memref<8xf32, #tpu.memory_space<hbm>>) target_semaphore(%run_scoped3A : memref<!tpu.dma_semaphore, #tpu.memory_space<semaphore_mem>>)
        %dma_wait3A_151 = tpu.memref_slice %arg11[%multiple_of3A] : memref<512xf32, #tpu.memory_space<vmem>> -> memref<8xf32, #tpu.memory_space<vmem>>
        %dma_wait3A_152 = tpu.memref_slice %arg7[%multiple_of3A_145] : memref<16384xf32, #tpu.memory_space<hbm>> -> memref<8xf32, #tpu.memory_space<hbm>>
        %dma_wait3A_153 = tpu.memref_slice %arg7[%multiple_of3A_145] : memref<16384xf32, #tpu.memory_space<hbm>> -> memref<8xf32, #tpu.memory_space<hbm>>
        %dma_wait3A_154 = tpu.memref_slice %arg11[%multiple_of3A] : memref<512xf32, #tpu.memory_space<vmem>> -> memref<8xf32, #tpu.memory_space<vmem>>
        tpu.wait_dma2 semaphore(%run_scoped3A : memref<!tpu.dma_semaphore, #tpu.memory_space<semaphore_mem>>) src(%dma_wait3A_154 : memref<8xf32, #tpu.memory_space<vmem>>) dst(%dma_wait3A_153 : memref<8xf32, #tpu.memory_space<hbm>>)
        tpu.yield
      }) : () -> ()
      %while3A_146 = arith.constant 0 : i32
      scf.yield %while3A_146 : i32
    }
    %while3A_123 = arith.constant 1 : i32
    %while3A_124 = scf.for %while3A_125 = %while3A_120 to %while3A_116 step %while3A_123 iter_args(%while3A_126 = %while3A_122) -> (i32)  : i32 {
      %mul3A_127 = arith.constant 64 : i32
      %mul3A_128 = arith.muli %select_n3A_72, %mul3A_127 : i32
      %mul3A_129 = arith.constant 8 : i32
      %mul3A_130 = arith.muli %while3A_125, %mul3A_129 : i32
      %add3A_131 = arith.addi %mul3A_128, %mul3A_130 : i32
      %multiple_of3A = tpu.assume_multiple %add3A_131, 8 : i32
      %dma_start3A = arith.constant 0 : i32
      %dma_start3A_132 = arith.constant 0 : i32
      %dma_start3A_133 = tpu.memref_slice %arg12[%dma_start3A, %dma_start3A_132] : memref<64x768xf32, #tpu.memory_space<vmem>> -> memref<8x768xf32, #tpu.memory_space<vmem>>
      %dma_start3A_134 = tpu.memref_slice %arg10[%multiple_of3A] : memref<512xi32, #tpu.memory_space<vmem>> -> memref<8xi32, #tpu.memory_space<vmem>>
      %dma_start3A_135 = arith.constant 0 : i32
      %dma_start3A_136 = arith.constant 0 : i32
      %dma_start3A_137 = tpu.memref_slice %arg4[%dma_start3A_135, %dma_start3A_136] : memref<8192x768xf32, #tpu.memory_space<hbm>> -> memref<8192x768xf32, #tpu.memory_space<hbm>>
      tpu.enqueue_indirect_dma source(%dma_start3A_137 : memref<8192x768xf32, #tpu.memory_space<hbm>>) target(%dma_start3A_133 : memref<8x768xf32, #tpu.memory_space<vmem>>) offsets(%dma_start3A_134 : memref<8xi32, #tpu.memory_space<vmem>>) semaphore(%arg14 : memref<!tpu.dma_semaphore, #tpu.memory_space<semaphore_mem>>)
      %dma_wait3A = arith.constant 0 : i32
      %dma_wait3A_138 = arith.constant 0 : i32
      %dma_wait3A_139 = tpu.memref_slice %arg12[%dma_wait3A, %dma_wait3A_138] : memref<64x768xf32, #tpu.memory_space<vmem>> -> memref<8x768xf32, #tpu.memory_space<vmem>>
      %dma_wait3A_140 = tpu.memref_slice %arg10[%multiple_of3A] : memref<512xi32, #tpu.memory_space<vmem>> -> memref<8xi32, #tpu.memory_space<vmem>>
      %dma_wait3A_141 = arith.constant 0 : i32
      %dma_wait3A_142 = arith.constant 0 : i32
      %dma_wait3A_143 = tpu.memref_slice %arg4[%dma_wait3A_141, %dma_wait3A_142] : memref<8192x768xf32, #tpu.memory_space<hbm>> -> memref<8192x768xf32, #tpu.memory_space<hbm>>
      tpu.wait_indirect_dma semaphore(%arg14 : memref<!tpu.dma_semaphore, #tpu.memory_space<semaphore_mem>>) src(%dma_wait3A_143 : memref<8192x768xf32, #tpu.memory_space<hbm>>) dst(%dma_wait3A_139 : memref<8x768xf32, #tpu.memory_space<vmem>>)
      %add3A_144 = arith.addi %squeeze3A, %multiple_of3A : i32
      %multiple_of3A_145 = tpu.assume_multiple %add3A_144, 8 : i32
      "tpu.region"() ({
        %run_scoped3A = tpu.sem_alloc : memref<!tpu.dma_semaphore, #tpu.memory_space<semaphore_mem>>
        %dma_start3A_147 = arith.constant 0 : i32
        %dma_start3A_148 = arith.constant 0 : i32
        %dma_start3A_149 = tpu.memref_slice %arg12[%dma_start3A_147, %dma_start3A_148] : memref<64x768xf32, #tpu.memory_space<vmem>> -> memref<8x768xf32, #tpu.memory_space<vmem>>
        %dma_start3A_150 = arith.constant 0 : i32
        %dma_start3A_151 = tpu.memref_slice %arg6[%multiple_of3A_145, %dma_start3A_150] : memref<16384x768xf32, #tpu.memory_space<hbm>> -> memref<8x768xf32, #tpu.memory_space<hbm>>
        %dma_start3A_152 = arith.constant 0 : i32
        %dma_start3A_153 = tpu.memref_slice %arg6[%multiple_of3A_145, %dma_start3A_152] : memref<16384x768xf32, #tpu.memory_space<hbm>> -> memref<8x768xf32, #tpu.memory_space<hbm>>
        %dma_start3A_154 = arith.constant 0 : i32
        %dma_start3A_155 = arith.constant 0 : i32
        %dma_start3A_156 = tpu.memref_slice %arg12[%dma_start3A_154, %dma_start3A_155] : memref<64x768xf32, #tpu.memory_space<vmem>> -> memref<8x768xf32, #tpu.memory_space<vmem>>
        tpu.enqueue_dma source(%dma_start3A_156 : memref<8x768xf32, #tpu.memory_space<vmem>>) target(%dma_start3A_153 : memref<8x768xf32, #tpu.memory_space<hbm>>) target_semaphore(%run_scoped3A : memref<!tpu.dma_semaphore, #tpu.memory_space<semaphore_mem>>)
        %dma_wait3A_157 = arith.constant 0 : i32
        %dma_wait3A_158 = arith.constant 0 : i32
        %dma_wait3A_159 = tpu.memref_slice %arg12[%dma_wait3A_157, %dma_wait3A_158] : memref<64x768xf32, #tpu.memory_space<vmem>> -> memref<8x768xf32, #tpu.memory_space<vmem>>
        %dma_wait3A_160 = arith.constant 0 : i32
        %dma_wait3A_161 = tpu.memref_slice %arg6[%multiple_of3A_145, %dma_wait3A_160] : memref<16384x768xf32, #tpu.memory_space<hbm>> -> memref<8x768xf32, #tpu.memory_space<hbm>>
        %dma_wait3A_162 = arith.constant 0 : i32
        %dma_wait3A_163 = tpu.memref_slice %arg6[%multiple_of3A_145, %dma_wait3A_162] : memref<16384x768xf32, #tpu.memory_space<hbm>> -> memref<8x768xf32, #tpu.memory_space<hbm>>
        %dma_wait3A_164 = arith.constant 0 : i32
        %dma_wait3A_165 = arith.constant 0 : i32
        %dma_wait3A_166 = tpu.memref_slice %arg12[%dma_wait3A_164, %dma_wait3A_165] : memref<64x768xf32, #tpu.memory_space<vmem>> -> memref<8x768xf32, #tpu.memory_space<vmem>>
        tpu.wait_dma2 semaphore(%run_scoped3A : memref<!tpu.dma_semaphore, #tpu.memory_space<semaphore_mem>>) src(%dma_wait3A_166 : memref<8x768xf32, #tpu.memory_space<vmem>>) dst(%dma_wait3A_163 : memref<8x768xf32, #tpu.memory_space<hbm>>)
        tpu.yield
      }) : () -> ()
      "tpu.region"() ({
        %run_scoped3A = tpu.sem_alloc : memref<!tpu.dma_semaphore, #tpu.memory_space<semaphore_mem>>
        %dma_start3A_147 = tpu.memref_slice %arg11[%multiple_of3A] : memref<512xf32, #tpu.memory_space<vmem>> -> memref<8xf32, #tpu.memory_space<vmem>>
        %dma_start3A_148 = tpu.memref_slice %arg7[%multiple_of3A_145] : memref<16384xf32, #tpu.memory_space<hbm>> -> memref<8xf32, #tpu.memory_space<hbm>>
        %dma_start3A_149 = tpu.memref_slice %arg7[%multiple_of3A_145] : memref<16384xf32, #tpu.memory_space<hbm>> -> memref<8xf32, #tpu.memory_space<hbm>>
        %dma_start3A_150 = tpu.memref_slice %arg11[%multiple_of3A] : memref<512xf32, #tpu.memory_space<vmem>> -> memref<8xf32, #tpu.memory_space<vmem>>
        tpu.enqueue_dma source(%dma_start3A_150 : memref<8xf32, #tpu.memory_space<vmem>>) target(%dma_start3A_149 : memref<8xf32, #tpu.memory_space<hbm>>) target_semaphore(%run_scoped3A : memref<!tpu.dma_semaphore, #tpu.memory_space<semaphore_mem>>)
        %dma_wait3A_151 = tpu.memref_slice %arg11[%multiple_of3A] : memref<512xf32, #tpu.memory_space<vmem>> -> memref<8xf32, #tpu.memory_space<vmem>>
        %dma_wait3A_152 = tpu.memref_slice %arg7[%multiple_of3A_145] : memref<16384xf32, #tpu.memory_space<hbm>> -> memref<8xf32, #tpu.memory_space<hbm>>
        %dma_wait3A_153 = tpu.memref_slice %arg7[%multiple_of3A_145] : memref<16384xf32, #tpu.memory_space<hbm>> -> memref<8xf32, #tpu.memory_space<hbm>>
        %dma_wait3A_154 = tpu.memref_slice %arg11[%multiple_of3A] : memref<512xf32, #tpu.memory_space<vmem>> -> memref<8xf32, #tpu.memory_space<vmem>>
        tpu.wait_dma2 semaphore(%run_scoped3A : memref<!tpu.dma_semaphore, #tpu.memory_space<semaphore_mem>>) src(%dma_wait3A_154 : memref<8xf32, #tpu.memory_space<vmem>>) dst(%dma_wait3A_153 : memref<8xf32, #tpu.memory_space<hbm>>)
        tpu.yield
      }) : () -> ()
      %while3A_146 = arith.constant 0 : i32
      scf.yield %while3A_146 : i32
    }
    return
  }
}

module attributes {stable_mosaic.version = 14 : i64} {
  func.func @_grouped_body(%arg0: i32, %arg1: memref<64xi32, #tpu.memory_space<smem>>, %arg2: memref<1xi32, #tpu.memory_space<smem>>, %arg3: memref<256x768xf32, #tpu.memory_space<vmem>>, %arg4: memref<1x1x256xf32, #tpu.memory_space<vmem>>, %arg5: memref<1x1536x768xf32, #tpu.memory_space<vmem>>, %arg6: memref<1x1536x768xf32, #tpu.memory_space<vmem>>, %arg7: memref<1x768x1536xf32, #tpu.memory_space<vmem>>, %arg8: memref<256x768xf32, #tpu.memory_space<vmem>>) attributes {dimension_semantics = [#tpu.dimension_semantics<arbitrary>], iteration_bounds = array<i64: 64>, scalar_prefetch = 2 : i64, scratch_operands = 0 : i64, tpu.core_type = #tpu.core_type<tc>, window_params = [{transform_indices = @transform_0, window_bounds = array<i64: 256, 768>}, {transform_indices = @transform_1, window_bounds = array<i64: 1, 1, 256>}, {transform_indices = @transform_2, window_bounds = array<i64: 1, 1536, 768>}, {transform_indices = @transform_3, window_bounds = array<i64: 1, 1536, 768>}, {transform_indices = @transform_4, window_bounds = array<i64: 1, 768, 1536>}, {transform_indices = @transform_5, window_bounds = array<i64: 256, 768>}]} {
    %get3A = arith.constant 0 : index
    %get3A_0 = memref.load %arg2[%get3A] : memref<1xi32, #tpu.memory_space<smem>>
    %lt3A = arith.cmpi slt, %arg0, %get3A_0 : i32
    %convert_element_type3A = arith.extui %lt3A : i1 to i32
    %cond3A = arith.constant 0 : i32
    %cond3A_1 = arith.cmpi ne, %convert_element_type3A, %cond3A : i32
    scf.if %cond3A_1 {
      %get3A_2 = arith.constant 0 : index
      %get3A_3 = arith.constant 0 : index
      %get3A_4 = vector.load %arg3[%get3A_2, %get3A_3] : memref<256x768xf32, #tpu.memory_space<vmem>>, vector<256x768xf32>
      %broadcast_in_dim3A = arith.constant 0.000000e+00 : f32
      %broadcast_in_dim3A_5 = vector.broadcast %broadcast_in_dim3A : f32 to vector<256x768xf32>
      %get3A_6 = arith.constant 0 : index
      %get3A_7 = arith.constant 0 : index
      %get3A_8 = arith.constant 0 : index
      %get3A_9 = vector.load %arg5[%get3A_6, %get3A_7, %get3A_8] : memref<1x1536x768xf32, #tpu.memory_space<vmem>>, vector<1x512x768xf32>
      %get3A_10 = vector.shape_cast %get3A_9 : vector<1x512x768xf32> to vector<512x768xf32>
      %get3A_11 = arith.constant 0 : index
      %get3A_12 = arith.constant 0 : index
      %get3A_13 = arith.constant 0 : index
      %get3A_14 = vector.load %arg6[%get3A_11, %get3A_12, %get3A_13] : memref<1x1536x768xf32, #tpu.memory_space<vmem>>, vector<1x512x768xf32>
      %get3A_15 = vector.shape_cast %get3A_14 : vector<1x512x768xf32> to vector<512x768xf32>
      %get3A_16 = arith.constant 0 : index
      %get3A_17 = arith.constant 0 : index
      %get3A_18 = arith.constant 0 : index
      %get3A_19 = vector.load %arg7[%get3A_16, %get3A_17, %get3A_18] : memref<1x768x1536xf32, #tpu.memory_space<vmem>>, vector<1x768x512xf32>
      %get3A_20 = vector.shape_cast %get3A_19 : vector<1x768x512xf32> to vector<768x512xf32>
      %dot_general3A = arith.constant dense<0.000000e+00> : vector<256x512xf32>
      %dot_general3A_21 = tpu.matmul %get3A_4, %get3A_10, %dot_general3A {dimension_numbers = #tpu.dot_dimension_numbers<[1], [1], [0], [0], [0, 0, 1, 0], [], []>, transpose_lhs_hint = false} : vector<256x768xf32>, vector<512x768xf32>, vector<256x512xf32> -> vector<256x512xf32>
      %dot_general3A_22 = arith.constant dense<0.000000e+00> : vector<256x512xf32>
      %dot_general3A_23 = tpu.matmul %get3A_4, %get3A_15, %dot_general3A_22 {dimension_numbers = #tpu.dot_dimension_numbers<[1], [1], [0], [0], [0, 0, 1, 0], [], []>, transpose_lhs_hint = false} : vector<256x768xf32>, vector<512x768xf32>, vector<256x512xf32> -> vector<256x512xf32>
      %mul3A = arith.constant 5.000000e-01 : f32
      %mul3A_24 = vector.broadcast %mul3A : f32 to vector<256x512xf32>
      %mul3A_25 = arith.mulf %mul3A_24, %dot_general3A_21 : vector<256x512xf32>
      %mul3A_26 = arith.constant 0.707106769 : f32
      %mul3A_27 = vector.broadcast %mul3A_26 : f32 to vector<256x512xf32>
      %mul3A_28 = arith.mulf %dot_general3A_21, %mul3A_27 : vector<256x512xf32>
      %erf3A = math.erf %mul3A_28 : vector<256x512xf32>
      %add3A = arith.constant 1.000000e+00 : f32
      %add3A_29 = vector.broadcast %add3A : f32 to vector<256x512xf32>
      %add3A_30 = arith.addf %add3A_29, %erf3A : vector<256x512xf32>
      %mul3A_31 = arith.mulf %mul3A_25, %add3A_30 : vector<256x512xf32>
      %mul3A_32 = arith.mulf %mul3A_31, %dot_general3A_23 : vector<256x512xf32>
      %dot_general3A_33 = arith.constant dense<0.000000e+00> : vector<256x768xf32>
      %dot_general3A_34 = tpu.matmul %mul3A_32, %get3A_20, %dot_general3A_33 {dimension_numbers = #tpu.dot_dimension_numbers<[1], [1], [0], [0], [0, 0, 1, 0], [], []>, transpose_lhs_hint = false} : vector<256x512xf32>, vector<768x512xf32>, vector<256x768xf32> -> vector<256x768xf32>
      %add3A_35 = arith.addf %broadcast_in_dim3A_5, %dot_general3A_34 : vector<256x768xf32>
      %get3A_36 = arith.constant 0 : index
      %get3A_37 = arith.constant 512 : index
      %get3A_38 = arith.constant 0 : index
      %get3A_39 = vector.load %arg5[%get3A_36, %get3A_37, %get3A_38] : memref<1x1536x768xf32, #tpu.memory_space<vmem>>, vector<1x512x768xf32>
      %get3A_40 = vector.shape_cast %get3A_39 : vector<1x512x768xf32> to vector<512x768xf32>
      %get3A_41 = arith.constant 0 : index
      %get3A_42 = arith.constant 512 : index
      %get3A_43 = arith.constant 0 : index
      %get3A_44 = vector.load %arg6[%get3A_41, %get3A_42, %get3A_43] : memref<1x1536x768xf32, #tpu.memory_space<vmem>>, vector<1x512x768xf32>
      %get3A_45 = vector.shape_cast %get3A_44 : vector<1x512x768xf32> to vector<512x768xf32>
      %get3A_46 = arith.constant 0 : index
      %get3A_47 = arith.constant 0 : index
      %get3A_48 = arith.constant 512 : index
      %get3A_49 = vector.load %arg7[%get3A_46, %get3A_47, %get3A_48] : memref<1x768x1536xf32, #tpu.memory_space<vmem>>, vector<1x768x512xf32>
      %get3A_50 = vector.shape_cast %get3A_49 : vector<1x768x512xf32> to vector<768x512xf32>
      %dot_general3A_51 = arith.constant dense<0.000000e+00> : vector<256x512xf32>
      %dot_general3A_52 = tpu.matmul %get3A_4, %get3A_40, %dot_general3A_51 {dimension_numbers = #tpu.dot_dimension_numbers<[1], [1], [0], [0], [0, 0, 1, 0], [], []>, transpose_lhs_hint = false} : vector<256x768xf32>, vector<512x768xf32>, vector<256x512xf32> -> vector<256x512xf32>
      %dot_general3A_53 = arith.constant dense<0.000000e+00> : vector<256x512xf32>
      %dot_general3A_54 = tpu.matmul %get3A_4, %get3A_45, %dot_general3A_53 {dimension_numbers = #tpu.dot_dimension_numbers<[1], [1], [0], [0], [0, 0, 1, 0], [], []>, transpose_lhs_hint = false} : vector<256x768xf32>, vector<512x768xf32>, vector<256x512xf32> -> vector<256x512xf32>
      %mul3A_55 = arith.constant 5.000000e-01 : f32
      %mul3A_56 = vector.broadcast %mul3A_55 : f32 to vector<256x512xf32>
      %mul3A_57 = arith.mulf %mul3A_56, %dot_general3A_52 : vector<256x512xf32>
      %mul3A_58 = arith.constant 0.707106769 : f32
      %mul3A_59 = vector.broadcast %mul3A_58 : f32 to vector<256x512xf32>
      %mul3A_60 = arith.mulf %dot_general3A_52, %mul3A_59 : vector<256x512xf32>
      %erf3A_61 = math.erf %mul3A_60 : vector<256x512xf32>
      %add3A_62 = arith.constant 1.000000e+00 : f32
      %add3A_63 = vector.broadcast %add3A_62 : f32 to vector<256x512xf32>
      %add3A_64 = arith.addf %add3A_63, %erf3A_61 : vector<256x512xf32>
      %mul3A_65 = arith.mulf %mul3A_57, %add3A_64 : vector<256x512xf32>
      %mul3A_66 = arith.mulf %mul3A_65, %dot_general3A_54 : vector<256x512xf32>
      %dot_general3A_67 = arith.constant dense<0.000000e+00> : vector<256x768xf32>
      %dot_general3A_68 = tpu.matmul %mul3A_66, %get3A_50, %dot_general3A_67 {dimension_numbers = #tpu.dot_dimension_numbers<[1], [1], [0], [0], [0, 0, 1, 0], [], []>, transpose_lhs_hint = false} : vector<256x512xf32>, vector<768x512xf32>, vector<256x768xf32> -> vector<256x768xf32>
      %add3A_69 = arith.addf %add3A_35, %dot_general3A_68 : vector<256x768xf32>
      %get3A_70 = arith.constant 0 : index
      %get3A_71 = arith.constant 1024 : index
      %get3A_72 = arith.constant 0 : index
      %get3A_73 = vector.load %arg5[%get3A_70, %get3A_71, %get3A_72] : memref<1x1536x768xf32, #tpu.memory_space<vmem>>, vector<1x512x768xf32>
      %get3A_74 = vector.shape_cast %get3A_73 : vector<1x512x768xf32> to vector<512x768xf32>
      %get3A_75 = arith.constant 0 : index
      %get3A_76 = arith.constant 1024 : index
      %get3A_77 = arith.constant 0 : index
      %get3A_78 = vector.load %arg6[%get3A_75, %get3A_76, %get3A_77] : memref<1x1536x768xf32, #tpu.memory_space<vmem>>, vector<1x512x768xf32>
      %get3A_79 = vector.shape_cast %get3A_78 : vector<1x512x768xf32> to vector<512x768xf32>
      %get3A_80 = arith.constant 0 : index
      %get3A_81 = arith.constant 0 : index
      %get3A_82 = arith.constant 1024 : index
      %get3A_83 = vector.load %arg7[%get3A_80, %get3A_81, %get3A_82] : memref<1x768x1536xf32, #tpu.memory_space<vmem>>, vector<1x768x512xf32>
      %get3A_84 = vector.shape_cast %get3A_83 : vector<1x768x512xf32> to vector<768x512xf32>
      %dot_general3A_85 = arith.constant dense<0.000000e+00> : vector<256x512xf32>
      %dot_general3A_86 = tpu.matmul %get3A_4, %get3A_74, %dot_general3A_85 {dimension_numbers = #tpu.dot_dimension_numbers<[1], [1], [0], [0], [0, 0, 1, 0], [], []>, transpose_lhs_hint = false} : vector<256x768xf32>, vector<512x768xf32>, vector<256x512xf32> -> vector<256x512xf32>
      %dot_general3A_87 = arith.constant dense<0.000000e+00> : vector<256x512xf32>
      %dot_general3A_88 = tpu.matmul %get3A_4, %get3A_79, %dot_general3A_87 {dimension_numbers = #tpu.dot_dimension_numbers<[1], [1], [0], [0], [0, 0, 1, 0], [], []>, transpose_lhs_hint = false} : vector<256x768xf32>, vector<512x768xf32>, vector<256x512xf32> -> vector<256x512xf32>
      %mul3A_89 = arith.constant 5.000000e-01 : f32
      %mul3A_90 = vector.broadcast %mul3A_89 : f32 to vector<256x512xf32>
      %mul3A_91 = arith.mulf %mul3A_90, %dot_general3A_86 : vector<256x512xf32>
      %mul3A_92 = arith.constant 0.707106769 : f32
      %mul3A_93 = vector.broadcast %mul3A_92 : f32 to vector<256x512xf32>
      %mul3A_94 = arith.mulf %dot_general3A_86, %mul3A_93 : vector<256x512xf32>
      %erf3A_95 = math.erf %mul3A_94 : vector<256x512xf32>
      %add3A_96 = arith.constant 1.000000e+00 : f32
      %add3A_97 = vector.broadcast %add3A_96 : f32 to vector<256x512xf32>
      %add3A_98 = arith.addf %add3A_97, %erf3A_95 : vector<256x512xf32>
      %mul3A_99 = arith.mulf %mul3A_91, %add3A_98 : vector<256x512xf32>
      %mul3A_100 = arith.mulf %mul3A_99, %dot_general3A_88 : vector<256x512xf32>
      %dot_general3A_101 = arith.constant dense<0.000000e+00> : vector<256x768xf32>
      %dot_general3A_102 = tpu.matmul %mul3A_100, %get3A_84, %dot_general3A_101 {dimension_numbers = #tpu.dot_dimension_numbers<[1], [1], [0], [0], [0, 0, 1, 0], [], []>, transpose_lhs_hint = false} : vector<256x512xf32>, vector<768x512xf32>, vector<256x768xf32> -> vector<256x768xf32>
      %add3A_103 = arith.addf %add3A_69, %dot_general3A_102 : vector<256x768xf32>
      %get3A_104 = arith.constant 0 : index
      %get3A_105 = arith.constant 0 : index
      %get3A_106 = arith.constant 0 : index
      %get3A_107 = vector.load %arg4[%get3A_104, %get3A_105, %get3A_106] : memref<1x1x256xf32, #tpu.memory_space<vmem>>, vector<1x1x256xf32>
      %get3A_108 = vector.shape_cast %get3A_107 : vector<1x1x256xf32> to vector<256xf32>
      %reshape3A = vector.shape_cast %get3A_108 : vector<256xf32> to vector<256x1xf32>
      %mul3A_109 = vector.broadcast %reshape3A : vector<256x1xf32> to vector<256x768xf32>
      %mul3A_110 = arith.mulf %add3A_103, %mul3A_109 : vector<256x768xf32>
      %swap3A = arith.constant 0 : index
      %swap3A_111 = arith.constant 0 : index
      %swap3A_112 = vector.load %arg8[%swap3A, %swap3A_111] : memref<256x768xf32, #tpu.memory_space<vmem>>, vector<256x768xf32>
      tpu.vector_store %arg8[%swap3A, %swap3A_111], %mul3A_110 {strides = array<i32>} : memref<256x768xf32, #tpu.memory_space<vmem>>, vector<256x768xf32>,
    } else {
    }
    return
  }
  func.func @transform_0(%arg0: i32, %arg1: memref<64xi32, #tpu.memory_space<smem>>, %arg2: memref<1xi32, #tpu.memory_space<smem>>) -> (i32, i32) {
    %get3A = arith.constant 0 : index
    %get3A_0 = memref.load %arg2[%get3A] : memref<1xi32, #tpu.memory_space<smem>>
    %sub3A = arith.constant 1 : i32
    %sub3A_1 = arith.subi %get3A_0, %sub3A : i32
    %min3A = arith.minsi %arg0, %sub3A_1 : i32
    %max3A = arith.constant 0 : i32
    %max3A_2 = arith.maxsi %min3A, %max3A : i32
    %c0_i32 = arith.constant 0 : i32
    %c0_i32_3 = arith.constant 0 : i32
    return %max3A_2, %c0_i32 : i32, i32
  }
  func.func @transform_1(%arg0: i32, %arg1: memref<64xi32, #tpu.memory_space<smem>>, %arg2: memref<1xi32, #tpu.memory_space<smem>>) -> (i32, i32, i32) {
    %get3A = arith.constant 0 : index
    %get3A_0 = memref.load %arg2[%get3A] : memref<1xi32, #tpu.memory_space<smem>>
    %sub3A = arith.constant 1 : i32
    %sub3A_1 = arith.subi %get3A_0, %sub3A : i32
    %min3A = arith.minsi %arg0, %sub3A_1 : i32
    %max3A = arith.constant 0 : i32
    %max3A_2 = arith.maxsi %min3A, %max3A : i32
    %c0_i32 = arith.constant 0 : i32
    %c0_i32_3 = arith.constant 0 : i32
    %c0_i32_4 = arith.constant 0 : i32
    return %max3A_2, %c0_i32, %c0_i32_3 : i32, i32, i32
  }
  func.func @transform_2(%arg0: i32, %arg1: memref<64xi32, #tpu.memory_space<smem>>, %arg2: memref<1xi32, #tpu.memory_space<smem>>) -> (i32, i32, i32) {
    %get3A = arith.index_cast %arg0 : i32 to index
    %get3A_0 = memref.load %arg1[%get3A] : memref<64xi32, #tpu.memory_space<smem>>
    %c0_i32 = arith.constant 0 : i32
    %c0_i32_1 = arith.constant 0 : i32
    %c0_i32_2 = arith.constant 0 : i32
    return %get3A_0, %c0_i32, %c0_i32_1 : i32, i32, i32
  }
  func.func @transform_3(%arg0: i32, %arg1: memref<64xi32, #tpu.memory_space<smem>>, %arg2: memref<1xi32, #tpu.memory_space<smem>>) -> (i32, i32, i32) {
    %get3A = arith.index_cast %arg0 : i32 to index
    %get3A_0 = memref.load %arg1[%get3A] : memref<64xi32, #tpu.memory_space<smem>>
    %c0_i32 = arith.constant 0 : i32
    %c0_i32_1 = arith.constant 0 : i32
    %c0_i32_2 = arith.constant 0 : i32
    return %get3A_0, %c0_i32, %c0_i32_1 : i32, i32, i32
  }
  func.func @transform_4(%arg0: i32, %arg1: memref<64xi32, #tpu.memory_space<smem>>, %arg2: memref<1xi32, #tpu.memory_space<smem>>) -> (i32, i32, i32) {
    %get3A = arith.index_cast %arg0 : i32 to index
    %get3A_0 = memref.load %arg1[%get3A] : memref<64xi32, #tpu.memory_space<smem>>
    %c0_i32 = arith.constant 0 : i32
    %c0_i32_1 = arith.constant 0 : i32
    %c0_i32_2 = arith.constant 0 : i32
    return %get3A_0, %c0_i32, %c0_i32_1 : i32, i32, i32
  }
  func.func @transform_5(%arg0: i32, %arg1: memref<64xi32, #tpu.memory_space<smem>>, %arg2: memref<1xi32, #tpu.memory_space<smem>>) -> (i32, i32) {
    %get3A = arith.constant 0 : index
    %get3A_0 = memref.load %arg2[%get3A] : memref<1xi32, #tpu.memory_space<smem>>
    %sub3A = arith.constant 1 : i32
    %sub3A_1 = arith.subi %get3A_0, %sub3A : i32
    %min3A = arith.minsi %arg0, %sub3A_1 : i32
    %max3A = arith.constant 0 : i32
    %max3A_2 = arith.maxsi %min3A, %max3A : i32
    %c0_i32 = arith.constant 0 : i32
    %c0_i32_3 = arith.constant 0 : i32
    return %max3A_2, %c0_i32 : i32, i32
  }
}

</mosaic_0001>

<sc_bundles>
// kernel: gather_offload_async_start.1
scs
__scs_entry_jumppad:
0x0: {  	(pc) =	sbr.rel $0x88, $3  }
0x1: {  	(tag) =	ssettag $0x0;
	lr =	simm.s32 $0x1  }
0x2: {  	[smem:$0x3F9A] =	sst lr;
	_ =	strace $0xD0000000  }
0x3: {  	_ = 	snop  }
0x4: {  	_ = 	snop  }
0x5: {  	_ = 	snop  }
0x6: {  	_ = 	snop  }
0x7: {  	_ = 	snop  }
__scs_overlays_trampoline_lowered:
0x8: {  	[smem:$0x3FA9] =	sst s0  }
0x9: {  	[smem:$0x3FAA] =	sst s1  }
0xa: {  	[smem:$0x3FAB] =	sst s2  }
0xb: {  	[smem:$0x3FAC] =	sst s3  }
0xc: {  	[smem:$0x3FAD] =	sst s4  }
0xd: {  	[smem:$0x3FAE] =	sst s5  }
0xe: {  	[smem:$0x3FAF] =	sst s6  }
0xf: {  	[smem:$0x3FB0] =	sst s7  }
0x10: {  	[smem:$0x3FB1] =	sst s8  }
0x11: {  	[smem:$0x3FB2] =	sst s9;
	s0 =	simm.s32 @!p0 $0x0  }
0x12: {  	s1 =	sld [smem:$0x3F98];
	s0 =	simm.s32 @p0 $0x1  }
0x13: {  	[smem:$0x3FB3] =	sst s0;
	s0 =	simm.s32 @!p1 $0x0  }
0x14: {  	s2 =	sld [smem:$0x3F97];
	s0 =	simm.s32 @p1 $0x1  }
0x15: {  	[smem:$0x3FB4] =	sst s0;
	s0 =	simm.s32 @!p2 $0x0  }
0x16: {  	s3 =	sld [smem:$0x3FDB];
	s0 =	simm.s32 @p2 $0x1  }
0x17: {  	s4 =	simm.s32 $0x1BF5;
	[smem:$0x3FB6] =	sst s0  }
0x18: {  	s0 =	sld [smem:$0x3F99];
	_ =	swait.ge [sflag:s4], $0x0  }
0x19: {  	s7 =	sld [smem:$0x3F9A]  }
0x1a: {  	s8 =	sadd.s32 $0xFFFFE003, lr  }
0x1b: {  	s9 =	sadd.s32 $0xFFFFFEF7, lr;
	s5 =	simm.s32 $0xFFFFFFFF;
	p2 =	slt.u32 s8, $0xFFFFF086  }
0x1c: {  	p1 =	slt.u32 s9, $0xF7A;
	s5 =	simm.s32 @!p2 $0x0  }
0x1d: {  	s5 =	simm.s32 @p1 $0x1;
	p0 =	seq.s32 s7, s2  }
0x1e: {  	s7 =	smul.u32 @!p0 $0xF7A, s2;
	p2 =	seq.s32 @!p0 s5, $0x0  }
0x1f: {  	s9 =	smul.u32 $0xF7A, s1;
	s8 =	simm.s32 @!p0 $0x1BF5;
	p2 =	por !p2, p0  }
0x20: {  	[sflag:s8] =	ssyncset.s32 @!p0 $0xFFFFF086;
	s6 =	sadd.s32 @!p0 s3, s7;
	s7 =	simm.s32 @!p0 $0x108  }
0x21: {  	s3 =	sadd.s32 s3, s9;
	s6 =	sadd.s32 @!p0 $0x88, s6;
	s7 =	simm.s32 @p2 $0x1082  }
0x22: {  	[simem:s7], [sflag:s8] =	dma.local @!p0 [hbm:s6], $0xF7A  }
0x23: {  	s9 =	sor.u32 $0xD0000000, s2;
	s6 =	simm.s32 $0x108;
	_ =	swait.ge @!p0 [sflag:s8], $0x0  }
0x24: {  	s3 =	sadd.s32 $0x88, s3;
	s6 =	simm.s32 @!p1 $0x1082;
	[sflag:s4] =	ssyncset.s32 $0xFFFFF086  }
0x25: {  	[simem:s6], [sflag:s4] =	dma.local [hbm:s3], $0xF7A  }
0x26: {  	[smem:$0x3F9A] =	sst s1;
	(tag) =	ssettag s2;
	_ =	strace s9  }
0x27: {  	s1 =	sld [smem:$0x3FAA]  }
0x28: {  	s2 =	sld [smem:$0x3FAB]  }
0x29: {  	s4 =	sld [smem:$0x3FAD]  }
0x2a: {  	p0 =	seq.s32 s5, $0x0;
	s5 =	sld [smem:$0x3FAE]  }
0x2b: {  	s6 =	sld [smem:$0x3FAF]  }
0x2c: {  	s7 =	sld [smem:$0x3FB0]  }
0x2d: {  	s3 =	simm.s32 $0x108;
	s8 =	sld [smem:$0x3FB1]  }
0x2e: {  	s3 =	simm.s32 @!p0 $0x1082;
	s9 =	sld [smem:$0x3FB2]  }
0x2f: {  	lr =	sadd.s32 s0, s3;
	s0 =	sld [smem:$0x3FA9]  }
0x30: {  	s3 =	sld [smem:$0x3FAC]  }
0x31: {  	[smem:$0x3FB5] =	sst s10  }
0x32: {  	s10 =	sld [smem:$0x3FB3];
	_ =	sdelay $0x3  }
0x33: {  	p0 =	seq.s32 s10, $0x1;
	s10 =	sld [smem:$0x3FB5];
	_ =	sdelay $0x3  }
0x34: {  	[smem:$0x3FB5] =	sst s10  }
0x35: {  	s10 =	sld [smem:$0x3FB4];
	_ =	sdelay $0x3  }
0x36: {  	p1 =	seq.s32 s10, $0x1;
	s10 =	sld [smem:$0x3FB5];
	_ =	sdelay $0x3  }
0x37: {  	[smem:$0x3FB5] =	sst s10  }
0x38: {  	s10 =	sld [smem:$0x3FB6]  }
0x39: {  	_ = 	snop;
	(pc) =	sbr.ind lr, $3  }
0x3a: {  	_ = 	snop  }
0x3b: {  	_ = 	snop  }
0x3c: {  	p2 =	seq.s32 s10, $0x1;
	s10 =	sld [smem:$0x3FB5]  }
0x3d: {  	_ =	shalt  }
0x3e: {  	_ =	shalt  }
0x3f: {  	_ =	shalt  }
0x40: {  	_ =	shalt  }
0x41: {  	_ =	shalt  }
0x42: {  	_ =	shalt  }
0x43: {  	_ =	shalt  }
0x44: {  	_ =	shalt  }
0x45: {  	_ =	shalt  }
0x46: {  	_ =	shalt  }
0x47: {  	_ =	shalt  }
0x48: {  	_ =	shalt  }
0x49: {  	_ =	shalt  }
0x4a: {  	_ =	shalt  }
0x4b: {  	_ =	shalt  }
0x4c: {  	_ =	shalt  }
0x4d: {  	_ =	shalt  }
0x4e: {  	_ =	shalt  }
0x4f: {  	_ =	shalt  }
0x50: {  	_ =	shalt  }
0x51: {  	_ =	shalt  }
0x52: {  	_ =	shalt  }
0x53: {  	_ =	shalt  }
0x54: {  	_ =	shalt  }
0x55: {  	_ =	shalt  }
0x56: {  	_ =	shalt  }
0x57: {  	_ =	shalt  }
0x58: {  	_ =	shalt  }
0x59: {  	_ =	shalt  }
0x5a: {  	_ =	shalt  }
0x5b: {  	_ =	shalt  }
0x5c: {  	_ =	shalt  }
0x5d: {  	_ =	shalt  }
0x5e: {  	_ =	shalt  }
0x5f: {  	_ =	shalt  }
0x60: {  	_ =	shalt  }
0x61: {  	_ =	shalt  }
0x62: {  	_ =	shalt  }
0x63: {  	_ =	shalt  }
0x64: {  	_ =	shalt  }
0x65: {  	_ =	shalt  }
0x66: {  	_ =	shalt  }
0x67: {  	_ =	shalt  }
0x68: {  	_ =	shalt  }
0x69: {  	_ =	shalt  }
0x6a: {  	_ =	shalt  }
0x6b: {  	_ =	shalt  }
0x6c: {  	_ =	shalt  }
0x6d: {  	_ =	shalt  }
0x6e: {  	_ =	shalt  }
0x6f: {  	_ =	shalt  }
0x70: {  	_ =	shalt  }
0x71: {  	_ =	shalt  }
0x72: {  	_ =	shalt  }
0x73: {  	_ =	shalt  }
0x74: {  	_ =	shalt  }
0x75: {  	_ =	shalt  }
0x76: {  	_ =	shalt  }
0x77: {  	_ =	shalt  }
0x78: {  	_ =	shalt  }
0x79: {  	_ =	shalt  }
0x7a: {  	_ =	shalt  }
0x7b: {  	_ =	shalt  }
0x7c: {  	_ =	shalt  }
0x7d: {  	_ =	shalt  }
0x7e: {  	_ =	shalt  }
0x7f: {  	_ =	shalt  }
0x80: {  	_ =	shalt  }
0x81: {  	_ =	shalt  }
0x82: {  	_ =	shalt  }
0x83: {  	_ =	shalt  }
0x84: {  	_ =	shalt  }
0x85: {  	_ =	shalt  }
0x86: {  	_ =	shalt  }
0x87: {  	_ =	shalt  }
.Lfunc_end0:
.L_simem_size_0:
called_computation.1_lowered:
.L_overlay_start_0:
0x88: {  	s2 =	sld [smem:$0x3FD9]  }
0x89: {  	s3 =	sld [smem:$0x3FFE];
	_ =	sdelay $0x1  }
0x8a: {  	s1 =	srdreg.scid  }
0x8b: {  	s0 =	sand.u32 $0x1, s1  }
0x8c: {  	s17 =	sshll.u32 s0, $0xA;
	s2 =	sadd.s32 s3, s2  }
0x8d: {  	s2 =	sadd.s32 s2, s17  }
0x8e: {  	[smem:$0x3FC1] =	sst s2  }
0x8f: {  	_ = 	snop  }
0x90: {  	(tm) =	ssettm $0x1  }
0x91: {  	s18 =	sld [smem:$0x3FFB];
	_ =	sdelay $0x3  }
0x92: {  	_ =	strace s18  }
0x93: {  	s2 =	sld [smem:$0x3FFC];
	_ =	sdelay $0x3  }
0x94: {  	_ =	strace s2  }
0x95: {  	s2 =	sld [smem:$0x3FFD];
	_ =	sdelay $0x3  }
0x96: {  	_ =	strace s2  }
0x97: {  	_ =	strace $0x8FFFFFFF  }
0x98: {  	s19 =	sld [smem:$0x3FDB];
	_ =	sdelay $0x1  }
0x99: {  	s20 =	simm.s32 $_scs_section_size  }
0x9a: {  	s4 =	simm.s32 $_size__tile_overlayer_lowered;
	s5 =	simm.s32 $_tile_overlayer_lowered  }
0x9b: {  	s6 =	simm.s32 $0x1BFF;
	s21 =	sshll.u32 s5, $0x1;
	s3 =	sadd.s32 s20, s19  }
0x9c: {  	s22 =	simm.s32 $0x0;
	s4 =	sshll.u32 s4, $0x1;
	s5 =	sadd.s32 s21, s3  }
0x9d: {  	[timem:s22], [sflag:s6] =	dma.local [hbm:s5], s4  }
0x9e: {  	_ =	swait.ge [sflag:s6], s4  }
0x9f: {  	s4 =	ssub.s32 $0x0, s4;
	[sflag:s6] =	ssyncset.done $0x0  }
0xa0: {  	[sflag:s6] =	ssyncadd.s32 s4;
	_ =	sdelay $0x1  }
0xa1: {  	s23 =	simm.s32 $0x1B8B  }
0xa2: {  	_ =	swait.ge [sflag:s23], $0x1  }
0xa3: {  	[sflag:s23] =	ssyncset.done $0x0  }
0xa4: {  	[sflag:s23] =	ssyncadd.s32 $0xFFFFFFFF  }
0xa5: {  	s4 =	sld [smem:$0x0]  }
0xa6: {  	s5 =	sand.u32 $0xFFFFFFFE, s1  }
0xa7: {  	p0 =	sne.s32 s1, s5  }
0xa8: {  	s5 =	sshll.u32 @p0 s5, $0xE  }
0xa9: {  	s5 =	sadd.s32 @p0 $0x11B8D, s5;
	s6 =	sshll.u32 @p0 s4, $0x11  }
0xaa: {  	s5 =	sor.u32 @p0 s6, s5  }
0xab: {  	[sflag:s5] =	ssyncadd.remote.s32 @p0 $0x1;
	_ =	sdelay $0x1  }
0xac: {  	s5 =	simm.s32 @p0 $0x1B8D  }
0xad: {  	_ =	swait.eq @p0 [sflag:s5], $0x1  }
0xae: {  	[sflag:s5] =	ssyncadd.s32 @p0 $0xFFFFFFFF  }
0xaf: {  	s6 =	sshll.u32 @!p0 s1, $0xE  }
0xb0: {  	s6 =	sor.u32 @!p0 $0x4000, s6;
	s5 =	simm.s32 @!p0 $0x1B8D  }
0xb1: {  	s4 =	sshll.u32 @!p0 s4, $0x11;
	s6 =	sadd.s32 @!p0 $0x11B8D, s6;
	_ =	swait.eq @!p0 [sflag:s5], $0x1  }
0xb2: {  	s4 =	sor.u32 @!p0 s4, s6;
	[sflag:s5] =	ssyncadd.s32 @!p0 $0xFFFFFFFF  }
0xb3: {  	s25 =	simm.s32 $0x1B8E;
	s24 =	sld [smem:$0x3FFE];
	[sflag:s4] =	ssyncadd.remote.s32 @!p0 $0x1  }
0xb4: {  	s26 =	simm.s32 $execute0_lowered;
	[smem:$0x3FD2] =	sst s25  }
0xb5: {  	s5 =	sshll.u32 s26, $0x1;
	_ =	strace $0x80000064;
	[dreg:$0x1] =	wrdreg $0xFFFFFFFF  }
0xb6: {  	s28 =	simm.s32 $_size_execute0_lowered;
	s3 =	sadd.s32 s3, s5;
	[dreg:$0x0] =	wrdreg $0x0  }
0xb7: {  	s5 =	sshll.u32 s28, $0x1;
	[dreg:$0x2] =	wrdreg s3  }
0xb8: {  	[dreg:$0x3] =	wrdreg s5  }
0xb9: {  	[dreg:$0x4] =	wrdreg $0xC0  }
0xba: {  	_ =	task [dreg:s22], $0x5FFFF  }
0xbb: {  	[dreg:$0x1] =	wrdreg $0xFFFFFFFF  }
0xbc: {  	[dreg:$0x0] =	wrdreg $0x60  }
0xbd: {  	[dreg:$0x2] =	wrdreg s24  }
0xbe: {  	[dreg:$0x3] =	wrdreg $0x10  }
0xbf: {  	_ =	task.clear_ibuf [dreg:s22], $0x4FFFF;
	_ =	strace $0x90000064  }
0xc0: {  	s29 =	simm.s32 $0x10;
	_ =	strace $0x80000066  }
0xc1: {  	_ =	swait.ge [sflag:s29], $0x1  }
0xc2: {  	[sflag:s29] =	ssyncadd.s32 $0xFFFFFFFF  }
0xc3: {  	_ =	strace $0x90000066  }
0xc4: {  	_ =	sfence  }
0xc5: {  	s30 =	sld [smem:$0x0];
	_ =	sdelay $0x2  }
0xc6: {  	s31 =	sshll.u32 s1, $0xD;
	s1 =	sshrl.u32 s1, $0x2  }
0xc7: {  	s4 =	sand.u32 $0x4000, s31;
	s1 =	sadd.s32 s1, s30  }
0xc8: {  	s0 =	sor.u32 s4, s0;
	s1 =	sshll.u32 s1, $0x11  }
0xc9: {  	s0 =	sor.u32 s1, s0  }
0xca: {  	s0 =	sadd.s32 $0x8F2B, s0  }
0xcb: {  	[sflag:s0] =	ssyncadd.remote.s32 $0x1  }
0xcc: {  	_ =	sfence.sel $0xFFFF  }
0xcd: {  	[dreg:$0x0] =	wrdreg $0xFFFFFFFF;
	(pc) =	sbr.abs _section_cstart, $3  }
0xce: {  	[dreg:$0x1] =	wrdreg $0xFFFFFFFF  }
0xcf: {  	_ =	task.clear_ibuf [dreg:s22], $0x2FFFF;
	_ =	strace $0x9FFFFFFF  }
0xd0: {  	(tm) =	ssettm $0x7FFFFFFF  }
0xd1: {  	_ =	shalt  }
tec
execute0_lowered:
.L_overlay_start_1:
0x0: {  	(tag) =	ssettag $0x1  }
0x1: {  	s7 =	rddreg [dreg:$0x0]  }
0x2: {  	s0 =	rddreg [dreg:$0x1];
	_ =	strace $0x80000065  }
0x3: {  	s1 =	srdreg.scid;
	s4 =	simm.s32 $0x1;
	s9 =	simm.s32 $0x3  }
0x4: {  	s11 =	simm.s32 $0x0;
	p0 =	por $0x0, $0x0;
	s5 =	sshll.u32 s1, $0x4  }
.Ltmp0:
0x5: {  	s1 =	stileid.u32;
	s5 =	sand.u32 $0x10, s5;
	(pc) =	sbr.rel .LBB2_1-.Ltmp0, $4  }
0x6: {  	s2 =	sadd.s32 $0xBA5200, s7;
	s3 =	sadd.s32 $0x604600, s7;
	s6 =	sor.u32 s1, s5  }
0x7: {  	[sflag:s4] =	ssyncpa.u1 $0x0;
	s5 =	simm.s32 $0x2;
	s6 =	sshll.u32 s6, $0x8  }
0x8: {  	s7 =	sadd.s32 $0x605200, s7;
	[sflag:s5] =	ssyncpa.u1 $0x0;
	s8 =	sadd.s32 $0x100, s6  }
0x9: {  	vm0 =	vmmov $0xff;
	vm1 =	vcmask $0x3F20;
	[sflag:s9] =	ssyncpa.u1 $0x0;
	s10 =	smov.u32 s6;
	s9 =	simm.s32 $0x0  }
.LBB2_9:
0xa: {  	p1 =	slt.u32 s9, $0x2;
	s11 =	sadd.s32 $0x40, s10  }
0xb: {  	s13 =	smov.u32 s6;
	s9 =	sadd.s32 $0x1, s9;
	p2 =	slt.s32 s11, s8  }
0xc: {  	s13 =	smov.u32 @p2 s11;
	p2 =	sne.s32 s9, $0x6  }
.Ltmp1:
0xd: {  	_ = 	snop;
	(pc) =	sbr.rel @!p2 .LBB2_10-.Ltmp1, $4  }
0xe: {  	s12 =	simm.s32 @!p1 $0x3  }
0xf: {  	_ =	swait.ge @!p1 [sflag:s12], $0xC000  }
0x10: {  	p0 =	por !p0, !p0;
	[sflag:s12] =	ssyncset.done @!p1 $0x0  }
0x11: {  	s11 =	smov.u32 s10;
	s10 =	smov.u32 s13;
	[sflag:s12] =	ssyncadd.s32 @!p1 $0xFFFF4000  }
.LBB2_1:
0x12: {  	p1 =	sgt.u32 s9, $0x3  }
0x13: {  	s12 =	sxor.u32 @!p1 $0xFFFFFFFF, s9  }
0x14: {  	s13 =	sshrl.u32 @!p1 s10, $0x3;
	s12 =	sshll.u32 @!p1 s12, $0x6  }
0x15: {  	s14 =	sand.u32 @!p1 $0x7, s10;
	s13 =	sadd.s32 @!p1 s3, s13;
	s12 =	sand.u32 @!p1 $0x40, s12  }
0x16: {  	[tilespmem:s12], [sflag:$0x2] =	stream.linear.gather @!p1 [hbm4b:s13+s14], $0x40, $0x38;
	[tilespmem:$0x18080] =	vst v63  }
0x17: {  	p1 =	seq.s32 s9, $0x0  }
0x18: {  	p2 =	seq.s32 @!p1 s9, $0x5  }
0x19: {  	p1 =	por p1, p2  }
.Ltmp2:
0x1a: {  	_ = 	snop;
	(pc) =	sbr.rel @p1 .LBB2_9-.Ltmp2, $1  }
0x1b: {  	_ =	sdelay $0x3  }
0x1c: {  	s12 =	simm.s32 $0x1  }
0x1d: {  	s12 =	simm.s32 @!p0 $0x0  }
0x1e: {  	s12 =	smul.u32 $0x30000, s12;
	_ =	sdelay $0x1  }
0x1f: {  	_ =	swait.ge [sflag:s5], $0x40;
	s13 =	sand.u32 $0x1, s9;
	s12 =	sshrl.u32 s12, $0x2  }
0x20: {  	s14 =	simm.s32 $0x0;
	[sflag:s5] =	ssyncset.done $0x0;
	s12 =	sor.u32 $0x80, s12  }
0x21: {  	s13 =	sshll.u32 s13, $0x6;
	[sflag:s5] =	ssyncadd.s32 $0xFFFFFFC0;
	s15 =	smov.u32 s12  }
.LBB2_3:
0x22: {  	s16 =	sshll.u32 s14, $0x4  }
0x23: {  	s16 =	sand.u32 $0x3FFFFFF0, s16  }
0x24: {  	s16 =	sadd.s32 s16, s13  }
0x25: {  	v0 =	vld.msk [tilespmem:s16+$0x0 ss:$0x1], $0xffff;
	_ =	sdelay $0x4  }
0x26: {  	vm2 =	vgt.s32 v0, $0x0  }
0x27: {  	v0 =	vnsel vm2, $0x0, v0  }
0x28: {  	v0 =	vmin.u32 v0, $0x3FFF  }
0x29: {  	v1 =	vshrl.u32 v0, $0x3  }
0x2a: {  	v0 =	vshll.u32 v0, $0x7;
	v1 =	vmul.u32 $0x1800, v1  }
0x2b: {  	v0 =	vand.u32 $0x380, v0  }
0x2c: {  	v0 =	vor.u32 v0, v1  }
0x2d: {  	v0 =	vshrl.u32 v0, $0x3;
	_ =	sdelay $0x3  }
0x2e: {  	s17 =	sadd.s32 $0x0, s15  }
0x2f: {  	[tilespmem:s17], [sflag:$0x1] =	stream.indirect_vreg.gather [hbm:s2], $0x80, v0, vm0, $0x38;
	[tilespmem:$0x18080] =	vst v63  }
0x30: {  	s16 =	simm.s32 $0x1000;
	v1 =	vadd.s32 $0x80, v0;
	s17 =	sadd.s32 $0x1800, s17  }
.LBB2_4:
0x31: {  	[tilespmem:s17], [sflag:$0x1] =	stream.indirect_vreg.gather [hbm:s2], $0x80, v0, vm1, $0x38;
	[tilespmem:$0x18080] =	vst v63  }
0x32: {  	v0 =	vmov v1;
	s17 =	smov.u32 s16;
	p1 =	sne.s32 s16, $0x5000  }
.Ltmp3:
0x33: {  	s16 =	sadd.s32 $0x1000, s16;
	(pc) =	sbr.rel @p1 .LBB2_4-.Ltmp3, $4  }
0x34: {  	s17 =	sshra.s32 s17, $0x2  }
0x35: {  	s17 =	sadd.s32 s17, s15  }
0x36: {  	[tilespmem:s17], [sflag:$0x1] =	stream.indirect_vreg.gather [hbm:s2], $0x80, v1, vm0, $0x38;
	[tilespmem:$0x18080] =	vst v63  }
0x37: {  	s17 =	sadd.s32 $0x1800, s17;
	v1 =	vadd.s32 $0x80, v1  }
0x38: {  	s14 =	sadd.s32 $0x1, s14  }
0x39: {  	p1 =	sne.s32 s14, $0x4  }
.Ltmp4:
0x3a: {  	_ = 	snop;
	(pc) =	sbr.rel @p1 .LBB2_3-.Ltmp4, $3  }
0x3b: {  	_ =	sdelay $0x1  }
0x3c: {  	[tilespmem:s17], [sflag:$0x1] =	stream.indirect_vreg.gather [hbm:s2], $0x80, v0, vm1, $0x38;
	[tilespmem:$0x18080] =	vst v63  }
0x3d: {  	s15 =	sadd.s32 $0x3000, s15  }
0x3e: {  	s13 =	sshrl.u32 s11, $0x3  }
0x3f: {  	s13 =	smul.u32 $0x300, s13  }
0x40: {  	s31 =	sshll.u32 s11, $0x4  }
0x41: {  	_ =	swait.ge [sflag:s4], $0xC000;
	s11 =	sand.u32 $0x70, s31;
	s13 =	sadd.s32 s13, s7  }
0x42: {  	s14 =	sadd.s32 $0x1800, s12;
	[sflag:s4] =	ssyncset.done $0x0;
	s11 =	sadd.s32 s11, s13  }
0x43: {  	[sflag:s4] =	ssyncadd.s32 $0xFFFF4000;
	s13 =	simm.s32 $0x300;
	s15 =	sadd.s32 $0x0, s11  }
.LBB2_7:
0x44: {  	[hbm:s15] =	stream.linear.scatter [tilespmem:s12], [sflag:$0x3], $0x1800, $0x38;
	[tilespmem:$0x18080] =	vst v63  }
0x45: {  	s15 =	smov.u32 s13;
	s12 =	smov.u32 s14;
	p1 =	sne.s32 s13, $0x1500  }
.Ltmp5:
0x46: {  	s13 =	sadd.s32 $0x300, s13;
	(pc) =	sbr.rel @p1 .LBB2_7-.Ltmp5, $2  }
0x47: {  	_ =	sdelay $0x2  }
0x48: {  	s14 =	sadd.s32 $0x1800, s14;
	s15 =	sadd.s32 s15, s11  }
.Ltmp6:
0x49: {  	(pc) =	sbr.rel .LBB2_9-.Ltmp6, $2  }
0x4a: {  	_ =	sdelay $0x2  }
0x4b: {  	[hbm:s15] =	stream.linear.scatter [tilespmem:s12], [sflag:$0x3], $0x1800, $0x38;
	[tilespmem:$0x18080] =	vst v63  }
.LBB2_10:
0x4c: {  	_ =	sfence.sel $0x180000  }
0x4d: {  	s2 =	simm.s32 $0x2;
	[bflag:$0x0] =	sbarrier.arrive $0xFFFF  }
0x4e: {  	s30 =	simm.s32 $0x3;
	[sflag:s2] =	ssyncpa.u1 $0x1  }
0x4f: {  	s31 =	simm.s32 $0x1;
	[sflag:s30] =	ssyncpa.u1 $0x1  }
0x50: {  	[sflag:s31] =	ssyncpa.u1 $0x1  }
0x51: {  	p0 =	sne.s32 s1, $0x0;
	_ =	strace $0x90000065  }
0x52: {  	s0 =	sadd.s32 @!p0 $0x100000, s0;
	[bflag:$0x2] =	sbarrier.arrive $0xFFFF  }
0x53: {  	[sflag:s0] =	ssyncadd.tile.s32 @!p0 $0x1;
	_ =	shalt  }
.Lfunc_end2:
_tile_overlayer_lowered:
.L_overlay_start_2:
0x54: {  	(tag) =	ssettag $0x2  }
0x55: {  	s0 =	rddreg [dreg:$0x0];
	s2 =	stileid.u32  }
0x56: {  	s1 =	rddreg [dreg:$0x1];
	p0 =	sne.s32 s2, $0x0  }
0x57: {  	s3 =	rddreg [dreg:$0x2];
	[bflag:$0x3] =	sbarrier.arrive $0xFFFF;
	s2 =	simm.s32 @!p0 $0x1C01  }
0x58: {  	[timem:s3], [sflag:s2] =	dma.local @!p0 [hbm:s0], s1  }
0x59: {  	s0 =	simm.s32 @!p0 $0x1  }
0x5a: {  	_ =	swait.ge @!p0 [sflag:s0], s1  }
0x5b: {  	s1 =	ssub.s32 @!p0 $0x0, s1;
	[sflag:s0] =	ssyncset.done @!p0 $0x0  }
0x5c: {  	[sflag:s0] =	ssyncadd.s32 @!p0 s1  }
0x5d: {  	[bflag:$0x3] =	sbarrier.arrive $0xFFFF  }
0x5e: {  	_ =	shalt  }

// kernel: gather_offload_async_start.2
scs
__scs_entry_jumppad:
0x0: {  	(pc) =	sbr.rel $0x88, $3  }
0x1: {  	(tag) =	ssettag $0x0;
	lr =	simm.s32 $0x1  }
0x2: {  	[smem:$0x3F9A] =	sst lr;
	_ =	strace $0xD0000000  }
0x3: {  	_ = 	snop  }
0x4: {  	_ = 	snop  }
0x5: {  	_ = 	snop  }
0x6: {  	_ = 	snop  }
0x7: {  	_ = 	snop  }
__scs_overlays_trampoline_lowered:
0x8: {  	[smem:$0x3FA9] =	sst s0  }
0x9: {  	[smem:$0x3FAA] =	sst s1  }
0xa: {  	[smem:$0x3FAB] =	sst s2  }
0xb: {  	[smem:$0x3FAC] =	sst s3  }
0xc: {  	[smem:$0x3FAD] =	sst s4  }
0xd: {  	[smem:$0x3FAE] =	sst s5  }
0xe: {  	[smem:$0x3FAF] =	sst s6  }
0xf: {  	[smem:$0x3FB0] =	sst s7  }
0x10: {  	[smem:$0x3FB1] =	sst s8  }
0x11: {  	[smem:$0x3FB2] =	sst s9;
	s0 =	simm.s32 @!p0 $0x0  }
0x12: {  	s1 =	sld [smem:$0x3F98];
	s0 =	simm.s32 @p0 $0x1  }
0x13: {  	[smem:$0x3FB3] =	sst s0;
	s0 =	simm.s32 @!p1 $0x0  }
0x14: {  	s2 =	sld [smem:$0x3F97];
	s0 =	simm.s32 @p1 $0x1  }
0x15: {  	[smem:$0x3FB4] =	sst s0;
	s0 =	simm.s32 @!p2 $0x0  }
0x16: {  	s3 =	sld [smem:$0x3FDB];
	s0 =	simm.s32 @p2 $0x1  }
0x17: {  	s4 =	simm.s32 $0x1BF5;
	[smem:$0x3FB6] =	sst s0  }
0x18: {  	s0 =	sld [smem:$0x3F99];
	_ =	swait.ge [sflag:s4], $0x0  }
0x19: {  	s7 =	sld [smem:$0x3F9A]  }
0x1a: {  	s8 =	sadd.s32 $0xFFFFE003, lr  }
0x1b: {  	s9 =	sadd.s32 $0xFFFFFEF7, lr;
	s5 =	simm.s32 $0xFFFFFFFF;
	p2 =	slt.u32 s8, $0xFFFFF086  }
0x1c: {  	p1 =	slt.u32 s9, $0xF7A;
	s5 =	simm.s32 @!p2 $0x0  }
0x1d: {  	s5 =	simm.s32 @p1 $0x1;
	p0 =	seq.s32 s7, s2  }
0x1e: {  	s7 =	smul.u32 @!p0 $0xF7A, s2;
	p2 =	seq.s32 @!p0 s5, $0x0  }
0x1f: {  	s9 =	smul.u32 $0xF7A, s1;
	s8 =	simm.s32 @!p0 $0x1BF5;
	p2 =	por !p2, p0  }
0x20: {  	[sflag:s8] =	ssyncset.s32 @!p0 $0xFFFFF086;
	s6 =	sadd.s32 @!p0 s3, s7;
	s7 =	simm.s32 @!p0 $0x108  }
0x21: {  	s3 =	sadd.s32 s3, s9;
	s6 =	sadd.s32 @!p0 $0x88, s6;
	s7 =	simm.s32 @p2 $0x1082  }
0x22: {  	[simem:s7], [sflag:s8] =	dma.local @!p0 [hbm:s6], $0xF7A  }
0x23: {  	s9 =	sor.u32 $0xD0000000, s2;
	s6 =	simm.s32 $0x108;
	_ =	swait.ge @!p0 [sflag:s8], $0x0  }
0x24: {  	s3 =	sadd.s32 $0x88, s3;
	s6 =	simm.s32 @!p1 $0x1082;
	[sflag:s4] =	ssyncset.s32 $0xFFFFF086  }
0x25: {  	[simem:s6], [sflag:s4] =	dma.local [hbm:s3], $0xF7A  }
0x26: {  	[smem:$0x3F9A] =	sst s1;
	(tag) =	ssettag s2;
	_ =	strace s9  }
0x27: {  	s1 =	sld [smem:$0x3FAA]  }
0x28: {  	s2 =	sld [smem:$0x3FAB]  }
0x29: {  	s4 =	sld [smem:$0x3FAD]  }
0x2a: {  	p0 =	seq.s32 s5, $0x0;
	s5 =	sld [smem:$0x3FAE]  }
0x2b: {  	s6 =	sld [smem:$0x3FAF]  }
0x2c: {  	s7 =	sld [smem:$0x3FB0]  }
0x2d: {  	s3 =	simm.s32 $0x108;
	s8 =	sld [smem:$0x3FB1]  }
0x2e: {  	s3 =	simm.s32 @!p0 $0x1082;
	s9 =	sld [smem:$0x3FB2]  }
0x2f: {  	lr =	sadd.s32 s0, s3;
	s0 =	sld [smem:$0x3FA9]  }
0x30: {  	s3 =	sld [smem:$0x3FAC]  }
0x31: {  	[smem:$0x3FB5] =	sst s10  }
0x32: {  	s10 =	sld [smem:$0x3FB3];
	_ =	sdelay $0x3  }
0x33: {  	p0 =	seq.s32 s10, $0x1;
	s10 =	sld [smem:$0x3FB5];
	_ =	sdelay $0x3  }
0x34: {  	[smem:$0x3FB5] =	sst s10  }
0x35: {  	s10 =	sld [smem:$0x3FB4];
	_ =	sdelay $0x3  }
0x36: {  	p1 =	seq.s32 s10, $0x1;
	s10 =	sld [smem:$0x3FB5];
	_ =	sdelay $0x3  }
0x37: {  	[smem:$0x3FB5] =	sst s10  }
0x38: {  	s10 =	sld [smem:$0x3FB6]  }
0x39: {  	_ = 	snop;
	(pc) =	sbr.ind lr, $3  }
0x3a: {  	_ = 	snop  }
0x3b: {  	_ = 	snop  }
0x3c: {  	p2 =	seq.s32 s10, $0x1;
	s10 =	sld [smem:$0x3FB5]  }
0x3d: {  	_ =	shalt  }
0x3e: {  	_ =	shalt  }
0x3f: {  	_ =	shalt  }
0x40: {  	_ =	shalt  }
0x41: {  	_ =	shalt  }
0x42: {  	_ =	shalt  }
0x43: {  	_ =	shalt  }
0x44: {  	_ =	shalt  }
0x45: {  	_ =	shalt  }
0x46: {  	_ =	shalt  }
0x47: {  	_ =	shalt  }
0x48: {  	_ =	shalt  }
0x49: {  	_ =	shalt  }
0x4a: {  	_ =	shalt  }
0x4b: {  	_ =	shalt  }
0x4c: {  	_ =	shalt  }
0x4d: {  	_ =	shalt  }
0x4e: {  	_ =	shalt  }
0x4f: {  	_ =	shalt  }
0x50: {  	_ =	shalt  }
0x51: {  	_ =	shalt  }
0x52: {  	_ =	shalt  }
0x53: {  	_ =	shalt  }
0x54: {  	_ =	shalt  }
0x55: {  	_ =	shalt  }
0x56: {  	_ =	shalt  }
0x57: {  	_ =	shalt  }
0x58: {  	_ =	shalt  }
0x59: {  	_ =	shalt  }
0x5a: {  	_ =	shalt  }
0x5b: {  	_ =	shalt  }
0x5c: {  	_ =	shalt  }
0x5d: {  	_ =	shalt  }
0x5e: {  	_ =	shalt  }
0x5f: {  	_ =	shalt  }
0x60: {  	_ =	shalt  }
0x61: {  	_ =	shalt  }
0x62: {  	_ =	shalt  }
0x63: {  	_ =	shalt  }
0x64: {  	_ =	shalt  }
0x65: {  	_ =	shalt  }
0x66: {  	_ =	shalt  }
0x67: {  	_ =	shalt  }
0x68: {  	_ =	shalt  }
0x69: {  	_ =	shalt  }
0x6a: {  	_ =	shalt  }
0x6b: {  	_ =	shalt  }
0x6c: {  	_ =	shalt  }
0x6d: {  	_ =	shalt  }
0x6e: {  	_ =	shalt  }
0x6f: {  	_ =	shalt  }
0x70: {  	_ =	shalt  }
0x71: {  	_ =	shalt  }
0x72: {  	_ =	shalt  }
0x73: {  	_ =	shalt  }
0x74: {  	_ =	shalt  }
0x75: {  	_ =	shalt  }
0x76: {  	_ =	shalt  }
0x77: {  	_ =	shalt  }
0x78: {  	_ =	shalt  }
0x79: {  	_ =	shalt  }
0x7a: {  	_ =	shalt  }
0x7b: {  	_ =	shalt  }
0x7c: {  	_ =	shalt  }
0x7d: {  	_ =	shalt  }
0x7e: {  	_ =	shalt  }
0x7f: {  	_ =	shalt  }
0x80: {  	_ =	shalt  }
0x81: {  	_ =	shalt  }
0x82: {  	_ =	shalt  }
0x83: {  	_ =	shalt  }
0x84: {  	_ =	shalt  }
0x85: {  	_ =	shalt  }
0x86: {  	_ =	shalt  }
0x87: {  	_ =	shalt  }
.Lfunc_end0:
.L_simem_size_0:
called_computation.2_lowered:
.L_overlay_start_0:
0x88: {  	s2 =	sld [smem:$0x3FD9]  }
0x89: {  	s3 =	sld [smem:$0x3FFE];
	_ =	sdelay $0x1  }
0x8a: {  	s1 =	srdreg.scid  }
0x8b: {  	s0 =	sand.u32 $0x1, s1  }
0x8c: {  	s17 =	sshll.u32 s0, $0xA;
	s2 =	sadd.s32 s3, s2  }
0x8d: {  	s2 =	sadd.s32 s2, s17  }
0x8e: {  	[smem:$0x3FC1] =	sst s2  }
0x8f: {  	_ = 	snop  }
0x90: {  	(tm) =	ssettm $0x1  }
0x91: {  	s18 =	sld [smem:$0x3FFB];
	_ =	sdelay $0x3  }
0x92: {  	_ =	strace s18  }
0x93: {  	s2 =	sld [smem:$0x3FFC];
	_ =	sdelay $0x3  }
0x94: {  	_ =	strace s2  }
0x95: {  	s2 =	sld [smem:$0x3FFD];
	_ =	sdelay $0x3  }
0x96: {  	_ =	strace s2  }
0x97: {  	_ =	strace $0x8FFFFFFF  }
0x98: {  	s19 =	sld [smem:$0x3FDB];
	_ =	sdelay $0x1  }
0x99: {  	s20 =	simm.s32 $_scs_section_size  }
0x9a: {  	s4 =	simm.s32 $_size__tile_overlayer_lowered;
	s5 =	simm.s32 $_tile_overlayer_lowered  }
0x9b: {  	s6 =	simm.s32 $0x1BFF;
	s21 =	sshll.u32 s5, $0x1;
	s3 =	sadd.s32 s20, s19  }
0x9c: {  	s22 =	simm.s32 $0x0;
	s4 =	sshll.u32 s4, $0x1;
	s5 =	sadd.s32 s21, s3  }
0x9d: {  	[timem:s22], [sflag:s6] =	dma.local [hbm:s5], s4  }
0x9e: {  	_ =	swait.ge [sflag:s6], s4  }
0x9f: {  	s4 =	ssub.s32 $0x0, s4;
	[sflag:s6] =	ssyncset.done $0x0  }
0xa0: {  	[sflag:s6] =	ssyncadd.s32 s4;
	_ =	sdelay $0x1  }
0xa1: {  	s23 =	simm.s32 $0x1B8B  }
0xa2: {  	_ =	swait.ge [sflag:s23], $0x1  }
0xa3: {  	[sflag:s23] =	ssyncset.done $0x0  }
0xa4: {  	[sflag:s23] =	ssyncadd.s32 $0xFFFFFFFF  }
0xa5: {  	s4 =	sld [smem:$0x0]  }
0xa6: {  	s5 =	sand.u32 $0xFFFFFFFE, s1  }
0xa7: {  	p0 =	sne.s32 s1, s5  }
0xa8: {  	s5 =	sshll.u32 @p0 s5, $0xE  }
0xa9: {  	s5 =	sadd.s32 @p0 $0x11B8D, s5;
	s6 =	sshll.u32 @p0 s4, $0x11  }
0xaa: {  	s5 =	sor.u32 @p0 s6, s5  }
0xab: {  	[sflag:s5] =	ssyncadd.remote.s32 @p0 $0x1;
	_ =	sdelay $0x1  }
0xac: {  	s5 =	simm.s32 @p0 $0x1B8D  }
0xad: {  	_ =	swait.eq @p0 [sflag:s5], $0x1  }
0xae: {  	[sflag:s5] =	ssyncadd.s32 @p0 $0xFFFFFFFF  }
0xaf: {  	s6 =	sshll.u32 @!p0 s1, $0xE  }
0xb0: {  	s6 =	sor.u32 @!p0 $0x4000, s6;
	s5 =	simm.s32 @!p0 $0x1B8D  }
0xb1: {  	s4 =	sshll.u32 @!p0 s4, $0x11;
	s6 =	sadd.s32 @!p0 $0x11B8D, s6;
	_ =	swait.eq @!p0 [sflag:s5], $0x1  }
0xb2: {  	s4 =	sor.u32 @!p0 s4, s6;
	[sflag:s5] =	ssyncadd.s32 @!p0 $0xFFFFFFFF  }
0xb3: {  	s25 =	simm.s32 $0x1B8E;
	s24 =	sld [smem:$0x3FFE];
	[sflag:s4] =	ssyncadd.remote.s32 @!p0 $0x1  }
0xb4: {  	s26 =	simm.s32 $execute0_lowered;
	[smem:$0x3FD2] =	sst s25  }
0xb5: {  	s5 =	sshll.u32 s26, $0x1;
	_ =	strace $0x80000061;
	[dreg:$0x1] =	wrdreg $0xFFFFFFFF  }
0xb6: {  	s28 =	simm.s32 $_size_execute0_lowered;
	s3 =	sadd.s32 s3, s5;
	[dreg:$0x0] =	wrdreg $0x0  }
0xb7: {  	s5 =	sshll.u32 s28, $0x1;
	[dreg:$0x2] =	wrdreg s3  }
0xb8: {  	[dreg:$0x3] =	wrdreg s5  }
0xb9: {  	[dreg:$0x4] =	wrdreg $0xC0  }
0xba: {  	_ =	task [dreg:s22], $0x5FFFF  }
0xbb: {  	[dreg:$0x1] =	wrdreg $0xFFFFFFFF  }
0xbc: {  	[dreg:$0x0] =	wrdreg $0x60  }
0xbd: {  	[dreg:$0x2] =	wrdreg s24  }
0xbe: {  	[dreg:$0x3] =	wrdreg $0xE  }
0xbf: {  	_ =	task.clear_ibuf [dreg:s22], $0x4FFFF;
	_ =	strace $0x90000061  }
0xc0: {  	s29 =	simm.s32 $0xE;
	_ =	strace $0x80000063  }
0xc1: {  	_ =	swait.ge [sflag:s29], $0x1  }
0xc2: {  	[sflag:s29] =	ssyncadd.s32 $0xFFFFFFFF  }
0xc3: {  	_ =	strace $0x90000063  }
0xc4: {  	_ =	sfence  }
0xc5: {  	s30 =	sld [smem:$0x0];
	_ =	sdelay $0x2  }
0xc6: {  	s31 =	sshll.u32 s1, $0xD;
	s1 =	sshrl.u32 s1, $0x2  }
0xc7: {  	s4 =	sand.u32 $0x4000, s31;
	s1 =	sadd.s32 s1, s30  }
0xc8: {  	s0 =	sor.u32 s4, s0;
	s1 =	sshll.u32 s1, $0x11  }
0xc9: {  	s0 =	sor.u32 s1, s0  }
0xca: {  	s0 =	sadd.s32 $0x8F2B, s0  }
0xcb: {  	[sflag:s0] =	ssyncadd.remote.s32 $0x1  }
0xcc: {  	_ =	sfence.sel $0xFFFF  }
0xcd: {  	[dreg:$0x0] =	wrdreg $0xFFFFFFFF;
	(pc) =	sbr.abs _section_cstart, $3  }
0xce: {  	[dreg:$0x1] =	wrdreg $0xFFFFFFFF  }
0xcf: {  	_ =	task.clear_ibuf [dreg:s22], $0x2FFFF;
	_ =	strace $0x9FFFFFFF  }
0xd0: {  	(tm) =	ssettm $0x7FFFFFFF  }
0xd1: {  	_ =	shalt  }
tec
execute0_lowered:
.L_overlay_start_1:
0x0: {  	(tag) =	ssettag $0x1  }
0x1: {  	s7 =	rddreg [dreg:$0x0]  }
0x2: {  	s0 =	rddreg [dreg:$0x1];
	_ =	strace $0x80000062  }
0x3: {  	s1 =	srdreg.scid;
	s4 =	simm.s32 $0x1;
	s9 =	simm.s32 $0x3  }
0x4: {  	s11 =	simm.s32 $0x0;
	p0 =	por $0x0, $0x0;
	s5 =	sshll.u32 s1, $0x4  }
.Ltmp0:
0x5: {  	s1 =	stileid.u32;
	s5 =	sand.u32 $0x10, s5;
	(pc) =	sbr.rel .LBB2_1-.Ltmp0, $4  }
0x6: {  	s2 =	sadd.s32 $0xA25200, s7;
	s3 =	sadd.s32 $0x604200, s7;
	s6 =	sor.u32 s1, s5  }
0x7: {  	[sflag:s4] =	ssyncpa.u1 $0x0;
	s5 =	simm.s32 $0x2;
	s6 =	sshll.u32 s6, $0x8  }
0x8: {  	s7 =	sadd.s32 $0x3C0E00, s7;
	[sflag:s5] =	ssyncpa.u1 $0x0;
	s8 =	sadd.s32 $0x100, s6  }
0x9: {  	vm0 =	vmmov $0xff;
	vm1 =	vcmask $0x3F20;
	[sflag:s9] =	ssyncpa.u1 $0x0;
	s10 =	smov.u32 s6;
	s9 =	simm.s32 $0x0  }
.LBB2_9:
0xa: {  	p1 =	slt.u32 s9, $0x2;
	s11 =	sadd.s32 $0x40, s10  }
0xb: {  	s13 =	smov.u32 s6;
	s9 =	sadd.s32 $0x1, s9;
	p2 =	slt.s32 s11, s8  }
0xc: {  	s13 =	smov.u32 @p2 s11;
	p2 =	sne.s32 s9, $0x6  }
.Ltmp1:
0xd: {  	_ = 	snop;
	(pc) =	sbr.rel @!p2 .LBB2_10-.Ltmp1, $4  }
0xe: {  	s12 =	simm.s32 @!p1 $0x3  }
0xf: {  	_ =	swait.ge @!p1 [sflag:s12], $0xC000  }
0x10: {  	p0 =	por !p0, !p0;
	[sflag:s12] =	ssyncset.done @!p1 $0x0  }
0x11: {  	s11 =	smov.u32 s10;
	s10 =	smov.u32 s13;
	[sflag:s12] =	ssyncadd.s32 @!p1 $0xFFFF4000  }
.LBB2_1:
0x12: {  	p1 =	sgt.u32 s9, $0x3  }
0x13: {  	s12 =	sxor.u32 @!p1 $0xFFFFFFFF, s9  }
0x14: {  	s13 =	sshrl.u32 @!p1 s10, $0x3;
	s12 =	sshll.u32 @!p1 s12, $0x6  }
0x15: {  	s14 =	sand.u32 @!p1 $0x7, s10;
	s13 =	sadd.s32 @!p1 s3, s13;
	s12 =	sand.u32 @!p1 $0x40, s12  }
0x16: {  	[tilespmem:s12], [sflag:$0x2] =	stream.linear.gather @!p1 [hbm4b:s13+s14], $0x40, $0x38;
	[tilespmem:$0x18080] =	vst v63  }
0x17: {  	p1 =	seq.s32 s9, $0x0  }
0x18: {  	p2 =	seq.s32 @!p1 s9, $0x5  }
0x19: {  	p1 =	por p1, p2  }
.Ltmp2:
0x1a: {  	_ = 	snop;
	(pc) =	sbr.rel @p1 .LBB2_9-.Ltmp2, $1  }
0x1b: {  	_ =	sdelay $0x3  }
0x1c: {  	s12 =	simm.s32 $0x1  }
0x1d: {  	s12 =	simm.s32 @!p0 $0x0  }
0x1e: {  	s12 =	smul.u32 $0x30000, s12;
	_ =	sdelay $0x1  }
0x1f: {  	_ =	swait.ge [sflag:s5], $0x40;
	s13 =	sand.u32 $0x1, s9;
	s12 =	sshrl.u32 s12, $0x2  }
0x20: {  	s14 =	simm.s32 $0x0;
	[sflag:s5] =	ssyncset.done $0x0;
	s12 =	sor.u32 $0x80, s12  }
0x21: {  	s13 =	sshll.u32 s13, $0x6;
	[sflag:s5] =	ssyncadd.s32 $0xFFFFFFC0;
	s15 =	smov.u32 s12  }
.LBB2_3:
0x22: {  	s16 =	sshll.u32 s14, $0x4  }
0x23: {  	s16 =	sand.u32 $0x3FFFFFF0, s16  }
0x24: {  	s16 =	sadd.s32 s16, s13  }
0x25: {  	v0 =	vld.msk [tilespmem:s16+$0x0 ss:$0x1], $0xffff;
	_ =	sdelay $0x4  }
0x26: {  	vm2 =	vgt.s32 v0, $0x0  }
0x27: {  	v0 =	vnsel vm2, $0x0, v0  }
0x28: {  	v0 =	vmin.u32 v0, $0x3FFF  }
0x29: {  	v1 =	vshrl.u32 v0, $0x3  }
0x2a: {  	v0 =	vshll.u32 v0, $0x7;
	v1 =	vmul.u32 $0x1800, v1  }
0x2b: {  	v0 =	vand.u32 $0x380, v0  }
0x2c: {  	v0 =	vor.u32 v0, v1  }
0x2d: {  	v0 =	vshrl.u32 v0, $0x3;
	_ =	sdelay $0x3  }
0x2e: {  	s17 =	sadd.s32 $0x0, s15  }
0x2f: {  	[tilespmem:s17], [sflag:$0x1] =	stream.indirect_vreg.gather [hbm:s2], $0x80, v0, vm0, $0x38;
	[tilespmem:$0x18080] =	vst v63  }
0x30: {  	s16 =	simm.s32 $0x1000;
	v1 =	vadd.s32 $0x80, v0;
	s17 =	sadd.s32 $0x1800, s17  }
.LBB2_4:
0x31: {  	[tilespmem:s17], [sflag:$0x1] =	stream.indirect_vreg.gather [hbm:s2], $0x80, v0, vm1, $0x38;
	[tilespmem:$0x18080] =	vst v63  }
0x32: {  	v0 =	vmov v1;
	s17 =	smov.u32 s16;
	p1 =	sne.s32 s16, $0x5000  }
.Ltmp3:
0x33: {  	s16 =	sadd.s32 $0x1000, s16;
	(pc) =	sbr.rel @p1 .LBB2_4-.Ltmp3, $4  }
0x34: {  	s17 =	sshra.s32 s17, $0x2  }
0x35: {  	s17 =	sadd.s32 s17, s15  }
0x36: {  	[tilespmem:s17], [sflag:$0x1] =	stream.indirect_vreg.gather [hbm:s2], $0x80, v1, vm0, $0x38;
	[tilespmem:$0x18080] =	vst v63  }
0x37: {  	s17 =	sadd.s32 $0x1800, s17;
	v1 =	vadd.s32 $0x80, v1  }
0x38: {  	s14 =	sadd.s32 $0x1, s14  }
0x39: {  	p1 =	sne.s32 s14, $0x4  }
.Ltmp4:
0x3a: {  	_ = 	snop;
	(pc) =	sbr.rel @p1 .LBB2_3-.Ltmp4, $3  }
0x3b: {  	_ =	sdelay $0x1  }
0x3c: {  	[tilespmem:s17], [sflag:$0x1] =	stream.indirect_vreg.gather [hbm:s2], $0x80, v0, vm1, $0x38;
	[tilespmem:$0x18080] =	vst v63  }
0x3d: {  	s15 =	sadd.s32 $0x3000, s15  }
0x3e: {  	s13 =	sshrl.u32 s11, $0x3  }
0x3f: {  	s13 =	smul.u32 $0x300, s13  }
0x40: {  	s31 =	sshll.u32 s11, $0x4  }
0x41: {  	_ =	swait.ge [sflag:s4], $0xC000;
	s11 =	sand.u32 $0x70, s31;
	s13 =	sadd.s32 s13, s7  }
0x42: {  	s14 =	sadd.s32 $0x1800, s12;
	[sflag:s4] =	ssyncset.done $0x0;
	s11 =	sadd.s32 s11, s13  }
0x43: {  	[sflag:s4] =	ssyncadd.s32 $0xFFFF4000;
	s13 =	simm.s32 $0x300;
	s15 =	sadd.s32 $0x0, s11  }
.LBB2_7:
0x44: {  	[hbm:s15] =	stream.linear.scatter [tilespmem:s12], [sflag:$0x3], $0x1800, $0x38;
	[tilespmem:$0x18080] =	vst v63  }
0x45: {  	s15 =	smov.u32 s13;
	s12 =	smov.u32 s14;
	p1 =	sne.s32 s13, $0x1500  }
.Ltmp5:
0x46: {  	s13 =	sadd.s32 $0x300, s13;
	(pc) =	sbr.rel @p1 .LBB2_7-.Ltmp5, $2  }
0x47: {  	_ =	sdelay $0x2  }
0x48: {  	s14 =	sadd.s32 $0x1800, s14;
	s15 =	sadd.s32 s15, s11  }
.Ltmp6:
0x49: {  	(pc) =	sbr.rel .LBB2_9-.Ltmp6, $2  }
0x4a: {  	_ =	sdelay $0x2  }
0x4b: {  	[hbm:s15] =	stream.linear.scatter [tilespmem:s12], [sflag:$0x3], $0x1800, $0x38;
	[tilespmem:$0x18080] =	vst v63  }
.LBB2_10:
0x4c: {  	_ =	sfence.sel $0x180000  }
0x4d: {  	s2 =	simm.s32 $0x2;
	[bflag:$0x0] =	sbarrier.arrive $0xFFFF  }
0x4e: {  	s30 =	simm.s32 $0x3;
	[sflag:s2] =	ssyncpa.u1 $0x1  }
0x4f: {  	s31 =	simm.s32 $0x1;
	[sflag:s30] =	ssyncpa.u1 $0x1  }
0x50: {  	[sflag:s31] =	ssyncpa.u1 $0x1  }
0x51: {  	p0 =	sne.s32 s1, $0x0;
	_ =	strace $0x90000062  }
0x52: {  	s0 =	sadd.s32 @!p0 $0x100000, s0;
	[bflag:$0x2] =	sbarrier.arrive $0xFFFF  }
0x53: {  	[sflag:s0] =	ssyncadd.tile.s32 @!p0 $0x1;
	_ =	shalt  }
.Lfunc_end2:
_tile_overlayer_lowered:
.L_overlay_start_2:
0x54: {  	(tag) =	ssettag $0x2  }
0x55: {  	s0 =	rddreg [dreg:$0x0];
	s2 =	stileid.u32  }
0x56: {  	s1 =	rddreg [dreg:$0x1];
	p0 =	sne.s32 s2, $0x0  }
0x57: {  	s3 =	rddreg [dreg:$0x2];
	[bflag:$0x3] =	sbarrier.arrive $0xFFFF;
	s2 =	simm.s32 @!p0 $0x1C01  }
0x58: {  	[timem:s3], [sflag:s2] =	dma.local @!p0 [hbm:s0], s1  }
0x59: {  	s0 =	simm.s32 @!p0 $0x1  }
0x5a: {  	_ =	swait.ge @!p0 [sflag:s0], s1  }
0x5b: {  	s1 =	ssub.s32 @!p0 $0x0, s1;
	[sflag:s0] =	ssyncset.done @!p0 $0x0  }
0x5c: {  	[sflag:s0] =	ssyncadd.s32 @!p0 s1  }
0x5d: {  	[bflag:$0x3] =	sbarrier.arrive $0xFFFF  }
0x5e: {  	_ =	shalt  }

// kernel: gather_offload_async_start.3
scs
__scs_entry_jumppad:
0x0: {  	(pc) =	sbr.rel $0x88, $3  }
0x1: {  	(tag) =	ssettag $0x0;
	lr =	simm.s32 $0x1  }
0x2: {  	[smem:$0x3F9A] =	sst lr;
	_ =	strace $0xD0000000  }
0x3: {  	_ = 	snop  }
0x4: {  	_ = 	snop  }
0x5: {  	_ = 	snop  }
0x6: {  	_ = 	snop  }
0x7: {  	_ = 	snop  }
__scs_overlays_trampoline_lowered:
0x8: {  	[smem:$0x3FA9] =	sst s0  }
0x9: {  	[smem:$0x3FAA] =	sst s1  }
0xa: {  	[smem:$0x3FAB] =	sst s2  }
0xb: {  	[smem:$0x3FAC] =	sst s3  }
0xc: {  	[smem:$0x3FAD] =	sst s4  }
0xd: {  	[smem:$0x3FAE] =	sst s5  }
0xe: {  	[smem:$0x3FAF] =	sst s6  }
0xf: {  	[smem:$0x3FB0] =	sst s7  }
0x10: {  	[smem:$0x3FB1] =	sst s8  }
0x11: {  	[smem:$0x3FB2] =	sst s9;
	s0 =	simm.s32 @!p0 $0x0  }
0x12: {  	s1 =	sld [smem:$0x3F98];
	s0 =	simm.s32 @p0 $0x1  }
0x13: {  	[smem:$0x3FB3] =	sst s0;
	s0 =	simm.s32 @!p1 $0x0  }
0x14: {  	s2 =	sld [smem:$0x3F97];
	s0 =	simm.s32 @p1 $0x1  }
0x15: {  	[smem:$0x3FB4] =	sst s0;
	s0 =	simm.s32 @!p2 $0x0  }
0x16: {  	s3 =	sld [smem:$0x3FDB];
	s0 =	simm.s32 @p2 $0x1  }
0x17: {  	s4 =	simm.s32 $0x1BF5;
	[smem:$0x3FB6] =	sst s0  }
0x18: {  	s0 =	sld [smem:$0x3F99];
	_ =	swait.ge [sflag:s4], $0x0  }
0x19: {  	s7 =	sld [smem:$0x3F9A]  }
0x1a: {  	s8 =	sadd.s32 $0xFFFFE003, lr  }
0x1b: {  	s9 =	sadd.s32 $0xFFFFFEF7, lr;
	s5 =	simm.s32 $0xFFFFFFFF;
	p2 =	slt.u32 s8, $0xFFFFF086  }
0x1c: {  	p1 =	slt.u32 s9, $0xF7A;
	s5 =	simm.s32 @!p2 $0x0  }
0x1d: {  	s5 =	simm.s32 @p1 $0x1;
	p0 =	seq.s32 s7, s2  }
0x1e: {  	s7 =	smul.u32 @!p0 $0xF7A, s2;
	p2 =	seq.s32 @!p0 s5, $0x0  }
0x1f: {  	s9 =	smul.u32 $0xF7A, s1;
	s8 =	simm.s32 @!p0 $0x1BF5;
	p2 =	por !p2, p0  }
0x20: {  	[sflag:s8] =	ssyncset.s32 @!p0 $0xFFFFF086;
	s6 =	sadd.s32 @!p0 s3, s7;
	s7 =	simm.s32 @!p0 $0x108  }
0x21: {  	s3 =	sadd.s32 s3, s9;
	s6 =	sadd.s32 @!p0 $0x88, s6;
	s7 =	simm.s32 @p2 $0x1082  }
0x22: {  	[simem:s7], [sflag:s8] =	dma.local @!p0 [hbm:s6], $0xF7A  }
0x23: {  	s9 =	sor.u32 $0xD0000000, s2;
	s6 =	simm.s32 $0x108;
	_ =	swait.ge @!p0 [sflag:s8], $0x0  }
0x24: {  	s3 =	sadd.s32 $0x88, s3;
	s6 =	simm.s32 @!p1 $0x1082;
	[sflag:s4] =	ssyncset.s32 $0xFFFFF086  }
0x25: {  	[simem:s6], [sflag:s4] =	dma.local [hbm:s3], $0xF7A  }
0x26: {  	[smem:$0x3F9A] =	sst s1;
	(tag) =	ssettag s2;
	_ =	strace s9  }
0x27: {  	s1 =	sld [smem:$0x3FAA]  }
0x28: {  	s2 =	sld [smem:$0x3FAB]  }
0x29: {  	s4 =	sld [smem:$0x3FAD]  }
0x2a: {  	p0 =	seq.s32 s5, $0x0;
	s5 =	sld [smem:$0x3FAE]  }
0x2b: {  	s6 =	sld [smem:$0x3FAF]  }
0x2c: {  	s7 =	sld [smem:$0x3FB0]  }
0x2d: {  	s3 =	simm.s32 $0x108;
	s8 =	sld [smem:$0x3FB1]  }
0x2e: {  	s3 =	simm.s32 @!p0 $0x1082;
	s9 =	sld [smem:$0x3FB2]  }
0x2f: {  	lr =	sadd.s32 s0, s3;
	s0 =	sld [smem:$0x3FA9]  }
0x30: {  	s3 =	sld [smem:$0x3FAC]  }
0x31: {  	[smem:$0x3FB5] =	sst s10  }
0x32: {  	s10 =	sld [smem:$0x3FB3];
	_ =	sdelay $0x3  }
0x33: {  	p0 =	seq.s32 s10, $0x1;
	s10 =	sld [smem:$0x3FB5];
	_ =	sdelay $0x3  }
0x34: {  	[smem:$0x3FB5] =	sst s10  }
0x35: {  	s10 =	sld [smem:$0x3FB4];
	_ =	sdelay $0x3  }
0x36: {  	p1 =	seq.s32 s10, $0x1;
	s10 =	sld [smem:$0x3FB5];
	_ =	sdelay $0x3  }
0x37: {  	[smem:$0x3FB5] =	sst s10  }
0x38: {  	s10 =	sld [smem:$0x3FB6]  }
0x39: {  	_ = 	snop;
	(pc) =	sbr.ind lr, $3  }
0x3a: {  	_ = 	snop  }
0x3b: {  	_ = 	snop  }
0x3c: {  	p2 =	seq.s32 s10, $0x1;
	s10 =	sld [smem:$0x3FB5]  }
0x3d: {  	_ =	shalt  }
0x3e: {  	_ =	shalt  }
0x3f: {  	_ =	shalt  }
0x40: {  	_ =	shalt  }
0x41: {  	_ =	shalt  }
0x42: {  	_ =	shalt  }
0x43: {  	_ =	shalt  }
0x44: {  	_ =	shalt  }
0x45: {  	_ =	shalt  }
0x46: {  	_ =	shalt  }
0x47: {  	_ =	shalt  }
0x48: {  	_ =	shalt  }
0x49: {  	_ =	shalt  }
0x4a: {  	_ =	shalt  }
0x4b: {  	_ =	shalt  }
0x4c: {  	_ =	shalt  }
0x4d: {  	_ =	shalt  }
0x4e: {  	_ =	shalt  }
0x4f: {  	_ =	shalt  }
0x50: {  	_ =	shalt  }
0x51: {  	_ =	shalt  }
0x52: {  	_ =	shalt  }
0x53: {  	_ =	shalt  }
0x54: {  	_ =	shalt  }
0x55: {  	_ =	shalt  }
0x56: {  	_ =	shalt  }
0x57: {  	_ =	shalt  }
0x58: {  	_ =	shalt  }
0x59: {  	_ =	shalt  }
0x5a: {  	_ =	shalt  }
0x5b: {  	_ =	shalt  }
0x5c: {  	_ =	shalt  }
0x5d: {  	_ =	shalt  }
0x5e: {  	_ =	shalt  }
0x5f: {  	_ =	shalt  }
0x60: {  	_ =	shalt  }
0x61: {  	_ =	shalt  }
0x62: {  	_ =	shalt  }
0x63: {  	_ =	shalt  }
0x64: {  	_ =	shalt  }
0x65: {  	_ =	shalt  }
0x66: {  	_ =	shalt  }
0x67: {  	_ =	shalt  }
0x68: {  	_ =	shalt  }
0x69: {  	_ =	shalt  }
0x6a: {  	_ =	shalt  }
0x6b: {  	_ =	shalt  }
0x6c: {  	_ =	shalt  }
0x6d: {  	_ =	shalt  }
0x6e: {  	_ =	shalt  }
0x6f: {  	_ =	shalt  }
0x70: {  	_ =	shalt  }
0x71: {  	_ =	shalt  }
0x72: {  	_ =	shalt  }
0x73: {  	_ =	shalt  }
0x74: {  	_ =	shalt  }
0x75: {  	_ =	shalt  }
0x76: {  	_ =	shalt  }
0x77: {  	_ =	shalt  }
0x78: {  	_ =	shalt  }
0x79: {  	_ =	shalt  }
0x7a: {  	_ =	shalt  }
0x7b: {  	_ =	shalt  }
0x7c: {  	_ =	shalt  }
0x7d: {  	_ =	shalt  }
0x7e: {  	_ =	shalt  }
0x7f: {  	_ =	shalt  }
0x80: {  	_ =	shalt  }
0x81: {  	_ =	shalt  }
0x82: {  	_ =	shalt  }
0x83: {  	_ =	shalt  }
0x84: {  	_ =	shalt  }
0x85: {  	_ =	shalt  }
0x86: {  	_ =	shalt  }
0x87: {  	_ =	shalt  }
.Lfunc_end0:
.L_simem_size_0:
called_computation.3_lowered:
.L_overlay_start_0:
0x88: {  	s2 =	sld [smem:$0x3FD9]  }
0x89: {  	s3 =	sld [smem:$0x3FFE];
	_ =	sdelay $0x1  }
0x8a: {  	s1 =	srdreg.scid  }
0x8b: {  	s0 =	sand.u32 $0x1, s1  }
0x8c: {  	s17 =	sshll.u32 s0, $0xA;
	s2 =	sadd.s32 s3, s2  }
0x8d: {  	s2 =	sadd.s32 s2, s17  }
0x8e: {  	[smem:$0x3FC1] =	sst s2  }
0x8f: {  	_ = 	snop  }
0x90: {  	(tm) =	ssettm $0x1  }
0x91: {  	s18 =	sld [smem:$0x3FFB];
	_ =	sdelay $0x3  }
0x92: {  	_ =	strace s18  }
0x93: {  	s2 =	sld [smem:$0x3FFC];
	_ =	sdelay $0x3  }
0x94: {  	_ =	strace s2  }
0x95: {  	s2 =	sld [smem:$0x3FFD];
	_ =	sdelay $0x3  }
0x96: {  	_ =	strace s2  }
0x97: {  	_ =	strace $0x8FFFFFFF  }
0x98: {  	s19 =	sld [smem:$0x3FDB];
	_ =	sdelay $0x1  }
0x99: {  	s20 =	simm.s32 $_scs_section_size  }
0x9a: {  	s4 =	simm.s32 $_size__tile_overlayer_lowered;
	s5 =	simm.s32 $_tile_overlayer_lowered  }
0x9b: {  	s6 =	simm.s32 $0x1BFF;
	s21 =	sshll.u32 s5, $0x1;
	s3 =	sadd.s32 s20, s19  }
0x9c: {  	s22 =	simm.s32 $0x0;
	s4 =	sshll.u32 s4, $0x1;
	s5 =	sadd.s32 s21, s3  }
0x9d: {  	[timem:s22], [sflag:s6] =	dma.local [hbm:s5], s4  }
0x9e: {  	_ =	swait.ge [sflag:s6], s4  }
0x9f: {  	s4 =	ssub.s32 $0x0, s4;
	[sflag:s6] =	ssyncset.done $0x0  }
0xa0: {  	[sflag:s6] =	ssyncadd.s32 s4;
	_ =	sdelay $0x1  }
0xa1: {  	s23 =	simm.s32 $0x1B8B  }
0xa2: {  	_ =	swait.ge [sflag:s23], $0x1  }
0xa3: {  	[sflag:s23] =	ssyncset.done $0x0  }
0xa4: {  	[sflag:s23] =	ssyncadd.s32 $0xFFFFFFFF  }
0xa5: {  	s4 =	sld [smem:$0x0]  }
0xa6: {  	s5 =	sand.u32 $0xFFFFFFFE, s1  }
0xa7: {  	p0 =	sne.s32 s1, s5  }
0xa8: {  	s5 =	sshll.u32 @p0 s5, $0xE  }
0xa9: {  	s5 =	sadd.s32 @p0 $0x11B8D, s5;
	s6 =	sshll.u32 @p0 s4, $0x11  }
0xaa: {  	s5 =	sor.u32 @p0 s6, s5  }
0xab: {  	[sflag:s5] =	ssyncadd.remote.s32 @p0 $0x1;
	_ =	sdelay $0x1  }
0xac: {  	s5 =	simm.s32 @p0 $0x1B8D  }
0xad: {  	_ =	swait.eq @p0 [sflag:s5], $0x1  }
0xae: {  	[sflag:s5] =	ssyncadd.s32 @p0 $0xFFFFFFFF  }
0xaf: {  	s6 =	sshll.u32 @!p0 s1, $0xE  }
0xb0: {  	s6 =	sor.u32 @!p0 $0x4000, s6;
	s5 =	simm.s32 @!p0 $0x1B8D  }
0xb1: {  	s4 =	sshll.u32 @!p0 s4, $0x11;
	s6 =	sadd.s32 @!p0 $0x11B8D, s6;
	_ =	swait.eq @!p0 [sflag:s5], $0x1  }
0xb2: {  	s4 =	sor.u32 @!p0 s4, s6;
	[sflag:s5] =	ssyncadd.s32 @!p0 $0xFFFFFFFF  }
0xb3: {  	s25 =	simm.s32 $0x1B8E;
	s24 =	sld [smem:$0x3FFE];
	[sflag:s4] =	ssyncadd.remote.s32 @!p0 $0x1  }
0xb4: {  	s26 =	simm.s32 $execute0_lowered;
	[smem:$0x3FD2] =	sst s25  }
0xb5: {  	s5 =	sshll.u32 s26, $0x1;
	_ =	strace $0x8000005E;
	[dreg:$0x1] =	wrdreg $0xFFFFFFFF  }
0xb6: {  	s28 =	simm.s32 $_size_execute0_lowered;
	s3 =	sadd.s32 s3, s5;
	[dreg:$0x0] =	wrdreg $0x0  }
0xb7: {  	s5 =	sshll.u32 s28, $0x1;
	[dreg:$0x2] =	wrdreg s3  }
0xb8: {  	[dreg:$0x3] =	wrdreg s5  }
0xb9: {  	[dreg:$0x4] =	wrdreg $0xC0  }
0xba: {  	_ =	task [dreg:s22], $0x5FFFF  }
0xbb: {  	[dreg:$0x1] =	wrdreg $0xFFFFFFFF  }
0xbc: {  	[dreg:$0x0] =	wrdreg $0x60  }
0xbd: {  	[dreg:$0x2] =	wrdreg s24  }
0xbe: {  	[dreg:$0x3] =	wrdreg $0xF  }
0xbf: {  	_ =	task.clear_ibuf [dreg:s22], $0x4FFFF;
	_ =	strace $0x9000005E  }
0xc0: {  	s29 =	simm.s32 $0xF;
	_ =	strace $0x80000060  }
0xc1: {  	_ =	swait.ge [sflag:s29], $0x1  }
0xc2: {  	[sflag:s29] =	ssyncadd.s32 $0xFFFFFFFF  }
0xc3: {  	_ =	strace $0x90000060  }
0xc4: {  	_ =	sfence  }
0xc5: {  	s30 =	sld [smem:$0x0];
	_ =	sdelay $0x2  }
0xc6: {  	s31 =	sshll.u32 s1, $0xD;
	s1 =	sshrl.u32 s1, $0x2  }
0xc7: {  	s4 =	sand.u32 $0x4000, s31;
	s1 =	sadd.s32 s1, s30  }
0xc8: {  	s0 =	sor.u32 s4, s0;
	s1 =	sshll.u32 s1, $0x11  }
0xc9: {  	s0 =	sor.u32 s1, s0  }
0xca: {  	s0 =	sadd.s32 $0x8F2B, s0  }
0xcb: {  	[sflag:s0] =	ssyncadd.remote.s32 $0x1  }
0xcc: {  	_ =	sfence.sel $0xFFFF  }
0xcd: {  	[dreg:$0x0] =	wrdreg $0xFFFFFFFF;
	(pc) =	sbr.abs _section_cstart, $3  }
0xce: {  	[dreg:$0x1] =	wrdreg $0xFFFFFFFF  }
0xcf: {  	_ =	task.clear_ibuf [dreg:s22], $0x2FFFF;
	_ =	strace $0x9FFFFFFF  }
0xd0: {  	(tm) =	ssettm $0x7FFFFFFF  }
0xd1: {  	_ =	shalt  }
tec
execute0_lowered:
.L_overlay_start_1:
0x0: {  	(tag) =	ssettag $0x1  }
0x1: {  	s7 =	rddreg [dreg:$0x0]  }
0x2: {  	s0 =	rddreg [dreg:$0x1];
	_ =	strace $0x8000005F  }
0x3: {  	s1 =	srdreg.scid;
	s4 =	simm.s32 $0x1;
	s9 =	simm.s32 $0x3  }
0x4: {  	s11 =	simm.s32 $0x0;
	p0 =	por $0x0, $0x0;
	s5 =	sshll.u32 s1, $0x4  }
.Ltmp0:
0x5: {  	s1 =	stileid.u32;
	s5 =	sand.u32 $0x10, s5;
	(pc) =	sbr.rel .LBB2_1-.Ltmp0, $4  }
0x6: {  	s2 =	sadd.s32 $0xA25200, s7;
	s3 =	sadd.s32 $0x603E00, s7;
	s6 =	sor.u32 s1, s5  }
0x7: {  	[sflag:s4] =	ssyncpa.u1 $0x0;
	s5 =	simm.s32 $0x2;
	s6 =	sshll.u32 s6, $0x8  }
0x8: {  	s7 =	sadd.s32 $0x300E00, s7;
	[sflag:s5] =	ssyncpa.u1 $0x0;
	s8 =	sadd.s32 $0x100, s6  }
0x9: {  	vm0 =	vmmov $0xff;
	vm1 =	vcmask $0x3F20;
	[sflag:s9] =	ssyncpa.u1 $0x0;
	s10 =	smov.u32 s6;
	s9 =	simm.s32 $0x0  }
.LBB2_9:
0xa: {  	p1 =	slt.u32 s9, $0x2;
	s11 =	sadd.s32 $0x40, s10  }
0xb: {  	s13 =	smov.u32 s6;
	s9 =	sadd.s32 $0x1, s9;
	p2 =	slt.s32 s11, s8  }
0xc: {  	s13 =	smov.u32 @p2 s11;
	p2 =	sne.s32 s9, $0x6  }
.Ltmp1:
0xd: {  	_ = 	snop;
	(pc) =	sbr.rel @!p2 .LBB2_10-.Ltmp1, $4  }
0xe: {  	s12 =	simm.s32 @!p1 $0x3  }
0xf: {  	_ =	swait.ge @!p1 [sflag:s12], $0xC000  }
0x10: {  	p0 =	por !p0, !p0;
	[sflag:s12] =	ssyncset.done @!p1 $0x0  }
0x11: {  	s11 =	smov.u32 s10;
	s10 =	smov.u32 s13;
	[sflag:s12] =	ssyncadd.s32 @!p1 $0xFFFF4000  }
.LBB2_1:
0x12: {  	p1 =	sgt.u32 s9, $0x3  }
0x13: {  	s12 =	sxor.u32 @!p1 $0xFFFFFFFF, s9  }
0x14: {  	s13 =	sshrl.u32 @!p1 s10, $0x3;
	s12 =	sshll.u32 @!p1 s12, $0x6  }
0x15: {  	s14 =	sand.u32 @!p1 $0x7, s10;
	s13 =	sadd.s32 @!p1 s3, s13;
	s12 =	sand.u32 @!p1 $0x40, s12  }
0x16: {  	[tilespmem:s12], [sflag:$0x2] =	stream.linear.gather @!p1 [hbm4b:s13+s14], $0x40, $0x38;
	[tilespmem:$0x18080] =	vst v63  }
0x17: {  	p1 =	seq.s32 s9, $0x0  }
0x18: {  	p2 =	seq.s32 @!p1 s9, $0x5  }
0x19: {  	p1 =	por p1, p2  }
.Ltmp2:
0x1a: {  	_ = 	snop;
	(pc) =	sbr.rel @p1 .LBB2_9-.Ltmp2, $1  }
0x1b: {  	_ =	sdelay $0x3  }
0x1c: {  	s12 =	simm.s32 $0x1  }
0x1d: {  	s12 =	simm.s32 @!p0 $0x0  }
0x1e: {  	s12 =	smul.u32 $0x30000, s12;
	_ =	sdelay $0x1  }
0x1f: {  	_ =	swait.ge [sflag:s5], $0x40;
	s13 =	sand.u32 $0x1, s9;
	s12 =	sshrl.u32 s12, $0x2  }
0x20: {  	s14 =	simm.s32 $0x0;
	[sflag:s5] =	ssyncset.done $0x0;
	s12 =	sor.u32 $0x80, s12  }
0x21: {  	s13 =	sshll.u32 s13, $0x6;
	[sflag:s5] =	ssyncadd.s32 $0xFFFFFFC0;
	s15 =	smov.u32 s12  }
.LBB2_3:
0x22: {  	s16 =	sshll.u32 s14, $0x4  }
0x23: {  	s16 =	sand.u32 $0x3FFFFFF0, s16  }
0x24: {  	s16 =	sadd.s32 s16, s13  }
0x25: {  	v0 =	vld.msk [tilespmem:s16+$0x0 ss:$0x1], $0xffff;
	_ =	sdelay $0x4  }
0x26: {  	vm2 =	vgt.s32 v0, $0x0  }
0x27: {  	v0 =	vnsel vm2, $0x0, v0  }
0x28: {  	v0 =	vmin.u32 v0, $0x3FFF  }
0x29: {  	v1 =	vshrl.u32 v0, $0x3  }
0x2a: {  	v0 =	vshll.u32 v0, $0x7;
	v1 =	vmul.u32 $0x1800, v1  }
0x2b: {  	v0 =	vand.u32 $0x380, v0  }
0x2c: {  	v0 =	vor.u32 v0, v1  }
0x2d: {  	v0 =	vshrl.u32 v0, $0x3;
	_ =	sdelay $0x3  }
0x2e: {  	s17 =	sadd.s32 $0x0, s15  }
0x2f: {  	[tilespmem:s17], [sflag:$0x1] =	stream.indirect_vreg.gather [hbm:s2], $0x80, v0, vm0, $0x38;
	[tilespmem:$0x18080] =	vst v63  }
0x30: {  	s16 =	simm.s32 $0x1000;
	v1 =	vadd.s32 $0x80, v0;
	s17 =	sadd.s32 $0x1800, s17  }
.LBB2_4:
0x31: {  	[tilespmem:s17], [sflag:$0x1] =	stream.indirect_vreg.gather [hbm:s2], $0x80, v0, vm1, $0x38;
	[tilespmem:$0x18080] =	vst v63  }
0x32: {  	v0 =	vmov v1;
	s17 =	smov.u32 s16;
	p1 =	sne.s32 s16, $0x5000  }
.Ltmp3:
0x33: {  	s16 =	sadd.s32 $0x1000, s16;
	(pc) =	sbr.rel @p1 .LBB2_4-.Ltmp3, $4  }
0x34: {  	s17 =	sshra.s32 s17, $0x2  }
0x35: {  	s17 =	sadd.s32 s17, s15  }
0x36: {  	[tilespmem:s17], [sflag:$0x1] =	stream.indirect_vreg.gather [hbm:s2], $0x80, v1, vm0, $0x38;
	[tilespmem:$0x18080] =	vst v63  }
0x37: {  	s17 =	sadd.s32 $0x1800, s17;
	v1 =	vadd.s32 $0x80, v1  }
0x38: {  	s14 =	sadd.s32 $0x1, s14  }
0x39: {  	p1 =	sne.s32 s14, $0x4  }
.Ltmp4:
0x3a: {  	_ = 	snop;
	(pc) =	sbr.rel @p1 .LBB2_3-.Ltmp4, $3  }
0x3b: {  	_ =	sdelay $0x1  }
0x3c: {  	[tilespmem:s17], [sflag:$0x1] =	stream.indirect_vreg.gather [hbm:s2], $0x80, v0, vm1, $0x38;
	[tilespmem:$0x18080] =	vst v63  }
0x3d: {  	s15 =	sadd.s32 $0x3000, s15  }
0x3e: {  	s13 =	sshrl.u32 s11, $0x3  }
0x3f: {  	s13 =	smul.u32 $0x300, s13  }
0x40: {  	s31 =	sshll.u32 s11, $0x4  }
0x41: {  	_ =	swait.ge [sflag:s4], $0xC000;
	s11 =	sand.u32 $0x70, s31;
	s13 =	sadd.s32 s13, s7  }
0x42: {  	s14 =	sadd.s32 $0x1800, s12;
	[sflag:s4] =	ssyncset.done $0x0;
	s11 =	sadd.s32 s11, s13  }
0x43: {  	[sflag:s4] =	ssyncadd.s32 $0xFFFF4000;
	s13 =	simm.s32 $0x300;
	s15 =	sadd.s32 $0x0, s11  }
.LBB2_7:
0x44: {  	[hbm:s15] =	stream.linear.scatter [tilespmem:s12], [sflag:$0x3], $0x1800, $0x38;
	[tilespmem:$0x18080] =	vst v63  }
0x45: {  	s15 =	smov.u32 s13;
	s12 =	smov.u32 s14;
	p1 =	sne.s32 s13, $0x1500  }
.Ltmp5:
0x46: {  	s13 =	sadd.s32 $0x300, s13;
	(pc) =	sbr.rel @p1 .LBB2_7-.Ltmp5, $2  }
0x47: {  	_ =	sdelay $0x2  }
0x48: {  	s14 =	sadd.s32 $0x1800, s14;
	s15 =	sadd.s32 s15, s11  }
.Ltmp6:
0x49: {  	(pc) =	sbr.rel .LBB2_9-.Ltmp6, $2  }
0x4a: {  	_ =	sdelay $0x2  }
0x4b: {  	[hbm:s15] =	stream.linear.scatter [tilespmem:s12], [sflag:$0x3], $0x1800, $0x38;
	[tilespmem:$0x18080] =	vst v63  }
.LBB2_10:
0x4c: {  	_ =	sfence.sel $0x180000  }
0x4d: {  	s2 =	simm.s32 $0x2;
	[bflag:$0x0] =	sbarrier.arrive $0xFFFF  }
0x4e: {  	s30 =	simm.s32 $0x3;
	[sflag:s2] =	ssyncpa.u1 $0x1  }
0x4f: {  	s31 =	simm.s32 $0x1;
	[sflag:s30] =	ssyncpa.u1 $0x1  }
0x50: {  	[sflag:s31] =	ssyncpa.u1 $0x1  }
0x51: {  	p0 =	sne.s32 s1, $0x0;
	_ =	strace $0x9000005F  }
0x52: {  	s0 =	sadd.s32 @!p0 $0x100000, s0;
	[bflag:$0x2] =	sbarrier.arrive $0xFFFF  }
0x53: {  	[sflag:s0] =	ssyncadd.tile.s32 @!p0 $0x1;
	_ =	shalt  }
.Lfunc_end2:
_tile_overlayer_lowered:
.L_overlay_start_2:
0x54: {  	(tag) =	ssettag $0x2  }
0x55: {  	s0 =	rddreg [dreg:$0x0];
	s2 =	stileid.u32  }
0x56: {  	s1 =	rddreg [dreg:$0x1];
	p0 =	sne.s32 s2, $0x0  }
0x57: {  	s3 =	rddreg [dreg:$0x2];
	[bflag:$0x3] =	sbarrier.arrive $0xFFFF;
	s2 =	simm.s32 @!p0 $0x1C01  }
0x58: {  	[timem:s3], [sflag:s2] =	dma.local @!p0 [hbm:s0], s1  }
0x59: {  	s0 =	simm.s32 @!p0 $0x1  }
0x5a: {  	_ =	swait.ge @!p0 [sflag:s0], s1  }
0x5b: {  	s1 =	ssub.s32 @!p0 $0x0, s1;
	[sflag:s0] =	ssyncset.done @!p0 $0x0  }
0x5c: {  	[sflag:s0] =	ssyncadd.s32 @!p0 s1  }
0x5d: {  	[bflag:$0x3] =	sbarrier.arrive $0xFFFF  }
0x5e: {  	_ =	shalt  }

// kernel: gather_offload_async_start.4
scs
__scs_entry_jumppad:
0x0: {  	(pc) =	sbr.rel $0x88, $3  }
0x1: {  	(tag) =	ssettag $0x0;
	lr =	simm.s32 $0x1  }
0x2: {  	[smem:$0x3F9A] =	sst lr;
	_ =	strace $0xD0000000  }
0x3: {  	_ = 	snop  }
0x4: {  	_ = 	snop  }
0x5: {  	_ = 	snop  }
0x6: {  	_ = 	snop  }
0x7: {  	_ = 	snop  }
__scs_overlays_trampoline_lowered:
0x8: {  	[smem:$0x3FA9] =	sst s0  }
0x9: {  	[smem:$0x3FAA] =	sst s1  }
0xa: {  	[smem:$0x3FAB] =	sst s2  }
0xb: {  	[smem:$0x3FAC] =	sst s3  }
0xc: {  	[smem:$0x3FAD] =	sst s4  }
0xd: {  	[smem:$0x3FAE] =	sst s5  }
0xe: {  	[smem:$0x3FAF] =	sst s6  }
0xf: {  	[smem:$0x3FB0] =	sst s7  }
0x10: {  	[smem:$0x3FB1] =	sst s8  }
0x11: {  	[smem:$0x3FB2] =	sst s9;
	s0 =	simm.s32 @!p0 $0x0  }
0x12: {  	s1 =	sld [smem:$0x3F98];
	s0 =	simm.s32 @p0 $0x1  }
0x13: {  	[smem:$0x3FB3] =	sst s0;
	s0 =	simm.s32 @!p1 $0x0  }
0x14: {  	s2 =	sld [smem:$0x3F97];
	s0 =	simm.s32 @p1 $0x1  }
0x15: {  	[smem:$0x3FB4] =	sst s0;
	s0 =	simm.s32 @!p2 $0x0  }
0x16: {  	s3 =	sld [smem:$0x3FDB];
	s0 =	simm.s32 @p2 $0x1  }
0x17: {  	s4 =	simm.s32 $0x1BF5;
	[smem:$0x3FB6] =	sst s0  }
0x18: {  	s0 =	sld [smem:$0x3F99];
	_ =	swait.ge [sflag:s4], $0x0  }
0x19: {  	s7 =	sld [smem:$0x3F9A]  }
0x1a: {  	s8 =	sadd.s32 $0xFFFFE003, lr  }
0x1b: {  	s9 =	sadd.s32 $0xFFFFFEF7, lr;
	s5 =	simm.s32 $0xFFFFFFFF;
	p2 =	slt.u32 s8, $0xFFFFF086  }
0x1c: {  	p1 =	slt.u32 s9, $0xF7A;
	s5 =	simm.s32 @!p2 $0x0  }
0x1d: {  	s5 =	simm.s32 @p1 $0x1;
	p0 =	seq.s32 s7, s2  }
0x1e: {  	s7 =	smul.u32 @!p0 $0xF7A, s2;
	p2 =	seq.s32 @!p0 s5, $0x0  }
0x1f: {  	s9 =	smul.u32 $0xF7A, s1;
	s8 =	simm.s32 @!p0 $0x1BF5;
	p2 =	por !p2, p0  }
0x20: {  	[sflag:s8] =	ssyncset.s32 @!p0 $0xFFFFF086;
	s6 =	sadd.s32 @!p0 s3, s7;
	s7 =	simm.s32 @!p0 $0x108  }
0x21: {  	s3 =	sadd.s32 s3, s9;
	s6 =	sadd.s32 @!p0 $0x88, s6;
	s7 =	simm.s32 @p2 $0x1082  }
0x22: {  	[simem:s7], [sflag:s8] =	dma.local @!p0 [hbm:s6], $0xF7A  }
0x23: {  	s9 =	sor.u32 $0xD0000000, s2;
	s6 =	simm.s32 $0x108;
	_ =	swait.ge @!p0 [sflag:s8], $0x0  }
0x24: {  	s3 =	sadd.s32 $0x88, s3;
	s6 =	simm.s32 @!p1 $0x1082;
	[sflag:s4] =	ssyncset.s32 $0xFFFFF086  }
0x25: {  	[simem:s6], [sflag:s4] =	dma.local [hbm:s3], $0xF7A  }
0x26: {  	[smem:$0x3F9A] =	sst s1;
	(tag) =	ssettag s2;
	_ =	strace s9  }
0x27: {  	s1 =	sld [smem:$0x3FAA]  }
0x28: {  	s2 =	sld [smem:$0x3FAB]  }
0x29: {  	s4 =	sld [smem:$0x3FAD]  }
0x2a: {  	p0 =	seq.s32 s5, $0x0;
	s5 =	sld [smem:$0x3FAE]  }
0x2b: {  	s6 =	sld [smem:$0x3FAF]  }
0x2c: {  	s7 =	sld [smem:$0x3FB0]  }
0x2d: {  	s3 =	simm.s32 $0x108;
	s8 =	sld [smem:$0x3FB1]  }
0x2e: {  	s3 =	simm.s32 @!p0 $0x1082;
	s9 =	sld [smem:$0x3FB2]  }
0x2f: {  	lr =	sadd.s32 s0, s3;
	s0 =	sld [smem:$0x3FA9]  }
0x30: {  	s3 =	sld [smem:$0x3FAC]  }
0x31: {  	[smem:$0x3FB5] =	sst s10  }
0x32: {  	s10 =	sld [smem:$0x3FB3];
	_ =	sdelay $0x3  }
0x33: {  	p0 =	seq.s32 s10, $0x1;
	s10 =	sld [smem:$0x3FB5];
	_ =	sdelay $0x3  }
0x34: {  	[smem:$0x3FB5] =	sst s10  }
0x35: {  	s10 =	sld [smem:$0x3FB4];
	_ =	sdelay $0x3  }
0x36: {  	p1 =	seq.s32 s10, $0x1;
	s10 =	sld [smem:$0x3FB5];
	_ =	sdelay $0x3  }
0x37: {  	[smem:$0x3FB5] =	sst s10  }
0x38: {  	s10 =	sld [smem:$0x3FB6]  }
0x39: {  	_ = 	snop;
	(pc) =	sbr.ind lr, $3  }
0x3a: {  	_ = 	snop  }
0x3b: {  	_ = 	snop  }
0x3c: {  	p2 =	seq.s32 s10, $0x1;
	s10 =	sld [smem:$0x3FB5]  }
0x3d: {  	_ =	shalt  }
0x3e: {  	_ =	shalt  }
0x3f: {  	_ =	shalt  }
0x40: {  	_ =	shalt  }
0x41: {  	_ =	shalt  }
0x42: {  	_ =	shalt  }
0x43: {  	_ =	shalt  }
0x44: {  	_ =	shalt  }
0x45: {  	_ =	shalt  }
0x46: {  	_ =	shalt  }
0x47: {  	_ =	shalt  }
0x48: {  	_ =	shalt  }
0x49: {  	_ =	shalt  }
0x4a: {  	_ =	shalt  }
0x4b: {  	_ =	shalt  }
0x4c: {  	_ =	shalt  }
0x4d: {  	_ =	shalt  }
0x4e: {  	_ =	shalt  }
0x4f: {  	_ =	shalt  }
0x50: {  	_ =	shalt  }
0x51: {  	_ =	shalt  }
0x52: {  	_ =	shalt  }
0x53: {  	_ =	shalt  }
0x54: {  	_ =	shalt  }
0x55: {  	_ =	shalt  }
0x56: {  	_ =	shalt  }
0x57: {  	_ =	shalt  }
0x58: {  	_ =	shalt  }
0x59: {  	_ =	shalt  }
0x5a: {  	_ =	shalt  }
0x5b: {  	_ =	shalt  }
0x5c: {  	_ =	shalt  }
0x5d: {  	_ =	shalt  }
0x5e: {  	_ =	shalt  }
0x5f: {  	_ =	shalt  }
0x60: {  	_ =	shalt  }
0x61: {  	_ =	shalt  }
0x62: {  	_ =	shalt  }
0x63: {  	_ =	shalt  }
0x64: {  	_ =	shalt  }
0x65: {  	_ =	shalt  }
0x66: {  	_ =	shalt  }
0x67: {  	_ =	shalt  }
0x68: {  	_ =	shalt  }
0x69: {  	_ =	shalt  }
0x6a: {  	_ =	shalt  }
0x6b: {  	_ =	shalt  }
0x6c: {  	_ =	shalt  }
0x6d: {  	_ =	shalt  }
0x6e: {  	_ =	shalt  }
0x6f: {  	_ =	shalt  }
0x70: {  	_ =	shalt  }
0x71: {  	_ =	shalt  }
0x72: {  	_ =	shalt  }
0x73: {  	_ =	shalt  }
0x74: {  	_ =	shalt  }
0x75: {  	_ =	shalt  }
0x76: {  	_ =	shalt  }
0x77: {  	_ =	shalt  }
0x78: {  	_ =	shalt  }
0x79: {  	_ =	shalt  }
0x7a: {  	_ =	shalt  }
0x7b: {  	_ =	shalt  }
0x7c: {  	_ =	shalt  }
0x7d: {  	_ =	shalt  }
0x7e: {  	_ =	shalt  }
0x7f: {  	_ =	shalt  }
0x80: {  	_ =	shalt  }
0x81: {  	_ =	shalt  }
0x82: {  	_ =	shalt  }
0x83: {  	_ =	shalt  }
0x84: {  	_ =	shalt  }
0x85: {  	_ =	shalt  }
0x86: {  	_ =	shalt  }
0x87: {  	_ =	shalt  }
.Lfunc_end0:
.L_simem_size_0:
called_computation.4_lowered:
.L_overlay_start_0:
0x88: {  	s2 =	sld [smem:$0x3FD9]  }
0x89: {  	s3 =	sld [smem:$0x3FFE];
	_ =	sdelay $0x1  }
0x8a: {  	s1 =	srdreg.scid  }
0x8b: {  	s0 =	sand.u32 $0x1, s1  }
0x8c: {  	s17 =	sshll.u32 s0, $0xA;
	s2 =	sadd.s32 s3, s2  }
0x8d: {  	s2 =	sadd.s32 s2, s17  }
0x8e: {  	[smem:$0x3FC1] =	sst s2  }
0x8f: {  	_ = 	snop  }
0x90: {  	(tm) =	ssettm $0x1  }
0x91: {  	s18 =	sld [smem:$0x3FFB];
	_ =	sdelay $0x3  }
0x92: {  	_ =	strace s18  }
0x93: {  	s2 =	sld [smem:$0x3FFC];
	_ =	sdelay $0x3  }
0x94: {  	_ =	strace s2  }
0x95: {  	s2 =	sld [smem:$0x3FFD];
	_ =	sdelay $0x3  }
0x96: {  	_ =	strace s2  }
0x97: {  	_ =	strace $0x8FFFFFFF  }
0x98: {  	s19 =	sld [smem:$0x3FDB];
	_ =	sdelay $0x1  }
0x99: {  	s20 =	simm.s32 $_scs_section_size  }
0x9a: {  	s4 =	simm.s32 $_size__tile_overlayer_lowered;
	s5 =	simm.s32 $_tile_overlayer_lowered  }
0x9b: {  	s6 =	simm.s32 $0x1BFF;
	s21 =	sshll.u32 s5, $0x1;
	s3 =	sadd.s32 s20, s19  }
0x9c: {  	s22 =	simm.s32 $0x0;
	s4 =	sshll.u32 s4, $0x1;
	s5 =	sadd.s32 s21, s3  }
0x9d: {  	[timem:s22], [sflag:s6] =	dma.local [hbm:s5], s4  }
0x9e: {  	_ =	swait.ge [sflag:s6], s4  }
0x9f: {  	s4 =	ssub.s32 $0x0, s4;
	[sflag:s6] =	ssyncset.done $0x0  }
0xa0: {  	[sflag:s6] =	ssyncadd.s32 s4;
	_ =	sdelay $0x1  }
0xa1: {  	s23 =	simm.s32 $0x1B8B  }
0xa2: {  	_ =	swait.ge [sflag:s23], $0x1  }
0xa3: {  	[sflag:s23] =	ssyncset.done $0x0  }
0xa4: {  	[sflag:s23] =	ssyncadd.s32 $0xFFFFFFFF  }
0xa5: {  	s4 =	sld [smem:$0x0]  }
0xa6: {  	s5 =	sand.u32 $0xFFFFFFFE, s1  }
0xa7: {  	p0 =	sne.s32 s1, s5  }
0xa8: {  	s5 =	sshll.u32 @p0 s5, $0xE  }
0xa9: {  	s5 =	sadd.s32 @p0 $0x11B8D, s5;
	s6 =	sshll.u32 @p0 s4, $0x11  }
0xaa: {  	s5 =	sor.u32 @p0 s6, s5  }
0xab: {  	[sflag:s5] =	ssyncadd.remote.s32 @p0 $0x1;
	_ =	sdelay $0x1  }
0xac: {  	s5 =	simm.s32 @p0 $0x1B8D  }
0xad: {  	_ =	swait.eq @p0 [sflag:s5], $0x1  }
0xae: {  	[sflag:s5] =	ssyncadd.s32 @p0 $0xFFFFFFFF  }
0xaf: {  	s6 =	sshll.u32 @!p0 s1, $0xE  }
0xb0: {  	s6 =	sor.u32 @!p0 $0x4000, s6;
	s5 =	simm.s32 @!p0 $0x1B8D  }
0xb1: {  	s4 =	sshll.u32 @!p0 s4, $0x11;
	s6 =	sadd.s32 @!p0 $0x11B8D, s6;
	_ =	swait.eq @!p0 [sflag:s5], $0x1  }
0xb2: {  	s4 =	sor.u32 @!p0 s4, s6;
	[sflag:s5] =	ssyncadd.s32 @!p0 $0xFFFFFFFF  }
0xb3: {  	s25 =	simm.s32 $0x1B8E;
	s24 =	sld [smem:$0x3FFE];
	[sflag:s4] =	ssyncadd.remote.s32 @!p0 $0x1  }
0xb4: {  	s26 =	simm.s32 $execute0_lowered;
	[smem:$0x3FD2] =	sst s25  }
0xb5: {  	s5 =	sshll.u32 s26, $0x1;
	_ =	strace $0x8000005B;
	[dreg:$0x1] =	wrdreg $0xFFFFFFFF  }
0xb6: {  	s28 =	simm.s32 $_size_execute0_lowered;
	s3 =	sadd.s32 s3, s5;
	[dreg:$0x0] =	wrdreg $0x0  }
0xb7: {  	s5 =	sshll.u32 s28, $0x1;
	[dreg:$0x2] =	wrdreg s3  }
0xb8: {  	[dreg:$0x3] =	wrdreg s5  }
0xb9: {  	[dreg:$0x4] =	wrdreg $0xC0  }
0xba: {  	_ =	task [dreg:s22], $0x5FFFF  }
0xbb: {  	[dreg:$0x1] =	wrdreg $0xFFFFFFFF  }
0xbc: {  	[dreg:$0x0] =	wrdreg $0x60  }
0xbd: {  	[dreg:$0x2] =	wrdreg s24  }
0xbe: {  	[dreg:$0x3] =	wrdreg $0xB  }
0xbf: {  	_ =	task.clear_ibuf [dreg:s22], $0x4FFFF;
	_ =	strace $0x9000005B  }
0xc0: {  	s29 =	simm.s32 $0xB;
	_ =	strace $0x8000005D  }
0xc1: {  	_ =	swait.ge [sflag:s29], $0x1  }
0xc2: {  	[sflag:s29] =	ssyncadd.s32 $0xFFFFFFFF  }
0xc3: {  	_ =	strace $0x9000005D  }
0xc4: {  	_ =	sfence  }
0xc5: {  	s30 =	sld [smem:$0x0];
	_ =	sdelay $0x2  }
0xc6: {  	s31 =	sshll.u32 s1, $0xD;
	s1 =	sshrl.u32 s1, $0x2  }
0xc7: {  	s4 =	sand.u32 $0x4000, s31;
	s1 =	sadd.s32 s1, s30  }
0xc8: {  	s0 =	sor.u32 s4, s0;
	s1 =	sshll.u32 s1, $0x11  }
0xc9: {  	s0 =	sor.u32 s1, s0  }
0xca: {  	s0 =	sadd.s32 $0x8F2B, s0  }
0xcb: {  	[sflag:s0] =	ssyncadd.remote.s32 $0x1  }
0xcc: {  	_ =	sfence.sel $0xFFFF  }
0xcd: {  	[dreg:$0x0] =	wrdreg $0xFFFFFFFF;
	(pc) =	sbr.abs _section_cstart, $3  }
0xce: {  	[dreg:$0x1] =	wrdreg $0xFFFFFFFF  }
0xcf: {  	_ =	task.clear_ibuf [dreg:s22], $0x2FFFF;
	_ =	strace $0x9FFFFFFF  }
0xd0: {  	(tm) =	ssettm $0x7FFFFFFF  }
0xd1: {  	_ =	shalt  }
tec
execute0_lowered:
.L_overlay_start_1:
0x0: {  	(tag) =	ssettag $0x1  }
0x1: {  	s7 =	rddreg [dreg:$0x0]  }
0x2: {  	s0 =	rddreg [dreg:$0x1];
	_ =	strace $0x8000005C  }
0x3: {  	s1 =	srdreg.scid;
	s4 =	simm.s32 $0x1;
	s9 =	simm.s32 $0x3  }
0x4: {  	s11 =	simm.s32 $0x0;
	p0 =	por $0x0, $0x0;
	s5 =	sshll.u32 s1, $0x4  }
.Ltmp0:
0x5: {  	s1 =	stileid.u32;
	s5 =	sand.u32 $0x10, s5;
	(pc) =	sbr.rel .LBB2_1-.Ltmp0, $4  }
0x6: {  	s2 =	sadd.s32 $0x8A5200, s7;
	s3 =	sadd.s32 $0x603A00, s7;
	s6 =	sor.u32 s1, s5  }
0x7: {  	[sflag:s4] =	ssyncpa.u1 $0x0;
	s5 =	simm.s32 $0x2;
	s6 =	sshll.u32 s6, $0x8  }
0x8: {  	s7 =	sadd.s32 $0x240E00, s7;
	[sflag:s5] =	ssyncpa.u1 $0x0;
	s8 =	sadd.s32 $0x100, s6  }
0x9: {  	vm0 =	vmmov $0xff;
	vm1 =	vcmask $0x3F20;
	[sflag:s9] =	ssyncpa.u1 $0x0;
	s10 =	smov.u32 s6;
	s9 =	simm.s32 $0x0  }
.LBB2_9:
0xa: {  	p1 =	slt.u32 s9, $0x2;
	s11 =	sadd.s32 $0x40, s10  }
0xb: {  	s13 =	smov.u32 s6;
	s9 =	sadd.s32 $0x1, s9;
	p2 =	slt.s32 s11, s8  }
0xc: {  	s13 =	smov.u32 @p2 s11;
	p2 =	sne.s32 s9, $0x6  }
.Ltmp1:
0xd: {  	_ = 	snop;
	(pc) =	sbr.rel @!p2 .LBB2_10-.Ltmp1, $4  }
0xe: {  	s12 =	simm.s32 @!p1 $0x3  }
0xf: {  	_ =	swait.ge @!p1 [sflag:s12], $0xC000  }
0x10: {  	p0 =	por !p0, !p0;
	[sflag:s12] =	ssyncset.done @!p1 $0x0  }
0x11: {  	s11 =	smov.u32 s10;
	s10 =	smov.u32 s13;
	[sflag:s12] =	ssyncadd.s32 @!p1 $0xFFFF4000  }
.LBB2_1:
0x12: {  	p1 =	sgt.u32 s9, $0x3  }
0x13: {  	s12 =	sxor.u32 @!p1 $0xFFFFFFFF, s9  }
0x14: {  	s13 =	sshrl.u32 @!p1 s10, $0x3;
	s12 =	sshll.u32 @!p1 s12, $0x6  }
0x15: {  	s14 =	sand.u32 @!p1 $0x7, s10;
	s13 =	sadd.s32 @!p1 s3, s13;
	s12 =	sand.u32 @!p1 $0x40, s12  }
0x16: {  	[tilespmem:s12], [sflag:$0x2] =	stream.linear.gather @!p1 [hbm4b:s13+s14], $0x40, $0x38;
	[tilespmem:$0x18080] =	vst v63  }
0x17: {  	p1 =	seq.s32 s9, $0x0  }
0x18: {  	p2 =	seq.s32 @!p1 s9, $0x5  }
0x19: {  	p1 =	por p1, p2  }
.Ltmp2:
0x1a: {  	_ = 	snop;
	(pc) =	sbr.rel @p1 .LBB2_9-.Ltmp2, $1  }
0x1b: {  	_ =	sdelay $0x3  }
0x1c: {  	s12 =	simm.s32 $0x1  }
0x1d: {  	s12 =	simm.s32 @!p0 $0x0  }
0x1e: {  	s12 =	smul.u32 $0x30000, s12;
	_ =	sdelay $0x1  }
0x1f: {  	_ =	swait.ge [sflag:s5], $0x40;
	s13 =	sand.u32 $0x1, s9;
	s12 =	sshrl.u32 s12, $0x2  }
0x20: {  	s14 =	simm.s32 $0x0;
	[sflag:s5] =	ssyncset.done $0x0;
	s12 =	sor.u32 $0x80, s12  }
0x21: {  	s13 =	sshll.u32 s13, $0x6;
	[sflag:s5] =	ssyncadd.s32 $0xFFFFFFC0;
	s15 =	smov.u32 s12  }
.LBB2_3:
0x22: {  	s16 =	sshll.u32 s14, $0x4  }
0x23: {  	s16 =	sand.u32 $0x3FFFFFF0, s16  }
0x24: {  	s16 =	sadd.s32 s16, s13  }
0x25: {  	v0 =	vld.msk [tilespmem:s16+$0x0 ss:$0x1], $0xffff;
	_ =	sdelay $0x4  }
0x26: {  	vm2 =	vgt.s32 v0, $0x0  }
0x27: {  	v0 =	vnsel vm2, $0x0, v0  }
0x28: {  	v0 =	vmin.u32 v0, $0x3FFF  }
0x29: {  	v1 =	vshrl.u32 v0, $0x3  }
0x2a: {  	v0 =	vshll.u32 v0, $0x7;
	v1 =	vmul.u32 $0x1800, v1  }
0x2b: {  	v0 =	vand.u32 $0x380, v0  }
0x2c: {  	v0 =	vor.u32 v0, v1  }
0x2d: {  	v0 =	vshrl.u32 v0, $0x3;
	_ =	sdelay $0x3  }
0x2e: {  	s17 =	sadd.s32 $0x0, s15  }
0x2f: {  	[tilespmem:s17], [sflag:$0x1] =	stream.indirect_vreg.gather [hbm:s2], $0x80, v0, vm0, $0x38;
	[tilespmem:$0x18080] =	vst v63  }
0x30: {  	s16 =	simm.s32 $0x1000;
	v1 =	vadd.s32 $0x80, v0;
	s17 =	sadd.s32 $0x1800, s17  }
.LBB2_4:
0x31: {  	[tilespmem:s17], [sflag:$0x1] =	stream.indirect_vreg.gather [hbm:s2], $0x80, v0, vm1, $0x38;
	[tilespmem:$0x18080] =	vst v63  }
0x32: {  	v0 =	vmov v1;
	s17 =	smov.u32 s16;
	p1 =	sne.s32 s16, $0x5000  }
.Ltmp3:
0x33: {  	s16 =	sadd.s32 $0x1000, s16;
	(pc) =	sbr.rel @p1 .LBB2_4-.Ltmp3, $4  }
0x34: {  	s17 =	sshra.s32 s17, $0x2  }
0x35: {  	s17 =	sadd.s32 s17, s15  }
0x36: {  	[tilespmem:s17], [sflag:$0x1] =	stream.indirect_vreg.gather [hbm:s2], $0x80, v1, vm0, $0x38;
	[tilespmem:$0x18080] =	vst v63  }
0x37: {  	s17 =	sadd.s32 $0x1800, s17;
	v1 =	vadd.s32 $0x80, v1  }
0x38: {  	s14 =	sadd.s32 $0x1, s14  }
0x39: {  	p1 =	sne.s32 s14, $0x4  }
.Ltmp4:
0x3a: {  	_ = 	snop;
	(pc) =	sbr.rel @p1 .LBB2_3-.Ltmp4, $3  }
0x3b: {  	_ =	sdelay $0x1  }
0x3c: {  	[tilespmem:s17], [sflag:$0x1] =	stream.indirect_vreg.gather [hbm:s2], $0x80, v0, vm1, $0x38;
	[tilespmem:$0x18080] =	vst v63  }
0x3d: {  	s15 =	sadd.s32 $0x3000, s15  }
0x3e: {  	s13 =	sshrl.u32 s11, $0x3  }
0x3f: {  	s13 =	smul.u32 $0x300, s13  }
0x40: {  	s31 =	sshll.u32 s11, $0x4  }
0x41: {  	_ =	swait.ge [sflag:s4], $0xC000;
	s11 =	sand.u32 $0x70, s31;
	s13 =	sadd.s32 s13, s7  }
0x42: {  	s14 =	sadd.s32 $0x1800, s12;
	[sflag:s4] =	ssyncset.done $0x0;
	s11 =	sadd.s32 s11, s13  }
0x43: {  	[sflag:s4] =	ssyncadd.s32 $0xFFFF4000;
	s13 =	simm.s32 $0x300;
	s15 =	sadd.s32 $0x0, s11  }
.LBB2_7:
0x44: {  	[hbm:s15] =	stream.linear.scatter [tilespmem:s12], [sflag:$0x3], $0x1800, $0x38;
	[tilespmem:$0x18080] =	vst v63  }
0x45: {  	s15 =	smov.u32 s13;
	s12 =	smov.u32 s14;
	p1 =	sne.s32 s13, $0x1500  }
.Ltmp5:
0x46: {  	s13 =	sadd.s32 $0x300, s13;
	(pc) =	sbr.rel @p1 .LBB2_7-.Ltmp5, $2  }
0x47: {  	_ =	sdelay $0x2  }
0x48: {  	s14 =	sadd.s32 $0x1800, s14;
	s15 =	sadd.s32 s15, s11  }
.Ltmp6:
0x49: {  	(pc) =	sbr.rel .LBB2_9-.Ltmp6, $2  }
0x4a: {  	_ =	sdelay $0x2  }
0x4b: {  	[hbm:s15] =	stream.linear.scatter [tilespmem:s12], [sflag:$0x3], $0x1800, $0x38;
	[tilespmem:$0x18080] =	vst v63  }
.LBB2_10:
0x4c: {  	_ =	sfence.sel $0x180000  }
0x4d: {  	s2 =	simm.s32 $0x2;
	[bflag:$0x0] =	sbarrier.arrive $0xFFFF  }
0x4e: {  	s30 =	simm.s32 $0x3;
	[sflag:s2] =	ssyncpa.u1 $0x1  }
0x4f: {  	s31 =	simm.s32 $0x1;
	[sflag:s30] =	ssyncpa.u1 $0x1  }
0x50: {  	[sflag:s31] =	ssyncpa.u1 $0x1  }
0x51: {  	p0 =	sne.s32 s1, $0x0;
	_ =	strace $0x9000005C  }
0x52: {  	s0 =	sadd.s32 @!p0 $0x100000, s0;
	[bflag:$0x2] =	sbarrier.arrive $0xFFFF  }
0x53: {  	[sflag:s0] =	ssyncadd.tile.s32 @!p0 $0x1;
	_ =	shalt  }
.Lfunc_end2:
_tile_overlayer_lowered:
.L_overlay_start_2:
0x54: {  	(tag) =	ssettag $0x2  }
0x55: {  	s0 =	rddreg [dreg:$0x0];
	s2 =	stileid.u32  }
0x56: {  	s1 =	rddreg [dreg:$0x1];
	p0 =	sne.s32 s2, $0x0  }
0x57: {  	s3 =	rddreg [dreg:$0x2];
	[bflag:$0x3] =	sbarrier.arrive $0xFFFF;
	s2 =	simm.s32 @!p0 $0x1C01  }
0x58: {  	[timem:s3], [sflag:s2] =	dma.local @!p0 [hbm:s0], s1  }
0x59: {  	s0 =	simm.s32 @!p0 $0x1  }
0x5a: {  	_ =	swait.ge @!p0 [sflag:s0], s1  }
0x5b: {  	s1 =	ssub.s32 @!p0 $0x0, s1;
	[sflag:s0] =	ssyncset.done @!p0 $0x0  }
0x5c: {  	[sflag:s0] =	ssyncadd.s32 @!p0 s1  }
0x5d: {  	[bflag:$0x3] =	sbarrier.arrive $0xFFFF  }
0x5e: {  	_ =	shalt  }

// kernel: gather_offload_async_start.5
scs
__scs_entry_jumppad:
0x0: {  	(pc) =	sbr.rel $0x88, $3  }
0x1: {  	(tag) =	ssettag $0x0;
	lr =	simm.s32 $0x1  }
0x2: {  	[smem:$0x3F9A] =	sst lr;
	_ =	strace $0xD0000000  }
0x3: {  	_ = 	snop  }
0x4: {  	_ = 	snop  }
0x5: {  	_ = 	snop  }
0x6: {  	_ = 	snop  }
0x7: {  	_ = 	snop  }
__scs_overlays_trampoline_lowered:
0x8: {  	[smem:$0x3FA9] =	sst s0  }
0x9: {  	[smem:$0x3FAA] =	sst s1  }
0xa: {  	[smem:$0x3FAB] =	sst s2  }
0xb: {  	[smem:$0x3FAC] =	sst s3  }
0xc: {  	[smem:$0x3FAD] =	sst s4  }
0xd: {  	[smem:$0x3FAE] =	sst s5  }
0xe: {  	[smem:$0x3FAF] =	sst s6  }
0xf: {  	[smem:$0x3FB0] =	sst s7  }
0x10: {  	[smem:$0x3FB1] =	sst s8  }
0x11: {  	[smem:$0x3FB2] =	sst s9;
	s0 =	simm.s32 @!p0 $0x0  }
0x12: {  	s1 =	sld [smem:$0x3F98];
	s0 =	simm.s32 @p0 $0x1  }
0x13: {  	[smem:$0x3FB3] =	sst s0;
	s0 =	simm.s32 @!p1 $0x0  }
0x14: {  	s2 =	sld [smem:$0x3F97];
	s0 =	simm.s32 @p1 $0x1  }
0x15: {  	[smem:$0x3FB4] =	sst s0;
	s0 =	simm.s32 @!p2 $0x0  }
0x16: {  	s3 =	sld [smem:$0x3FDB];
	s0 =	simm.s32 @p2 $0x1  }
0x17: {  	s4 =	simm.s32 $0x1BF5;
	[smem:$0x3FB6] =	sst s0  }
0x18: {  	s0 =	sld [smem:$0x3F99];
	_ =	swait.ge [sflag:s4], $0x0  }
0x19: {  	s7 =	sld [smem:$0x3F9A]  }
0x1a: {  	s8 =	sadd.s32 $0xFFFFE003, lr  }
0x1b: {  	s9 =	sadd.s32 $0xFFFFFEF7, lr;
	s5 =	simm.s32 $0xFFFFFFFF;
	p2 =	slt.u32 s8, $0xFFFFF086  }
0x1c: {  	p1 =	slt.u32 s9, $0xF7A;
	s5 =	simm.s32 @!p2 $0x0  }
0x1d: {  	s5 =	simm.s32 @p1 $0x1;
	p0 =	seq.s32 s7, s2  }
0x1e: {  	s7 =	smul.u32 @!p0 $0xF7A, s2;
	p2 =	seq.s32 @!p0 s5, $0x0  }
0x1f: {  	s9 =	smul.u32 $0xF7A, s1;
	s8 =	simm.s32 @!p0 $0x1BF5;
	p2 =	por !p2, p0  }
0x20: {  	[sflag:s8] =	ssyncset.s32 @!p0 $0xFFFFF086;
	s6 =	sadd.s32 @!p0 s3, s7;
	s7 =	simm.s32 @!p0 $0x108  }
0x21: {  	s3 =	sadd.s32 s3, s9;
	s6 =	sadd.s32 @!p0 $0x88, s6;
	s7 =	simm.s32 @p2 $0x1082  }
0x22: {  	[simem:s7], [sflag:s8] =	dma.local @!p0 [hbm:s6], $0xF7A  }
0x23: {  	s9 =	sor.u32 $0xD0000000, s2;
	s6 =	simm.s32 $0x108;
	_ =	swait.ge @!p0 [sflag:s8], $0x0  }
0x24: {  	s3 =	sadd.s32 $0x88, s3;
	s6 =	simm.s32 @!p1 $0x1082;
	[sflag:s4] =	ssyncset.s32 $0xFFFFF086  }
0x25: {  	[simem:s6], [sflag:s4] =	dma.local [hbm:s3], $0xF7A  }
0x26: {  	[smem:$0x3F9A] =	sst s1;
	(tag) =	ssettag s2;
	_ =	strace s9  }
0x27: {  	s1 =	sld [smem:$0x3FAA]  }
0x28: {  	s2 =	sld [smem:$0x3FAB]  }
0x29: {  	s4 =	sld [smem:$0x3FAD]  }
0x2a: {  	p0 =	seq.s32 s5, $0x0;
	s5 =	sld [smem:$0x3FAE]  }
0x2b: {  	s6 =	sld [smem:$0x3FAF]  }
0x2c: {  	s7 =	sld [smem:$0x3FB0]  }
0x2d: {  	s3 =	simm.s32 $0x108;
	s8 =	sld [smem:$0x3FB1]  }
0x2e: {  	s3 =	simm.s32 @!p0 $0x1082;
	s9 =	sld [smem:$0x3FB2]  }
0x2f: {  	lr =	sadd.s32 s0, s3;
	s0 =	sld [smem:$0x3FA9]  }
0x30: {  	s3 =	sld [smem:$0x3FAC]  }
0x31: {  	[smem:$0x3FB5] =	sst s10  }
0x32: {  	s10 =	sld [smem:$0x3FB3];
	_ =	sdelay $0x3  }
0x33: {  	p0 =	seq.s32 s10, $0x1;
	s10 =	sld [smem:$0x3FB5];
	_ =	sdelay $0x3  }
0x34: {  	[smem:$0x3FB5] =	sst s10  }
0x35: {  	s10 =	sld [smem:$0x3FB4];
	_ =	sdelay $0x3  }
0x36: {  	p1 =	seq.s32 s10, $0x1;
	s10 =	sld [smem:$0x3FB5];
	_ =	sdelay $0x3  }
0x37: {  	[smem:$0x3FB5] =	sst s10  }
0x38: {  	s10 =	sld [smem:$0x3FB6]  }
0x39: {  	_ = 	snop;
	(pc) =	sbr.ind lr, $3  }
0x3a: {  	_ = 	snop  }
0x3b: {  	_ = 	snop  }
0x3c: {  	p2 =	seq.s32 s10, $0x1;
	s10 =	sld [smem:$0x3FB5]  }
0x3d: {  	_ =	shalt  }
0x3e: {  	_ =	shalt  }
0x3f: {  	_ =	shalt  }
0x40: {  	_ =	shalt  }
0x41: {  	_ =	shalt  }
0x42: {  	_ =	shalt  }
0x43: {  	_ =	shalt  }
0x44: {  	_ =	shalt  }
0x45: {  	_ =	shalt  }
0x46: {  	_ =	shalt  }
0x47: {  	_ =	shalt  }
0x48: {  	_ =	shalt  }
0x49: {  	_ =	shalt  }
0x4a: {  	_ =	shalt  }
0x4b: {  	_ =	shalt  }
0x4c: {  	_ =	shalt  }
0x4d: {  	_ =	shalt  }
0x4e: {  	_ =	shalt  }
0x4f: {  	_ =	shalt  }
0x50: {  	_ =	shalt  }
0x51: {  	_ =	shalt  }
0x52: {  	_ =	shalt  }
0x53: {  	_ =	shalt  }
0x54: {  	_ =	shalt  }
0x55: {  	_ =	shalt  }
0x56: {  	_ =	shalt  }
0x57: {  	_ =	shalt  }
0x58: {  	_ =	shalt  }
0x59: {  	_ =	shalt  }
0x5a: {  	_ =	shalt  }
0x5b: {  	_ =	shalt  }
0x5c: {  	_ =	shalt  }
0x5d: {  	_ =	shalt  }
0x5e: {  	_ =	shalt  }
0x5f: {  	_ =	shalt  }
0x60: {  	_ =	shalt  }
0x61: {  	_ =	shalt  }
0x62: {  	_ =	shalt  }
0x63: {  	_ =	shalt  }
0x64: {  	_ =	shalt  }
0x65: {  	_ =	shalt  }
0x66: {  	_ =	shalt  }
0x67: {  	_ =	shalt  }
0x68: {  	_ =	shalt  }
0x69: {  	_ =	shalt  }
0x6a: {  	_ =	shalt  }
0x6b: {  	_ =	shalt  }
0x6c: {  	_ =	shalt  }
0x6d: {  	_ =	shalt  }
0x6e: {  	_ =	shalt  }
0x6f: {  	_ =	shalt  }
0x70: {  	_ =	shalt  }
0x71: {  	_ =	shalt  }
0x72: {  	_ =	shalt  }
0x73: {  	_ =	shalt  }
0x74: {  	_ =	shalt  }
0x75: {  	_ =	shalt  }
0x76: {  	_ =	shalt  }
0x77: {  	_ =	shalt  }
0x78: {  	_ =	shalt  }
0x79: {  	_ =	shalt  }
0x7a: {  	_ =	shalt  }
0x7b: {  	_ =	shalt  }
0x7c: {  	_ =	shalt  }
0x7d: {  	_ =	shalt  }
0x7e: {  	_ =	shalt  }
0x7f: {  	_ =	shalt  }
0x80: {  	_ =	shalt  }
0x81: {  	_ =	shalt  }
0x82: {  	_ =	shalt  }
0x83: {  	_ =	shalt  }
0x84: {  	_ =	shalt  }
0x85: {  	_ =	shalt  }
0x86: {  	_ =	shalt  }
0x87: {  	_ =	shalt  }
.Lfunc_end0:
.L_simem_size_0:
called_computation.5_lowered:
.L_overlay_start_0:
0x88: {  	s2 =	sld [smem:$0x3FD9]  }
0x89: {  	s3 =	sld [smem:$0x3FFE];
	_ =	sdelay $0x1  }
0x8a: {  	s1 =	srdreg.scid  }
0x8b: {  	s0 =	sand.u32 $0x1, s1  }
0x8c: {  	s17 =	sshll.u32 s0, $0xA;
	s2 =	sadd.s32 s3, s2  }
0x8d: {  	s2 =	sadd.s32 s2, s17  }
0x8e: {  	[smem:$0x3FC1] =	sst s2  }
0x8f: {  	_ = 	snop  }
0x90: {  	(tm) =	ssettm $0x1  }
0x91: {  	s18 =	sld [smem:$0x3FFB];
	_ =	sdelay $0x3  }
0x92: {  	_ =	strace s18  }
0x93: {  	s2 =	sld [smem:$0x3FFC];
	_ =	sdelay $0x3  }
0x94: {  	_ =	strace s2  }
0x95: {  	s2 =	sld [smem:$0x3FFD];
	_ =	sdelay $0x3  }
0x96: {  	_ =	strace s2  }
0x97: {  	_ =	strace $0x8FFFFFFF  }
0x98: {  	s19 =	sld [smem:$0x3FDB];
	_ =	sdelay $0x1  }
0x99: {  	s20 =	simm.s32 $_scs_section_size  }
0x9a: {  	s4 =	simm.s32 $_size__tile_overlayer_lowered;
	s5 =	simm.s32 $_tile_overlayer_lowered  }
0x9b: {  	s6 =	simm.s32 $0x1BFF;
	s21 =	sshll.u32 s5, $0x1;
	s3 =	sadd.s32 s20, s19  }
0x9c: {  	s22 =	simm.s32 $0x0;
	s4 =	sshll.u32 s4, $0x1;
	s5 =	sadd.s32 s21, s3  }
0x9d: {  	[timem:s22], [sflag:s6] =	dma.local [hbm:s5], s4  }
0x9e: {  	_ =	swait.ge [sflag:s6], s4  }
0x9f: {  	s4 =	ssub.s32 $0x0, s4;
	[sflag:s6] =	ssyncset.done $0x0  }
0xa0: {  	[sflag:s6] =	ssyncadd.s32 s4;
	_ =	sdelay $0x1  }
0xa1: {  	s23 =	simm.s32 $0x1B8B  }
0xa2: {  	_ =	swait.ge [sflag:s23], $0x1  }
0xa3: {  	[sflag:s23] =	ssyncset.done $0x0  }
0xa4: {  	[sflag:s23] =	ssyncadd.s32 $0xFFFFFFFF  }
0xa5: {  	s4 =	sld [smem:$0x0]  }
0xa6: {  	s5 =	sand.u32 $0xFFFFFFFE, s1  }
0xa7: {  	p0 =	sne.s32 s1, s5  }
0xa8: {  	s5 =	sshll.u32 @p0 s5, $0xE  }
0xa9: {  	s5 =	sadd.s32 @p0 $0x11B8D, s5;
	s6 =	sshll.u32 @p0 s4, $0x11  }
0xaa: {  	s5 =	sor.u32 @p0 s6, s5  }
0xab: {  	[sflag:s5] =	ssyncadd.remote.s32 @p0 $0x1;
	_ =	sdelay $0x1  }
0xac: {  	s5 =	simm.s32 @p0 $0x1B8D  }
0xad: {  	_ =	swait.eq @p0 [sflag:s5], $0x1  }
0xae: {  	[sflag:s5] =	ssyncadd.s32 @p0 $0xFFFFFFFF  }
0xaf: {  	s6 =	sshll.u32 @!p0 s1, $0xE  }
0xb0: {  	s6 =	sor.u32 @!p0 $0x4000, s6;
	s5 =	simm.s32 @!p0 $0x1B8D  }
0xb1: {  	s4 =	sshll.u32 @!p0 s4, $0x11;
	s6 =	sadd.s32 @!p0 $0x11B8D, s6;
	_ =	swait.eq @!p0 [sflag:s5], $0x1  }
0xb2: {  	s4 =	sor.u32 @!p0 s4, s6;
	[sflag:s5] =	ssyncadd.s32 @!p0 $0xFFFFFFFF  }
0xb3: {  	s25 =	simm.s32 $0x1B8E;
	s24 =	sld [smem:$0x3FFE];
	[sflag:s4] =	ssyncadd.remote.s32 @!p0 $0x1  }
0xb4: {  	s26 =	simm.s32 $execute0_lowered;
	[smem:$0x3FD2] =	sst s25  }
0xb5: {  	s5 =	sshll.u32 s26, $0x1;
	_ =	strace $0x80000058;
	[dreg:$0x1] =	wrdreg $0xFFFFFFFF  }
0xb6: {  	s28 =	simm.s32 $_size_execute0_lowered;
	s3 =	sadd.s32 s3, s5;
	[dreg:$0x0] =	wrdreg $0x0  }
0xb7: {  	s5 =	sshll.u32 s28, $0x1;
	[dreg:$0x2] =	wrdreg s3  }
0xb8: {  	[dreg:$0x3] =	wrdreg s5  }
0xb9: {  	[dreg:$0x4] =	wrdreg $0xC0  }
0xba: {  	_ =	task [dreg:s22], $0x5FFFF  }
0xbb: {  	[dreg:$0x1] =	wrdreg $0xFFFFFFFF  }
0xbc: {  	[dreg:$0x0] =	wrdreg $0x60  }
0xbd: {  	[dreg:$0x2] =	wrdreg s24  }
0xbe: {  	[dreg:$0x3] =	wrdreg $0xC  }
0xbf: {  	_ =	task.clear_ibuf [dreg:s22], $0x4FFFF;
	_ =	strace $0x90000058  }
0xc0: {  	s29 =	simm.s32 $0xC;
	_ =	strace $0x8000005A  }
0xc1: {  	_ =	swait.ge [sflag:s29], $0x1  }
0xc2: {  	[sflag:s29] =	ssyncadd.s32 $0xFFFFFFFF  }
0xc3: {  	_ =	strace $0x9000005A  }
0xc4: {  	_ =	sfence  }
0xc5: {  	s30 =	sld [smem:$0x0];
	_ =	sdelay $0x2  }
0xc6: {  	s31 =	sshll.u32 s1, $0xD;
	s1 =	sshrl.u32 s1, $0x2  }
0xc7: {  	s4 =	sand.u32 $0x4000, s31;
	s1 =	sadd.s32 s1, s30  }
0xc8: {  	s0 =	sor.u32 s4, s0;
	s1 =	sshll.u32 s1, $0x11  }
0xc9: {  	s0 =	sor.u32 s1, s0  }
0xca: {  	s0 =	sadd.s32 $0x8F2B, s0  }
0xcb: {  	[sflag:s0] =	ssyncadd.remote.s32 $0x1  }
0xcc: {  	_ =	sfence.sel $0xFFFF  }
0xcd: {  	[dreg:$0x0] =	wrdreg $0xFFFFFFFF;
	(pc) =	sbr.abs _section_cstart, $3  }
0xce: {  	[dreg:$0x1] =	wrdreg $0xFFFFFFFF  }
0xcf: {  	_ =	task.clear_ibuf [dreg:s22], $0x2FFFF;
	_ =	strace $0x9FFFFFFF  }
0xd0: {  	(tm) =	ssettm $0x7FFFFFFF  }
0xd1: {  	_ =	shalt  }
tec
execute0_lowered:
.L_overlay_start_1:
0x0: {  	(tag) =	ssettag $0x1  }
0x1: {  	s7 =	rddreg [dreg:$0x0]  }
0x2: {  	s0 =	rddreg [dreg:$0x1];
	_ =	strace $0x80000059  }
0x3: {  	s1 =	srdreg.scid;
	s4 =	simm.s32 $0x1;
	s9 =	simm.s32 $0x3  }
0x4: {  	s11 =	simm.s32 $0x0;
	p0 =	por $0x0, $0x0;
	s5 =	sshll.u32 s1, $0x4  }
.Ltmp0:
0x5: {  	s1 =	stileid.u32;
	s5 =	sand.u32 $0x10, s5;
	(pc) =	sbr.rel .LBB2_1-.Ltmp0, $4  }
0x6: {  	s2 =	sadd.s32 $0x8A5200, s7;
	s3 =	sadd.s32 $0x603600, s7;
	s6 =	sor.u32 s1, s5  }
0x7: {  	[sflag:s4] =	ssyncpa.u1 $0x0;
	s5 =	simm.s32 $0x2;
	s6 =	sshll.u32 s6, $0x8  }
0x8: {  	s7 =	sadd.s32 $0x180E00, s7;
	[sflag:s5] =	ssyncpa.u1 $0x0;
	s8 =	sadd.s32 $0x100, s6  }
0x9: {  	vm0 =	vmmov $0xff;
	vm1 =	vcmask $0x3F20;
	[sflag:s9] =	ssyncpa.u1 $0x0;
	s10 =	smov.u32 s6;
	s9 =	simm.s32 $0x0  }
.LBB2_9:
0xa: {  	p1 =	slt.u32 s9, $0x2;
	s11 =	sadd.s32 $0x40, s10  }
0xb: {  	s13 =	smov.u32 s6;
	s9 =	sadd.s32 $0x1, s9;
	p2 =	slt.s32 s11, s8  }
0xc: {  	s13 =	smov.u32 @p2 s11;
	p2 =	sne.s32 s9, $0x6  }
.Ltmp1:
0xd: {  	_ = 	snop;
	(pc) =	sbr.rel @!p2 .LBB2_10-.Ltmp1, $4  }
0xe: {  	s12 =	simm.s32 @!p1 $0x3  }
0xf: {  	_ =	swait.ge @!p1 [sflag:s12], $0xC000  }
0x10: {  	p0 =	por !p0, !p0;
	[sflag:s12] =	ssyncset.done @!p1 $0x0  }
0x11: {  	s11 =	smov.u32 s10;
	s10 =	smov.u32 s13;
	[sflag:s12] =	ssyncadd.s32 @!p1 $0xFFFF4000  }
.LBB2_1:
0x12: {  	p1 =	sgt.u32 s9, $0x3  }
0x13: {  	s12 =	sxor.u32 @!p1 $0xFFFFFFFF, s9  }
0x14: {  	s13 =	sshrl.u32 @!p1 s10, $0x3;
	s12 =	sshll.u32 @!p1 s12, $0x6  }
0x15: {  	s14 =	sand.u32 @!p1 $0x7, s10;
	s13 =	sadd.s32 @!p1 s3, s13;
	s12 =	sand.u32 @!p1 $0x40, s12  }
0x16: {  	[tilespmem:s12], [sflag:$0x2] =	stream.linear.gather @!p1 [hbm4b:s13+s14], $0x40, $0x38;
	[tilespmem:$0x18080] =	vst v63  }
0x17: {  	p1 =	seq.s32 s9, $0x0  }
0x18: {  	p2 =	seq.s32 @!p1 s9, $0x5  }
0x19: {  	p1 =	por p1, p2  }
.Ltmp2:
0x1a: {  	_ = 	snop;
	(pc) =	sbr.rel @p1 .LBB2_9-.Ltmp2, $1  }
0x1b: {  	_ =	sdelay $0x3  }
0x1c: {  	s12 =	simm.s32 $0x1  }
0x1d: {  	s12 =	simm.s32 @!p0 $0x0  }
0x1e: {  	s12 =	smul.u32 $0x30000, s12;
	_ =	sdelay $0x1  }
0x1f: {  	_ =	swait.ge [sflag:s5], $0x40;
	s13 =	sand.u32 $0x1, s9;
	s12 =	sshrl.u32 s12, $0x2  }
0x20: {  	s14 =	simm.s32 $0x0;
	[sflag:s5] =	ssyncset.done $0x0;
	s12 =	sor.u32 $0x80, s12  }
0x21: {  	s13 =	sshll.u32 s13, $0x6;
	[sflag:s5] =	ssyncadd.s32 $0xFFFFFFC0;
	s15 =	smov.u32 s12  }
.LBB2_3:
0x22: {  	s16 =	sshll.u32 s14, $0x4  }
0x23: {  	s16 =	sand.u32 $0x3FFFFFF0, s16  }
0x24: {  	s16 =	sadd.s32 s16, s13  }
0x25: {  	v0 =	vld.msk [tilespmem:s16+$0x0 ss:$0x1], $0xffff;
	_ =	sdelay $0x4  }
0x26: {  	vm2 =	vgt.s32 v0, $0x0  }
0x27: {  	v0 =	vnsel vm2, $0x0, v0  }
0x28: {  	v0 =	vmin.u32 v0, $0x3FFF  }
0x29: {  	v1 =	vshrl.u32 v0, $0x3  }
0x2a: {  	v0 =	vshll.u32 v0, $0x7;
	v1 =	vmul.u32 $0x1800, v1  }
0x2b: {  	v0 =	vand.u32 $0x380, v0  }
0x2c: {  	v0 =	vor.u32 v0, v1  }
0x2d: {  	v0 =	vshrl.u32 v0, $0x3;
	_ =	sdelay $0x3  }
0x2e: {  	s17 =	sadd.s32 $0x0, s15  }
0x2f: {  	[tilespmem:s17], [sflag:$0x1] =	stream.indirect_vreg.gather [hbm:s2], $0x80, v0, vm0, $0x38;
	[tilespmem:$0x18080] =	vst v63  }
0x30: {  	s16 =	simm.s32 $0x1000;
	v1 =	vadd.s32 $0x80, v0;
	s17 =	sadd.s32 $0x1800, s17  }
.LBB2_4:
0x31: {  	[tilespmem:s17], [sflag:$0x1] =	stream.indirect_vreg.gather [hbm:s2], $0x80, v0, vm1, $0x38;
	[tilespmem:$0x18080] =	vst v63  }
0x32: {  	v0 =	vmov v1;
	s17 =	smov.u32 s16;
	p1 =	sne.s32 s16, $0x5000  }
.Ltmp3:
0x33: {  	s16 =	sadd.s32 $0x1000, s16;
	(pc) =	sbr.rel @p1 .LBB2_4-.Ltmp3, $4  }
0x34: {  	s17 =	sshra.s32 s17, $0x2  }
0x35: {  	s17 =	sadd.s32 s17, s15  }
0x36: {  	[tilespmem:s17], [sflag:$0x1] =	stream.indirect_vreg.gather [hbm:s2], $0x80, v1, vm0, $0x38;
	[tilespmem:$0x18080] =	vst v63  }
0x37: {  	s17 =	sadd.s32 $0x1800, s17;
	v1 =	vadd.s32 $0x80, v1  }
0x38: {  	s14 =	sadd.s32 $0x1, s14  }
0x39: {  	p1 =	sne.s32 s14, $0x4  }
.Ltmp4:
0x3a: {  	_ = 	snop;
	(pc) =	sbr.rel @p1 .LBB2_3-.Ltmp4, $3  }
0x3b: {  	_ =	sdelay $0x1  }
0x3c: {  	[tilespmem:s17], [sflag:$0x1] =	stream.indirect_vreg.gather [hbm:s2], $0x80, v0, vm1, $0x38;
	[tilespmem:$0x18080] =	vst v63  }
0x3d: {  	s15 =	sadd.s32 $0x3000, s15  }
0x3e: {  	s13 =	sshrl.u32 s11, $0x3  }
0x3f: {  	s13 =	smul.u32 $0x300, s13  }
0x40: {  	s31 =	sshll.u32 s11, $0x4  }
0x41: {  	_ =	swait.ge [sflag:s4], $0xC000;
	s11 =	sand.u32 $0x70, s31;
	s13 =	sadd.s32 s13, s7  }
0x42: {  	s14 =	sadd.s32 $0x1800, s12;
	[sflag:s4] =	ssyncset.done $0x0;
	s11 =	sadd.s32 s11, s13  }
0x43: {  	[sflag:s4] =	ssyncadd.s32 $0xFFFF4000;
	s13 =	simm.s32 $0x300;
	s15 =	sadd.s32 $0x0, s11  }
.LBB2_7:
0x44: {  	[hbm:s15] =	stream.linear.scatter [tilespmem:s12], [sflag:$0x3], $0x1800, $0x38;
	[tilespmem:$0x18080] =	vst v63  }
0x45: {  	s15 =	smov.u32 s13;
	s12 =	smov.u32 s14;
	p1 =	sne.s32 s13, $0x1500  }
.Ltmp5:
0x46: {  	s13 =	sadd.s32 $0x300, s13;
	(pc) =	sbr.rel @p1 .LBB2_7-.Ltmp5, $2  }
0x47: {  	_ =	sdelay $0x2  }
0x48: {  	s14 =	sadd.s32 $0x1800, s14;
	s15 =	sadd.s32 s15, s11  }
.Ltmp6:
0x49: {  	(pc) =	sbr.rel .LBB2_9-.Ltmp6, $2  }
0x4a: {  	_ =	sdelay $0x2  }
0x4b: {  	[hbm:s15] =	stream.linear.scatter [tilespmem:s12], [sflag:$0x3], $0x1800, $0x38;
	[tilespmem:$0x18080] =	vst v63  }
.LBB2_10:
0x4c: {  	_ =	sfence.sel $0x180000  }
0x4d: {  	s2 =	simm.s32 $0x2;
	[bflag:$0x0] =	sbarrier.arrive $0xFFFF  }
0x4e: {  	s30 =	simm.s32 $0x3;
	[sflag:s2] =	ssyncpa.u1 $0x1  }
0x4f: {  	s31 =	simm.s32 $0x1;
	[sflag:s30] =	ssyncpa.u1 $0x1  }
0x50: {  	[sflag:s31] =	ssyncpa.u1 $0x1  }
0x51: {  	p0 =	sne.s32 s1, $0x0;
	_ =	strace $0x90000059  }
0x52: {  	s0 =	sadd.s32 @!p0 $0x100000, s0;
	[bflag:$0x2] =	sbarrier.arrive $0xFFFF  }
0x53: {  	[sflag:s0] =	ssyncadd.tile.s32 @!p0 $0x1;
	_ =	shalt  }
.Lfunc_end2:
_tile_overlayer_lowered:
.L_overlay_start_2:
0x54: {  	(tag) =	ssettag $0x2  }
0x55: {  	s0 =	rddreg [dreg:$0x0];
	s2 =	stileid.u32  }
0x56: {  	s1 =	rddreg [dreg:$0x1];
	p0 =	sne.s32 s2, $0x0  }
0x57: {  	s3 =	rddreg [dreg:$0x2];
	[bflag:$0x3] =	sbarrier.arrive $0xFFFF;
	s2 =	simm.s32 @!p0 $0x1C01  }
0x58: {  	[timem:s3], [sflag:s2] =	dma.local @!p0 [hbm:s0], s1  }
0x59: {  	s0 =	simm.s32 @!p0 $0x1  }
0x5a: {  	_ =	swait.ge @!p0 [sflag:s0], s1  }
0x5b: {  	s1 =	ssub.s32 @!p0 $0x0, s1;
	[sflag:s0] =	ssyncset.done @!p0 $0x0  }
0x5c: {  	[sflag:s0] =	ssyncadd.s32 @!p0 s1  }
0x5d: {  	[bflag:$0x3] =	sbarrier.arrive $0xFFFF  }
0x5e: {  	_ =	shalt  }

// kernel: gather_offload_async_start.6
scs
__scs_entry_jumppad:
0x0: {  	(pc) =	sbr.rel $0x88, $3  }
0x1: {  	(tag) =	ssettag $0x0;
	lr =	simm.s32 $0x1  }
0x2: {  	[smem:$0x3F9A] =	sst lr;
	_ =	strace $0xD0000000  }
0x3: {  	_ = 	snop  }
0x4: {  	_ = 	snop  }
0x5: {  	_ = 	snop  }
0x6: {  	_ = 	snop  }
0x7: {  	_ = 	snop  }
__scs_overlays_trampoline_lowered:
0x8: {  	[smem:$0x3FA9] =	sst s0  }
0x9: {  	[smem:$0x3FAA] =	sst s1  }
0xa: {  	[smem:$0x3FAB] =	sst s2  }
0xb: {  	[smem:$0x3FAC] =	sst s3  }
0xc: {  	[smem:$0x3FAD] =	sst s4  }
0xd: {  	[smem:$0x3FAE] =	sst s5  }
0xe: {  	[smem:$0x3FAF] =	sst s6  }
0xf: {  	[smem:$0x3FB0] =	sst s7  }
0x10: {  	[smem:$0x3FB1] =	sst s8  }
0x11: {  	[smem:$0x3FB2] =	sst s9;
	s0 =	simm.s32 @!p0 $0x0  }
0x12: {  	s1 =	sld [smem:$0x3F98];
	s0 =	simm.s32 @p0 $0x1  }
0x13: {  	[smem:$0x3FB3] =	sst s0;
	s0 =	simm.s32 @!p1 $0x0  }
0x14: {  	s2 =	sld [smem:$0x3F97];
	s0 =	simm.s32 @p1 $0x1  }
0x15: {  	[smem:$0x3FB4] =	sst s0;
	s0 =	simm.s32 @!p2 $0x0  }
0x16: {  	s3 =	sld [smem:$0x3FDB];
	s0 =	simm.s32 @p2 $0x1  }
0x17: {  	s4 =	simm.s32 $0x1BF5;
	[smem:$0x3FB6] =	sst s0  }
0x18: {  	s0 =	sld [smem:$0x3F99];
	_ =	swait.ge [sflag:s4], $0x0  }
0x19: {  	s7 =	sld [smem:$0x3F9A]  }
0x1a: {  	s8 =	sadd.s32 $0xFFFFE003, lr  }
0x1b: {  	s9 =	sadd.s32 $0xFFFFFEF7, lr;
	s5 =	simm.s32 $0xFFFFFFFF;
	p2 =	slt.u32 s8, $0xFFFFF086  }
0x1c: {  	p1 =	slt.u32 s9, $0xF7A;
	s5 =	simm.s32 @!p2 $0x0  }
0x1d: {  	s5 =	simm.s32 @p1 $0x1;
	p0 =	seq.s32 s7, s2  }
0x1e: {  	s7 =	smul.u32 @!p0 $0xF7A, s2;
	p2 =	seq.s32 @!p0 s5, $0x0  }
0x1f: {  	s9 =	smul.u32 $0xF7A, s1;
	s8 =	simm.s32 @!p0 $0x1BF5;
	p2 =	por !p2, p0  }
0x20: {  	[sflag:s8] =	ssyncset.s32 @!p0 $0xFFFFF086;
	s6 =	sadd.s32 @!p0 s3, s7;
	s7 =	simm.s32 @!p0 $0x108  }
0x21: {  	s3 =	sadd.s32 s3, s9;
	s6 =	sadd.s32 @!p0 $0x88, s6;
	s7 =	simm.s32 @p2 $0x1082  }
0x22: {  	[simem:s7], [sflag:s8] =	dma.local @!p0 [hbm:s6], $0xF7A  }
0x23: {  	s9 =	sor.u32 $0xD0000000, s2;
	s6 =	simm.s32 $0x108;
	_ =	swait.ge @!p0 [sflag:s8], $0x0  }
0x24: {  	s3 =	sadd.s32 $0x88, s3;
	s6 =	simm.s32 @!p1 $0x1082;
	[sflag:s4] =	ssyncset.s32 $0xFFFFF086  }
0x25: {  	[simem:s6], [sflag:s4] =	dma.local [hbm:s3], $0xF7A  }
0x26: {  	[smem:$0x3F9A] =	sst s1;
	(tag) =	ssettag s2;
	_ =	strace s9  }
0x27: {  	s1 =	sld [smem:$0x3FAA]  }
0x28: {  	s2 =	sld [smem:$0x3FAB]  }
0x29: {  	s4 =	sld [smem:$0x3FAD]  }
0x2a: {  	p0 =	seq.s32 s5, $0x0;
	s5 =	sld [smem:$0x3FAE]  }
0x2b: {  	s6 =	sld [smem:$0x3FAF]  }
0x2c: {  	s7 =	sld [smem:$0x3FB0]  }
0x2d: {  	s3 =	simm.s32 $0x108;
	s8 =	sld [smem:$0x3FB1]  }
0x2e: {  	s3 =	simm.s32 @!p0 $0x1082;
	s9 =	sld [smem:$0x3FB2]  }
0x2f: {  	lr =	sadd.s32 s0, s3;
	s0 =	sld [smem:$0x3FA9]  }
0x30: {  	s3 =	sld [smem:$0x3FAC]  }
0x31: {  	[smem:$0x3FB5] =	sst s10  }
0x32: {  	s10 =	sld [smem:$0x3FB3];
	_ =	sdelay $0x3  }
0x33: {  	p0 =	seq.s32 s10, $0x1;
	s10 =	sld [smem:$0x3FB5];
	_ =	sdelay $0x3  }
0x34: {  	[smem:$0x3FB5] =	sst s10  }
0x35: {  	s10 =	sld [smem:$0x3FB4];
	_ =	sdelay $0x3  }
0x36: {  	p1 =	seq.s32 s10, $0x1;
	s10 =	sld [smem:$0x3FB5];
	_ =	sdelay $0x3  }
0x37: {  	[smem:$0x3FB5] =	sst s10  }
0x38: {  	s10 =	sld [smem:$0x3FB6]  }
0x39: {  	_ = 	snop;
	(pc) =	sbr.ind lr, $3  }
0x3a: {  	_ = 	snop  }
0x3b: {  	_ = 	snop  }
0x3c: {  	p2 =	seq.s32 s10, $0x1;
	s10 =	sld [smem:$0x3FB5]  }
0x3d: {  	_ =	shalt  }
0x3e: {  	_ =	shalt  }
0x3f: {  	_ =	shalt  }
0x40: {  	_ =	shalt  }
0x41: {  	_ =	shalt  }
0x42: {  	_ =	shalt  }
0x43: {  	_ =	shalt  }
0x44: {  	_ =	shalt  }
0x45: {  	_ =	shalt  }
0x46: {  	_ =	shalt  }
0x47: {  	_ =	shalt  }
0x48: {  	_ =	shalt  }
0x49: {  	_ =	shalt  }
0x4a: {  	_ =	shalt  }
0x4b: {  	_ =	shalt  }
0x4c: {  	_ =	shalt  }
0x4d: {  	_ =	shalt  }
0x4e: {  	_ =	shalt  }
0x4f: {  	_ =	shalt  }
0x50: {  	_ =	shalt  }
0x51: {  	_ =	shalt  }
0x52: {  	_ =	shalt  }
0x53: {  	_ =	shalt  }
0x54: {  	_ =	shalt  }
0x55: {  	_ =	shalt  }
0x56: {  	_ =	shalt  }
0x57: {  	_ =	shalt  }
0x58: {  	_ =	shalt  }
0x59: {  	_ =	shalt  }
0x5a: {  	_ =	shalt  }
0x5b: {  	_ =	shalt  }
0x5c: {  	_ =	shalt  }
0x5d: {  	_ =	shalt  }
0x5e: {  	_ =	shalt  }
0x5f: {  	_ =	shalt  }
0x60: {  	_ =	shalt  }
0x61: {  	_ =	shalt  }
0x62: {  	_ =	shalt  }
0x63: {  	_ =	shalt  }
0x64: {  	_ =	shalt  }
0x65: {  	_ =	shalt  }
0x66: {  	_ =	shalt  }
0x67: {  	_ =	shalt  }
0x68: {  	_ =	shalt  }
0x69: {  	_ =	shalt  }
0x6a: {  	_ =	shalt  }
0x6b: {  	_ =	shalt  }
0x6c: {  	_ =	shalt  }
0x6d: {  	_ =	shalt  }
0x6e: {  	_ =	shalt  }
0x6f: {  	_ =	shalt  }
0x70: {  	_ =	shalt  }
0x71: {  	_ =	shalt  }
0x72: {  	_ =	shalt  }
0x73: {  	_ =	shalt  }
0x74: {  	_ =	shalt  }
0x75: {  	_ =	shalt  }
0x76: {  	_ =	shalt  }
0x77: {  	_ =	shalt  }
0x78: {  	_ =	shalt  }
0x79: {  	_ =	shalt  }
0x7a: {  	_ =	shalt  }
0x7b: {  	_ =	shalt  }
0x7c: {  	_ =	shalt  }
0x7d: {  	_ =	shalt  }
0x7e: {  	_ =	shalt  }
0x7f: {  	_ =	shalt  }
0x80: {  	_ =	shalt  }
0x81: {  	_ =	shalt  }
0x82: {  	_ =	shalt  }
0x83: {  	_ =	shalt  }
0x84: {  	_ =	shalt  }
0x85: {  	_ =	shalt  }
0x86: {  	_ =	shalt  }
0x87: {  	_ =	shalt  }
.Lfunc_end0:
.L_simem_size_0:
called_computation.6_lowered:
.L_overlay_start_0:
0x88: {  	s2 =	sld [smem:$0x3FD9]  }
0x89: {  	s3 =	sld [smem:$0x3FFE];
	_ =	sdelay $0x1  }
0x8a: {  	s1 =	srdreg.scid  }
0x8b: {  	s0 =	sand.u32 $0x1, s1  }
0x8c: {  	s17 =	sshll.u32 s0, $0xA;
	s2 =	sadd.s32 s3, s2  }
0x8d: {  	s2 =	sadd.s32 s2, s17  }
0x8e: {  	[smem:$0x3FC1] =	sst s2  }
0x8f: {  	_ = 	snop  }
0x90: {  	(tm) =	ssettm $0x1  }
0x91: {  	s18 =	sld [smem:$0x3FFB];
	_ =	sdelay $0x3  }
0x92: {  	_ =	strace s18  }
0x93: {  	s2 =	sld [smem:$0x3FFC];
	_ =	sdelay $0x3  }
0x94: {  	_ =	strace s2  }
0x95: {  	s2 =	sld [smem:$0x3FFD];
	_ =	sdelay $0x3  }
0x96: {  	_ =	strace s2  }
0x97: {  	_ =	strace $0x8FFFFFFF  }
0x98: {  	s19 =	sld [smem:$0x3FDB];
	_ =	sdelay $0x1  }
0x99: {  	s20 =	simm.s32 $_scs_section_size  }
0x9a: {  	s4 =	simm.s32 $_size__tile_overlayer_lowered;
	s5 =	simm.s32 $_tile_overlayer_lowered  }
0x9b: {  	s6 =	simm.s32 $0x1BFF;
	s21 =	sshll.u32 s5, $0x1;
	s3 =	sadd.s32 s20, s19  }
0x9c: {  	s22 =	simm.s32 $0x0;
	s4 =	sshll.u32 s4, $0x1;
	s5 =	sadd.s32 s21, s3  }
0x9d: {  	[timem:s22], [sflag:s6] =	dma.local [hbm:s5], s4  }
0x9e: {  	_ =	swait.ge [sflag:s6], s4  }
0x9f: {  	s4 =	ssub.s32 $0x0, s4;
	[sflag:s6] =	ssyncset.done $0x0  }
0xa0: {  	[sflag:s6] =	ssyncadd.s32 s4;
	_ =	sdelay $0x1  }
0xa1: {  	s23 =	simm.s32 $0x1B8B  }
0xa2: {  	_ =	swait.ge [sflag:s23], $0x1  }
0xa3: {  	[sflag:s23] =	ssyncset.done $0x0  }
0xa4: {  	[sflag:s23] =	ssyncadd.s32 $0xFFFFFFFF  }
0xa5: {  	s4 =	sld [smem:$0x0]  }
0xa6: {  	s5 =	sand.u32 $0xFFFFFFFE, s1  }
0xa7: {  	p0 =	sne.s32 s1, s5  }
0xa8: {  	s5 =	sshll.u32 @p0 s5, $0xE  }
0xa9: {  	s5 =	sadd.s32 @p0 $0x11B8D, s5;
	s6 =	sshll.u32 @p0 s4, $0x11  }
0xaa: {  	s5 =	sor.u32 @p0 s6, s5  }
0xab: {  	[sflag:s5] =	ssyncadd.remote.s32 @p0 $0x1;
	_ =	sdelay $0x1  }
0xac: {  	s5 =	simm.s32 @p0 $0x1B8D  }
0xad: {  	_ =	swait.eq @p0 [sflag:s5], $0x1  }
0xae: {  	[sflag:s5] =	ssyncadd.s32 @p0 $0xFFFFFFFF  }
0xaf: {  	s6 =	sshll.u32 @!p0 s1, $0xE  }
0xb0: {  	s6 =	sor.u32 @!p0 $0x4000, s6;
	s5 =	simm.s32 @!p0 $0x1B8D  }
0xb1: {  	s4 =	sshll.u32 @!p0 s4, $0x11;
	s6 =	sadd.s32 @!p0 $0x11B8D, s6;
	_ =	swait.eq @!p0 [sflag:s5], $0x1  }
0xb2: {  	s4 =	sor.u32 @!p0 s4, s6;
	[sflag:s5] =	ssyncadd.s32 @!p0 $0xFFFFFFFF  }
0xb3: {  	s25 =	simm.s32 $0x1B8E;
	s24 =	sld [smem:$0x3FFE];
	[sflag:s4] =	ssyncadd.remote.s32 @!p0 $0x1  }
0xb4: {  	s26 =	simm.s32 $execute0_lowered;
	[smem:$0x3FD2] =	sst s25  }
0xb5: {  	s5 =	sshll.u32 s26, $0x1;
	_ =	strace $0x80000055;
	[dreg:$0x1] =	wrdreg $0xFFFFFFFF  }
0xb6: {  	s28 =	simm.s32 $_size_execute0_lowered;
	s3 =	sadd.s32 s3, s5;
	[dreg:$0x0] =	wrdreg $0x0  }
0xb7: {  	s5 =	sshll.u32 s28, $0x1;
	[dreg:$0x2] =	wrdreg s3  }
0xb8: {  	[dreg:$0x3] =	wrdreg s5  }
0xb9: {  	[dreg:$0x4] =	wrdreg $0xC0  }
0xba: {  	_ =	task [dreg:s22], $0x5FFFF  }
0xbb: {  	[dreg:$0x1] =	wrdreg $0xFFFFFFFF  }
0xbc: {  	[dreg:$0x0] =	wrdreg $0x60  }
0xbd: {  	[dreg:$0x2] =	wrdreg s24  }
0xbe: {  	[dreg:$0x3] =	wrdreg $0x9  }
0xbf: {  	_ =	task.clear_ibuf [dreg:s22], $0x4FFFF;
	_ =	strace $0x90000055  }
0xc0: {  	s29 =	simm.s32 $0x9;
	_ =	strace $0x80000057  }
0xc1: {  	_ =	swait.ge [sflag:s29], $0x1  }
0xc2: {  	[sflag:s29] =	ssyncadd.s32 $0xFFFFFFFF  }
0xc3: {  	_ =	strace $0x90000057  }
0xc4: {  	_ =	sfence  }
0xc5: {  	s30 =	sld [smem:$0x0];
	_ =	sdelay $0x2  }
0xc6: {  	s31 =	sshll.u32 s1, $0xD;
	s1 =	sshrl.u32 s1, $0x2  }
0xc7: {  	s4 =	sand.u32 $0x4000, s31;
	s1 =	sadd.s32 s1, s30  }
0xc8: {  	s0 =	sor.u32 s4, s0;
	s1 =	sshll.u32 s1, $0x11  }
0xc9: {  	s0 =	sor.u32 s1, s0  }
0xca: {  	s0 =	sadd.s32 $0x8F2B, s0  }
0xcb: {  	[sflag:s0] =	ssyncadd.remote.s32 $0x1  }
0xcc: {  	_ =	sfence.sel $0xFFFF  }
0xcd: {  	[dreg:$0x0] =	wrdreg $0xFFFFFFFF;
	(pc) =	sbr.abs _section_cstart, $3  }
0xce: {  	[dreg:$0x1] =	wrdreg $0xFFFFFFFF  }
0xcf: {  	_ =	task.clear_ibuf [dreg:s22], $0x2FFFF;
	_ =	strace $0x9FFFFFFF  }
0xd0: {  	(tm) =	ssettm $0x7FFFFFFF  }
0xd1: {  	_ =	shalt  }
tec
execute0_lowered:
.L_overlay_start_1:
0x0: {  	(tag) =	ssettag $0x1  }
0x1: {  	s7 =	rddreg [dreg:$0x0]  }
0x2: {  	s0 =	rddreg [dreg:$0x1];
	_ =	strace $0x80000056  }
0x3: {  	s1 =	srdreg.scid;
	s4 =	simm.s32 $0x1;
	s9 =	simm.s32 $0x3  }
0x4: {  	s11 =	simm.s32 $0x0;
	p0 =	por $0x0, $0x0;
	s5 =	sshll.u32 s1, $0x4  }
.Ltmp0:
0x5: {  	s1 =	stileid.u32;
	s5 =	sand.u32 $0x10, s5;
	(pc) =	sbr.rel .LBB2_1-.Ltmp0, $4  }
0x6: {  	s2 =	sadd.s32 $0x725200, s7;
	s3 =	sadd.s32 $0x603200, s7;
	s6 =	sor.u32 s1, s5  }
0x7: {  	[sflag:s4] =	ssyncpa.u1 $0x0;
	s5 =	simm.s32 $0x2;
	s6 =	sshll.u32 s6, $0x8  }
0x8: {  	s7 =	sadd.s32 $0xC0E00, s7;
	[sflag:s5] =	ssyncpa.u1 $0x0;
	s8 =	sadd.s32 $0x100, s6  }
0x9: {  	vm0 =	vmmov $0xff;
	vm1 =	vcmask $0x3F20;
	[sflag:s9] =	ssyncpa.u1 $0x0;
	s10 =	smov.u32 s6;
	s9 =	simm.s32 $0x0  }
.LBB2_9:
0xa: {  	p1 =	slt.u32 s9, $0x2;
	s11 =	sadd.s32 $0x40, s10  }
0xb: {  	s13 =	smov.u32 s6;
	s9 =	sadd.s32 $0x1, s9;
	p2 =	slt.s32 s11, s8  }
0xc: {  	s13 =	smov.u32 @p2 s11;
	p2 =	sne.s32 s9, $0x6  }
.Ltmp1:
0xd: {  	_ = 	snop;
	(pc) =	sbr.rel @!p2 .LBB2_10-.Ltmp1, $4  }
0xe: {  	s12 =	simm.s32 @!p1 $0x3  }
0xf: {  	_ =	swait.ge @!p1 [sflag:s12], $0xC000  }
0x10: {  	p0 =	por !p0, !p0;
	[sflag:s12] =	ssyncset.done @!p1 $0x0  }
0x11: {  	s11 =	smov.u32 s10;
	s10 =	smov.u32 s13;
	[sflag:s12] =	ssyncadd.s32 @!p1 $0xFFFF4000  }
.LBB2_1:
0x12: {  	p1 =	sgt.u32 s9, $0x3  }
0x13: {  	s12 =	sxor.u32 @!p1 $0xFFFFFFFF, s9  }
0x14: {  	s13 =	sshrl.u32 @!p1 s10, $0x3;
	s12 =	sshll.u32 @!p1 s12, $0x6  }
0x15: {  	s14 =	sand.u32 @!p1 $0x7, s10;
	s13 =	sadd.s32 @!p1 s3, s13;
	s12 =	sand.u32 @!p1 $0x40, s12  }
0x16: {  	[tilespmem:s12], [sflag:$0x2] =	stream.linear.gather @!p1 [hbm4b:s13+s14], $0x40, $0x38;
	[tilespmem:$0x18080] =	vst v63  }
0x17: {  	p1 =	seq.s32 s9, $0x0  }
0x18: {  	p2 =	seq.s32 @!p1 s9, $0x5  }
0x19: {  	p1 =	por p1, p2  }
.Ltmp2:
0x1a: {  	_ = 	snop;
	(pc) =	sbr.rel @p1 .LBB2_9-.Ltmp2, $1  }
0x1b: {  	_ =	sdelay $0x3  }
0x1c: {  	s12 =	simm.s32 $0x1  }
0x1d: {  	s12 =	simm.s32 @!p0 $0x0  }
0x1e: {  	s12 =	smul.u32 $0x30000, s12;
	_ =	sdelay $0x1  }
0x1f: {  	_ =	swait.ge [sflag:s5], $0x40;
	s13 =	sand.u32 $0x1, s9;
	s12 =	sshrl.u32 s12, $0x2  }
0x20: {  	s14 =	simm.s32 $0x0;
	[sflag:s5] =	ssyncset.done $0x0;
	s12 =	sor.u32 $0x80, s12  }
0x21: {  	s13 =	sshll.u32 s13, $0x6;
	[sflag:s5] =	ssyncadd.s32 $0xFFFFFFC0;
	s15 =	smov.u32 s12  }
.LBB2_3:
0x22: {  	s16 =	sshll.u32 s14, $0x4  }
0x23: {  	s16 =	sand.u32 $0x3FFFFFF0, s16  }
0x24: {  	s16 =	sadd.s32 s16, s13  }
0x25: {  	v0 =	vld.msk [tilespmem:s16+$0x0 ss:$0x1], $0xffff;
	_ =	sdelay $0x4  }
0x26: {  	vm2 =	vgt.s32 v0, $0x0  }
0x27: {  	v0 =	vnsel vm2, $0x0, v0  }
0x28: {  	v0 =	vmin.u32 v0, $0x3FFF  }
0x29: {  	v1 =	vshrl.u32 v0, $0x3  }
0x2a: {  	v0 =	vshll.u32 v0, $0x7;
	v1 =	vmul.u32 $0x1800, v1  }
0x2b: {  	v0 =	vand.u32 $0x380, v0  }
0x2c: {  	v0 =	vor.u32 v0, v1  }
0x2d: {  	v0 =	vshrl.u32 v0, $0x3;
	_ =	sdelay $0x3  }
0x2e: {  	s17 =	sadd.s32 $0x0, s15  }
0x2f: {  	[tilespmem:s17], [sflag:$0x1] =	stream.indirect_vreg.gather [hbm:s2], $0x80, v0, vm0, $0x38;
	[tilespmem:$0x18080] =	vst v63  }
0x30: {  	s16 =	simm.s32 $0x1000;
	v1 =	vadd.s32 $0x80, v0;
	s17 =	sadd.s32 $0x1800, s17  }
.LBB2_4:
0x31: {  	[tilespmem:s17], [sflag:$0x1] =	stream.indirect_vreg.gather [hbm:s2], $0x80, v0, vm1, $0x38;
	[tilespmem:$0x18080] =	vst v63  }
0x32: {  	v0 =	vmov v1;
	s17 =	smov.u32 s16;
	p1 =	sne.s32 s16, $0x5000  }
.Ltmp3:
0x33: {  	s16 =	sadd.s32 $0x1000, s16;
	(pc) =	sbr.rel @p1 .LBB2_4-.Ltmp3, $4  }
0x34: {  	s17 =	sshra.s32 s17, $0x2  }
0x35: {  	s17 =	sadd.s32 s17, s15  }
0x36: {  	[tilespmem:s17], [sflag:$0x1] =	stream.indirect_vreg.gather [hbm:s2], $0x80, v1, vm0, $0x38;
	[tilespmem:$0x18080] =	vst v63  }
0x37: {  	s17 =	sadd.s32 $0x1800, s17;
	v1 =	vadd.s32 $0x80, v1  }
0x38: {  	s14 =	sadd.s32 $0x1, s14  }
0x39: {  	p1 =	sne.s32 s14, $0x4  }
.Ltmp4:
0x3a: {  	_ = 	snop;
	(pc) =	sbr.rel @p1 .LBB2_3-.Ltmp4, $3  }
0x3b: {  	_ =	sdelay $0x1  }
0x3c: {  	[tilespmem:s17], [sflag:$0x1] =	stream.indirect_vreg.gather [hbm:s2], $0x80, v0, vm1, $0x38;
	[tilespmem:$0x18080] =	vst v63  }
0x3d: {  	s15 =	sadd.s32 $0x3000, s15  }
0x3e: {  	s13 =	sshrl.u32 s11, $0x3  }
0x3f: {  	s13 =	smul.u32 $0x300, s13  }
0x40: {  	s31 =	sshll.u32 s11, $0x4  }
0x41: {  	_ =	swait.ge [sflag:s4], $0xC000;
	s11 =	sand.u32 $0x70, s31;
	s13 =	sadd.s32 s13, s7  }
0x42: {  	s14 =	sadd.s32 $0x1800, s12;
	[sflag:s4] =	ssyncset.done $0x0;
	s11 =	sadd.s32 s11, s13  }
0x43: {  	[sflag:s4] =	ssyncadd.s32 $0xFFFF4000;
	s13 =	simm.s32 $0x300;
	s15 =	sadd.s32 $0x0, s11  }
.LBB2_7:
0x44: {  	[hbm:s15] =	stream.linear.scatter [tilespmem:s12], [sflag:$0x3], $0x1800, $0x38;
	[tilespmem:$0x18080] =	vst v63  }
0x45: {  	s15 =	smov.u32 s13;
	s12 =	smov.u32 s14;
	p1 =	sne.s32 s13, $0x1500  }
.Ltmp5:
0x46: {  	s13 =	sadd.s32 $0x300, s13;
	(pc) =	sbr.rel @p1 .LBB2_7-.Ltmp5, $2  }
0x47: {  	_ =	sdelay $0x2  }
0x48: {  	s14 =	sadd.s32 $0x1800, s14;
	s15 =	sadd.s32 s15, s11  }
.Ltmp6:
0x49: {  	(pc) =	sbr.rel .LBB2_9-.Ltmp6, $2  }
0x4a: {  	_ =	sdelay $0x2  }
0x4b: {  	[hbm:s15] =	stream.linear.scatter [tilespmem:s12], [sflag:$0x3], $0x1800, $0x38;
	[tilespmem:$0x18080] =	vst v63  }
.LBB2_10:
0x4c: {  	_ =	sfence.sel $0x180000  }
0x4d: {  	s2 =	simm.s32 $0x2;
	[bflag:$0x0] =	sbarrier.arrive $0xFFFF  }
0x4e: {  	s30 =	simm.s32 $0x3;
	[sflag:s2] =	ssyncpa.u1 $0x1  }
0x4f: {  	s31 =	simm.s32 $0x1;
	[sflag:s30] =	ssyncpa.u1 $0x1  }
0x50: {  	[sflag:s31] =	ssyncpa.u1 $0x1  }
0x51: {  	p0 =	sne.s32 s1, $0x0;
	_ =	strace $0x90000056  }
0x52: {  	s0 =	sadd.s32 @!p0 $0x100000, s0;
	[bflag:$0x2] =	sbarrier.arrive $0xFFFF  }
0x53: {  	[sflag:s0] =	ssyncadd.tile.s32 @!p0 $0x1;
	_ =	shalt  }
.Lfunc_end2:
_tile_overlayer_lowered:
.L_overlay_start_2:
0x54: {  	(tag) =	ssettag $0x2  }
0x55: {  	s0 =	rddreg [dreg:$0x0];
	s2 =	stileid.u32  }
0x56: {  	s1 =	rddreg [dreg:$0x1];
	p0 =	sne.s32 s2, $0x0  }
0x57: {  	s3 =	rddreg [dreg:$0x2];
	[bflag:$0x3] =	sbarrier.arrive $0xFFFF;
	s2 =	simm.s32 @!p0 $0x1C01  }
0x58: {  	[timem:s3], [sflag:s2] =	dma.local @!p0 [hbm:s0], s1  }
0x59: {  	s0 =	simm.s32 @!p0 $0x1  }
0x5a: {  	_ =	swait.ge @!p0 [sflag:s0], s1  }
0x5b: {  	s1 =	ssub.s32 @!p0 $0x0, s1;
	[sflag:s0] =	ssyncset.done @!p0 $0x0  }
0x5c: {  	[sflag:s0] =	ssyncadd.s32 @!p0 s1  }
0x5d: {  	[bflag:$0x3] =	sbarrier.arrive $0xFFFF  }
0x5e: {  	_ =	shalt  }

// kernel: gather_offload_async_start.7
scs
__scs_entry_jumppad:
0x0: {  	(pc) =	sbr.rel $0x88, $3  }
0x1: {  	(tag) =	ssettag $0x0;
	lr =	simm.s32 $0x1  }
0x2: {  	[smem:$0x3F9A] =	sst lr;
	_ =	strace $0xD0000000  }
0x3: {  	_ = 	snop  }
0x4: {  	_ = 	snop  }
0x5: {  	_ = 	snop  }
0x6: {  	_ = 	snop  }
0x7: {  	_ = 	snop  }
__scs_overlays_trampoline_lowered:
0x8: {  	[smem:$0x3FA9] =	sst s0  }
0x9: {  	[smem:$0x3FAA] =	sst s1  }
0xa: {  	[smem:$0x3FAB] =	sst s2  }
0xb: {  	[smem:$0x3FAC] =	sst s3  }
0xc: {  	[smem:$0x3FAD] =	sst s4  }
0xd: {  	[smem:$0x3FAE] =	sst s5  }
0xe: {  	[smem:$0x3FAF] =	sst s6  }
0xf: {  	[smem:$0x3FB0] =	sst s7  }
0x10: {  	[smem:$0x3FB1] =	sst s8  }
0x11: {  	[smem:$0x3FB2] =	sst s9;
	s0 =	simm.s32 @!p0 $0x0  }
0x12: {  	s1 =	sld [smem:$0x3F98];
	s0 =	simm.s32 @p0 $0x1  }
0x13: {  	[smem:$0x3FB3] =	sst s0;
	s0 =	simm.s32 @!p1 $0x0  }
0x14: {  	s2 =	sld [smem:$0x3F97];
	s0 =	simm.s32 @p1 $0x1  }
0x15: {  	[smem:$0x3FB4] =	sst s0;
	s0 =	simm.s32 @!p2 $0x0  }
0x16: {  	s3 =	sld [smem:$0x3FDB];
	s0 =	simm.s32 @p2 $0x1  }
0x17: {  	s4 =	simm.s32 $0x1BF5;
	[smem:$0x3FB6] =	sst s0  }
0x18: {  	s0 =	sld [smem:$0x3F99];
	_ =	swait.ge [sflag:s4], $0x0  }
0x19: {  	s7 =	sld [smem:$0x3F9A]  }
0x1a: {  	s8 =	sadd.s32 $0xFFFFE003, lr  }
0x1b: {  	s9 =	sadd.s32 $0xFFFFFEF7, lr;
	s5 =	simm.s32 $0xFFFFFFFF;
	p2 =	slt.u32 s8, $0xFFFFF086  }
0x1c: {  	p1 =	slt.u32 s9, $0xF7A;
	s5 =	simm.s32 @!p2 $0x0  }
0x1d: {  	s5 =	simm.s32 @p1 $0x1;
	p0 =	seq.s32 s7, s2  }
0x1e: {  	s7 =	smul.u32 @!p0 $0xF7A, s2;
	p2 =	seq.s32 @!p0 s5, $0x0  }
0x1f: {  	s9 =	smul.u32 $0xF7A, s1;
	s8 =	simm.s32 @!p0 $0x1BF5;
	p2 =	por !p2, p0  }
0x20: {  	[sflag:s8] =	ssyncset.s32 @!p0 $0xFFFFF086;
	s6 =	sadd.s32 @!p0 s3, s7;
	s7 =	simm.s32 @!p0 $0x108  }
0x21: {  	s3 =	sadd.s32 s3, s9;
	s6 =	sadd.s32 @!p0 $0x88, s6;
	s7 =	simm.s32 @p2 $0x1082  }
0x22: {  	[simem:s7], [sflag:s8] =	dma.local @!p0 [hbm:s6], $0xF7A  }
0x23: {  	s9 =	sor.u32 $0xD0000000, s2;
	s6 =	simm.s32 $0x108;
	_ =	swait.ge @!p0 [sflag:s8], $0x0  }
0x24: {  	s3 =	sadd.s32 $0x88, s3;
	s6 =	simm.s32 @!p1 $0x1082;
	[sflag:s4] =	ssyncset.s32 $0xFFFFF086  }
0x25: {  	[simem:s6], [sflag:s4] =	dma.local [hbm:s3], $0xF7A  }
0x26: {  	[smem:$0x3F9A] =	sst s1;
	(tag) =	ssettag s2;
	_ =	strace s9  }
0x27: {  	s1 =	sld [smem:$0x3FAA]  }
0x28: {  	s2 =	sld [smem:$0x3FAB]  }
0x29: {  	s4 =	sld [smem:$0x3FAD]  }
0x2a: {  	p0 =	seq.s32 s5, $0x0;
	s5 =	sld [smem:$0x3FAE]  }
0x2b: {  	s6 =	sld [smem:$0x3FAF]  }
0x2c: {  	s7 =	sld [smem:$0x3FB0]  }
0x2d: {  	s3 =	simm.s32 $0x108;
	s8 =	sld [smem:$0x3FB1]  }
0x2e: {  	s3 =	simm.s32 @!p0 $0x1082;
	s9 =	sld [smem:$0x3FB2]  }
0x2f: {  	lr =	sadd.s32 s0, s3;
	s0 =	sld [smem:$0x3FA9]  }
0x30: {  	s3 =	sld [smem:$0x3FAC]  }
0x31: {  	[smem:$0x3FB5] =	sst s10  }
0x32: {  	s10 =	sld [smem:$0x3FB3];
	_ =	sdelay $0x3  }
0x33: {  	p0 =	seq.s32 s10, $0x1;
	s10 =	sld [smem:$0x3FB5];
	_ =	sdelay $0x3  }
0x34: {  	[smem:$0x3FB5] =	sst s10  }
0x35: {  	s10 =	sld [smem:$0x3FB4];
	_ =	sdelay $0x3  }
0x36: {  	p1 =	seq.s32 s10, $0x1;
	s10 =	sld [smem:$0x3FB5];
	_ =	sdelay $0x3  }
0x37: {  	[smem:$0x3FB5] =	sst s10  }
0x38: {  	s10 =	sld [smem:$0x3FB6]  }
0x39: {  	_ = 	snop;
	(pc) =	sbr.ind lr, $3  }
0x3a: {  	_ = 	snop  }
0x3b: {  	_ = 	snop  }
0x3c: {  	p2 =	seq.s32 s10, $0x1;
	s10 =	sld [smem:$0x3FB5]  }
0x3d: {  	_ =	shalt  }
0x3e: {  	_ =	shalt  }
0x3f: {  	_ =	shalt  }
0x40: {  	_ =	shalt  }
0x41: {  	_ =	shalt  }
0x42: {  	_ =	shalt  }
0x43: {  	_ =	shalt  }
0x44: {  	_ =	shalt  }
0x45: {  	_ =	shalt  }
0x46: {  	_ =	shalt  }
0x47: {  	_ =	shalt  }
0x48: {  	_ =	shalt  }
0x49: {  	_ =	shalt  }
0x4a: {  	_ =	shalt  }
0x4b: {  	_ =	shalt  }
0x4c: {  	_ =	shalt  }
0x4d: {  	_ =	shalt  }
0x4e: {  	_ =	shalt  }
0x4f: {  	_ =	shalt  }
0x50: {  	_ =	shalt  }
0x51: {  	_ =	shalt  }
0x52: {  	_ =	shalt  }
0x53: {  	_ =	shalt  }
0x54: {  	_ =	shalt  }
0x55: {  	_ =	shalt  }
0x56: {  	_ =	shalt  }
0x57: {  	_ =	shalt  }
0x58: {  	_ =	shalt  }
0x59: {  	_ =	shalt  }
0x5a: {  	_ =	shalt  }
0x5b: {  	_ =	shalt  }
0x5c: {  	_ =	shalt  }
0x5d: {  	_ =	shalt  }
0x5e: {  	_ =	shalt  }
0x5f: {  	_ =	shalt  }
0x60: {  	_ =	shalt  }
0x61: {  	_ =	shalt  }
0x62: {  	_ =	shalt  }
0x63: {  	_ =	shalt  }
0x64: {  	_ =	shalt  }
0x65: {  	_ =	shalt  }
0x66: {  	_ =	shalt  }
0x67: {  	_ =	shalt  }
0x68: {  	_ =	shalt  }
0x69: {  	_ =	shalt  }
0x6a: {  	_ =	shalt  }
0x6b: {  	_ =	shalt  }
0x6c: {  	_ =	shalt  }
0x6d: {  	_ =	shalt  }
0x6e: {  	_ =	shalt  }
0x6f: {  	_ =	shalt  }
0x70: {  	_ =	shalt  }
0x71: {  	_ =	shalt  }
0x72: {  	_ =	shalt  }
0x73: {  	_ =	shalt  }
0x74: {  	_ =	shalt  }
0x75: {  	_ =	shalt  }
0x76: {  	_ =	shalt  }
0x77: {  	_ =	shalt  }
0x78: {  	_ =	shalt  }
0x79: {  	_ =	shalt  }
0x7a: {  	_ =	shalt  }
0x7b: {  	_ =	shalt  }
0x7c: {  	_ =	shalt  }
0x7d: {  	_ =	shalt  }
0x7e: {  	_ =	shalt  }
0x7f: {  	_ =	shalt  }
0x80: {  	_ =	shalt  }
0x81: {  	_ =	shalt  }
0x82: {  	_ =	shalt  }
0x83: {  	_ =	shalt  }
0x84: {  	_ =	shalt  }
0x85: {  	_ =	shalt  }
0x86: {  	_ =	shalt  }
0x87: {  	_ =	shalt  }
.Lfunc_end0:
.L_simem_size_0:
called_computation.7_lowered:
.L_overlay_start_0:
0x88: {  	s2 =	sld [smem:$0x3FD9]  }
0x89: {  	s3 =	sld [smem:$0x3FFE];
	_ =	sdelay $0x1  }
0x8a: {  	s1 =	srdreg.scid  }
0x8b: {  	s0 =	sand.u32 $0x1, s1  }
0x8c: {  	s17 =	sshll.u32 s0, $0xA;
	s2 =	sadd.s32 s3, s2  }
0x8d: {  	s2 =	sadd.s32 s2, s17  }
0x8e: {  	[smem:$0x3FC1] =	sst s2  }
0x8f: {  	_ = 	snop  }
0x90: {  	(tm) =	ssettm $0x1  }
0x91: {  	s18 =	sld [smem:$0x3FFB];
	_ =	sdelay $0x3  }
0x92: {  	_ =	strace s18  }
0x93: {  	s2 =	sld [smem:$0x3FFC];
	_ =	sdelay $0x3  }
0x94: {  	_ =	strace s2  }
0x95: {  	s2 =	sld [smem:$0x3FFD];
	_ =	sdelay $0x3  }
0x96: {  	_ =	strace s2  }
0x97: {  	_ =	strace $0x8FFFFFFF  }
0x98: {  	s19 =	sld [smem:$0x3FDB];
	_ =	sdelay $0x1  }
0x99: {  	s20 =	simm.s32 $_scs_section_size  }
0x9a: {  	s4 =	simm.s32 $_size__tile_overlayer_lowered;
	s5 =	simm.s32 $_tile_overlayer_lowered  }
0x9b: {  	s6 =	simm.s32 $0x1BFF;
	s21 =	sshll.u32 s5, $0x1;
	s3 =	sadd.s32 s20, s19  }
0x9c: {  	s22 =	simm.s32 $0x0;
	s4 =	sshll.u32 s4, $0x1;
	s5 =	sadd.s32 s21, s3  }
0x9d: {  	[timem:s22], [sflag:s6] =	dma.local [hbm:s5], s4  }
0x9e: {  	_ =	swait.ge [sflag:s6], s4  }
0x9f: {  	s4 =	ssub.s32 $0x0, s4;
	[sflag:s6] =	ssyncset.done $0x0  }
0xa0: {  	[sflag:s6] =	ssyncadd.s32 s4;
	_ =	sdelay $0x1  }
0xa1: {  	s23 =	simm.s32 $0x1B8B  }
0xa2: {  	_ =	swait.ge [sflag:s23], $0x1  }
0xa3: {  	[sflag:s23] =	ssyncset.done $0x0  }
0xa4: {  	[sflag:s23] =	ssyncadd.s32 $0xFFFFFFFF  }
0xa5: {  	s4 =	sld [smem:$0x0]  }
0xa6: {  	s5 =	sand.u32 $0xFFFFFFFE, s1  }
0xa7: {  	p0 =	sne.s32 s1, s5  }
0xa8: {  	s5 =	sshll.u32 @p0 s5, $0xE  }
0xa9: {  	s5 =	sadd.s32 @p0 $0x11B8D, s5;
	s6 =	sshll.u32 @p0 s4, $0x11  }
0xaa: {  	s5 =	sor.u32 @p0 s6, s5  }
0xab: {  	[sflag:s5] =	ssyncadd.remote.s32 @p0 $0x1;
	_ =	sdelay $0x1  }
0xac: {  	s5 =	simm.s32 @p0 $0x1B8D  }
0xad: {  	_ =	swait.eq @p0 [sflag:s5], $0x1  }
0xae: {  	[sflag:s5] =	ssyncadd.s32 @p0 $0xFFFFFFFF  }
0xaf: {  	s6 =	sshll.u32 @!p0 s1, $0xE  }
0xb0: {  	s6 =	sor.u32 @!p0 $0x4000, s6;
	s5 =	simm.s32 @!p0 $0x1B8D  }
0xb1: {  	s4 =	sshll.u32 @!p0 s4, $0x11;
	s6 =	sadd.s32 @!p0 $0x11B8D, s6;
	_ =	swait.eq @!p0 [sflag:s5], $0x1  }
0xb2: {  	s4 =	sor.u32 @!p0 s4, s6;
	[sflag:s5] =	ssyncadd.s32 @!p0 $0xFFFFFFFF  }
0xb3: {  	s25 =	simm.s32 $0x1B8E;
	s24 =	sld [smem:$0x3FFE];
	[sflag:s4] =	ssyncadd.remote.s32 @!p0 $0x1  }
0xb4: {  	s26 =	simm.s32 $execute0_lowered;
	[smem:$0x3FD2] =	sst s25  }
0xb5: {  	s5 =	sshll.u32 s26, $0x1;
	_ =	strace $0x80000052;
	[dreg:$0x1] =	wrdreg $0xFFFFFFFF  }
0xb6: {  	s28 =	simm.s32 $_size_execute0_lowered;
	s3 =	sadd.s32 s3, s5;
	[dreg:$0x0] =	wrdreg $0x0  }
0xb7: {  	s5 =	sshll.u32 s28, $0x1;
	[dreg:$0x2] =	wrdreg s3  }
0xb8: {  	[dreg:$0x3] =	wrdreg s5  }
0xb9: {  	[dreg:$0x4] =	wrdreg $0xC0  }
0xba: {  	_ =	task [dreg:s22], $0x5FFFF  }
0xbb: {  	[dreg:$0x1] =	wrdreg $0xFFFFFFFF  }
0xbc: {  	[dreg:$0x0] =	wrdreg $0x60  }
0xbd: {  	[dreg:$0x2] =	wrdreg s24  }
0xbe: {  	[dreg:$0x3] =	wrdreg $0xA  }
0xbf: {  	_ =	task.clear_ibuf [dreg:s22], $0x4FFFF;
	_ =	strace $0x90000052  }
0xc0: {  	s29 =	simm.s32 $0xA;
	_ =	strace $0x80000054  }
0xc1: {  	_ =	swait.ge [sflag:s29], $0x1  }
0xc2: {  	[sflag:s29] =	ssyncadd.s32 $0xFFFFFFFF  }
0xc3: {  	_ =	strace $0x90000054  }
0xc4: {  	_ =	sfence  }
0xc5: {  	s30 =	sld [smem:$0x0];
	_ =	sdelay $0x2  }
0xc6: {  	s31 =	sshll.u32 s1, $0xD;
	s1 =	sshrl.u32 s1, $0x2  }
0xc7: {  	s4 =	sand.u32 $0x4000, s31;
	s1 =	sadd.s32 s1, s30  }
0xc8: {  	s0 =	sor.u32 s4, s0;
	s1 =	sshll.u32 s1, $0x11  }
0xc9: {  	s0 =	sor.u32 s1, s0  }
0xca: {  	s0 =	sadd.s32 $0x8F2B, s0  }
0xcb: {  	[sflag:s0] =	ssyncadd.remote.s32 $0x1  }
0xcc: {  	_ =	sfence.sel $0xFFFF  }
0xcd: {  	[dreg:$0x0] =	wrdreg $0xFFFFFFFF;
	(pc) =	sbr.abs _section_cstart, $3  }
0xce: {  	[dreg:$0x1] =	wrdreg $0xFFFFFFFF  }
0xcf: {  	_ =	task.clear_ibuf [dreg:s22], $0x2FFFF;
	_ =	strace $0x9FFFFFFF  }
0xd0: {  	(tm) =	ssettm $0x7FFFFFFF  }
0xd1: {  	_ =	shalt  }
tec
execute0_lowered:
.L_overlay_start_1:
0x0: {  	(tag) =	ssettag $0x1  }
0x1: {  	s7 =	rddreg [dreg:$0x0]  }
0x2: {  	s0 =	rddreg [dreg:$0x1];
	_ =	strace $0x80000053  }
0x3: {  	s1 =	srdreg.scid;
	s4 =	simm.s32 $0x1;
	s9 =	simm.s32 $0x3  }
0x4: {  	s11 =	simm.s32 $0x0;
	p0 =	por $0x0, $0x0;
	s5 =	sshll.u32 s1, $0x4  }
.Ltmp0:
0x5: {  	s1 =	stileid.u32;
	s5 =	sand.u32 $0x10, s5;
	(pc) =	sbr.rel .LBB2_1-.Ltmp0, $4  }
0x6: {  	s2 =	sadd.s32 $0x725200, s7;
	s3 =	sadd.s32 $0x604E00, s7;
	s6 =	sor.u32 s1, s5  }
0x7: {  	[sflag:s4] =	ssyncpa.u1 $0x0;
	s5 =	simm.s32 $0x2;
	s6 =	sshll.u32 s6, $0x8  }
0x8: {  	s7 =	sadd.s32 $0xA00, s7;
	[sflag:s5] =	ssyncpa.u1 $0x0;
	s8 =	sadd.s32 $0x100, s6  }
0x9: {  	vm0 =	vmmov $0xff;
	vm1 =	vcmask $0x3F20;
	[sflag:s9] =	ssyncpa.u1 $0x0;
	s10 =	smov.u32 s6;
	s9 =	simm.s32 $0x0  }
.LBB2_9:
0xa: {  	p1 =	slt.u32 s9, $0x2;
	s11 =	sadd.s32 $0x40, s10  }
0xb: {  	s13 =	smov.u32 s6;
	s9 =	sadd.s32 $0x1, s9;
	p2 =	slt.s32 s11, s8  }
0xc: {  	s13 =	smov.u32 @p2 s11;
	p2 =	sne.s32 s9, $0x6  }
.Ltmp1:
0xd: {  	_ = 	snop;
	(pc) =	sbr.rel @!p2 .LBB2_10-.Ltmp1, $4  }
0xe: {  	s12 =	simm.s32 @!p1 $0x3  }
0xf: {  	_ =	swait.ge @!p1 [sflag:s12], $0xC000  }
0x10: {  	p0 =	por !p0, !p0;
	[sflag:s12] =	ssyncset.done @!p1 $0x0  }
0x11: {  	s11 =	smov.u32 s10;
	s10 =	smov.u32 s13;
	[sflag:s12] =	ssyncadd.s32 @!p1 $0xFFFF4000  }
.LBB2_1:
0x12: {  	p1 =	sgt.u32 s9, $0x3  }
0x13: {  	s12 =	sxor.u32 @!p1 $0xFFFFFFFF, s9  }
0x14: {  	s13 =	sshrl.u32 @!p1 s10, $0x3;
	s12 =	sshll.u32 @!p1 s12, $0x6  }
0x15: {  	s14 =	sand.u32 @!p1 $0x7, s10;
	s13 =	sadd.s32 @!p1 s3, s13;
	s12 =	sand.u32 @!p1 $0x40, s12  }
0x16: {  	[tilespmem:s12], [sflag:$0x2] =	stream.linear.gather @!p1 [hbm4b:s13+s14], $0x40, $0x38;
	[tilespmem:$0x18080] =	vst v63  }
0x17: {  	p1 =	seq.s32 s9, $0x0  }
0x18: {  	p2 =	seq.s32 @!p1 s9, $0x5  }
0x19: {  	p1 =	por p1, p2  }
.Ltmp2:
0x1a: {  	_ = 	snop;
	(pc) =	sbr.rel @p1 .LBB2_9-.Ltmp2, $1  }
0x1b: {  	_ =	sdelay $0x3  }
0x1c: {  	s12 =	simm.s32 $0x1  }
0x1d: {  	s12 =	simm.s32 @!p0 $0x0  }
0x1e: {  	s12 =	smul.u32 $0x30000, s12;
	_ =	sdelay $0x1  }
0x1f: {  	_ =	swait.ge [sflag:s5], $0x40;
	s13 =	sand.u32 $0x1, s9;
	s12 =	sshrl.u32 s12, $0x2  }
0x20: {  	s14 =	simm.s32 $0x0;
	[sflag:s5] =	ssyncset.done $0x0;
	s12 =	sor.u32 $0x80, s12  }
0x21: {  	s13 =	sshll.u32 s13, $0x6;
	[sflag:s5] =	ssyncadd.s32 $0xFFFFFFC0;
	s15 =	smov.u32 s12  }
.LBB2_3:
0x22: {  	s16 =	sshll.u32 s14, $0x4  }
0x23: {  	s16 =	sand.u32 $0x3FFFFFF0, s16  }
0x24: {  	s16 =	sadd.s32 s16, s13  }
0x25: {  	v0 =	vld.msk [tilespmem:s16+$0x0 ss:$0x1], $0xffff;
	_ =	sdelay $0x4  }
0x26: {  	vm2 =	vgt.s32 v0, $0x0  }
0x27: {  	v0 =	vnsel vm2, $0x0, v0  }
0x28: {  	v0 =	vmin.u32 v0, $0x3FFF  }
0x29: {  	v1 =	vshrl.u32 v0, $0x3  }
0x2a: {  	v0 =	vshll.u32 v0, $0x7;
	v1 =	vmul.u32 $0x1800, v1  }
0x2b: {  	v0 =	vand.u32 $0x380, v0  }
0x2c: {  	v0 =	vor.u32 v0, v1  }
0x2d: {  	v0 =	vshrl.u32 v0, $0x3;
	_ =	sdelay $0x3  }
0x2e: {  	s17 =	sadd.s32 $0x0, s15  }
0x2f: {  	[tilespmem:s17], [sflag:$0x1] =	stream.indirect_vreg.gather [hbm:s2], $0x80, v0, vm0, $0x38;
	[tilespmem:$0x18080] =	vst v63  }
0x30: {  	s16 =	simm.s32 $0x1000;
	v1 =	vadd.s32 $0x80, v0;
	s17 =	sadd.s32 $0x1800, s17  }
.LBB2_4:
0x31: {  	[tilespmem:s17], [sflag:$0x1] =	stream.indirect_vreg.gather [hbm:s2], $0x80, v0, vm1, $0x38;
	[tilespmem:$0x18080] =	vst v63  }
0x32: {  	v0 =	vmov v1;
	s17 =	smov.u32 s16;
	p1 =	sne.s32 s16, $0x5000  }
.Ltmp3:
0x33: {  	s16 =	sadd.s32 $0x1000, s16;
	(pc) =	sbr.rel @p1 .LBB2_4-.Ltmp3, $4  }
0x34: {  	s17 =	sshra.s32 s17, $0x2  }
0x35: {  	s17 =	sadd.s32 s17, s15  }
0x36: {  	[tilespmem:s17], [sflag:$0x1] =	stream.indirect_vreg.gather [hbm:s2], $0x80, v1, vm0, $0x38;
	[tilespmem:$0x18080] =	vst v63  }
0x37: {  	s17 =	sadd.s32 $0x1800, s17;
	v1 =	vadd.s32 $0x80, v1  }
0x38: {  	s14 =	sadd.s32 $0x1, s14  }
0x39: {  	p1 =	sne.s32 s14, $0x4  }
.Ltmp4:
0x3a: {  	_ = 	snop;
	(pc) =	sbr.rel @p1 .LBB2_3-.Ltmp4, $3  }
0x3b: {  	_ =	sdelay $0x1  }
0x3c: {  	[tilespmem:s17], [sflag:$0x1] =	stream.indirect_vreg.gather [hbm:s2], $0x80, v0, vm1, $0x38;
	[tilespmem:$0x18080] =	vst v63  }
0x3d: {  	s15 =	sadd.s32 $0x3000, s15  }
0x3e: {  	s13 =	sshrl.u32 s11, $0x3  }
0x3f: {  	s13 =	smul.u32 $0x300, s13  }
0x40: {  	s31 =	sshll.u32 s11, $0x4  }
0x41: {  	_ =	swait.ge [sflag:s4], $0xC000;
	s11 =	sand.u32 $0x70, s31;
	s13 =	sadd.s32 s13, s7  }
0x42: {  	s14 =	sadd.s32 $0x1800, s12;
	[sflag:s4] =	ssyncset.done $0x0;
	s11 =	sadd.s32 s11, s13  }
0x43: {  	[sflag:s4] =	ssyncadd.s32 $0xFFFF4000;
	s13 =	simm.s32 $0x300;
	s15 =	sadd.s32 $0x0, s11  }
.LBB2_7:
0x44: {  	[hbm:s15] =	stream.linear.scatter [tilespmem:s12], [sflag:$0x3], $0x1800, $0x38;
	[tilespmem:$0x18080] =	vst v63  }
0x45: {  	s15 =	smov.u32 s13;
	s12 =	smov.u32 s14;
	p1 =	sne.s32 s13, $0x1500  }
.Ltmp5:
0x46: {  	s13 =	sadd.s32 $0x300, s13;
	(pc) =	sbr.rel @p1 .LBB2_7-.Ltmp5, $2  }
0x47: {  	_ =	sdelay $0x2  }
0x48: {  	s14 =	sadd.s32 $0x1800, s14;
	s15 =	sadd.s32 s15, s11  }
.Ltmp6:
0x49: {  	(pc) =	sbr.rel .LBB2_9-.Ltmp6, $2  }
0x4a: {  	_ =	sdelay $0x2  }
0x4b: {  	[hbm:s15] =	stream.linear.scatter [tilespmem:s12], [sflag:$0x3], $0x1800, $0x38;
	[tilespmem:$0x18080] =	vst v63  }
.LBB2_10:
0x4c: {  	_ =	sfence.sel $0x180000  }
0x4d: {  	s2 =	simm.s32 $0x2;
	[bflag:$0x0] =	sbarrier.arrive $0xFFFF  }
0x4e: {  	s30 =	simm.s32 $0x3;
	[sflag:s2] =	ssyncpa.u1 $0x1  }
0x4f: {  	s31 =	simm.s32 $0x1;
	[sflag:s30] =	ssyncpa.u1 $0x1  }
0x50: {  	[sflag:s31] =	ssyncpa.u1 $0x1  }
0x51: {  	p0 =	sne.s32 s1, $0x0;
	_ =	strace $0x90000053  }
0x52: {  	s0 =	sadd.s32 @!p0 $0x100000, s0;
	[bflag:$0x2] =	sbarrier.arrive $0xFFFF  }
0x53: {  	[sflag:s0] =	ssyncadd.tile.s32 @!p0 $0x1;
	_ =	shalt  }
.Lfunc_end2:
_tile_overlayer_lowered:
.L_overlay_start_2:
0x54: {  	(tag) =	ssettag $0x2  }
0x55: {  	s0 =	rddreg [dreg:$0x0];
	s2 =	stileid.u32  }
0x56: {  	s1 =	rddreg [dreg:$0x1];
	p0 =	sne.s32 s2, $0x0  }
0x57: {  	s3 =	rddreg [dreg:$0x2];
	[bflag:$0x3] =	sbarrier.arrive $0xFFFF;
	s2 =	simm.s32 @!p0 $0x1C01  }
0x58: {  	[timem:s3], [sflag:s2] =	dma.local @!p0 [hbm:s0], s1  }
0x59: {  	s0 =	simm.s32 @!p0 $0x1  }
0x5a: {  	_ =	swait.ge @!p0 [sflag:s0], s1  }
0x5b: {  	s1 =	ssub.s32 @!p0 $0x0, s1;
	[sflag:s0] =	ssyncset.done @!p0 $0x0  }
0x5c: {  	[sflag:s0] =	ssyncadd.s32 @!p0 s1  }
0x5d: {  	[bflag:$0x3] =	sbarrier.arrive $0xFFFF  }
0x5e: {  	_ =	shalt  }

// kernel: gather_offload_async_start
scs
__scs_entry_jumppad:
0x0: {  	(pc) =	sbr.rel $0x88, $3  }
0x1: {  	(tag) =	ssettag $0x0;
	lr =	simm.s32 $0x1  }
0x2: {  	[smem:$0x3F9A] =	sst lr;
	_ =	strace $0xD0000000  }
0x3: {  	_ = 	snop  }
0x4: {  	_ = 	snop  }
0x5: {  	_ = 	snop  }
0x6: {  	_ = 	snop  }
0x7: {  	_ = 	snop  }
__scs_overlays_trampoline_lowered:
0x8: {  	[smem:$0x3FA9] =	sst s0  }
0x9: {  	[smem:$0x3FAA] =	sst s1  }
0xa: {  	[smem:$0x3FAB] =	sst s2  }
0xb: {  	[smem:$0x3FAC] =	sst s3  }
0xc: {  	[smem:$0x3FAD] =	sst s4  }
0xd: {  	[smem:$0x3FAE] =	sst s5  }
0xe: {  	[smem:$0x3FAF] =	sst s6  }
0xf: {  	[smem:$0x3FB0] =	sst s7  }
0x10: {  	[smem:$0x3FB1] =	sst s8  }
0x11: {  	[smem:$0x3FB2] =	sst s9;
	s0 =	simm.s32 @!p0 $0x0  }
0x12: {  	s1 =	sld [smem:$0x3F98];
	s0 =	simm.s32 @p0 $0x1  }
0x13: {  	[smem:$0x3FB3] =	sst s0;
	s0 =	simm.s32 @!p1 $0x0  }
0x14: {  	s2 =	sld [smem:$0x3F97];
	s0 =	simm.s32 @p1 $0x1  }
0x15: {  	[smem:$0x3FB4] =	sst s0;
	s0 =	simm.s32 @!p2 $0x0  }
0x16: {  	s3 =	sld [smem:$0x3FDB];
	s0 =	simm.s32 @p2 $0x1  }
0x17: {  	s4 =	simm.s32 $0x1BF5;
	[smem:$0x3FB6] =	sst s0  }
0x18: {  	s0 =	sld [smem:$0x3F99];
	_ =	swait.ge [sflag:s4], $0x0  }
0x19: {  	s7 =	sld [smem:$0x3F9A]  }
0x1a: {  	s8 =	sadd.s32 $0xFFFFE003, lr  }
0x1b: {  	s9 =	sadd.s32 $0xFFFFFEF7, lr;
	s5 =	simm.s32 $0xFFFFFFFF;
	p2 =	slt.u32 s8, $0xFFFFF086  }
0x1c: {  	p1 =	slt.u32 s9, $0xF7A;
	s5 =	simm.s32 @!p2 $0x0  }
0x1d: {  	s5 =	simm.s32 @p1 $0x1;
	p0 =	seq.s32 s7, s2  }
0x1e: {  	s7 =	smul.u32 @!p0 $0xF7A, s2;
	p2 =	seq.s32 @!p0 s5, $0x0  }
0x1f: {  	s9 =	smul.u32 $0xF7A, s1;
	s8 =	simm.s32 @!p0 $0x1BF5;
	p2 =	por !p2, p0  }
0x20: {  	[sflag:s8] =	ssyncset.s32 @!p0 $0xFFFFF086;
	s6 =	sadd.s32 @!p0 s3, s7;
	s7 =	simm.s32 @!p0 $0x108  }
0x21: {  	s3 =	sadd.s32 s3, s9;
	s6 =	sadd.s32 @!p0 $0x88, s6;
	s7 =	simm.s32 @p2 $0x1082  }
0x22: {  	[simem:s7], [sflag:s8] =	dma.local @!p0 [hbm:s6], $0xF7A  }
0x23: {  	s9 =	sor.u32 $0xD0000000, s2;
	s6 =	simm.s32 $0x108;
	_ =	swait.ge @!p0 [sflag:s8], $0x0  }
0x24: {  	s3 =	sadd.s32 $0x88, s3;
	s6 =	simm.s32 @!p1 $0x1082;
	[sflag:s4] =	ssyncset.s32 $0xFFFFF086  }
0x25: {  	[simem:s6], [sflag:s4] =	dma.local [hbm:s3], $0xF7A  }
0x26: {  	[smem:$0x3F9A] =	sst s1;
	(tag) =	ssettag s2;
	_ =	strace s9  }
0x27: {  	s1 =	sld [smem:$0x3FAA]  }
0x28: {  	s2 =	sld [smem:$0x3FAB]  }
0x29: {  	s4 =	sld [smem:$0x3FAD]  }
0x2a: {  	p0 =	seq.s32 s5, $0x0;
	s5 =	sld [smem:$0x3FAE]  }
0x2b: {  	s6 =	sld [smem:$0x3FAF]  }
0x2c: {  	s7 =	sld [smem:$0x3FB0]  }
0x2d: {  	s3 =	simm.s32 $0x108;
	s8 =	sld [smem:$0x3FB1]  }
0x2e: {  	s3 =	simm.s32 @!p0 $0x1082;
	s9 =	sld [smem:$0x3FB2]  }
0x2f: {  	lr =	sadd.s32 s0, s3;
	s0 =	sld [smem:$0x3FA9]  }
0x30: {  	s3 =	sld [smem:$0x3FAC]  }
0x31: {  	[smem:$0x3FB5] =	sst s10  }
0x32: {  	s10 =	sld [smem:$0x3FB3];
	_ =	sdelay $0x3  }
0x33: {  	p0 =	seq.s32 s10, $0x1;
	s10 =	sld [smem:$0x3FB5];
	_ =	sdelay $0x3  }
0x34: {  	[smem:$0x3FB5] =	sst s10  }
0x35: {  	s10 =	sld [smem:$0x3FB4];
	_ =	sdelay $0x3  }
0x36: {  	p1 =	seq.s32 s10, $0x1;
	s10 =	sld [smem:$0x3FB5];
	_ =	sdelay $0x3  }
0x37: {  	[smem:$0x3FB5] =	sst s10  }
0x38: {  	s10 =	sld [smem:$0x3FB6]  }
0x39: {  	_ = 	snop;
	(pc) =	sbr.ind lr, $3  }
0x3a: {  	_ = 	snop  }
0x3b: {  	_ = 	snop  }
0x3c: {  	p2 =	seq.s32 s10, $0x1;
	s10 =	sld [smem:$0x3FB5]  }
0x3d: {  	_ =	shalt  }
0x3e: {  	_ =	shalt  }
0x3f: {  	_ =	shalt  }
0x40: {  	_ =	shalt  }
0x41: {  	_ =	shalt  }
0x42: {  	_ =	shalt  }
0x43: {  	_ =	shalt  }
0x44: {  	_ =	shalt  }
0x45: {  	_ =	shalt  }
0x46: {  	_ =	shalt  }
0x47: {  	_ =	shalt  }
0x48: {  	_ =	shalt  }
0x49: {  	_ =	shalt  }
0x4a: {  	_ =	shalt  }
0x4b: {  	_ =	shalt  }
0x4c: {  	_ =	shalt  }
0x4d: {  	_ =	shalt  }
0x4e: {  	_ =	shalt  }
0x4f: {  	_ =	shalt  }
0x50: {  	_ =	shalt  }
0x51: {  	_ =	shalt  }
0x52: {  	_ =	shalt  }
0x53: {  	_ =	shalt  }
0x54: {  	_ =	shalt  }
0x55: {  	_ =	shalt  }
0x56: {  	_ =	shalt  }
0x57: {  	_ =	shalt  }
0x58: {  	_ =	shalt  }
0x59: {  	_ =	shalt  }
0x5a: {  	_ =	shalt  }
0x5b: {  	_ =	shalt  }
0x5c: {  	_ =	shalt  }
0x5d: {  	_ =	shalt  }
0x5e: {  	_ =	shalt  }
0x5f: {  	_ =	shalt  }
0x60: {  	_ =	shalt  }
0x61: {  	_ =	shalt  }
0x62: {  	_ =	shalt  }
0x63: {  	_ =	shalt  }
0x64: {  	_ =	shalt  }
0x65: {  	_ =	shalt  }
0x66: {  	_ =	shalt  }
0x67: {  	_ =	shalt  }
0x68: {  	_ =	shalt  }
0x69: {  	_ =	shalt  }
0x6a: {  	_ =	shalt  }
0x6b: {  	_ =	shalt  }
0x6c: {  	_ =	shalt  }
0x6d: {  	_ =	shalt  }
0x6e: {  	_ =	shalt  }
0x6f: {  	_ =	shalt  }
0x70: {  	_ =	shalt  }
0x71: {  	_ =	shalt  }
0x72: {  	_ =	shalt  }
0x73: {  	_ =	shalt  }
0x74: {  	_ =	shalt  }
0x75: {  	_ =	shalt  }
0x76: {  	_ =	shalt  }
0x77: {  	_ =	shalt  }
0x78: {  	_ =	shalt  }
0x79: {  	_ =	shalt  }
0x7a: {  	_ =	shalt  }
0x7b: {  	_ =	shalt  }
0x7c: {  	_ =	shalt  }
0x7d: {  	_ =	shalt  }
0x7e: {  	_ =	shalt  }
0x7f: {  	_ =	shalt  }
0x80: {  	_ =	shalt  }
0x81: {  	_ =	shalt  }
0x82: {  	_ =	shalt  }
0x83: {  	_ =	shalt  }
0x84: {  	_ =	shalt  }
0x85: {  	_ =	shalt  }
0x86: {  	_ =	shalt  }
0x87: {  	_ =	shalt  }
.Lfunc_end0:
.L_simem_size_0:
called_computation_lowered:
.L_overlay_start_0:
0x88: {  	s2 =	sld [smem:$0x3FD9]  }
0x89: {  	s3 =	sld [smem:$0x3FFE];
	_ =	sdelay $0x1  }
0x8a: {  	s1 =	srdreg.scid  }
0x8b: {  	s0 =	sand.u32 $0x1, s1  }
0x8c: {  	s17 =	sshll.u32 s0, $0xA;
	s2 =	sadd.s32 s3, s2  }
0x8d: {  	s2 =	sadd.s32 s2, s17  }
0x8e: {  	[smem:$0x3FC1] =	sst s2  }
0x8f: {  	_ = 	snop  }
0x90: {  	s18 =	sld [smem:$0x3FD0];
	(tm) =	ssettm $0x1  }
0x91: {  	s19 =	sld [smem:$0x3FFB];
	_ =	sdelay $0x3  }
0x92: {  	_ =	strace s19  }
0x93: {  	s2 =	sld [smem:$0x3FFC];
	_ =	sdelay $0x3  }
0x94: {  	_ =	strace s2  }
0x95: {  	s2 =	sld [smem:$0x3FFD];
	_ =	sdelay $0x3  }
0x96: {  	_ =	strace s2  }
0x97: {  	_ =	strace $0x8FFFFFFF  }
0x98: {  	s20 =	sld [smem:$0x3FDB];
	_ =	sdelay $0x1  }
0x99: {  	s4 =	simm.s32 $_scs_section_size  }
0x9a: {  	s5 =	simm.s32 $_size__tile_overlayer_lowered;
	s6 =	simm.s32 $_tile_overlayer_lowered  }
0x9b: {  	s7 =	simm.s32 $0x1BFF;
	s21 =	sshll.u32 s6, $0x1;
	s4 =	sadd.s32 s4, s20  }
0x9c: {  	s22 =	simm.s32 $0x0;
	s5 =	sshll.u32 s5, $0x1;
	s6 =	sadd.s32 s21, s4  }
0x9d: {  	[timem:s22], [sflag:s7] =	dma.local [hbm:s6], s5  }
0x9e: {  	_ =	swait.ge [sflag:s7], s5  }
0x9f: {  	s5 =	ssub.s32 $0x0, s5;
	[sflag:s7] =	ssyncset.done $0x0  }
0xa0: {  	[sflag:s7] =	ssyncadd.s32 s5;
	_ =	sdelay $0x1  }
0xa1: {  	s23 =	simm.s32 $0x1B8B  }
0xa2: {  	_ =	swait.ge [sflag:s23], $0x1  }
0xa3: {  	[sflag:s23] =	ssyncset.done $0x0  }
0xa4: {  	[sflag:s23] =	ssyncadd.s32 $0xFFFFFFFF  }
0xa5: {  	s5 =	sld [smem:$0x0]  }
0xa6: {  	s6 =	sand.u32 $0xFFFFFFFE, s1  }
0xa7: {  	p0 =	sne.s32 s1, s6  }
0xa8: {  	s6 =	sshll.u32 @p0 s6, $0xE  }
0xa9: {  	s6 =	sadd.s32 @p0 $0x11B8D, s6;
	s7 =	sshll.u32 @p0 s5, $0x11  }
0xaa: {  	s6 =	sor.u32 @p0 s7, s6  }
0xab: {  	[sflag:s6] =	ssyncadd.remote.s32 @p0 $0x1;
	_ =	sdelay $0x1  }
0xac: {  	s6 =	simm.s32 @p0 $0x1B8D  }
0xad: {  	_ =	swait.eq @p0 [sflag:s6], $0x1  }
0xae: {  	[sflag:s6] =	ssyncadd.s32 @p0 $0xFFFFFFFF  }
0xaf: {  	s7 =	sshll.u32 @!p0 s1, $0xE  }
0xb0: {  	s7 =	sor.u32 @!p0 $0x4000, s7;
	s6 =	simm.s32 @!p0 $0x1B8D  }
0xb1: {  	s5 =	sshll.u32 @!p0 s5, $0x11;
	s7 =	sadd.s32 @!p0 $0x11B8D, s7;
	_ =	swait.eq @!p0 [sflag:s6], $0x1  }
0xb2: {  	s5 =	sor.u32 @!p0 s5, s7;
	[sflag:s6] =	ssyncadd.s32 @!p0 $0xFFFFFFFF  }
0xb3: {  	s25 =	simm.s32 $0x1B8E;
	s24 =	sld [smem:$0x3FFE];
	[sflag:s5] =	ssyncadd.remote.s32 @!p0 $0x1  }
0xb4: {  	s26 =	simm.s32 $execute0_lowered;
	[smem:$0x3FD2] =	sst s25  }
0xb5: {  	s6 =	sshll.u32 s26, $0x1;
	_ =	strace $0x80000067;
	[dreg:$0x1] =	wrdreg $0xFFFFFFFF  }
0xb6: {  	s28 =	simm.s32 $_size_execute0_lowered;
	s4 =	sadd.s32 s4, s6;
	[dreg:$0x0] =	wrdreg $0x0  }
0xb7: {  	s6 =	sshll.u32 s28, $0x1;
	[dreg:$0x2] =	wrdreg s4  }
0xb8: {  	[dreg:$0x3] =	wrdreg s6  }
0xb9: {  	[dreg:$0x4] =	wrdreg $0xC0  }
0xba: {  	_ =	task [dreg:s22], $0x5FFFF  }
0xbb: {  	[dreg:$0x1] =	wrdreg $0xFFFFFFFF  }
0xbc: {  	[dreg:$0x0] =	wrdreg $0x60  }
0xbd: {  	[dreg:$0x2] =	wrdreg s24  }
0xbe: {  	[dreg:$0x3] =	wrdreg s18  }
0xbf: {  	[dreg:$0x4] =	wrdreg $0xD  }
0xc0: {  	_ =	task.clear_ibuf [dreg:s22], $0x5FFFF;
	_ =	strace $0x90000067  }
0xc1: {  	s29 =	simm.s32 $0xD;
	_ =	strace $0x80000069  }
0xc2: {  	_ =	swait.ge [sflag:s29], $0x1  }
0xc3: {  	[sflag:s29] =	ssyncadd.s32 $0xFFFFFFFF  }
0xc4: {  	_ =	strace $0x90000069  }
0xc5: {  	_ =	sfence  }
0xc6: {  	s30 =	sld [smem:$0x0];
	_ =	sdelay $0x2  }
0xc7: {  	s31 =	sshll.u32 s1, $0xD;
	s1 =	sshrl.u32 s1, $0x2  }
0xc8: {  	s4 =	sand.u32 $0x4000, s31;
	s1 =	sadd.s32 s1, s30  }
0xc9: {  	s0 =	sor.u32 s4, s0;
	s1 =	sshll.u32 s1, $0x11  }
0xca: {  	s0 =	sor.u32 s1, s0  }
0xcb: {  	s0 =	sadd.s32 $0x8F2B, s0  }
0xcc: {  	[sflag:s0] =	ssyncadd.remote.s32 $0x1  }
0xcd: {  	_ =	sfence.sel $0xFFFF  }
0xce: {  	[dreg:$0x0] =	wrdreg $0xFFFFFFFF;
	(pc) =	sbr.abs _section_cstart, $3  }
0xcf: {  	[dreg:$0x1] =	wrdreg $0xFFFFFFFF  }
0xd0: {  	_ =	task.clear_ibuf [dreg:s22], $0x2FFFF;
	_ =	strace $0x9FFFFFFF  }
0xd1: {  	(tm) =	ssettm $0x7FFFFFFF  }
tec
execute0_lowered:
.L_overlay_start_1:
0x0: {  	(tag) =	ssettag $0x1  }
0x1: {  	s7 =	rddreg [dreg:$0x0]  }
0x2: {  	s2 =	rddreg [dreg:$0x1]  }
0x3: {  	s0 =	rddreg [dreg:$0x2]  }
0x4: {  	s1 =	srdreg.scid;
	_ =	strace $0x80000068;
	s4 =	simm.s32 $0x1  }
0x5: {  	s9 =	simm.s32 $0x3;
	s11 =	simm.s32 $0x0;
	s5 =	sshll.u32 s1, $0x4  }
.Ltmp0:
0x6: {  	s1 =	stileid.u32;
	s5 =	sand.u32 $0x10, s5;
	(pc) =	sbr.rel .LBB2_1-.Ltmp0, $4  }
0x7: {  	p0 =	por $0x0, $0x0;
	s3 =	sadd.s32 $0xBA5200, s7;
	s6 =	sor.u32 s1, s5  }
0x8: {  	[sflag:s4] =	ssyncpa.u1 $0x0;
	s5 =	simm.s32 $0x2;
	s6 =	sshll.u32 s6, $0x8  }
0x9: {  	s7 =	sadd.s32 $0x604A00, s7;
	[sflag:s5] =	ssyncpa.u1 $0x0;
	s8 =	sadd.s32 $0x100, s6  }
0xa: {  	vm0 =	vmmov $0xff;
	vm1 =	vcmask $0x3F20;
	[sflag:s9] =	ssyncpa.u1 $0x0;
	s10 =	smov.u32 s6;
	s9 =	simm.s32 $0x0  }
.LBB2_9:
0xb: {  	p1 =	slt.u32 s9, $0x2;
	s11 =	sadd.s32 $0x40, s10  }
0xc: {  	s13 =	smov.u32 s6;
	s9 =	sadd.s32 $0x1, s9;
	p2 =	slt.s32 s11, s8  }
0xd: {  	s13 =	smov.u32 @p2 s11;
	p2 =	sne.s32 s9, $0x6  }
.Ltmp1:
0xe: {  	_ = 	snop;
	(pc) =	sbr.rel @!p2 .LBB2_10-.Ltmp1, $4  }
0xf: {  	s12 =	simm.s32 @!p1 $0x3  }
0x10: {  	_ =	swait.ge @!p1 [sflag:s12], $0xC000  }
0x11: {  	p0 =	por !p0, !p0;
	[sflag:s12] =	ssyncset.done @!p1 $0x0  }
0x12: {  	s11 =	smov.u32 s10;
	s10 =	smov.u32 s13;
	[sflag:s12] =	ssyncadd.s32 @!p1 $0xFFFF4000  }
.LBB2_1:
0x13: {  	p1 =	sgt.u32 s9, $0x3  }
0x14: {  	s12 =	sxor.u32 @!p1 $0xFFFFFFFF, s9  }
0x15: {  	s13 =	sshrl.u32 @!p1 s10, $0x3;
	s12 =	sshll.u32 @!p1 s12, $0x6  }
0x16: {  	s14 =	sand.u32 @!p1 $0x7, s10;
	s13 =	sadd.s32 @!p1 s7, s13;
	s12 =	sand.u32 @!p1 $0x40, s12  }
0x17: {  	[tilespmem:s12], [sflag:$0x2] =	stream.linear.gather @!p1 [hbm4b:s13+s14], $0x40, $0x38;
	[tilespmem:$0x18080] =	vst v63  }
0x18: {  	p1 =	seq.s32 s9, $0x0  }
0x19: {  	p2 =	seq.s32 @!p1 s9, $0x5  }
0x1a: {  	p1 =	por p1, p2  }
.Ltmp2:
0x1b: {  	_ = 	snop;
	(pc) =	sbr.rel @p1 .LBB2_9-.Ltmp2, $1  }
0x1c: {  	_ =	sdelay $0x3  }
0x1d: {  	s12 =	simm.s32 $0x1  }
0x1e: {  	s12 =	simm.s32 @!p0 $0x0  }
0x1f: {  	s12 =	smul.u32 $0x30000, s12;
	_ =	sdelay $0x1  }
0x20: {  	_ =	swait.ge [sflag:s5], $0x40;
	s13 =	sand.u32 $0x1, s9;
	s12 =	sshrl.u32 s12, $0x2  }
0x21: {  	s14 =	simm.s32 $0x0;
	[sflag:s5] =	ssyncset.done $0x0;
	s12 =	sor.u32 $0x80, s12  }
0x22: {  	s13 =	sshll.u32 s13, $0x6;
	[sflag:s5] =	ssyncadd.s32 $0xFFFFFFC0;
	s15 =	smov.u32 s12  }
.LBB2_3:
0x23: {  	s16 =	sshll.u32 s14, $0x4  }
0x24: {  	s16 =	sand.u32 $0x3FFFFFF0, s16  }
0x25: {  	s16 =	sadd.s32 s16, s13  }
0x26: {  	v0 =	vld.msk [tilespmem:s16+$0x0 ss:$0x1], $0xffff;
	_ =	sdelay $0x4  }
0x27: {  	vm2 =	vgt.s32 v0, $0x0  }
0x28: {  	v0 =	vnsel vm2, $0x0, v0  }
0x29: {  	v0 =	vmin.u32 v0, $0x3FFF  }
0x2a: {  	v1 =	vshrl.u32 v0, $0x3  }
0x2b: {  	v0 =	vshll.u32 v0, $0x7;
	v1 =	vmul.u32 $0x1800, v1  }
0x2c: {  	v0 =	vand.u32 $0x380, v0  }
0x2d: {  	v0 =	vor.u32 v0, v1  }
0x2e: {  	v0 =	vshrl.u32 v0, $0x3;
	_ =	sdelay $0x3  }
0x2f: {  	s17 =	sadd.s32 $0x0, s15  }
0x30: {  	[tilespmem:s17], [sflag:$0x1] =	stream.indirect_vreg.gather [hbm:s3], $0x80, v0, vm0, $0x38;
	[tilespmem:$0x18080] =	vst v63  }
0x31: {  	s16 =	simm.s32 $0x1000;
	v1 =	vadd.s32 $0x80, v0;
	s17 =	sadd.s32 $0x1800, s17  }
.LBB2_4:
0x32: {  	[tilespmem:s17], [sflag:$0x1] =	stream.indirect_vreg.gather [hbm:s3], $0x80, v0, vm1, $0x38;
	[tilespmem:$0x18080] =	vst v63  }
0x33: {  	v0 =	vmov v1;
	s17 =	smov.u32 s16;
	p1 =	sne.s32 s16, $0x5000  }
.Ltmp3:
0x34: {  	s16 =	sadd.s32 $0x1000, s16;
	(pc) =	sbr.rel @p1 .LBB2_4-.Ltmp3, $4  }
0x35: {  	s17 =	sshra.s32 s17, $0x2  }
0x36: {  	s17 =	sadd.s32 s17, s15  }
0x37: {  	[tilespmem:s17], [sflag:$0x1] =	stream.indirect_vreg.gather [hbm:s3], $0x80, v1, vm0, $0x38;
	[tilespmem:$0x18080] =	vst v63  }
0x38: {  	s17 =	sadd.s32 $0x1800, s17;
	v1 =	vadd.s32 $0x80, v1  }
0x39: {  	s14 =	sadd.s32 $0x1, s14  }
0x3a: {  	p1 =	sne.s32 s14, $0x4  }
.Ltmp4:
0x3b: {  	_ = 	snop;
	(pc) =	sbr.rel @p1 .LBB2_3-.Ltmp4, $3  }
0x3c: {  	_ =	sdelay $0x1  }
0x3d: {  	[tilespmem:s17], [sflag:$0x1] =	stream.indirect_vreg.gather [hbm:s3], $0x80, v0, vm1, $0x38;
	[tilespmem:$0x18080] =	vst v63  }
0x3e: {  	s15 =	sadd.s32 $0x3000, s15  }
0x3f: {  	s13 =	sshrl.u32 s11, $0x3  }
0x40: {  	s13 =	smul.u32 $0x300, s13  }
0x41: {  	s31 =	sshll.u32 s11, $0x4  }
0x42: {  	_ =	swait.ge [sflag:s4], $0xC000;
	s11 =	sand.u32 $0x70, s31;
	s13 =	sadd.s32 s13, s2  }
0x43: {  	s14 =	sadd.s32 $0x1800, s12;
	[sflag:s4] =	ssyncset.done $0x0;
	s11 =	sadd.s32 s11, s13  }
0x44: {  	[sflag:s4] =	ssyncadd.s32 $0xFFFF4000;
	s13 =	simm.s32 $0x300;
	s15 =	sadd.s32 $0x0, s11  }
.LBB2_7:
0x45: {  	[hbm:s15] =	stream.linear.scatter [tilespmem:s12], [sflag:$0x3], $0x1800, $0x38;
	[tilespmem:$0x18080] =	vst v63  }
0x46: {  	s15 =	smov.u32 s13;
	s12 =	smov.u32 s14;
	p1 =	sne.s32 s13, $0x1500  }
.Ltmp5:
0x47: {  	s13 =	sadd.s32 $0x300, s13;
	(pc) =	sbr.rel @p1 .LBB2_7-.Ltmp5, $2  }
0x48: {  	_ =	sdelay $0x2  }
0x49: {  	s14 =	sadd.s32 $0x1800, s14;
	s15 =	sadd.s32 s15, s11  }
.Ltmp6:
0x4a: {  	(pc) =	sbr.rel .LBB2_9-.Ltmp6, $2  }
0x4b: {  	_ =	sdelay $0x2  }
0x4c: {  	[hbm:s15] =	stream.linear.scatter [tilespmem:s12], [sflag:$0x3], $0x1800, $0x38;
	[tilespmem:$0x18080] =	vst v63  }
.LBB2_10:
0x4d: {  	_ =	sfence.sel $0x180000  }
0x4e: {  	s2 =	simm.s32 $0x2;
	[bflag:$0x0] =	sbarrier.arrive $0xFFFF  }
0x4f: {  	s30 =	simm.s32 $0x3;
	[sflag:s2] =	ssyncpa.u1 $0x1  }
0x50: {  	s31 =	simm.s32 $0x1;
	[sflag:s30] =	ssyncpa.u1 $0x1  }
0x51: {  	[sflag:s31] =	ssyncpa.u1 $0x1  }
0x52: {  	p0 =	sne.s32 s1, $0x0;
	_ =	strace $0x90000068  }
0x53: {  	s0 =	sadd.s32 @!p0 $0x100000, s0;
	[bflag:$0x2] =	sbarrier.arrive $0xFFFF  }
0x54: {  	[sflag:s0] =	ssyncadd.tile.s32 @!p0 $0x1;
	_ =	shalt  }
.Lfunc_end2:
_tile_overlayer_lowered:
.L_overlay_start_2:
0x55: {  	(tag) =	ssettag $0x2  }
0x56: {  	s0 =	rddreg [dreg:$0x0];
	s2 =	stileid.u32  }
0x57: {  	s1 =	rddreg [dreg:$0x1];
	p0 =	sne.s32 s2, $0x0  }
0x58: {  	s3 =	rddreg [dreg:$0x2];
	[bflag:$0x3] =	sbarrier.arrive $0xFFFF;
	s2 =	simm.s32 @!p0 $0x1C01  }
0x59: {  	[timem:s3], [sflag:s2] =	dma.local @!p0 [hbm:s0], s1  }
0x5a: {  	s0 =	simm.s32 @!p0 $0x1  }
0x5b: {  	_ =	swait.ge @!p0 [sflag:s0], s1  }
0x5c: {  	s1 =	ssub.s32 @!p0 $0x0, s1;
	[sflag:s0] =	ssyncset.done @!p0 $0x0  }
0x5d: {  	[sflag:s0] =	ssyncadd.s32 @!p0 s1  }
0x5e: {  	[bflag:$0x3] =	sbarrier.arrive $0xFFFF  }
0x5f: {  	_ =	shalt  }

// kernel: kernel.10.cloned.1.call-start
scs
__scs_entry_jumppad:
0x0: {  	(pc) =	sbr.rel $0x88, $3  }
0x1: {  	(tag) =	ssettag $0x0;
	lr =	simm.s32 $0x1  }
0x2: {  	[smem:$0x3F9A] =	sst lr;
	_ =	strace $0xD0000000  }
0x3: {  	_ = 	snop  }
0x4: {  	_ = 	snop  }
0x5: {  	_ = 	snop  }
0x6: {  	_ = 	snop  }
0x7: {  	_ = 	snop  }
__scs_overlays_trampoline_lowered:
0x8: {  	[smem:$0x3FA9] =	sst s0  }
0x9: {  	[smem:$0x3FAA] =	sst s1  }
0xa: {  	[smem:$0x3FAB] =	sst s2  }
0xb: {  	[smem:$0x3FAC] =	sst s3  }
0xc: {  	[smem:$0x3FAD] =	sst s4  }
0xd: {  	[smem:$0x3FAE] =	sst s5  }
0xe: {  	[smem:$0x3FAF] =	sst s6  }
0xf: {  	[smem:$0x3FB0] =	sst s7  }
0x10: {  	[smem:$0x3FB1] =	sst s8  }
0x11: {  	[smem:$0x3FB2] =	sst s9;
	s0 =	simm.s32 @!p0 $0x0  }
0x12: {  	s1 =	sld [smem:$0x3F98];
	s0 =	simm.s32 @p0 $0x1  }
0x13: {  	[smem:$0x3FB3] =	sst s0;
	s0 =	simm.s32 @!p1 $0x0  }
0x14: {  	s2 =	sld [smem:$0x3F97];
	s0 =	simm.s32 @p1 $0x1  }
0x15: {  	[smem:$0x3FB4] =	sst s0;
	s0 =	simm.s32 @!p2 $0x0  }
0x16: {  	s3 =	sld [smem:$0x3FDB];
	s0 =	simm.s32 @p2 $0x1  }
0x17: {  	s4 =	simm.s32 $0x1BF5;
	[smem:$0x3FB6] =	sst s0  }
0x18: {  	s0 =	sld [smem:$0x3F99];
	_ =	swait.ge [sflag:s4], $0x0  }
0x19: {  	s7 =	sld [smem:$0x3F9A]  }
0x1a: {  	s8 =	sadd.s32 $0xFFFFE003, lr  }
0x1b: {  	s9 =	sadd.s32 $0xFFFFFEF7, lr;
	s5 =	simm.s32 $0xFFFFFFFF;
	p2 =	slt.u32 s8, $0xFFFFF086  }
0x1c: {  	p1 =	slt.u32 s9, $0xF7A;
	s5 =	simm.s32 @!p2 $0x0  }
0x1d: {  	s5 =	simm.s32 @p1 $0x1;
	p0 =	seq.s32 s7, s2  }
0x1e: {  	s7 =	smul.u32 @!p0 $0xF7A, s2;
	p2 =	seq.s32 @!p0 s5, $0x0  }
0x1f: {  	s9 =	smul.u32 $0xF7A, s1;
	s8 =	simm.s32 @!p0 $0x1BF5;
	p2 =	por !p2, p0  }
0x20: {  	[sflag:s8] =	ssyncset.s32 @!p0 $0xFFFFF086;
	s6 =	sadd.s32 @!p0 s3, s7;
	s7 =	simm.s32 @!p0 $0x108  }
0x21: {  	s3 =	sadd.s32 s3, s9;
	s6 =	sadd.s32 @!p0 $0x88, s6;
	s7 =	simm.s32 @p2 $0x1082  }
0x22: {  	[simem:s7], [sflag:s8] =	dma.local @!p0 [hbm:s6], $0xF7A  }
0x23: {  	s9 =	sor.u32 $0xD0000000, s2;
	s6 =	simm.s32 $0x108;
	_ =	swait.ge @!p0 [sflag:s8], $0x0  }
0x24: {  	s3 =	sadd.s32 $0x88, s3;
	s6 =	simm.s32 @!p1 $0x1082;
	[sflag:s4] =	ssyncset.s32 $0xFFFFF086  }
0x25: {  	[simem:s6], [sflag:s4] =	dma.local [hbm:s3], $0xF7A  }
0x26: {  	[smem:$0x3F9A] =	sst s1;
	(tag) =	ssettag s2;
	_ =	strace s9  }
0x27: {  	s1 =	sld [smem:$0x3FAA]  }
0x28: {  	s2 =	sld [smem:$0x3FAB]  }
0x29: {  	s4 =	sld [smem:$0x3FAD]  }
0x2a: {  	p0 =	seq.s32 s5, $0x0;
	s5 =	sld [smem:$0x3FAE]  }
0x2b: {  	s6 =	sld [smem:$0x3FAF]  }
0x2c: {  	s7 =	sld [smem:$0x3FB0]  }
0x2d: {  	s3 =	simm.s32 $0x108;
	s8 =	sld [smem:$0x3FB1]  }
0x2e: {  	s3 =	simm.s32 @!p0 $0x1082;
	s9 =	sld [smem:$0x3FB2]  }
0x2f: {  	lr =	sadd.s32 s0, s3;
	s0 =	sld [smem:$0x3FA9]  }
0x30: {  	s3 =	sld [smem:$0x3FAC]  }
0x31: {  	[smem:$0x3FB5] =	sst s10  }
0x32: {  	s10 =	sld [smem:$0x3FB3];
	_ =	sdelay $0x3  }
0x33: {  	p0 =	seq.s32 s10, $0x1;
	s10 =	sld [smem:$0x3FB5];
	_ =	sdelay $0x3  }
0x34: {  	[smem:$0x3FB5] =	sst s10  }
0x35: {  	s10 =	sld [smem:$0x3FB4];
	_ =	sdelay $0x3  }
0x36: {  	p1 =	seq.s32 s10, $0x1;
	s10 =	sld [smem:$0x3FB5];
	_ =	sdelay $0x3  }
0x37: {  	[smem:$0x3FB5] =	sst s10  }
0x38: {  	s10 =	sld [smem:$0x3FB6]  }
0x39: {  	_ = 	snop;
	(pc) =	sbr.ind lr, $3  }
0x3a: {  	_ = 	snop  }
0x3b: {  	_ = 	snop  }
0x3c: {  	p2 =	seq.s32 s10, $0x1;
	s10 =	sld [smem:$0x3FB5]  }
0x3d: {  	_ =	shalt  }
0x3e: {  	_ =	shalt  }
0x3f: {  	_ =	shalt  }
0x40: {  	_ =	shalt  }
0x41: {  	_ =	shalt  }
0x42: {  	_ =	shalt  }
0x43: {  	_ =	shalt  }
0x44: {  	_ =	shalt  }
0x45: {  	_ =	shalt  }
0x46: {  	_ =	shalt  }
0x47: {  	_ =	shalt  }
0x48: {  	_ =	shalt  }
0x49: {  	_ =	shalt  }
0x4a: {  	_ =	shalt  }
0x4b: {  	_ =	shalt  }
0x4c: {  	_ =	shalt  }
0x4d: {  	_ =	shalt  }
0x4e: {  	_ =	shalt  }
0x4f: {  	_ =	shalt  }
0x50: {  	_ =	shalt  }
0x51: {  	_ =	shalt  }
0x52: {  	_ =	shalt  }
0x53: {  	_ =	shalt  }
0x54: {  	_ =	shalt  }
0x55: {  	_ =	shalt  }
0x56: {  	_ =	shalt  }
0x57: {  	_ =	shalt  }
0x58: {  	_ =	shalt  }
0x59: {  	_ =	shalt  }
0x5a: {  	_ =	shalt  }
0x5b: {  	_ =	shalt  }
0x5c: {  	_ =	shalt  }
0x5d: {  	_ =	shalt  }
0x5e: {  	_ =	shalt  }
0x5f: {  	_ =	shalt  }
0x60: {  	_ =	shalt  }
0x61: {  	_ =	shalt  }
0x62: {  	_ =	shalt  }
0x63: {  	_ =	shalt  }
0x64: {  	_ =	shalt  }
0x65: {  	_ =	shalt  }
0x66: {  	_ =	shalt  }
0x67: {  	_ =	shalt  }
0x68: {  	_ =	shalt  }
0x69: {  	_ =	shalt  }
0x6a: {  	_ =	shalt  }
0x6b: {  	_ =	shalt  }
0x6c: {  	_ =	shalt  }
0x6d: {  	_ =	shalt  }
0x6e: {  	_ =	shalt  }
0x6f: {  	_ =	shalt  }
0x70: {  	_ =	shalt  }
0x71: {  	_ =	shalt  }
0x72: {  	_ =	shalt  }
0x73: {  	_ =	shalt  }
0x74: {  	_ =	shalt  }
0x75: {  	_ =	shalt  }
0x76: {  	_ =	shalt  }
0x77: {  	_ =	shalt  }
0x78: {  	_ =	shalt  }
0x79: {  	_ =	shalt  }
0x7a: {  	_ =	shalt  }
0x7b: {  	_ =	shalt  }
0x7c: {  	_ =	shalt  }
0x7d: {  	_ =	shalt  }
0x7e: {  	_ =	shalt  }
0x7f: {  	_ =	shalt  }
0x80: {  	_ =	shalt  }
0x81: {  	_ =	shalt  }
0x82: {  	_ =	shalt  }
0x83: {  	_ =	shalt  }
0x84: {  	_ =	shalt  }
0x85: {  	_ =	shalt  }
0x86: {  	_ =	shalt  }
0x87: {  	_ =	shalt  }
.Lfunc_end0:
.L_simem_size_0:
called_computation.8_lowered:
.L_overlay_start_0:
0x88: {  	s2 =	sld [smem:$0x3FD9]  }
0x89: {  	s3 =	sld [smem:$0x3FFE];
	_ =	sdelay $0x1  }
0x8a: {  	s1 =	srdreg.scid  }
0x8b: {  	s0 =	sand.u32 $0x1, s1  }
0x8c: {  	s17 =	sshll.u32 s0, $0xA;
	s2 =	sadd.s32 s3, s2  }
0x8d: {  	s2 =	sadd.s32 s2, s17  }
0x8e: {  	[smem:$0x3FC1] =	sst s2  }
0x8f: {  	_ = 	snop  }
0x90: {  	s18 =	sld [smem:$0x3FC9]  }
0x91: {  	s5 =	sld [smem:$0x3FC8]  }
0x92: {  	s6 =	sld [smem:$0x3FC7]  }
0x93: {  	s4 =	sld [smem:$0x3FD0];
	(tm) =	ssettm $0x1  }
0x94: {  	s19 =	sld [smem:$0x3FFB];
	_ =	sdelay $0x3  }
0x95: {  	_ =	strace s19  }
0x96: {  	s2 =	sld [smem:$0x3FFC];
	_ =	sdelay $0x3  }
0x97: {  	_ =	strace s2  }
0x98: {  	s2 =	sld [smem:$0x3FFD];
	_ =	sdelay $0x3  }
0x99: {  	_ =	strace s2  }
0x9a: {  	_ =	strace $0x8FFFFFFF  }
0x9b: {  	s20 =	sld [smem:$0x3FDB];
	_ =	sdelay $0x1  }
0x9c: {  	s7 =	simm.s32 $_scs_section_size  }
0x9d: {  	s8 =	simm.s32 $_size__tile_overlayer_lowered;
	s9 =	simm.s32 $_tile_overlayer_lowered  }
0x9e: {  	s10 =	simm.s32 $0x1BFF;
	s21 =	sshll.u32 s9, $0x1;
	s7 =	sadd.s32 s7, s20  }
0x9f: {  	s22 =	simm.s32 $0x0;
	s8 =	sshll.u32 s8, $0x1;
	s9 =	sadd.s32 s21, s7  }
0xa0: {  	[timem:s22], [sflag:s10] =	dma.local [hbm:s9], s8  }
0xa1: {  	_ =	swait.ge [sflag:s10], s8  }
0xa2: {  	s8 =	ssub.s32 $0x0, s8;
	[sflag:s10] =	ssyncset.done $0x0  }
0xa3: {  	[sflag:s10] =	ssyncadd.s32 s8;
	_ =	sdelay $0x1  }
0xa4: {  	s23 =	simm.s32 $0x1B8B  }
0xa5: {  	_ =	swait.ge [sflag:s23], $0x1  }
0xa6: {  	[sflag:s23] =	ssyncset.done $0x0  }
0xa7: {  	[sflag:s23] =	ssyncadd.s32 $0xFFFFFFFF  }
0xa8: {  	s8 =	sld [smem:$0x0]  }
0xa9: {  	s9 =	sand.u32 $0xFFFFFFFE, s1  }
0xaa: {  	p0 =	sne.s32 s1, s9  }
0xab: {  	s9 =	sshll.u32 @p0 s9, $0xE  }
0xac: {  	s9 =	sadd.s32 @p0 $0x11B8D, s9;
	s10 =	sshll.u32 @p0 s8, $0x11  }
0xad: {  	s9 =	sor.u32 @p0 s10, s9  }
0xae: {  	[sflag:s9] =	ssyncadd.remote.s32 @p0 $0x1;
	_ =	sdelay $0x1  }
0xaf: {  	s9 =	simm.s32 @p0 $0x1B8D  }
0xb0: {  	_ =	swait.eq @p0 [sflag:s9], $0x1  }
0xb1: {  	[sflag:s9] =	ssyncadd.s32 @p0 $0xFFFFFFFF  }
0xb2: {  	s10 =	sshll.u32 @!p0 s1, $0xE  }
0xb3: {  	s10 =	sor.u32 @!p0 $0x4000, s10;
	s9 =	simm.s32 @!p0 $0x1B8D  }
0xb4: {  	s8 =	sshll.u32 @!p0 s8, $0x11;
	s10 =	sadd.s32 @!p0 $0x11B8D, s10;
	_ =	swait.eq @!p0 [sflag:s9], $0x1  }
0xb5: {  	s8 =	sor.u32 @!p0 s8, s10;
	[sflag:s9] =	ssyncadd.s32 @!p0 $0xFFFFFFFF  }
0xb6: {  	s25 =	simm.s32 $0x1B8E;
	s24 =	sld [smem:$0x3FFE];
	[sflag:s8] =	ssyncadd.remote.s32 @!p0 $0x1  }
0xb7: {  	s26 =	simm.s32 $execute0_lowered;
	[smem:$0x3FD2] =	sst s25  }
0xb8: {  	s9 =	sshll.u32 s26, $0x1;
	_ =	strace $0x8000004F;
	[dreg:$0x1] =	wrdreg $0xFFFFFFFF  }
0xb9: {  	s28 =	simm.s32 $_size_execute0_lowered;
	s7 =	sadd.s32 s7, s9;
	[dreg:$0x0] =	wrdreg $0x0  }
0xba: {  	s9 =	sshll.u32 s28, $0x1;
	[dreg:$0x2] =	wrdreg s7  }
0xbb: {  	[dreg:$0x3] =	wrdreg s9  }
0xbc: {  	[dreg:$0x4] =	wrdreg $0xC0  }
0xbd: {  	_ =	task [dreg:s22], $0x5FFFF  }
0xbe: {  	[dreg:$0x1] =	wrdreg $0xFFFFFFFF  }
0xbf: {  	[dreg:$0x0] =	wrdreg $0x60  }
0xc0: {  	[dreg:$0x2] =	wrdreg s5  }
0xc1: {  	[dreg:$0x3] =	wrdreg s6  }
0xc2: {  	[dreg:$0x4] =	wrdreg s18  }
0xc3: {  	[dreg:$0x5] =	wrdreg s24  }
0xc4: {  	[dreg:$0x6] =	wrdreg s4  }
0xc5: {  	[dreg:$0x7] =	wrdreg $0xD  }
0xc6: {  	_ =	task.clear_ibuf [dreg:s22], $0x8FFFF;
	_ =	strace $0x9000004F  }
0xc7: {  	s29 =	simm.s32 $0xD;
	_ =	strace $0x80000051  }
0xc8: {  	_ =	swait.ge [sflag:s29], $0x1  }
0xc9: {  	[sflag:s29] =	ssyncadd.s32 $0xFFFFFFFF  }
0xca: {  	_ =	strace $0x90000051  }
0xcb: {  	_ =	sfence  }
0xcc: {  	s30 =	sld [smem:$0x0];
	_ =	sdelay $0x2  }
0xcd: {  	s31 =	sshll.u32 s1, $0xD;
	s1 =	sshrl.u32 s1, $0x2  }
0xce: {  	s4 =	sand.u32 $0x4000, s31;
	s1 =	sadd.s32 s1, s30  }
0xcf: {  	s0 =	sor.u32 s4, s0;
	s1 =	sshll.u32 s1, $0x11  }
0xd0: {  	s0 =	sor.u32 s1, s0  }
0xd1: {  	s0 =	sadd.s32 $0x8F2B, s0  }
0xd2: {  	[sflag:s0] =	ssyncadd.remote.s32 $0x1  }
0xd3: {  	_ =	sfence.sel $0xFFFF  }
0xd4: {  	[dreg:$0x0] =	wrdreg $0xFFFFFFFF;
	(pc) =	sbr.abs _section_cstart, $3  }
0xd5: {  	[dreg:$0x1] =	wrdreg $0xFFFFFFFF  }
0xd6: {  	_ =	task.clear_ibuf [dreg:s22], $0x2FFFF;
	_ =	strace $0x9FFFFFFF  }
0xd7: {  	(tm) =	ssettm $0x7FFFFFFF  }
tec
execute0_lowered:
.L_overlay_start_1:
0x0: {  	(tag) =	ssettag $0x1  }
0x1: {  	s0 =	rddreg [dreg:$0x0]  }
0x2: {  	s2 =	rddreg [dreg:$0x1]  }
0x3: {  	s1 =	rddreg [dreg:$0x2]  }
0x4: {  	s5 =	rddreg [dreg:$0x3]  }
0x5: {  	s3 =	rddreg [dreg:$0x4]  }
0x6: {  	s6 =	srdreg.scid;
	s13 =	stileid.u32;
	s4 =	simm.s32 $0x0  }
0x7: {  	s14 =	simm.s32 $0x3800;
	s16 =	simm.s32 $0x4000;
	[smem:$0x7FF] =	sst s4  }
0x8: {  	s18 =	simm.s32 $0x4800;
	_ =	strace $0x80000050;
	[dreg:$0x9] =	wrdreg s14  }
0x9: {  	s19 =	simm.s32 $0x5000;
	s20 =	simm.s32 $0x5800;
	[dreg:$0xa] =	wrdreg s16  }
0xa: {  	s21 =	simm.s32 $0x6000;
	s22 =	simm.s32 $0x6800;
	[dreg:$0xb] =	wrdreg s18  }
0xb: {  	s23 =	simm.s32 $0x7000;
	s24 =	simm.s32 $0x7800;
	[dreg:$0xc] =	wrdreg s19  }
0xc: {  	s25 =	simm.s32 $0x8000;
	s28 =	simm.s32 $0xC000;
	[dreg:$0xd] =	wrdreg s20  }
0xd: {  	s29 =	simm.s32 $0x0;
	s6 =	sand.u32 $0x1, s6;
	[dreg:$0xe] =	wrdreg s21  }
0xe: {  	s7 =	sshll.u32 s13, $0x1;
	s17 =	sshll.u32 s13, $0xA;
	[dreg:$0xf] =	wrdreg s22  }
0xf: {  	s8 =	sor.u32 s6, s7;
	s10 =	ssub.s32 $0x2, s6;
	[dreg:$0x10] =	wrdreg s23  }
0x10: {  	s6 =	sshll.u32 s6, $0x9;
	s16 =	simm.s32 $0x80;
	[dreg:$0x11] =	wrdreg s24  }
0x11: {  	[dreg:$0x12] =	wrdreg s25;
	s19 =	simm.s32 $0x1;
	s20 =	simm.s32 $0x800  }
0x12: {  	s21 =	simm.s32 $0x1000;
	s22 =	simm.s32 $0x1800;
	s23 =	simm.s32 $0xA000  }
0x13: {  	s24 =	simm.s32 $0xA800;
	s25 =	simm.s32 $0xB000;
	s9 =	sshll.u32 s8, $0x4  }
0x14: {  	s8 =	sshll.u32 s8, $0x9;
	s11 =	sshrl.u32 s10, $0x1;
	s9 =	sadd.s32 s9, s5  }
0x15: {  	s5 =	sadd.s32 $0x482A00, s5;
	s7 =	sor.u32 s7, s8;
	s8 =	simm.s32 $0x3000  }
0x16: {  	s12 =	ssub.s32 s10, s11;
	s26 =	sadd.s32 $0x482800, s9;
	[dreg:$0x8] =	wrdreg s8  }
0x17: {  	s30 =	sand.u32 $0x1E10, s7;
	s7 =	simm.s32 $0x2800;
	[dreg:$0x16] =	wrdreg s26  }
0x18: {  	s10 =	sadd.s32 $0x200, s1;
	s15 =	smax.u32 s12, $0x1;
	[dreg:$0x7] =	wrdreg s7  }
0x19: {  	s11 =	sadd.s32 $0x3FEA, s13;
	s0 =	sadd.s32 s0, s30;
	[dreg:$0x19] =	wrdreg s15  }
0x1a: {  	s9 =	sadd.s32 $0x100, s1;
	s31 =	sadd.s32 s2, s30;
	[dreg:$0x17] =	wrdreg s0  }
.Ltmp0:
0x1b: {  	s2 =	simm.s32 $0x2000;
	[dreg:$0x18] =	wrdreg s31;
	(pc) =	sbr.rel .LBB2_1-.Ltmp0, $4  }
0x1c: {  	s15 =	simm.s32 $0x2;
	s26 =	simm.s32 $0x8800;
	[dreg:$0x6] =	wrdreg s2  }
0x1d: {  	v0 =	vimm.s32 $0x0;
	v1 =	vlaneseq.u32;
	s30 =	simm.s32 $0x9000;
	s2 =	sor.u32 s6, s17;
	[dreg:$0x13] =	wrdreg s26  }
0x1e: {  	vm0 =	vmmov $0xffff;
	v2 =	vor.u32 $0x80000000, v1;
	v4 =	vshrl.u32 v1, $0x3;
	s17 =	simm.s32 $0x400;
	[dreg:$0x14] =	wrdreg s30;
	s31 =	simm.s32 $0x9800  }
0x1f: {  	v3 =	vand.u32 $0x7, v1;
	v5 =	vor.u32 $0x8, v1;
	v4 =	vmul.u32 $0x8, v4;
	s26 =	simm.s32 $0xB800;
	s13 =	sand.u32 $0x1E00, s2;
	[dreg:$0x15] =	wrdreg s31  }
.LBB2_9:
0x20: {  	[sflag:s15] =	ssyncadd.s32 $0xFFFFFFF8  }
.LBB2_10:
0x21: {  	s29 =	sadd.s32 $0x1, s29;
	s0 =	rddreg [dreg:$0x19]  }
0x22: {  	p0 =	sne.s32 s29, s0  }
.Ltmp1:
0x23: {  	_ = 	snop;
	(pc) =	sbr.rel @!p0 .LBB2_11-.Ltmp1, $1  }
0x24: {  	_ =	sdelay $0x3  }
.LBB2_1:
0x25: {  	s0 =	rddreg [dreg:$0x16];
	s2 =	simm.s32 $0xC800  }
0x26: {  	[tilespmem:s2], [sflag:$0x2] =	stream.linear.gather [hbm4b:s0+s4], $0x80, $0x38;
	[tilespmem:$0xC880] =	vst v63  }
0x27: {  	_ =	swait.ge [sflag:s15], $0x80  }
0x28: {  	[sflag:s15] =	ssyncset.done $0x0  }
0x29: {  	s12 =	rddreg [dreg:$0x17];
	[sflag:s15] =	ssyncadd.s32 $0xFFFFFF80  }
0x2a: {  	v6 =	vld [tilespmem:$0xC800];
	[tilespmem:s4], [sflag:$0x2] =	stream.strided.gather [hbm4b:s12+s16], $0x200, s17, s16, $0x38  }
0x2b: {  	_ =	swait.ge [sflag:s15], $0x200  }
0x2c: {  	[sflag:s15] =	ssyncset.done $0x0  }
0x2d: {  	s18 =	simm.s32 $0x200;
	s14 =	rddreg [dreg:$0x18];
	[sflag:s15] =	ssyncadd.s32 $0xFFFFFE00  }
0x2e: {  	[tilespmem:s18], [sflag:$0x2] =	stream.strided.gather [hbm4b:s14+s16], $0x200, s17, s16, $0x38;
	[tilespmem:$0xC880] =	vst v63  }
0x2f: {  	_ =	swait.ge [sflag:s15], $0x200  }
0x30: {  	[sflag:s15] =	ssyncset.done $0x0  }
0x31: {  	[sflag:s15] =	ssyncadd.s32 $0xFFFFFE00  }
0x32: {  	[tilespmem:$0x400] =	vst v0  }
0x33: {  	[tilespmem:$0x410] =	vst v0  }
0x34: {  	[tilespmem:$0x420] =	vst v0  }
0x35: {  	[tilespmem:$0x430] =	vst v0  }
0x36: {  	[tilespmem:$0x440] =	vst v0  }
0x37: {  	[tilespmem:$0x450] =	vst v0  }
0x38: {  	[tilespmem:$0x460] =	vst v0  }
0x39: {  	[tilespmem:$0x470] =	vst v0  }
0x3a: {  	[tilespmem:$0x480] =	vst v0  }
0x3b: {  	[tilespmem:$0x490] =	vst v0  }
0x3c: {  	[tilespmem:$0x4A0] =	vst v0  }
0x3d: {  	[tilespmem:$0x4B0] =	vst v0  }
0x3e: {  	[tilespmem:$0x4C0] =	vst v0  }
0x3f: {  	[tilespmem:$0x4D0] =	vst v0  }
0x40: {  	[tilespmem:$0x4E0] =	vst v0  }
0x41: {  	[tilespmem:$0x4F0] =	vst v0  }
0x42: {  	[tilespmem:$0x500] =	vst v0  }
0x43: {  	[tilespmem:$0x510] =	vst v0  }
0x44: {  	[tilespmem:$0x520] =	vst v0  }
0x45: {  	[tilespmem:$0x530] =	vst v0  }
0x46: {  	[tilespmem:$0x540] =	vst v0  }
0x47: {  	[tilespmem:$0x550] =	vst v0  }
0x48: {  	[tilespmem:$0x560] =	vst v0  }
0x49: {  	[tilespmem:$0x570] =	vst v0  }
0x4a: {  	[tilespmem:$0x580] =	vst v0  }
0x4b: {  	[tilespmem:$0x590] =	vst v0  }
0x4c: {  	[tilespmem:$0x5A0] =	vst v0  }
0x4d: {  	[tilespmem:$0x5B0] =	vst v0  }
0x4e: {  	[tilespmem:$0x5C0] =	vst v0  }
0x4f: {  	[tilespmem:$0x5D0] =	vst v0  }
0x50: {  	[tilespmem:$0x5E0] =	vst v0  }
0x51: {  	s30 =	simm.s32 $0x0;
	[tilespmem:$0x5F0] =	vst v0  }
0x52: {  	v7 =	vld [tilespmem:s30+$0x0];
	_ =	sdelay $0x4  }
0x53: {  	vm1 =	vgt.f32 v7, $0.0e+00;
	v7 =	vor.u32 s13, v1  }
0x54: {  	(xrf1) =	vsort.ascd.msk.u32 vm1, v2, v7;
	_ =	sdelay $0xd  }
0x55: {  	_, v7, _ =	vpop (xrf1)  }
0x56: {  	[tilespmem:s4+$0x400] =	vst v7  }
0x57: {  	v7 =	vld [tilespmem:s30+$0x200]  }
0x58: {  	v8 =	vmpcnt.ones.xlane vm1;
	_ =	sdelay $0x1  }
0x59: {  	(v2sf) =	vpush v8, $0x0;
	_ =	sdelay $0x1  }
0x5a: {  	(xrf1) =	vsort.ascd.msk.u32 vm1, v2, v7;
	_ =	sdelay $0xc  }
0x5b: {  	s6 =	smov.u32 s13;
	s0 =	simm.s32 $0x40;
	s31 =	spop (v2sf)  }
0x5c: {  	s18 =	simm.s32 $0x80;
	s14 =	simm.s32 $0x0;
	s2 =	sadd.s32 $0x0, s31;
	_, v7, _ =	vpop (xrf1)  }
.LBB2_2:
0x5d: {  	s30 =	sshra.s32 s0, $0x2;
	s6 =	sadd.s32 $0x10, s6  }
0x5e: {  	[tilespmem:s14+$0x600] =	vst v7;
	s0 =	smov.u32 s18;
	s31 =	sadd.s32 $0x40, s18;
	s14 =	smov.u32 s2  }
0x5f: {  	p0 =	sne.s32 s18, $0x7C0;
	v7 =	vld [tilespmem:s30+$0x0];
	_ =	sdelay $0x4  }
0x60: {  	vm1 =	vgt.f32 v7, $0.0e+00;
	v7 =	vor.u32 s6, v1  }
0x61: {  	v8 =	vmpcnt.ones.xlane vm1;
	(xrf1) =	vsort.ascd.msk.u32 vm1, v2, v7;
	_ =	sdelay $0x1  }
0x62: {  	(v2sf) =	vpush v8, $0x0;
	_ =	sdelay $0xb  }
0x63: {  	_, v7, _ =	vpop (xrf1)  }
0x64: {  	[tilespmem:s2+$0x400] =	vst v7  }
0x65: {  	v7 =	vld [tilespmem:s30+$0x200]  }
0x66: {  	s18 =	spop (v2sf)  }
0x67: {  	s2 =	sadd.s32 s2, s18;
	_ =	sdelay $0x2  }
0x68: {  	(xrf1) =	vsort.ascd.msk.u32 vm1, v2, v7;
	_ =	sdelay $0x9  }
.Ltmp2:
0x69: {  	(pc) =	sbr.rel @p0 .LBB2_2-.Ltmp2, $2  }
0x6a: {  	_ =	sdelay $0x2  }
0x6b: {  	s18 =	smov.u32 s31;
	_, v7, _ =	vpop (xrf1)  }
0x6c: {  	s0 =	sshra.s32 s0, $0x2;
	[tilespmem:s14+$0x600] =	vst v7  }
0x6d: {  	v7 =	vld [tilespmem:s0+$0x0];
	_ =	sdelay $0x3  }
0x6e: {  	s6 =	sadd.s32 $0x10, s6  }
0x6f: {  	vm1 =	vgt.f32 v7, $0.0e+00;
	v7 =	vor.u32 s6, v1  }
0x70: {  	(xrf1) =	vsort.ascd.msk.u32 vm1, v2, v7;
	_ =	sdelay $0x5  }
0x71: {  	v7 =	vmpcnt.ones.xlane vm1;
	_ =	sdelay $0x1  }
0x72: {  	(v2sf) =	vpush v7, $0x0;
	_ =	sdelay $0x5  }
0x73: {  	_, v7, _ =	vpop (xrf1)  }
0x74: {  	[tilespmem:s2+$0x400] =	vst v7  }
0x75: {  	v7 =	vld [tilespmem:s0+$0x200];
	_ =	sdelay $0x2  }
0x76: {  	(v2sf) =	vpush v6, $0x0;
	_ =	sdelay $0x1  }
0x77: {  	(xrf1) =	vsort.ascd.msk.u32 vm1, v2, v7;
	_ =	sdelay $0x1  }
0x78: {  	s12 =	spop (v2sf)  }
0x79: {  	s0 =	sadd.s32 s2, s12  }
0x7a: {  	s14 =	sand.u32 $0x3F, s0  }
0x7b: {  	s18 =	sshra.s32 s0, $0x1F;
	p0 =	slt.s32 s0, $0x1;
	p1 =	sne.s32 s14, $0x0  }
0x7c: {  	s30 =	sshrl.u32 s18, $0x1A;
	p0 =	por !p0, !p1  }
0x7d: {  	s14 =	simm.s32 $0x1;
	s6 =	sadd.s32 s30, s0;
	p0 =	por !p0, !p0  }
0x7e: {  	s6 =	sshra.s32 s6, $0x6;
	s14 =	simm.s32 @!p0 $0x0  }
0x7f: {  	s6 =	ssub.s32 s6, s14  }
0x80: {  	p1 =	slt.s32 s6, $0x1  }
.Ltmp3:
0x81: {  	_ = 	snop;
	(pc) =	sbr.rel @p1 .LBB2_6-.Ltmp3, $4  }
0x82: {  	_ = 	snop  }
0x83: {  	s18 =	spop (v2sf)  }
0x84: {  	s31 =	sand.u32 $0x7, s18;
	_, v6, _ =	vpop (xrf1)  }
0x85: {  	p0 =	seq.s32 s31, $0x0;
	[tilespmem:s2+$0x600] =	vst v6  }
0x86: {  	s2 =	simm.s32 $0x420  }
0x87: {  	s14 =	simm.s32 $0x600;
	s30 =	smov.u32 s18;
	s31 =	smov.u32 s6  }
.LBB2_5:
0x88: {  	v6 =	vld [tilespmem:s2+$0xFFFFFFE0];
	_ =	sdelay $0x4  }
0x89: {  	v7 =	vshrl.u32 v6, $0x3  }
0x8a: {  	v7 =	vmul.u32 $0x30, v7  }
0x8b: {  	v6 =	vand.u32 $0x7, v6  }
0x8c: {  	v6 =	vor.u32 v6, v7  }
0x8d: {  	v7 =	vperm.xlane v6, v3;
	_ =	sdelay $0x1  }
0x8e: {  	v7 =	vadd.s32 v4, v7;
	_ =	sdelay $0x3  }
0x8f: {  	v6 =	vperm.xlane v6, v5  }
0x90: {  	[tilespmem:s20], [sflag:$0x1] =	stream.indirect_vreg.gather [hbm4b:s1+s4], $0x80, v7, vm0, $0xb8;
	[tilespmem:$0xC880] =	vst v63  }
0x91: {  	v6 =	vadd.s32 v4, v6  }
0x92: {  	[tilespmem:s21], [sflag:$0x1] =	stream.indirect_vreg.gather [hbm4b:s9+s4], $0x80, v7, vm0, $0xb8;
	[tilespmem:$0xC880] =	vst v63  }
0x93: {  	_ = 	snop  }
0x94: {  	[tilespmem:s22], [sflag:$0x1] =	stream.indirect_vreg.gather [hbm4b:s10+s4], $0x80, v7, vm0, $0xb8;
	[tilespmem:$0xC880] =	vst v63  }
0x95: {  	s7 =	rddreg [dreg:$0x6]  }
0x96: {  	[tilespmem:s7], [sflag:$0x1] =	stream.indirect_vreg.gather [hbm4b:s1+s4], $0x80, v6, vm0, $0xb8;
	[tilespmem:$0xC880] =	vst v63  }
0x97: {  	s8 =	rddreg [dreg:$0x7]  }
0x98: {  	[tilespmem:s8], [sflag:$0x1] =	stream.indirect_vreg.gather [hbm4b:s9+s4], $0x80, v6, vm0, $0xb8;
	[tilespmem:$0xC880] =	vst v63  }
0x99: {  	s12 =	rddreg [dreg:$0x8]  }
0x9a: {  	[tilespmem:s12], [sflag:$0x1] =	stream.indirect_vreg.gather [hbm4b:s10+s4], $0x80, v6, vm0, $0xb8;
	[tilespmem:$0xC880] =	vst v63  }
0x9b: {  	v6 =	vld [tilespmem:s2+$0xFFFFFFF0];
	_ =	sdelay $0x4  }
0x9c: {  	v7 =	vshrl.u32 v6, $0x3  }
0x9d: {  	v7 =	vmul.u32 $0x30, v7  }
0x9e: {  	v6 =	vand.u32 $0x7, v6  }
0x9f: {  	v6 =	vor.u32 v6, v7  }
0xa0: {  	v7 =	vperm.xlane v6, v3;
	_ =	sdelay $0x1  }
0xa1: {  	v7 =	vadd.s32 v4, v7;
	_ =	sdelay $0x3  }
0xa2: {  	s8 =	rddreg [dreg:$0x9];
	v6 =	vperm.xlane v6, v5  }
0xa3: {  	[tilespmem:s8], [sflag:$0x1] =	stream.indirect_vreg.gather [hbm4b:s1+s4], $0x80, v7, vm0, $0xb8;
	[tilespmem:$0xC880] =	vst v63  }
0xa4: {  	s12 =	rddreg [dreg:$0xa];
	v6 =	vadd.s32 v4, v6  }
0xa5: {  	[tilespmem:s12], [sflag:$0x1] =	stream.indirect_vreg.gather [hbm4b:s9+s4], $0x80, v7, vm0, $0xb8;
	[tilespmem:$0xC880] =	vst v63  }
0xa6: {  	s7 =	rddreg [dreg:$0xb]  }
0xa7: {  	[tilespmem:s7], [sflag:$0x1] =	stream.indirect_vreg.gather [hbm4b:s10+s4], $0x80, v7, vm0, $0xb8;
	[tilespmem:$0xC880] =	vst v63  }
0xa8: {  	s12 =	rddreg [dreg:$0xc]  }
0xa9: {  	[tilespmem:s12], [sflag:$0x1] =	stream.indirect_vreg.gather [hbm4b:s1+s4], $0x80, v6, vm0, $0xb8;
	[tilespmem:$0xC880] =	vst v63  }
0xaa: {  	s7 =	rddreg [dreg:$0xd]  }
0xab: {  	[tilespmem:s7], [sflag:$0x1] =	stream.indirect_vreg.gather [hbm4b:s9+s4], $0x80, v6, vm0, $0xb8;
	[tilespmem:$0xC880] =	vst v63  }
0xac: {  	s12 =	rddreg [dreg:$0xe]  }
0xad: {  	[tilespmem:s12], [sflag:$0x1] =	stream.indirect_vreg.gather [hbm4b:s10+s4], $0x80, v6, vm0, $0xb8;
	[tilespmem:$0xC880] =	vst v63  }
0xae: {  	v6 =	vld [tilespmem:s2+$0x0];
	_ =	sdelay $0x4  }
0xaf: {  	v7 =	vshrl.u32 v6, $0x3  }
0xb0: {  	v7 =	vmul.u32 $0x30, v7  }
0xb1: {  	v6 =	vand.u32 $0x7, v6  }
0xb2: {  	v6 =	vor.u32 v6, v7  }
0xb3: {  	v7 =	vperm.xlane v6, v3;
	_ =	sdelay $0x1  }
0xb4: {  	v7 =	vadd.s32 v4, v7;
	_ =	sdelay $0x3  }
0xb5: {  	s8 =	rddreg [dreg:$0xf];
	v6 =	vperm.xlane v6, v5  }
0xb6: {  	[tilespmem:s8], [sflag:$0x1] =	stream.indirect_vreg.gather [hbm4b:s1+s4], $0x80, v7, vm0, $0xb8;
	[tilespmem:$0xC880] =	vst v63  }
0xb7: {  	s12 =	rddreg [dreg:$0x10];
	v6 =	vadd.s32 v4, v6  }
0xb8: {  	[tilespmem:s12], [sflag:$0x1] =	stream.indirect_vreg.gather [hbm4b:s9+s4], $0x80, v7, vm0, $0xb8;
	[tilespmem:$0xC880] =	vst v63  }
0xb9: {  	s7 =	rddreg [dreg:$0x11]  }
0xba: {  	[tilespmem:s7], [sflag:$0x1] =	stream.indirect_vreg.gather [hbm4b:s10+s4], $0x80, v7, vm0, $0xb8;
	[tilespmem:$0xC880] =	vst v63  }
0xbb: {  	s12 =	rddreg [dreg:$0x12]  }
0xbc: {  	[tilespmem:s12], [sflag:$0x1] =	stream.indirect_vreg.gather [hbm4b:s1+s4], $0x80, v6, vm0, $0xb8;
	[tilespmem:$0xC880] =	vst v63  }
0xbd: {  	s7 =	rddreg [dreg:$0x13]  }
0xbe: {  	[tilespmem:s7], [sflag:$0x1] =	stream.indirect_vreg.gather [hbm4b:s9+s4], $0x80, v6, vm0, $0xb8;
	[tilespmem:$0xC880] =	vst v63  }
0xbf: {  	s12 =	rddreg [dreg:$0x14]  }
0xc0: {  	[tilespmem:s12], [sflag:$0x1] =	stream.indirect_vreg.gather [hbm4b:s10+s4], $0x80, v6, vm0, $0xb8;
	[tilespmem:$0xC880] =	vst v63  }
0xc1: {  	v6 =	vld [tilespmem:s2+$0x10];
	_ =	sdelay $0x4  }
0xc2: {  	v7 =	vshrl.u32 v6, $0x3  }
0xc3: {  	v7 =	vmul.u32 $0x30, v7  }
0xc4: {  	v6 =	vand.u32 $0x7, v6  }
0xc5: {  	v6 =	vor.u32 v6, v7  }
0xc6: {  	v7 =	vperm.xlane v6, v3;
	_ =	sdelay $0x1  }
0xc7: {  	v7 =	vadd.s32 v4, v7;
	_ =	sdelay $0x3  }
0xc8: {  	s8 =	rddreg [dreg:$0x15];
	v6 =	vperm.xlane v6, v5  }
0xc9: {  	[tilespmem:s8], [sflag:$0x1] =	stream.indirect_vreg.gather [hbm4b:s1+s4], $0x80, v7, vm0, $0xb8;
	[tilespmem:$0xC880] =	vst v63  }
0xca: {  	v6 =	vadd.s32 v4, v6  }
0xcb: {  	[tilespmem:s23], [sflag:$0x1] =	stream.indirect_vreg.gather [hbm4b:s9+s4], $0x80, v7, vm0, $0xb8;
	[tilespmem:$0xC880] =	vst v63  }
0xcc: {  	_ = 	snop  }
0xcd: {  	[tilespmem:s24], [sflag:$0x1] =	stream.indirect_vreg.gather [hbm4b:s10+s4], $0x80, v7, vm0, $0xb8;
	[tilespmem:$0xC880] =	vst v63  }
0xce: {  	_ = 	snop  }
0xcf: {  	[tilespmem:s25], [sflag:$0x1] =	stream.indirect_vreg.gather [hbm4b:s1+s4], $0x80, v6, vm0, $0xb8;
	[tilespmem:$0xC880] =	vst v63  }
0xd0: {  	_ = 	snop  }
0xd1: {  	[tilespmem:s26], [sflag:$0x1] =	stream.indirect_vreg.gather [hbm4b:s9+s4], $0x80, v6, vm0, $0xb8;
	[tilespmem:$0xC880] =	vst v63  }
0xd2: {  	s7 =	sshrl.u32 s30, $0x3  }
0xd3: {  	[tilespmem:s28], [sflag:$0x1] =	stream.indirect_vreg.gather [hbm4b:s10+s4], $0x80, v6, vm0, $0xb8;
	[tilespmem:$0xC880] =	vst v63  }
0xd4: {  	s12 =	smul.u32 $0x300, s7;
	_ =	swait.ge [sflag:s19], $0xC000  }
0xd5: {  	[sflag:s19] =	ssyncset.done $0x0  }
0xd6: {  	s8 =	sadd.s32 s5, s12;
	[sflag:s19] =	ssyncadd.s32 $0xFFFF4000  }
0xd7: {  	[hbm4b:s8+s4] =	stream.linear.scatter [tilespmem:s20], [sflag:$0x2], $0xC000, $0x38;
	[tilespmem:$0xC880] =	vst v63  }
0xd8: {  	_ =	swait.ge [sflag:s15], $0xC000  }
0xd9: {  	s8 =	sld [smem:$0x7FF];
	_ =	sdelay $0x2  }
0xda: {  	p1 =	sne.s32 @!p0 s8, $0x1  }
0xdb: {  	[sflag:s15] =	ssyncset.done $0x0;
	p1 =	por !p1, p0  }
0xdc: {  	[sflag:s15] =	ssyncadd.s32 $0xFFFF4000;
	s8 =	sor.u32 @!p1 $0x100000, s11  }
0xdd: {  	[smem:s8], [sflag:$0x0] =	smem.add.s32 @!p1 $0xA7;
	s8 =	simm.s32 @!p1 $0x0  }
0xde: {  	s12 =	simm.s32 @!p1 $0x1;
	_ =	swait.done @!p1 [sflag:s8]  }
0xdf: {  	[smem:$0x7FF] =	sst @!p1 s12  }
0xe0: {  	s31 =	sadd.s32 $0xFFFFFFFF, s31;
	_ =	sint @!p1 $0x2  }
0xe1: {  	_ =	swait.notdone @!p1 [sflag:s8];
	p1 =	sne.s32 s31, $0x0  }
.Ltmp4:
0xe2: {  	s7 =	sadd.s32 s3, s7;
	(pc) =	sbr.rel @p1 .LBB2_5-.Ltmp4, $4  }
0xe3: {  	[hbm4b:s7+s4] =	stream.linear.scatter [tilespmem:s14], [sflag:$0x2], $0x40, $0x38;
	[tilespmem:$0xC880] =	vst v63  }
0xe4: {  	_ =	swait.ge [sflag:s15], $0x40  }
0xe5: {  	s30 =	sadd.s32 $0x40, s30;
	[sflag:s15] =	ssyncset.done $0x0  }
0xe6: {  	s2 =	sadd.s32 $0x40, s2;
	s14 =	sadd.s32 $0x40, s14;
	[sflag:s15] =	ssyncadd.s32 $0xFFFFFFC0  }
.LBB2_6:
0xe7: {  	s14 =	sshll.u32 s6, $0x6  }
0xe8: {  	s0 =	ssub.s32 s0, s14  }
0xe9: {  	s0 =	sadd.s32 $0x7, s0  }
0xea: {  	s2 =	sand.u32 $0x7, s0  }
0xeb: {  	s31 =	sshra.s32 s0, $0x1F;
	p2 =	slt.s32 s0, $0x1;
	p1 =	sne.s32 s2, $0x0  }
0xec: {  	s2 =	sshrl.u32 s31, $0x1D;
	p1 =	por !p2, !p1  }
0xed: {  	s0 =	sadd.s32 s2, s0;
	s2 =	simm.s32 $0x1;
	p1 =	por !p1, !p1  }
0xee: {  	s0 =	sshra.s32 s0, $0x3;
	s2 =	simm.s32 @!p1 $0x0  }
0xef: {  	s2 =	ssub.s32 s0, s2  }
0xf0: {  	p1 =	slt.s32 s2, $0x1  }
.Ltmp5:
0xf1: {  	_ = 	snop;
	(pc) =	sbr.rel @p1 .LBB2_10-.Ltmp5, $1  }
0xf2: {  	_ =	sdelay $0x3  }
0xf3: {  	s0 =	sshll.u32 s6, $0x8  }
0xf4: {  	s0 =	sshra.s32 s0, $0x2  }
0xf5: {  	s31 =	sadd.s32 $0x400, s0  }
0xf6: {  	v6 =	vld.msk [tilespmem:s31+$0x0], $0xff;
	_ =	sdelay $0x4  }
0xf7: {  	v7 =	vshrl.u32 v6, $0x3  }
0xf8: {  	v7 =	vmul.u32 $0x30, v7  }
0xf9: {  	v6 =	vand.u32 $0x7, v6  }
0xfa: {  	v6 =	vor.u32 v6, v7  }
0xfb: {  	v6 =	vperm.xlane v6, v3;
	_ =	sdelay $0x1  }
0xfc: {  	v6 =	vadd.s32 v4, v6;
	_ =	sdelay $0x4  }
0xfd: {  	[tilespmem:s20], [sflag:$0x1] =	stream.indirect_vreg.gather [hbm4b:s1+s4], $0x80, v6, vm0, $0xb8;
	[tilespmem:$0xC880] =	vst v63  }
0xfe: {  	s7 =	sadd.s32 s14, s18  }
0xff: {  	[tilespmem:s21], [sflag:$0x1] =	stream.indirect_vreg.gather [hbm4b:s9+s4], $0x80, v6, vm0, $0xb8;
	[tilespmem:$0xC880] =	vst v63  }
0x100: {  	s8 =	sshrl.u32 s7, $0x3  }
0x101: {  	[tilespmem:s22], [sflag:$0x1] =	stream.indirect_vreg.gather [hbm4b:s10+s4], $0x80, v6, vm0, $0xb8;
	[tilespmem:$0xC880] =	vst v63  }
0x102: {  	s12 =	smul.u32 $0x300, s8;
	_ =	swait.ge [sflag:s19], $0x1800  }
0x103: {  	[sflag:s19] =	ssyncset.done $0x0  }
0x104: {  	s12 =	sadd.s32 s5, s12;
	[sflag:s19] =	ssyncadd.s32 $0xFFFFE800  }
0x105: {  	[hbm4b:s12+s4] =	stream.linear.scatter [tilespmem:s20], [sflag:$0x2], $0x1800, $0x38;
	[tilespmem:$0xC880] =	vst v63  }
0x106: {  	_ =	swait.ge [sflag:s15], $0x1800  }
0x107: {  	s12 =	sld [smem:$0x7FF];
	_ =	sdelay $0x2  }
0x108: {  	p1 =	sne.s32 @!p0 s12, $0x1  }
0x109: {  	[sflag:s15] =	ssyncset.done $0x0;
	p1 =	por !p1, p0  }
0x10a: {  	[sflag:s15] =	ssyncadd.s32 $0xFFFFE800;
	s12 =	sor.u32 @!p1 $0x100000, s11  }
0x10b: {  	[smem:s12], [sflag:$0x0] =	smem.add.s32 @!p1 $0xE3;
	s12 =	simm.s32 @!p1 $0x0  }
0x10c: {  	s14 =	simm.s32 @!p1 $0x1;
	_ =	swait.done @!p1 [sflag:s12]  }
0x10d: {  	[smem:$0x7FF] =	sst @!p1 s14  }
0x10e: {  	s2 =	sadd.s32 $0xFFFFFFFF, s2;
	_ =	sint @!p1 $0x2  }
0x10f: {  	_ =	swait.notdone @!p1 [sflag:s12];
	p1 =	sne.s32 s2, $0x0  }
.Ltmp6:
0x110: {  	_ = 	snop;
	(pc) =	sbr.rel @!p1 .LBB2_9-.Ltmp6, $4  }
0x111: {  	s0 =	sadd.s32 $0x600, s0;
	s8 =	sadd.s32 s3, s8  }
0x112: {  	[hbm4b:s8+s4] =	stream.linear.scatter [tilespmem:s0], [sflag:$0x2], $0x8, $0x38;
	[tilespmem:$0xC880] =	vst v63  }
0x113: {  	_ =	swait.ge [sflag:s15], $0x8  }
0x114: {  	s6 =	sadd.s32 $0x8, s31;
	s14 =	sadd.s32 $0x8, s7;
	[sflag:s15] =	ssyncset.done $0x0  }
.LBB2_8:
0x115: {  	s2 =	sadd.s32 $0xFFFFFFFF, s2;
	[sflag:s15] =	ssyncadd.s32 $0xFFFFFFF8;
	s0 =	sadd.s32 $0x8, s0  }
0x116: {  	v6 =	vld.msk [tilespmem:s6+$0x0], $0xff;
	p1 =	sne.s32 s2, $0x0;
	_ =	sdelay $0x4  }
0x117: {  	v7 =	vshrl.u32 v6, $0x3  }
0x118: {  	v7 =	vmul.u32 $0x30, v7  }
0x119: {  	v6 =	vand.u32 $0x7, v6  }
0x11a: {  	v6 =	vor.u32 v6, v7  }
0x11b: {  	v6 =	vperm.xlane v6, v3;
	_ =	sdelay $0x1  }
0x11c: {  	v6 =	vadd.s32 v4, v6;
	_ =	sdelay $0x4  }
0x11d: {  	[tilespmem:s20], [sflag:$0x1] =	stream.indirect_vreg.gather [hbm4b:s1+s4], $0x80, v6, vm0, $0xb8;
	[tilespmem:$0xC880] =	vst v63  }
0x11e: {  	_ = 	snop  }
0x11f: {  	[tilespmem:s21], [sflag:$0x1] =	stream.indirect_vreg.gather [hbm4b:s9+s4], $0x80, v6, vm0, $0xb8;
	[tilespmem:$0xC880] =	vst v63  }
0x120: {  	s7 =	sshrl.u32 s14, $0x3  }
0x121: {  	[tilespmem:s22], [sflag:$0x1] =	stream.indirect_vreg.gather [hbm4b:s10+s4], $0x80, v6, vm0, $0xb8;
	[tilespmem:$0xC880] =	vst v63  }
0x122: {  	s8 =	smul.u32 $0x300, s7;
	_ =	swait.ge [sflag:s19], $0x1800  }
0x123: {  	[sflag:s19] =	ssyncset.done $0x0  }
0x124: {  	s8 =	sadd.s32 s5, s8;
	[sflag:s19] =	ssyncadd.s32 $0xFFFFE800  }
0x125: {  	[hbm4b:s8+s4] =	stream.linear.scatter [tilespmem:s20], [sflag:$0x2], $0x1800, $0x38;
	[tilespmem:$0xC880] =	vst v63  }
0x126: {  	_ =	swait.ge [sflag:s15], $0x1800  }
0x127: {  	s8 =	sld [smem:$0x7FF];
	_ =	sdelay $0x2  }
0x128: {  	p2 =	sne.s32 @!p0 s8, $0x1  }
0x129: {  	[sflag:s15] =	ssyncset.done $0x0;
	p2 =	por !p2, p0  }
0x12a: {  	[sflag:s15] =	ssyncadd.s32 $0xFFFFE800;
	s8 =	sor.u32 @!p2 $0x100000, s11  }
0x12b: {  	[smem:s8], [sflag:$0x0] =	smem.add.s32 @!p2 $0xE3;
	s8 =	simm.s32 @!p2 $0x0  }
0x12c: {  	s12 =	simm.s32 @!p2 $0x1;
	_ =	swait.done @!p2 [sflag:s8]  }
0x12d: {  	[smem:$0x7FF] =	sst @!p2 s12  }
.Ltmp7:
0x12e: {  	_ =	sint @!p2 $0x2;
	(pc) =	sbr.rel @p1 .LBB2_8-.Ltmp7, $4  }
0x12f: {  	s7 =	sadd.s32 s3, s7;
	_ =	swait.notdone @!p2 [sflag:s8]  }
0x130: {  	[hbm4b:s7+s4] =	stream.linear.scatter [tilespmem:s0], [sflag:$0x2], $0x8, $0x38;
	[tilespmem:$0xC880] =	vst v63  }
0x131: {  	_ =	swait.ge [sflag:s15], $0x8  }
0x132: {  	s14 =	sadd.s32 $0x8, s14;
	s6 =	sadd.s32 $0x8, s6;
	[sflag:s15] =	ssyncset.done $0x0  }
.Ltmp8:
0x133: {  	_ = 	snop;
	(pc) =	sbr.rel .LBB2_9-.Ltmp8, $1  }
0x134: {  	_ =	sdelay $0x3  }
.LBB2_11:
0x135: {  	_ =	sfence.sel $0x180000  }
0x136: {  	[bflag:$0x0] =	sbarrier.arrive $0xFFFF  }
0x137: {  	_ =	strace $0x90000050  }
0x138: {  	s0 =	stileid.u32;
	[bflag:$0x2] =	sbarrier.arrive $0xFFFF  }
0x139: {  	p0 =	sne.s32 s0, $0x0;
	s0 =	rddreg [dreg:$0x5]  }
0x13a: {  	s0 =	sadd.s32 @!p0 $0x100000, s0  }
0x13b: {  	[sflag:s0] =	ssyncadd.tile.s32 @!p0 $0x1;
	_ =	shalt  }
.Lfunc_end2:
_tile_overlayer_lowered:
.L_overlay_start_2:
0x13c: {  	(tag) =	ssettag $0x2  }
0x13d: {  	s0 =	rddreg [dreg:$0x0];
	s2 =	stileid.u32  }
0x13e: {  	s1 =	rddreg [dreg:$0x1];
	p0 =	sne.s32 s2, $0x0  }
0x13f: {  	s3 =	rddreg [dreg:$0x2];
	[bflag:$0x3] =	sbarrier.arrive $0xFFFF;
	s2 =	simm.s32 @!p0 $0x1C02  }
0x140: {  	[timem:s3], [sflag:s2] =	dma.local @!p0 [hbm:s0], s1  }
0x141: {  	s0 =	simm.s32 @!p0 $0x2  }
0x142: {  	_ =	swait.ge @!p0 [sflag:s0], s1  }
0x143: {  	s1 =	ssub.s32 @!p0 $0x0, s1;
	[sflag:s0] =	ssyncset.done @!p0 $0x0  }
0x144: {  	[sflag:s0] =	ssyncadd.s32 @!p0 s1  }
0x145: {  	[bflag:$0x3] =	sbarrier.arrive $0xFFFF  }
0x146: {  	_ =	shalt  }

// kernel: kernel.13.cloned.1.call-start
scs
__scs_entry_jumppad:
0x0: {  	(pc) =	sbr.rel $0x88, $3  }
0x1: {  	(tag) =	ssettag $0x0;
	lr =	simm.s32 $0x1  }
0x2: {  	[smem:$0x3F9A] =	sst lr;
	_ =	strace $0xD0000000  }
0x3: {  	_ = 	snop  }
0x4: {  	_ = 	snop  }
0x5: {  	_ = 	snop  }
0x6: {  	_ = 	snop  }
0x7: {  	_ = 	snop  }
__scs_overlays_trampoline_lowered:
0x8: {  	[smem:$0x3FA9] =	sst s0  }
0x9: {  	[smem:$0x3FAA] =	sst s1  }
0xa: {  	[smem:$0x3FAB] =	sst s2  }
0xb: {  	[smem:$0x3FAC] =	sst s3  }
0xc: {  	[smem:$0x3FAD] =	sst s4  }
0xd: {  	[smem:$0x3FAE] =	sst s5  }
0xe: {  	[smem:$0x3FAF] =	sst s6  }
0xf: {  	[smem:$0x3FB0] =	sst s7  }
0x10: {  	[smem:$0x3FB1] =	sst s8  }
0x11: {  	[smem:$0x3FB2] =	sst s9;
	s0 =	simm.s32 @!p0 $0x0  }
0x12: {  	s1 =	sld [smem:$0x3F98];
	s0 =	simm.s32 @p0 $0x1  }
0x13: {  	[smem:$0x3FB3] =	sst s0;
	s0 =	simm.s32 @!p1 $0x0  }
0x14: {  	s2 =	sld [smem:$0x3F97];
	s0 =	simm.s32 @p1 $0x1  }
0x15: {  	[smem:$0x3FB4] =	sst s0;
	s0 =	simm.s32 @!p2 $0x0  }
0x16: {  	s3 =	sld [smem:$0x3FDB];
	s0 =	simm.s32 @p2 $0x1  }
0x17: {  	s4 =	simm.s32 $0x1BF5;
	[smem:$0x3FB6] =	sst s0  }
0x18: {  	s0 =	sld [smem:$0x3F99];
	_ =	swait.ge [sflag:s4], $0x0  }
0x19: {  	s7 =	sld [smem:$0x3F9A]  }
0x1a: {  	s8 =	sadd.s32 $0xFFFFE003, lr  }
0x1b: {  	s9 =	sadd.s32 $0xFFFFFEF7, lr;
	s5 =	simm.s32 $0xFFFFFFFF;
	p2 =	slt.u32 s8, $0xFFFFF086  }
0x1c: {  	p1 =	slt.u32 s9, $0xF7A;
	s5 =	simm.s32 @!p2 $0x0  }
0x1d: {  	s5 =	simm.s32 @p1 $0x1;
	p0 =	seq.s32 s7, s2  }
0x1e: {  	s7 =	smul.u32 @!p0 $0xF7A, s2;
	p2 =	seq.s32 @!p0 s5, $0x0  }
0x1f: {  	s9 =	smul.u32 $0xF7A, s1;
	s8 =	simm.s32 @!p0 $0x1BF5;
	p2 =	por !p2, p0  }
0x20: {  	[sflag:s8] =	ssyncset.s32 @!p0 $0xFFFFF086;
	s6 =	sadd.s32 @!p0 s3, s7;
	s7 =	simm.s32 @!p0 $0x108  }
0x21: {  	s3 =	sadd.s32 s3, s9;
	s6 =	sadd.s32 @!p0 $0x88, s6;
	s7 =	simm.s32 @p2 $0x1082  }
0x22: {  	[simem:s7], [sflag:s8] =	dma.local @!p0 [hbm:s6], $0xF7A  }
0x23: {  	s9 =	sor.u32 $0xD0000000, s2;
	s6 =	simm.s32 $0x108;
	_ =	swait.ge @!p0 [sflag:s8], $0x0  }
0x24: {  	s3 =	sadd.s32 $0x88, s3;
	s6 =	simm.s32 @!p1 $0x1082;
	[sflag:s4] =	ssyncset.s32 $0xFFFFF086  }
0x25: {  	[simem:s6], [sflag:s4] =	dma.local [hbm:s3], $0xF7A  }
0x26: {  	[smem:$0x3F9A] =	sst s1;
	(tag) =	ssettag s2;
	_ =	strace s9  }
0x27: {  	s1 =	sld [smem:$0x3FAA]  }
0x28: {  	s2 =	sld [smem:$0x3FAB]  }
0x29: {  	s4 =	sld [smem:$0x3FAD]  }
0x2a: {  	p0 =	seq.s32 s5, $0x0;
	s5 =	sld [smem:$0x3FAE]  }
0x2b: {  	s6 =	sld [smem:$0x3FAF]  }
0x2c: {  	s7 =	sld [smem:$0x3FB0]  }
0x2d: {  	s3 =	simm.s32 $0x108;
	s8 =	sld [smem:$0x3FB1]  }
0x2e: {  	s3 =	simm.s32 @!p0 $0x1082;
	s9 =	sld [smem:$0x3FB2]  }
0x2f: {  	lr =	sadd.s32 s0, s3;
	s0 =	sld [smem:$0x3FA9]  }
0x30: {  	s3 =	sld [smem:$0x3FAC]  }
0x31: {  	[smem:$0x3FB5] =	sst s10  }
0x32: {  	s10 =	sld [smem:$0x3FB3];
	_ =	sdelay $0x3  }
0x33: {  	p0 =	seq.s32 s10, $0x1;
	s10 =	sld [smem:$0x3FB5];
	_ =	sdelay $0x3  }
0x34: {  	[smem:$0x3FB5] =	sst s10  }
0x35: {  	s10 =	sld [smem:$0x3FB4];
	_ =	sdelay $0x3  }
0x36: {  	p1 =	seq.s32 s10, $0x1;
	s10 =	sld [smem:$0x3FB5];
	_ =	sdelay $0x3  }
0x37: {  	[smem:$0x3FB5] =	sst s10  }
0x38: {  	s10 =	sld [smem:$0x3FB6]  }
0x39: {  	_ = 	snop;
	(pc) =	sbr.ind lr, $3  }
0x3a: {  	_ = 	snop  }
0x3b: {  	_ = 	snop  }
0x3c: {  	p2 =	seq.s32 s10, $0x1;
	s10 =	sld [smem:$0x3FB5]  }
0x3d: {  	_ =	shalt  }
0x3e: {  	_ =	shalt  }
0x3f: {  	_ =	shalt  }
0x40: {  	_ =	shalt  }
0x41: {  	_ =	shalt  }
0x42: {  	_ =	shalt  }
0x43: {  	_ =	shalt  }
0x44: {  	_ =	shalt  }
0x45: {  	_ =	shalt  }
0x46: {  	_ =	shalt  }
0x47: {  	_ =	shalt  }
0x48: {  	_ =	shalt  }
0x49: {  	_ =	shalt  }
0x4a: {  	_ =	shalt  }
0x4b: {  	_ =	shalt  }
0x4c: {  	_ =	shalt  }
0x4d: {  	_ =	shalt  }
0x4e: {  	_ =	shalt  }
0x4f: {  	_ =	shalt  }
0x50: {  	_ =	shalt  }
0x51: {  	_ =	shalt  }
0x52: {  	_ =	shalt  }
0x53: {  	_ =	shalt  }
0x54: {  	_ =	shalt  }
0x55: {  	_ =	shalt  }
0x56: {  	_ =	shalt  }
0x57: {  	_ =	shalt  }
0x58: {  	_ =	shalt  }
0x59: {  	_ =	shalt  }
0x5a: {  	_ =	shalt  }
0x5b: {  	_ =	shalt  }
0x5c: {  	_ =	shalt  }
0x5d: {  	_ =	shalt  }
0x5e: {  	_ =	shalt  }
0x5f: {  	_ =	shalt  }
0x60: {  	_ =	shalt  }
0x61: {  	_ =	shalt  }
0x62: {  	_ =	shalt  }
0x63: {  	_ =	shalt  }
0x64: {  	_ =	shalt  }
0x65: {  	_ =	shalt  }
0x66: {  	_ =	shalt  }
0x67: {  	_ =	shalt  }
0x68: {  	_ =	shalt  }
0x69: {  	_ =	shalt  }
0x6a: {  	_ =	shalt  }
0x6b: {  	_ =	shalt  }
0x6c: {  	_ =	shalt  }
0x6d: {  	_ =	shalt  }
0x6e: {  	_ =	shalt  }
0x6f: {  	_ =	shalt  }
0x70: {  	_ =	shalt  }
0x71: {  	_ =	shalt  }
0x72: {  	_ =	shalt  }
0x73: {  	_ =	shalt  }
0x74: {  	_ =	shalt  }
0x75: {  	_ =	shalt  }
0x76: {  	_ =	shalt  }
0x77: {  	_ =	shalt  }
0x78: {  	_ =	shalt  }
0x79: {  	_ =	shalt  }
0x7a: {  	_ =	shalt  }
0x7b: {  	_ =	shalt  }
0x7c: {  	_ =	shalt  }
0x7d: {  	_ =	shalt  }
0x7e: {  	_ =	shalt  }
0x7f: {  	_ =	shalt  }
0x80: {  	_ =	shalt  }
0x81: {  	_ =	shalt  }
0x82: {  	_ =	shalt  }
0x83: {  	_ =	shalt  }
0x84: {  	_ =	shalt  }
0x85: {  	_ =	shalt  }
0x86: {  	_ =	shalt  }
0x87: {  	_ =	shalt  }
.Lfunc_end0:
.L_simem_size_0:
called_computation.9_lowered:
.L_overlay_start_0:
0x88: {  	s2 =	sld [smem:$0x3FD9]  }
0x89: {  	s3 =	sld [smem:$0x3FFE];
	_ =	sdelay $0x1  }
0x8a: {  	s1 =	srdreg.scid  }
0x8b: {  	s0 =	sand.u32 $0x1, s1  }
0x8c: {  	s17 =	sshll.u32 s0, $0xA;
	s2 =	sadd.s32 s3, s2  }
0x8d: {  	s2 =	sadd.s32 s2, s17  }
0x8e: {  	[smem:$0x3FC1] =	sst s2  }
0x8f: {  	_ = 	snop  }
0x90: {  	s18 =	sld [smem:$0x3FC9]  }
0x91: {  	s4 =	sld [smem:$0x3FC8]  }
0x92: {  	s5 =	sld [smem:$0x3FC7];
	(tm) =	ssettm $0x1  }
0x93: {  	s19 =	sld [smem:$0x3FFB];
	_ =	sdelay $0x3  }
0x94: {  	_ =	strace s19  }
0x95: {  	s2 =	sld [smem:$0x3FFC];
	_ =	sdelay $0x3  }
0x96: {  	_ =	strace s2  }
0x97: {  	s2 =	sld [smem:$0x3FFD];
	_ =	sdelay $0x3  }
0x98: {  	_ =	strace s2  }
0x99: {  	_ =	strace $0x8FFFFFFF  }
0x9a: {  	s20 =	sld [smem:$0x3FDB];
	_ =	sdelay $0x1  }
0x9b: {  	s6 =	simm.s32 $_scs_section_size  }
0x9c: {  	s7 =	simm.s32 $_size__tile_overlayer_lowered;
	s8 =	simm.s32 $_tile_overlayer_lowered  }
0x9d: {  	s9 =	simm.s32 $0x1BFF;
	s21 =	sshll.u32 s8, $0x1;
	s6 =	sadd.s32 s6, s20  }
0x9e: {  	s22 =	simm.s32 $0x0;
	s7 =	sshll.u32 s7, $0x1;
	s8 =	sadd.s32 s21, s6  }
0x9f: {  	[timem:s22], [sflag:s9] =	dma.local [hbm:s8], s7  }
0xa0: {  	_ =	swait.ge [sflag:s9], s7  }
0xa1: {  	s7 =	ssub.s32 $0x0, s7;
	[sflag:s9] =	ssyncset.done $0x0  }
0xa2: {  	[sflag:s9] =	ssyncadd.s32 s7;
	_ =	sdelay $0x1  }
0xa3: {  	s23 =	simm.s32 $0x1B8B  }
0xa4: {  	_ =	swait.ge [sflag:s23], $0x1  }
0xa5: {  	[sflag:s23] =	ssyncset.done $0x0  }
0xa6: {  	[sflag:s23] =	ssyncadd.s32 $0xFFFFFFFF  }
0xa7: {  	s7 =	sld [smem:$0x0]  }
0xa8: {  	s8 =	sand.u32 $0xFFFFFFFE, s1  }
0xa9: {  	p0 =	sne.s32 s1, s8  }
0xaa: {  	s8 =	sshll.u32 @p0 s8, $0xE  }
0xab: {  	s8 =	sadd.s32 @p0 $0x11B8D, s8;
	s9 =	sshll.u32 @p0 s7, $0x11  }
0xac: {  	s8 =	sor.u32 @p0 s9, s8  }
0xad: {  	[sflag:s8] =	ssyncadd.remote.s32 @p0 $0x1;
	_ =	sdelay $0x1  }
0xae: {  	s8 =	simm.s32 @p0 $0x1B8D  }
0xaf: {  	_ =	swait.eq @p0 [sflag:s8], $0x1  }
0xb0: {  	[sflag:s8] =	ssyncadd.s32 @p0 $0xFFFFFFFF  }
0xb1: {  	s9 =	sshll.u32 @!p0 s1, $0xE  }
0xb2: {  	s9 =	sor.u32 @!p0 $0x4000, s9;
	s8 =	simm.s32 @!p0 $0x1B8D  }
0xb3: {  	s7 =	sshll.u32 @!p0 s7, $0x11;
	s9 =	sadd.s32 @!p0 $0x11B8D, s9;
	_ =	swait.eq @!p0 [sflag:s8], $0x1  }
0xb4: {  	s7 =	sor.u32 @!p0 s7, s9;
	[sflag:s8] =	ssyncadd.s32 @!p0 $0xFFFFFFFF  }
0xb5: {  	s25 =	simm.s32 $0x1B8E;
	s24 =	sld [smem:$0x3FFE];
	[sflag:s7] =	ssyncadd.remote.s32 @!p0 $0x1  }
0xb6: {  	s26 =	simm.s32 $execute0_lowered;
	[smem:$0x3FD2] =	sst s25  }
0xb7: {  	s8 =	sshll.u32 s26, $0x1;
	_ =	strace $0x8000004C;
	[dreg:$0x1] =	wrdreg $0xFFFFFFFF  }
0xb8: {  	s28 =	simm.s32 $_size_execute0_lowered;
	s6 =	sadd.s32 s6, s8;
	[dreg:$0x0] =	wrdreg $0x0  }
0xb9: {  	s8 =	sshll.u32 s28, $0x1;
	[dreg:$0x2] =	wrdreg s6  }
0xba: {  	[dreg:$0x3] =	wrdreg s8  }
0xbb: {  	[dreg:$0x4] =	wrdreg $0xC0  }
0xbc: {  	_ =	task [dreg:s22], $0x5FFFF  }
0xbd: {  	[dreg:$0x1] =	wrdreg $0xFFFFFFFF  }
0xbe: {  	[dreg:$0x0] =	wrdreg $0x60  }
0xbf: {  	[dreg:$0x2] =	wrdreg s4  }
0xc0: {  	[dreg:$0x3] =	wrdreg s5  }
0xc1: {  	[dreg:$0x4] =	wrdreg s18  }
0xc2: {  	[dreg:$0x5] =	wrdreg s24  }
0xc3: {  	[dreg:$0x6] =	wrdreg $0xE  }
0xc4: {  	_ =	task.clear_ibuf [dreg:s22], $0x7FFFF;
	_ =	strace $0x9000004C  }
0xc5: {  	s29 =	simm.s32 $0xE;
	_ =	strace $0x8000004E  }
0xc6: {  	_ =	swait.ge [sflag:s29], $0x1  }
0xc7: {  	[sflag:s29] =	ssyncadd.s32 $0xFFFFFFFF  }
0xc8: {  	_ =	strace $0x9000004E  }
0xc9: {  	_ =	sfence  }
0xca: {  	s30 =	sld [smem:$0x0];
	_ =	sdelay $0x2  }
0xcb: {  	s31 =	sshll.u32 s1, $0xD;
	s1 =	sshrl.u32 s1, $0x2  }
0xcc: {  	s4 =	sand.u32 $0x4000, s31;
	s1 =	sadd.s32 s1, s30  }
0xcd: {  	s0 =	sor.u32 s4, s0;
	s1 =	sshll.u32 s1, $0x11  }
0xce: {  	s0 =	sor.u32 s1, s0  }
0xcf: {  	s0 =	sadd.s32 $0x8F2B, s0  }
0xd0: {  	[sflag:s0] =	ssyncadd.remote.s32 $0x1  }
0xd1: {  	_ =	sfence.sel $0xFFFF  }
0xd2: {  	[dreg:$0x0] =	wrdreg $0xFFFFFFFF;
	(pc) =	sbr.abs _section_cstart, $3  }
0xd3: {  	[dreg:$0x1] =	wrdreg $0xFFFFFFFF  }
0xd4: {  	_ =	task.clear_ibuf [dreg:s22], $0x2FFFF;
	_ =	strace $0x9FFFFFFF  }
0xd5: {  	(tm) =	ssettm $0x7FFFFFFF  }
tec
execute0_lowered:
.L_overlay_start_1:
0x0: {  	(tag) =	ssettag $0x1  }
0x1: {  	s0 =	rddreg [dreg:$0x0]  }
0x2: {  	s1 =	rddreg [dreg:$0x1]  }
0x3: {  	s2 =	rddreg [dreg:$0x2];
	s3 =	srdreg.scid  }
0x4: {  	s13 =	stileid.u32;
	s5 =	rddreg [dreg:$0x3]  }
0x5: {  	s14 =	simm.s32 $0x3800;
	s16 =	simm.s32 $0x4000;
	s18 =	simm.s32 $0x4800  }
0x6: {  	s19 =	simm.s32 $0x5000;
	s6 =	sand.u32 $0x1, s3;
	s3 =	simm.s32 $0x0  }
0x7: {  	s20 =	simm.s32 $0x5800;
	s21 =	simm.s32 $0x6000;
	[smem:$0x7FF] =	sst s3  }
0x8: {  	s22 =	simm.s32 $0x6800;
	_ =	strace $0x8000004D;
	[dreg:$0x8] =	wrdreg s14  }
0x9: {  	s23 =	simm.s32 $0x7000;
	s24 =	simm.s32 $0x7800;
	[dreg:$0x9] =	wrdreg s16  }
0xa: {  	s25 =	simm.s32 $0x8000;
	s28 =	simm.s32 $0xC000;
	[dreg:$0xa] =	wrdreg s18  }
0xb: {  	s29 =	simm.s32 $0x0;
	s7 =	sshll.u32 s13, $0x1;
	[dreg:$0xb] =	wrdreg s19  }
0xc: {  	s11 =	sadd.s32 $0x3FEA, s13;
	s17 =	sshll.u32 s13, $0xA;
	[dreg:$0xc] =	wrdreg s20  }
0xd: {  	s4 =	sor.u32 s6, s7;
	s10 =	ssub.s32 $0x2, s6;
	[dreg:$0xd] =	wrdreg s21  }
0xe: {  	s6 =	sshll.u32 s6, $0x9;
	s8 =	sshll.u32 s4, $0x4;
	[dreg:$0xe] =	wrdreg s22  }
0xf: {  	s9 =	sshll.u32 s4, $0x9;
	s4 =	sadd.s32 $0x302800, s5;
	[dreg:$0xf] =	wrdreg s23  }
0x10: {  	s26 =	sshrl.u32 s10, $0x1;
	s16 =	simm.s32 $0x80;
	[dreg:$0x10] =	wrdreg s24  }
0x11: {  	[dreg:$0x11] =	wrdreg s25;
	s19 =	simm.s32 $0x1;
	s20 =	simm.s32 $0x800  }
0x12: {  	s21 =	simm.s32 $0x1000;
	s22 =	simm.s32 $0x1800;
	s23 =	simm.s32 $0xA000  }
0x13: {  	s24 =	simm.s32 $0xA800;
	s25 =	simm.s32 $0xB000;
	s8 =	sadd.s32 s8, s5  }
0x14: {  	s7 =	sor.u32 s9, s7;
	s12 =	ssub.s32 s10, s26;
	s26 =	simm.s32 $0x8800  }
0x15: {  	s5 =	sadd.s32 $0x302000, s5;
	s8 =	sadd.s32 $0x301E00, s8;
	[dreg:$0x12] =	wrdreg s26  }
0x16: {  	s7 =	sand.u32 $0x1E10, s7;
	s15 =	smax.u32 s12, $0x1;
	[dreg:$0x15] =	wrdreg s8  }
0x17: {  	s30 =	sor.u32 $0x20, s7;
	s7 =	simm.s32 $0x2800;
	[dreg:$0x18] =	wrdreg s15  }
0x18: {  	s9 =	sadd.s32 $0x100, s2;
	s8 =	simm.s32 $0x3000;
	[dreg:$0x6] =	wrdreg s7  }
0x19: {  	s10 =	sadd.s32 $0x200, s2;
	s0 =	sadd.s32 s0, s30;
	[dreg:$0x7] =	wrdreg s8  }
.Ltmp0:
0x1a: {  	s31 =	sadd.s32 s1, s30;
	[dreg:$0x16] =	wrdreg s0;
	(pc) =	sbr.rel .LBB2_1-.Ltmp0, $4  }
0x1b: {  	s26 =	simm.s32 $0xB800;
	s1 =	simm.s32 $0x2000;
	[dreg:$0x17] =	wrdreg s31  }
0x1c: {  	v0 =	vimm.s32 $0x0;
	v1 =	vlaneseq.u32;
	s15 =	simm.s32 $0x2;
	s30 =	simm.s32 $0x9000;
	[dreg:$0x5] =	wrdreg s1  }
0x1d: {  	vm0 =	vmmov $0xffff;
	v2 =	vor.u32 $0x80000000, v1;
	v4 =	vshrl.u32 v1, $0x3;
	s1 =	sor.u32 s6, s17;
	[dreg:$0x13] =	wrdreg s30;
	s31 =	simm.s32 $0x9800  }
0x1e: {  	v3 =	vand.u32 $0x7, v1;
	v5 =	vor.u32 $0x8, v1;
	v4 =	vmul.u32 $0x8, v4;
	s17 =	simm.s32 $0x400;
	s13 =	sand.u32 $0x1E00, s1;
	[dreg:$0x14] =	wrdreg s31  }
.LBB2_9:
0x1f: {  	[sflag:s15] =	ssyncadd.s32 $0xFFFFFFF8  }
.LBB2_10:
0x20: {  	s29 =	sadd.s32 $0x1, s29;
	s0 =	rddreg [dreg:$0x18]  }
0x21: {  	p0 =	sne.s32 s29, s0  }
.Ltmp1:
0x22: {  	_ = 	snop;
	(pc) =	sbr.rel @!p0 .LBB2_11-.Ltmp1, $1  }
0x23: {  	_ =	sdelay $0x3  }
.LBB2_1:
0x24: {  	s0 =	rddreg [dreg:$0x15];
	s1 =	simm.s32 $0xC800  }
0x25: {  	[tilespmem:s1], [sflag:$0x2] =	stream.linear.gather [hbm4b:s0+s3], $0x80, $0x38;
	[tilespmem:$0xC880] =	vst v63  }
0x26: {  	_ =	swait.ge [sflag:s15], $0x80  }
0x27: {  	[sflag:s15] =	ssyncset.done $0x0  }
0x28: {  	s12 =	rddreg [dreg:$0x16];
	[sflag:s15] =	ssyncadd.s32 $0xFFFFFF80  }
0x29: {  	v6 =	vld [tilespmem:$0xC800];
	[tilespmem:s3], [sflag:$0x2] =	stream.strided.gather [hbm4b:s12+s16], $0x200, s17, s16, $0x38  }
0x2a: {  	_ =	swait.ge [sflag:s15], $0x200  }
0x2b: {  	[sflag:s15] =	ssyncset.done $0x0  }
0x2c: {  	s18 =	simm.s32 $0x200;
	s14 =	rddreg [dreg:$0x17];
	[sflag:s15] =	ssyncadd.s32 $0xFFFFFE00  }
0x2d: {  	[tilespmem:s18], [sflag:$0x2] =	stream.strided.gather [hbm4b:s14+s16], $0x200, s17, s16, $0x38;
	[tilespmem:$0xC880] =	vst v63  }
0x2e: {  	_ =	swait.ge [sflag:s15], $0x200  }
0x2f: {  	[sflag:s15] =	ssyncset.done $0x0  }
0x30: {  	[sflag:s15] =	ssyncadd.s32 $0xFFFFFE00  }
0x31: {  	[tilespmem:$0x400] =	vst v0  }
0x32: {  	[tilespmem:$0x410] =	vst v0  }
0x33: {  	[tilespmem:$0x420] =	vst v0  }
0x34: {  	[tilespmem:$0x430] =	vst v0  }
0x35: {  	[tilespmem:$0x440] =	vst v0  }
0x36: {  	[tilespmem:$0x450] =	vst v0  }
0x37: {  	[tilespmem:$0x460] =	vst v0  }
0x38: {  	[tilespmem:$0x470] =	vst v0  }
0x39: {  	[tilespmem:$0x480] =	vst v0  }
0x3a: {  	[tilespmem:$0x490] =	vst v0  }
0x3b: {  	[tilespmem:$0x4A0] =	vst v0  }
0x3c: {  	[tilespmem:$0x4B0] =	vst v0  }
0x3d: {  	[tilespmem:$0x4C0] =	vst v0  }
0x3e: {  	[tilespmem:$0x4D0] =	vst v0  }
0x3f: {  	[tilespmem:$0x4E0] =	vst v0  }
0x40: {  	[tilespmem:$0x4F0] =	vst v0  }
0x41: {  	[tilespmem:$0x500] =	vst v0  }
0x42: {  	[tilespmem:$0x510] =	vst v0  }
0x43: {  	[tilespmem:$0x520] =	vst v0  }
0x44: {  	[tilespmem:$0x530] =	vst v0  }
0x45: {  	[tilespmem:$0x540] =	vst v0  }
0x46: {  	[tilespmem:$0x550] =	vst v0  }
0x47: {  	[tilespmem:$0x560] =	vst v0  }
0x48: {  	[tilespmem:$0x570] =	vst v0  }
0x49: {  	[tilespmem:$0x580] =	vst v0  }
0x4a: {  	[tilespmem:$0x590] =	vst v0  }
0x4b: {  	[tilespmem:$0x5A0] =	vst v0  }
0x4c: {  	[tilespmem:$0x5B0] =	vst v0  }
0x4d: {  	[tilespmem:$0x5C0] =	vst v0  }
0x4e: {  	[tilespmem:$0x5D0] =	vst v0  }
0x4f: {  	[tilespmem:$0x5E0] =	vst v0  }
0x50: {  	s30 =	simm.s32 $0x0;
	[tilespmem:$0x5F0] =	vst v0  }
0x51: {  	v7 =	vld [tilespmem:s30+$0x0];
	_ =	sdelay $0x4  }
0x52: {  	vm1 =	vgt.f32 v7, $0.0e+00;
	v7 =	vor.u32 s13, v1  }
0x53: {  	(xrf1) =	vsort.ascd.msk.u32 vm1, v2, v7;
	_ =	sdelay $0xd  }
0x54: {  	_, v7, _ =	vpop (xrf1)  }
0x55: {  	[tilespmem:s3+$0x400] =	vst v7  }
0x56: {  	v7 =	vld [tilespmem:s30+$0x200]  }
0x57: {  	v8 =	vmpcnt.ones.xlane vm1;
	_ =	sdelay $0x1  }
0x58: {  	(v2sf) =	vpush v8, $0x0;
	_ =	sdelay $0x1  }
0x59: {  	(xrf1) =	vsort.ascd.msk.u32 vm1, v2, v7;
	_ =	sdelay $0xc  }
0x5a: {  	s6 =	smov.u32 s13;
	s1 =	simm.s32 $0x40;
	s31 =	spop (v2sf)  }
0x5b: {  	s18 =	simm.s32 $0x80;
	s14 =	simm.s32 $0x0;
	s0 =	sadd.s32 $0x0, s31;
	_, v7, _ =	vpop (xrf1)  }
.LBB2_2:
0x5c: {  	s30 =	sshra.s32 s1, $0x2;
	s6 =	sadd.s32 $0x10, s6  }
0x5d: {  	[tilespmem:s14+$0x600] =	vst v7;
	s1 =	smov.u32 s18;
	s31 =	sadd.s32 $0x40, s18;
	s14 =	smov.u32 s0  }
0x5e: {  	p0 =	sne.s32 s18, $0x7C0;
	v7 =	vld [tilespmem:s30+$0x0];
	_ =	sdelay $0x4  }
0x5f: {  	vm1 =	vgt.f32 v7, $0.0e+00;
	v7 =	vor.u32 s6, v1  }
0x60: {  	v8 =	vmpcnt.ones.xlane vm1;
	(xrf1) =	vsort.ascd.msk.u32 vm1, v2, v7;
	_ =	sdelay $0x1  }
0x61: {  	(v2sf) =	vpush v8, $0x0;
	_ =	sdelay $0xb  }
0x62: {  	_, v7, _ =	vpop (xrf1)  }
0x63: {  	[tilespmem:s0+$0x400] =	vst v7  }
0x64: {  	v7 =	vld [tilespmem:s30+$0x200]  }
0x65: {  	s18 =	spop (v2sf)  }
0x66: {  	s0 =	sadd.s32 s0, s18;
	_ =	sdelay $0x2  }
0x67: {  	(xrf1) =	vsort.ascd.msk.u32 vm1, v2, v7;
	_ =	sdelay $0x9  }
.Ltmp2:
0x68: {  	(pc) =	sbr.rel @p0 .LBB2_2-.Ltmp2, $2  }
0x69: {  	_ =	sdelay $0x2  }
0x6a: {  	s18 =	smov.u32 s31;
	_, v7, _ =	vpop (xrf1)  }
0x6b: {  	s1 =	sshra.s32 s1, $0x2;
	[tilespmem:s14+$0x600] =	vst v7  }
0x6c: {  	v7 =	vld [tilespmem:s1+$0x0];
	_ =	sdelay $0x3  }
0x6d: {  	s6 =	sadd.s32 $0x10, s6  }
0x6e: {  	vm1 =	vgt.f32 v7, $0.0e+00;
	v7 =	vor.u32 s6, v1  }
0x6f: {  	(xrf1) =	vsort.ascd.msk.u32 vm1, v2, v7;
	_ =	sdelay $0x5  }
0x70: {  	v7 =	vmpcnt.ones.xlane vm1;
	_ =	sdelay $0x1  }
0x71: {  	(v2sf) =	vpush v7, $0x0;
	_ =	sdelay $0x5  }
0x72: {  	_, v7, _ =	vpop (xrf1)  }
0x73: {  	[tilespmem:s0+$0x400] =	vst v7  }
0x74: {  	v7 =	vld [tilespmem:s1+$0x200];
	_ =	sdelay $0x2  }
0x75: {  	(v2sf) =	vpush v6, $0x0;
	_ =	sdelay $0x1  }
0x76: {  	(xrf1) =	vsort.ascd.msk.u32 vm1, v2, v7;
	_ =	sdelay $0x1  }
0x77: {  	s12 =	spop (v2sf)  }
0x78: {  	s1 =	sadd.s32 s0, s12  }
0x79: {  	s14 =	sand.u32 $0x3F, s1  }
0x7a: {  	s18 =	sshra.s32 s1, $0x1F;
	p0 =	slt.s32 s1, $0x1;
	p1 =	sne.s32 s14, $0x0  }
0x7b: {  	s30 =	sshrl.u32 s18, $0x1A;
	p0 =	por !p0, !p1  }
0x7c: {  	s14 =	simm.s32 $0x1;
	s6 =	sadd.s32 s30, s1;
	p0 =	por !p0, !p0  }
0x7d: {  	s6 =	sshra.s32 s6, $0x6;
	s14 =	simm.s32 @!p0 $0x0  }
0x7e: {  	s6 =	ssub.s32 s6, s14  }
0x7f: {  	p1 =	slt.s32 s6, $0x1  }
.Ltmp3:
0x80: {  	_ = 	snop;
	(pc) =	sbr.rel @p1 .LBB2_6-.Ltmp3, $4  }
0x81: {  	_ = 	snop  }
0x82: {  	s18 =	spop (v2sf)  }
0x83: {  	s31 =	sand.u32 $0x7, s18;
	_, v6, _ =	vpop (xrf1)  }
0x84: {  	p0 =	seq.s32 s31, $0x0;
	[tilespmem:s0+$0x600] =	vst v6  }
0x85: {  	s0 =	simm.s32 $0x420  }
0x86: {  	s14 =	simm.s32 $0x600;
	s30 =	smov.u32 s18;
	s31 =	smov.u32 s6  }
.LBB2_5:
0x87: {  	v6 =	vld [tilespmem:s0+$0xFFFFFFE0];
	_ =	sdelay $0x4  }
0x88: {  	v7 =	vshrl.u32 v6, $0x3  }
0x89: {  	v7 =	vmul.u32 $0x30, v7  }
0x8a: {  	v6 =	vand.u32 $0x7, v6  }
0x8b: {  	v6 =	vor.u32 v6, v7  }
0x8c: {  	v7 =	vperm.xlane v6, v3;
	_ =	sdelay $0x1  }
0x8d: {  	v7 =	vadd.s32 v4, v7;
	_ =	sdelay $0x3  }
0x8e: {  	v6 =	vperm.xlane v6, v5  }
0x8f: {  	[tilespmem:s20], [sflag:$0x1] =	stream.indirect_vreg.gather [hbm4b:s2+s3], $0x80, v7, vm0, $0xb8;
	[tilespmem:$0xC880] =	vst v63  }
0x90: {  	v6 =	vadd.s32 v4, v6  }
0x91: {  	[tilespmem:s21], [sflag:$0x1] =	stream.indirect_vreg.gather [hbm4b:s9+s3], $0x80, v7, vm0, $0xb8;
	[tilespmem:$0xC880] =	vst v63  }
0x92: {  	_ = 	snop  }
0x93: {  	[tilespmem:s22], [sflag:$0x1] =	stream.indirect_vreg.gather [hbm4b:s10+s3], $0x80, v7, vm0, $0xb8;
	[tilespmem:$0xC880] =	vst v63  }
0x94: {  	s7 =	rddreg [dreg:$0x5]  }
0x95: {  	[tilespmem:s7], [sflag:$0x1] =	stream.indirect_vreg.gather [hbm4b:s2+s3], $0x80, v6, vm0, $0xb8;
	[tilespmem:$0xC880] =	vst v63  }
0x96: {  	s8 =	rddreg [dreg:$0x6]  }
0x97: {  	[tilespmem:s8], [sflag:$0x1] =	stream.indirect_vreg.gather [hbm4b:s9+s3], $0x80, v6, vm0, $0xb8;
	[tilespmem:$0xC880] =	vst v63  }
0x98: {  	s12 =	rddreg [dreg:$0x7]  }
0x99: {  	[tilespmem:s12], [sflag:$0x1] =	stream.indirect_vreg.gather [hbm4b:s10+s3], $0x80, v6, vm0, $0xb8;
	[tilespmem:$0xC880] =	vst v63  }
0x9a: {  	v6 =	vld [tilespmem:s0+$0xFFFFFFF0];
	_ =	sdelay $0x4  }
0x9b: {  	v7 =	vshrl.u32 v6, $0x3  }
0x9c: {  	v7 =	vmul.u32 $0x30, v7  }
0x9d: {  	v6 =	vand.u32 $0x7, v6  }
0x9e: {  	v6 =	vor.u32 v6, v7  }
0x9f: {  	v7 =	vperm.xlane v6, v3;
	_ =	sdelay $0x1  }
0xa0: {  	v7 =	vadd.s32 v4, v7;
	_ =	sdelay $0x3  }
0xa1: {  	s8 =	rddreg [dreg:$0x8];
	v6 =	vperm.xlane v6, v5  }
0xa2: {  	[tilespmem:s8], [sflag:$0x1] =	stream.indirect_vreg.gather [hbm4b:s2+s3], $0x80, v7, vm0, $0xb8;
	[tilespmem:$0xC880] =	vst v63  }
0xa3: {  	s12 =	rddreg [dreg:$0x9];
	v6 =	vadd.s32 v4, v6  }
0xa4: {  	[tilespmem:s12], [sflag:$0x1] =	stream.indirect_vreg.gather [hbm4b:s9+s3], $0x80, v7, vm0, $0xb8;
	[tilespmem:$0xC880] =	vst v63  }
0xa5: {  	s7 =	rddreg [dreg:$0xa]  }
0xa6: {  	[tilespmem:s7], [sflag:$0x1] =	stream.indirect_vreg.gather [hbm4b:s10+s3], $0x80, v7, vm0, $0xb8;
	[tilespmem:$0xC880] =	vst v63  }
0xa7: {  	s12 =	rddreg [dreg:$0xb]  }
0xa8: {  	[tilespmem:s12], [sflag:$0x1] =	stream.indirect_vreg.gather [hbm4b:s2+s3], $0x80, v6, vm0, $0xb8;
	[tilespmem:$0xC880] =	vst v63  }
0xa9: {  	s7 =	rddreg [dreg:$0xc]  }
0xaa: {  	[tilespmem:s7], [sflag:$0x1] =	stream.indirect_vreg.gather [hbm4b:s9+s3], $0x80, v6, vm0, $0xb8;
	[tilespmem:$0xC880] =	vst v63  }
0xab: {  	s12 =	rddreg [dreg:$0xd]  }
0xac: {  	[tilespmem:s12], [sflag:$0x1] =	stream.indirect_vreg.gather [hbm4b:s10+s3], $0x80, v6, vm0, $0xb8;
	[tilespmem:$0xC880] =	vst v63  }
0xad: {  	v6 =	vld [tilespmem:s0+$0x0];
	_ =	sdelay $0x4  }
0xae: {  	v7 =	vshrl.u32 v6, $0x3  }
0xaf: {  	v7 =	vmul.u32 $0x30, v7  }
0xb0: {  	v6 =	vand.u32 $0x7, v6  }
0xb1: {  	v6 =	vor.u32 v6, v7  }
0xb2: {  	v7 =	vperm.xlane v6, v3;
	_ =	sdelay $0x1  }
0xb3: {  	v7 =	vadd.s32 v4, v7;
	_ =	sdelay $0x3  }
0xb4: {  	s8 =	rddreg [dreg:$0xe];
	v6 =	vperm.xlane v6, v5  }
0xb5: {  	[tilespmem:s8], [sflag:$0x1] =	stream.indirect_vreg.gather [hbm4b:s2+s3], $0x80, v7, vm0, $0xb8;
	[tilespmem:$0xC880] =	vst v63  }
0xb6: {  	s12 =	rddreg [dreg:$0xf];
	v6 =	vadd.s32 v4, v6  }
0xb7: {  	[tilespmem:s12], [sflag:$0x1] =	stream.indirect_vreg.gather [hbm4b:s9+s3], $0x80, v7, vm0, $0xb8;
	[tilespmem:$0xC880] =	vst v63  }
0xb8: {  	s7 =	rddreg [dreg:$0x10]  }
0xb9: {  	[tilespmem:s7], [sflag:$0x1] =	stream.indirect_vreg.gather [hbm4b:s10+s3], $0x80, v7, vm0, $0xb8;
	[tilespmem:$0xC880] =	vst v63  }
0xba: {  	s12 =	rddreg [dreg:$0x11]  }
0xbb: {  	[tilespmem:s12], [sflag:$0x1] =	stream.indirect_vreg.gather [hbm4b:s2+s3], $0x80, v6, vm0, $0xb8;
	[tilespmem:$0xC880] =	vst v63  }
0xbc: {  	s7 =	rddreg [dreg:$0x12]  }
0xbd: {  	[tilespmem:s7], [sflag:$0x1] =	stream.indirect_vreg.gather [hbm4b:s9+s3], $0x80, v6, vm0, $0xb8;
	[tilespmem:$0xC880] =	vst v63  }
0xbe: {  	s12 =	rddreg [dreg:$0x13]  }
0xbf: {  	[tilespmem:s12], [sflag:$0x1] =	stream.indirect_vreg.gather [hbm4b:s10+s3], $0x80, v6, vm0, $0xb8;
	[tilespmem:$0xC880] =	vst v63  }
0xc0: {  	v6 =	vld [tilespmem:s0+$0x10];
	_ =	sdelay $0x4  }
0xc1: {  	v7 =	vshrl.u32 v6, $0x3  }
0xc2: {  	v7 =	vmul.u32 $0x30, v7  }
0xc3: {  	v6 =	vand.u32 $0x7, v6  }
0xc4: {  	v6 =	vor.u32 v6, v7  }
0xc5: {  	v7 =	vperm.xlane v6, v3;
	_ =	sdelay $0x1  }
0xc6: {  	v7 =	vadd.s32 v4, v7;
	_ =	sdelay $0x3  }
0xc7: {  	s8 =	rddreg [dreg:$0x14];
	v6 =	vperm.xlane v6, v5  }
0xc8: {  	[tilespmem:s8], [sflag:$0x1] =	stream.indirect_vreg.gather [hbm4b:s2+s3], $0x80, v7, vm0, $0xb8;
	[tilespmem:$0xC880] =	vst v63  }
0xc9: {  	v6 =	vadd.s32 v4, v6  }
0xca: {  	[tilespmem:s23], [sflag:$0x1] =	stream.indirect_vreg.gather [hbm4b:s9+s3], $0x80, v7, vm0, $0xb8;
	[tilespmem:$0xC880] =	vst v63  }
0xcb: {  	_ = 	snop  }
0xcc: {  	[tilespmem:s24], [sflag:$0x1] =	stream.indirect_vreg.gather [hbm4b:s10+s3], $0x80, v7, vm0, $0xb8;
	[tilespmem:$0xC880] =	vst v63  }
0xcd: {  	_ = 	snop  }
0xce: {  	[tilespmem:s25], [sflag:$0x1] =	stream.indirect_vreg.gather [hbm4b:s2+s3], $0x80, v6, vm0, $0xb8;
	[tilespmem:$0xC880] =	vst v63  }
0xcf: {  	_ = 	snop  }
0xd0: {  	[tilespmem:s26], [sflag:$0x1] =	stream.indirect_vreg.gather [hbm4b:s9+s3], $0x80, v6, vm0, $0xb8;
	[tilespmem:$0xC880] =	vst v63  }
0xd1: {  	s7 =	sshrl.u32 s30, $0x3  }
0xd2: {  	[tilespmem:s28], [sflag:$0x1] =	stream.indirect_vreg.gather [hbm4b:s10+s3], $0x80, v6, vm0, $0xb8;
	[tilespmem:$0xC880] =	vst v63  }
0xd3: {  	s12 =	smul.u32 $0x300, s7;
	_ =	swait.ge [sflag:s19], $0xC000  }
0xd4: {  	[sflag:s19] =	ssyncset.done $0x0  }
0xd5: {  	s8 =	sadd.s32 s4, s12;
	[sflag:s19] =	ssyncadd.s32 $0xFFFF4000  }
0xd6: {  	[hbm4b:s8+s3] =	stream.linear.scatter [tilespmem:s20], [sflag:$0x2], $0xC000, $0x38;
	[tilespmem:$0xC880] =	vst v63  }
0xd7: {  	_ =	swait.ge [sflag:s15], $0xC000  }
0xd8: {  	s8 =	sld [smem:$0x7FF];
	_ =	sdelay $0x2  }
0xd9: {  	p1 =	sne.s32 @!p0 s8, $0x1  }
0xda: {  	[sflag:s15] =	ssyncset.done $0x0;
	p1 =	por !p1, p0  }
0xdb: {  	[sflag:s15] =	ssyncadd.s32 $0xFFFF4000;
	s8 =	sor.u32 @!p1 $0x100000, s11  }
0xdc: {  	[smem:s8], [sflag:$0x0] =	smem.add.s32 @!p1 $0xA7;
	s8 =	simm.s32 @!p1 $0x0  }
0xdd: {  	s12 =	simm.s32 @!p1 $0x1;
	_ =	swait.done @!p1 [sflag:s8]  }
0xde: {  	[smem:$0x7FF] =	sst @!p1 s12  }
0xdf: {  	s31 =	sadd.s32 $0xFFFFFFFF, s31;
	_ =	sint @!p1 $0x2  }
0xe0: {  	_ =	swait.notdone @!p1 [sflag:s8];
	p1 =	sne.s32 s31, $0x0  }
.Ltmp4:
0xe1: {  	s7 =	sadd.s32 s5, s7;
	(pc) =	sbr.rel @p1 .LBB2_5-.Ltmp4, $4  }
0xe2: {  	[hbm4b:s7+s3] =	stream.linear.scatter [tilespmem:s14], [sflag:$0x2], $0x40, $0x38;
	[tilespmem:$0xC880] =	vst v63  }
0xe3: {  	_ =	swait.ge [sflag:s15], $0x40  }
0xe4: {  	s30 =	sadd.s32 $0x40, s30;
	[sflag:s15] =	ssyncset.done $0x0  }
0xe5: {  	s0 =	sadd.s32 $0x40, s0;
	s14 =	sadd.s32 $0x40, s14;
	[sflag:s15] =	ssyncadd.s32 $0xFFFFFFC0  }
.LBB2_6:
0xe6: {  	s0 =	sshll.u32 s6, $0x6  }
0xe7: {  	s1 =	ssub.s32 s1, s0  }
0xe8: {  	s1 =	sadd.s32 $0x7, s1  }
0xe9: {  	s7 =	sand.u32 $0x7, s1  }
0xea: {  	s31 =	sshra.s32 s1, $0x1F;
	p2 =	slt.s32 s1, $0x1;
	p1 =	sne.s32 s7, $0x0  }
0xeb: {  	s7 =	sshrl.u32 s31, $0x1D;
	p1 =	por !p2, !p1  }
0xec: {  	s1 =	sadd.s32 s7, s1;
	s7 =	simm.s32 $0x1;
	p1 =	por !p1, !p1  }
0xed: {  	s1 =	sshra.s32 s1, $0x3;
	s7 =	simm.s32 @!p1 $0x0  }
0xee: {  	s1 =	ssub.s32 s1, s7  }
0xef: {  	p1 =	slt.s32 s1, $0x1  }
.Ltmp5:
0xf0: {  	_ = 	snop;
	(pc) =	sbr.rel @p1 .LBB2_10-.Ltmp5, $1  }
0xf1: {  	_ =	sdelay $0x3  }
0xf2: {  	s6 =	sshll.u32 s6, $0x8  }
0xf3: {  	s6 =	sshra.s32 s6, $0x2  }
0xf4: {  	s7 =	sadd.s32 $0x400, s6  }
0xf5: {  	v6 =	vld.msk [tilespmem:s7+$0x0], $0xff;
	_ =	sdelay $0x4  }
0xf6: {  	v7 =	vshrl.u32 v6, $0x3  }
0xf7: {  	v7 =	vmul.u32 $0x30, v7  }
0xf8: {  	v6 =	vand.u32 $0x7, v6  }
0xf9: {  	v6 =	vor.u32 v6, v7  }
0xfa: {  	v6 =	vperm.xlane v6, v3;
	_ =	sdelay $0x1  }
0xfb: {  	v6 =	vadd.s32 v4, v6;
	_ =	sdelay $0x4  }
0xfc: {  	[tilespmem:s20], [sflag:$0x1] =	stream.indirect_vreg.gather [hbm4b:s2+s3], $0x80, v6, vm0, $0xb8;
	[tilespmem:$0xC880] =	vst v63  }
0xfd: {  	s8 =	sadd.s32 s0, s18  }
0xfe: {  	[tilespmem:s21], [sflag:$0x1] =	stream.indirect_vreg.gather [hbm4b:s9+s3], $0x80, v6, vm0, $0xb8;
	[tilespmem:$0xC880] =	vst v63  }
0xff: {  	s12 =	sshrl.u32 s8, $0x3  }
0x100: {  	[tilespmem:s22], [sflag:$0x1] =	stream.indirect_vreg.gather [hbm4b:s10+s3], $0x80, v6, vm0, $0xb8;
	[tilespmem:$0xC880] =	vst v63  }
0x101: {  	s30 =	smul.u32 $0x300, s12;
	_ =	swait.ge [sflag:s19], $0x1800  }
0x102: {  	[sflag:s19] =	ssyncset.done $0x0  }
0x103: {  	s0 =	sadd.s32 s4, s30;
	[sflag:s19] =	ssyncadd.s32 $0xFFFFE800  }
0x104: {  	[hbm4b:s0+s3] =	stream.linear.scatter [tilespmem:s20], [sflag:$0x2], $0x1800, $0x38;
	[tilespmem:$0xC880] =	vst v63  }
0x105: {  	_ =	swait.ge [sflag:s15], $0x1800  }
0x106: {  	s0 =	sld [smem:$0x7FF];
	_ =	sdelay $0x2  }
0x107: {  	p1 =	sne.s32 @!p0 s0, $0x1  }
0x108: {  	[sflag:s15] =	ssyncset.done $0x0;
	p1 =	por !p1, p0  }
0x109: {  	[sflag:s15] =	ssyncadd.s32 $0xFFFFE800;
	s0 =	sor.u32 @!p1 $0x100000, s11  }
0x10a: {  	s14 =	simm.s32 @!p1 $0x0;
	[smem:s0], [sflag:$0x0] =	smem.add.s32 @!p1 $0xE3  }
0x10b: {  	s0 =	simm.s32 @!p1 $0x1;
	_ =	swait.done @!p1 [sflag:s14]  }
0x10c: {  	[smem:$0x7FF] =	sst @!p1 s0  }
0x10d: {  	s1 =	sadd.s32 $0xFFFFFFFF, s1;
	_ =	sint @!p1 $0x2  }
0x10e: {  	_ =	swait.notdone @!p1 [sflag:s14];
	p1 =	sne.s32 s1, $0x0  }
.Ltmp6:
0x10f: {  	_ = 	snop;
	(pc) =	sbr.rel @!p1 .LBB2_9-.Ltmp6, $4  }
0x110: {  	s31 =	sadd.s32 s5, s12;
	s0 =	sadd.s32 $0x600, s6  }
0x111: {  	[hbm4b:s31+s3] =	stream.linear.scatter [tilespmem:s0], [sflag:$0x2], $0x8, $0x38;
	[tilespmem:$0xC880] =	vst v63  }
0x112: {  	_ =	swait.ge [sflag:s15], $0x8  }
0x113: {  	s6 =	sadd.s32 $0x8, s7;
	s14 =	sadd.s32 $0x8, s8;
	[sflag:s15] =	ssyncset.done $0x0  }
.LBB2_8:
0x114: {  	s1 =	sadd.s32 $0xFFFFFFFF, s1;
	[sflag:s15] =	ssyncadd.s32 $0xFFFFFFF8;
	s0 =	sadd.s32 $0x8, s0  }
0x115: {  	v6 =	vld.msk [tilespmem:s6+$0x0], $0xff;
	p1 =	sne.s32 s1, $0x0;
	_ =	sdelay $0x4  }
0x116: {  	v7 =	vshrl.u32 v6, $0x3  }
0x117: {  	v7 =	vmul.u32 $0x30, v7  }
0x118: {  	v6 =	vand.u32 $0x7, v6  }
0x119: {  	v6 =	vor.u32 v6, v7  }
0x11a: {  	v6 =	vperm.xlane v6, v3;
	_ =	sdelay $0x1  }
0x11b: {  	v6 =	vadd.s32 v4, v6;
	_ =	sdelay $0x4  }
0x11c: {  	[tilespmem:s20], [sflag:$0x1] =	stream.indirect_vreg.gather [hbm4b:s2+s3], $0x80, v6, vm0, $0xb8;
	[tilespmem:$0xC880] =	vst v63  }
0x11d: {  	_ = 	snop  }
0x11e: {  	[tilespmem:s21], [sflag:$0x1] =	stream.indirect_vreg.gather [hbm4b:s9+s3], $0x80, v6, vm0, $0xb8;
	[tilespmem:$0xC880] =	vst v63  }
0x11f: {  	s7 =	sshrl.u32 s14, $0x3  }
0x120: {  	[tilespmem:s22], [sflag:$0x1] =	stream.indirect_vreg.gather [hbm4b:s10+s3], $0x80, v6, vm0, $0xb8;
	[tilespmem:$0xC880] =	vst v63  }
0x121: {  	s8 =	smul.u32 $0x300, s7;
	_ =	swait.ge [sflag:s19], $0x1800  }
0x122: {  	[sflag:s19] =	ssyncset.done $0x0  }
0x123: {  	s8 =	sadd.s32 s4, s8;
	[sflag:s19] =	ssyncadd.s32 $0xFFFFE800  }
0x124: {  	[hbm4b:s8+s3] =	stream.linear.scatter [tilespmem:s20], [sflag:$0x2], $0x1800, $0x38;
	[tilespmem:$0xC880] =	vst v63  }
0x125: {  	_ =	swait.ge [sflag:s15], $0x1800  }
0x126: {  	s8 =	sld [smem:$0x7FF];
	_ =	sdelay $0x2  }
0x127: {  	p2 =	sne.s32 @!p0 s8, $0x1  }
0x128: {  	[sflag:s15] =	ssyncset.done $0x0;
	p2 =	por !p2, p0  }
0x129: {  	[sflag:s15] =	ssyncadd.s32 $0xFFFFE800;
	s8 =	sor.u32 @!p2 $0x100000, s11  }
0x12a: {  	[smem:s8], [sflag:$0x0] =	smem.add.s32 @!p2 $0xE3;
	s8 =	simm.s32 @!p2 $0x0  }
0x12b: {  	s12 =	simm.s32 @!p2 $0x1;
	_ =	swait.done @!p2 [sflag:s8]  }
0x12c: {  	[smem:$0x7FF] =	sst @!p2 s12  }
.Ltmp7:
0x12d: {  	_ =	sint @!p2 $0x2;
	(pc) =	sbr.rel @p1 .LBB2_8-.Ltmp7, $4  }
0x12e: {  	s7 =	sadd.s32 s5, s7;
	_ =	swait.notdone @!p2 [sflag:s8]  }
0x12f: {  	[hbm4b:s7+s3] =	stream.linear.scatter [tilespmem:s0], [sflag:$0x2], $0x8, $0x38;
	[tilespmem:$0xC880] =	vst v63  }
0x130: {  	_ =	swait.ge [sflag:s15], $0x8  }
0x131: {  	s14 =	sadd.s32 $0x8, s14;
	s6 =	sadd.s32 $0x8, s6;
	[sflag:s15] =	ssyncset.done $0x0  }
.Ltmp8:
0x132: {  	_ = 	snop;
	(pc) =	sbr.rel .LBB2_9-.Ltmp8, $1  }
0x133: {  	_ =	sdelay $0x3  }
.LBB2_11:
0x134: {  	_ =	sfence.sel $0x180000  }
0x135: {  	[bflag:$0x0] =	sbarrier.arrive $0xFFFF  }
0x136: {  	_ =	strace $0x9000004D  }
0x137: {  	s0 =	stileid.u32;
	[bflag:$0x2] =	sbarrier.arrive $0xFFFF  }
0x138: {  	p0 =	sne.s32 s0, $0x0;
	s0 =	rddreg [dreg:$0x4]  }
0x139: {  	s0 =	sadd.s32 @!p0 $0x100000, s0  }
0x13a: {  	[sflag:s0] =	ssyncadd.tile.s32 @!p0 $0x1;
	_ =	shalt  }
.Lfunc_end2:
_tile_overlayer_lowered:
.L_overlay_start_2:
0x13b: {  	(tag) =	ssettag $0x2  }
0x13c: {  	s0 =	rddreg [dreg:$0x0];
	s2 =	stileid.u32  }
0x13d: {  	s1 =	rddreg [dreg:$0x1];
	p0 =	sne.s32 s2, $0x0  }
0x13e: {  	s3 =	rddreg [dreg:$0x2];
	[bflag:$0x3] =	sbarrier.arrive $0xFFFF;
	s2 =	simm.s32 @!p0 $0x1C02  }
0x13f: {  	[timem:s3], [sflag:s2] =	dma.local @!p0 [hbm:s0], s1  }
0x140: {  	s0 =	simm.s32 @!p0 $0x2  }
0x141: {  	_ =	swait.ge @!p0 [sflag:s0], s1  }
0x142: {  	s1 =	ssub.s32 @!p0 $0x0, s1;
	[sflag:s0] =	ssyncset.done @!p0 $0x0  }
0x143: {  	[sflag:s0] =	ssyncadd.s32 @!p0 s1  }
0x144: {  	[bflag:$0x3] =	sbarrier.arrive $0xFFFF  }
0x145: {  	_ =	shalt  }

// kernel: kernel.16.cloned.1.call-start
scs
__scs_entry_jumppad:
0x0: {  	(pc) =	sbr.rel $0x88, $3  }
0x1: {  	(tag) =	ssettag $0x0;
	lr =	simm.s32 $0x1  }
0x2: {  	[smem:$0x3F9A] =	sst lr;
	_ =	strace $0xD0000000  }
0x3: {  	_ = 	snop  }
0x4: {  	_ = 	snop  }
0x5: {  	_ = 	snop  }
0x6: {  	_ = 	snop  }
0x7: {  	_ = 	snop  }
__scs_overlays_trampoline_lowered:
0x8: {  	[smem:$0x3FA9] =	sst s0  }
0x9: {  	[smem:$0x3FAA] =	sst s1  }
0xa: {  	[smem:$0x3FAB] =	sst s2  }
0xb: {  	[smem:$0x3FAC] =	sst s3  }
0xc: {  	[smem:$0x3FAD] =	sst s4  }
0xd: {  	[smem:$0x3FAE] =	sst s5  }
0xe: {  	[smem:$0x3FAF] =	sst s6  }
0xf: {  	[smem:$0x3FB0] =	sst s7  }
0x10: {  	[smem:$0x3FB1] =	sst s8  }
0x11: {  	[smem:$0x3FB2] =	sst s9;
	s0 =	simm.s32 @!p0 $0x0  }
0x12: {  	s1 =	sld [smem:$0x3F98];
	s0 =	simm.s32 @p0 $0x1  }
0x13: {  	[smem:$0x3FB3] =	sst s0;
	s0 =	simm.s32 @!p1 $0x0  }
0x14: {  	s2 =	sld [smem:$0x3F97];
	s0 =	simm.s32 @p1 $0x1  }
0x15: {  	[smem:$0x3FB4] =	sst s0;
	s0 =	simm.s32 @!p2 $0x0  }
0x16: {  	s3 =	sld [smem:$0x3FDB];
	s0 =	simm.s32 @p2 $0x1  }
0x17: {  	s4 =	simm.s32 $0x1BF5;
	[smem:$0x3FB6] =	sst s0  }
0x18: {  	s0 =	sld [smem:$0x3F99];
	_ =	swait.ge [sflag:s4], $0x0  }
0x19: {  	s7 =	sld [smem:$0x3F9A]  }
0x1a: {  	s8 =	sadd.s32 $0xFFFFE003, lr  }
0x1b: {  	s9 =	sadd.s32 $0xFFFFFEF7, lr;
	s5 =	simm.s32 $0xFFFFFFFF;
	p2 =	slt.u32 s8, $0xFFFFF086  }
0x1c: {  	p1 =	slt.u32 s9, $0xF7A;
	s5 =	simm.s32 @!p2 $0x0  }
0x1d: {  	s5 =	simm.s32 @p1 $0x1;
	p0 =	seq.s32 s7, s2  }
0x1e: {  	s7 =	smul.u32 @!p0 $0xF7A, s2;
	p2 =	seq.s32 @!p0 s5, $0x0  }
0x1f: {  	s9 =	smul.u32 $0xF7A, s1;
	s8 =	simm.s32 @!p0 $0x1BF5;
	p2 =	por !p2, p0  }
0x20: {  	[sflag:s8] =	ssyncset.s32 @!p0 $0xFFFFF086;
	s6 =	sadd.s32 @!p0 s3, s7;
	s7 =	simm.s32 @!p0 $0x108  }
0x21: {  	s3 =	sadd.s32 s3, s9;
	s6 =	sadd.s32 @!p0 $0x88, s6;
	s7 =	simm.s32 @p2 $0x1082  }
0x22: {  	[simem:s7], [sflag:s8] =	dma.local @!p0 [hbm:s6], $0xF7A  }
0x23: {  	s9 =	sor.u32 $0xD0000000, s2;
	s6 =	simm.s32 $0x108;
	_ =	swait.ge @!p0 [sflag:s8], $0x0  }
0x24: {  	s3 =	sadd.s32 $0x88, s3;
	s6 =	simm.s32 @!p1 $0x1082;
	[sflag:s4] =	ssyncset.s32 $0xFFFFF086  }
0x25: {  	[simem:s6], [sflag:s4] =	dma.local [hbm:s3], $0xF7A  }
0x26: {  	[smem:$0x3F9A] =	sst s1;
	(tag) =	ssettag s2;
	_ =	strace s9  }
0x27: {  	s1 =	sld [smem:$0x3FAA]  }
0x28: {  	s2 =	sld [smem:$0x3FAB]  }
0x29: {  	s4 =	sld [smem:$0x3FAD]  }
0x2a: {  	p0 =	seq.s32 s5, $0x0;
	s5 =	sld [smem:$0x3FAE]  }
0x2b: {  	s6 =	sld [smem:$0x3FAF]  }
0x2c: {  	s7 =	sld [smem:$0x3FB0]  }
0x2d: {  	s3 =	simm.s32 $0x108;
	s8 =	sld [smem:$0x3FB1]  }
0x2e: {  	s3 =	simm.s32 @!p0 $0x1082;
	s9 =	sld [smem:$0x3FB2]  }
0x2f: {  	lr =	sadd.s32 s0, s3;
	s0 =	sld [smem:$0x3FA9]  }
0x30: {  	s3 =	sld [smem:$0x3FAC]  }
0x31: {  	[smem:$0x3FB5] =	sst s10  }
0x32: {  	s10 =	sld [smem:$0x3FB3];
	_ =	sdelay $0x3  }
0x33: {  	p0 =	seq.s32 s10, $0x1;
	s10 =	sld [smem:$0x3FB5];
	_ =	sdelay $0x3  }
0x34: {  	[smem:$0x3FB5] =	sst s10  }
0x35: {  	s10 =	sld [smem:$0x3FB4];
	_ =	sdelay $0x3  }
0x36: {  	p1 =	seq.s32 s10, $0x1;
	s10 =	sld [smem:$0x3FB5];
	_ =	sdelay $0x3  }
0x37: {  	[smem:$0x3FB5] =	sst s10  }
0x38: {  	s10 =	sld [smem:$0x3FB6]  }
0x39: {  	_ = 	snop;
	(pc) =	sbr.ind lr, $3  }
0x3a: {  	_ = 	snop  }
0x3b: {  	_ = 	snop  }
0x3c: {  	p2 =	seq.s32 s10, $0x1;
	s10 =	sld [smem:$0x3FB5]  }
0x3d: {  	_ =	shalt  }
0x3e: {  	_ =	shalt  }
0x3f: {  	_ =	shalt  }
0x40: {  	_ =	shalt  }
0x41: {  	_ =	shalt  }
0x42: {  	_ =	shalt  }
0x43: {  	_ =	shalt  }
0x44: {  	_ =	shalt  }
0x45: {  	_ =	shalt  }
0x46: {  	_ =	shalt  }
0x47: {  	_ =	shalt  }
0x48: {  	_ =	shalt  }
0x49: {  	_ =	shalt  }
0x4a: {  	_ =	shalt  }
0x4b: {  	_ =	shalt  }
0x4c: {  	_ =	shalt  }
0x4d: {  	_ =	shalt  }
0x4e: {  	_ =	shalt  }
0x4f: {  	_ =	shalt  }
0x50: {  	_ =	shalt  }
0x51: {  	_ =	shalt  }
0x52: {  	_ =	shalt  }
0x53: {  	_ =	shalt  }
0x54: {  	_ =	shalt  }
0x55: {  	_ =	shalt  }
0x56: {  	_ =	shalt  }
0x57: {  	_ =	shalt  }
0x58: {  	_ =	shalt  }
0x59: {  	_ =	shalt  }
0x5a: {  	_ =	shalt  }
0x5b: {  	_ =	shalt  }
0x5c: {  	_ =	shalt  }
0x5d: {  	_ =	shalt  }
0x5e: {  	_ =	shalt  }
0x5f: {  	_ =	shalt  }
0x60: {  	_ =	shalt  }
0x61: {  	_ =	shalt  }
0x62: {  	_ =	shalt  }
0x63: {  	_ =	shalt  }
0x64: {  	_ =	shalt  }
0x65: {  	_ =	shalt  }
0x66: {  	_ =	shalt  }
0x67: {  	_ =	shalt  }
0x68: {  	_ =	shalt  }
0x69: {  	_ =	shalt  }
0x6a: {  	_ =	shalt  }
0x6b: {  	_ =	shalt  }
0x6c: {  	_ =	shalt  }
0x6d: {  	_ =	shalt  }
0x6e: {  	_ =	shalt  }
0x6f: {  	_ =	shalt  }
0x70: {  	_ =	shalt  }
0x71: {  	_ =	shalt  }
0x72: {  	_ =	shalt  }
0x73: {  	_ =	shalt  }
0x74: {  	_ =	shalt  }
0x75: {  	_ =	shalt  }
0x76: {  	_ =	shalt  }
0x77: {  	_ =	shalt  }
0x78: {  	_ =	shalt  }
0x79: {  	_ =	shalt  }
0x7a: {  	_ =	shalt  }
0x7b: {  	_ =	shalt  }
0x7c: {  	_ =	shalt  }
0x7d: {  	_ =	shalt  }
0x7e: {  	_ =	shalt  }
0x7f: {  	_ =	shalt  }
0x80: {  	_ =	shalt  }
0x81: {  	_ =	shalt  }
0x82: {  	_ =	shalt  }
0x83: {  	_ =	shalt  }
0x84: {  	_ =	shalt  }
0x85: {  	_ =	shalt  }
0x86: {  	_ =	shalt  }
0x87: {  	_ =	shalt  }
.Lfunc_end0:
.L_simem_size_0:
called_computation.10_lowered:
.L_overlay_start_0:
0x88: {  	s2 =	sld [smem:$0x3FD9]  }
0x89: {  	s3 =	sld [smem:$0x3FFE];
	_ =	sdelay $0x1  }
0x8a: {  	s1 =	srdreg.scid  }
0x8b: {  	s0 =	sand.u32 $0x1, s1  }
0x8c: {  	s17 =	sshll.u32 s0, $0xA;
	s2 =	sadd.s32 s3, s2  }
0x8d: {  	s2 =	sadd.s32 s2, s17  }
0x8e: {  	[smem:$0x3FC1] =	sst s2  }
0x8f: {  	_ = 	snop  }
0x90: {  	s18 =	sld [smem:$0x3FC9]  }
0x91: {  	s4 =	sld [smem:$0x3FC8]  }
0x92: {  	s5 =	sld [smem:$0x3FC7];
	(tm) =	ssettm $0x1  }
0x93: {  	s19 =	sld [smem:$0x3FFB];
	_ =	sdelay $0x3  }
0x94: {  	_ =	strace s19  }
0x95: {  	s2 =	sld [smem:$0x3FFC];
	_ =	sdelay $0x3  }
0x96: {  	_ =	strace s2  }
0x97: {  	s2 =	sld [smem:$0x3FFD];
	_ =	sdelay $0x3  }
0x98: {  	_ =	strace s2  }
0x99: {  	_ =	strace $0x8FFFFFFF  }
0x9a: {  	s20 =	sld [smem:$0x3FDB];
	_ =	sdelay $0x1  }
0x9b: {  	s6 =	simm.s32 $_scs_section_size  }
0x9c: {  	s7 =	simm.s32 $_size__tile_overlayer_lowered;
	s8 =	simm.s32 $_tile_overlayer_lowered  }
0x9d: {  	s9 =	simm.s32 $0x1BFF;
	s21 =	sshll.u32 s8, $0x1;
	s6 =	sadd.s32 s6, s20  }
0x9e: {  	s22 =	simm.s32 $0x0;
	s7 =	sshll.u32 s7, $0x1;
	s8 =	sadd.s32 s21, s6  }
0x9f: {  	[timem:s22], [sflag:s9] =	dma.local [hbm:s8], s7  }
0xa0: {  	_ =	swait.ge [sflag:s9], s7  }
0xa1: {  	s7 =	ssub.s32 $0x0, s7;
	[sflag:s9] =	ssyncset.done $0x0  }
0xa2: {  	[sflag:s9] =	ssyncadd.s32 s7;
	_ =	sdelay $0x1  }
0xa3: {  	s23 =	simm.s32 $0x1B8B  }
0xa4: {  	_ =	swait.ge [sflag:s23], $0x1  }
0xa5: {  	[sflag:s23] =	ssyncset.done $0x0  }
0xa6: {  	[sflag:s23] =	ssyncadd.s32 $0xFFFFFFFF  }
0xa7: {  	s7 =	sld [smem:$0x0]  }
0xa8: {  	s8 =	sand.u32 $0xFFFFFFFE, s1  }
0xa9: {  	p0 =	sne.s32 s1, s8  }
0xaa: {  	s8 =	sshll.u32 @p0 s8, $0xE  }
0xab: {  	s8 =	sadd.s32 @p0 $0x11B8D, s8;
	s9 =	sshll.u32 @p0 s7, $0x11  }
0xac: {  	s8 =	sor.u32 @p0 s9, s8  }
0xad: {  	[sflag:s8] =	ssyncadd.remote.s32 @p0 $0x1;
	_ =	sdelay $0x1  }
0xae: {  	s8 =	simm.s32 @p0 $0x1B8D  }
0xaf: {  	_ =	swait.eq @p0 [sflag:s8], $0x1  }
0xb0: {  	[sflag:s8] =	ssyncadd.s32 @p0 $0xFFFFFFFF  }
0xb1: {  	s9 =	sshll.u32 @!p0 s1, $0xE  }
0xb2: {  	s9 =	sor.u32 @!p0 $0x4000, s9;
	s8 =	simm.s32 @!p0 $0x1B8D  }
0xb3: {  	s7 =	sshll.u32 @!p0 s7, $0x11;
	s9 =	sadd.s32 @!p0 $0x11B8D, s9;
	_ =	swait.eq @!p0 [sflag:s8], $0x1  }
0xb4: {  	s7 =	sor.u32 @!p0 s7, s9;
	[sflag:s8] =	ssyncadd.s32 @!p0 $0xFFFFFFFF  }
0xb5: {  	s25 =	simm.s32 $0x1B8E;
	s24 =	sld [smem:$0x3FFE];
	[sflag:s7] =	ssyncadd.remote.s32 @!p0 $0x1  }
0xb6: {  	s26 =	simm.s32 $execute0_lowered;
	[smem:$0x3FD2] =	sst s25  }
0xb7: {  	s8 =	sshll.u32 s26, $0x1;
	_ =	strace $0x80000049;
	[dreg:$0x1] =	wrdreg $0xFFFFFFFF  }
0xb8: {  	s28 =	simm.s32 $_size_execute0_lowered;
	s6 =	sadd.s32 s6, s8;
	[dreg:$0x0] =	wrdreg $0x0  }
0xb9: {  	s8 =	sshll.u32 s28, $0x1;
	[dreg:$0x2] =	wrdreg s6  }
0xba: {  	[dreg:$0x3] =	wrdreg s8  }
0xbb: {  	[dreg:$0x4] =	wrdreg $0xC0  }
0xbc: {  	_ =	task [dreg:s22], $0x5FFFF  }
0xbd: {  	[dreg:$0x1] =	wrdreg $0xFFFFFFFF  }
0xbe: {  	[dreg:$0x0] =	wrdreg $0x60  }
0xbf: {  	[dreg:$0x2] =	wrdreg s4  }
0xc0: {  	[dreg:$0x3] =	wrdreg s5  }
0xc1: {  	[dreg:$0x4] =	wrdreg s18  }
0xc2: {  	[dreg:$0x5] =	wrdreg s24  }
0xc3: {  	[dreg:$0x6] =	wrdreg $0xB  }
0xc4: {  	_ =	task.clear_ibuf [dreg:s22], $0x7FFFF;
	_ =	strace $0x90000049  }
0xc5: {  	s29 =	simm.s32 $0xB;
	_ =	strace $0x8000004B  }
0xc6: {  	_ =	swait.ge [sflag:s29], $0x1  }
0xc7: {  	[sflag:s29] =	ssyncadd.s32 $0xFFFFFFFF  }
0xc8: {  	_ =	strace $0x9000004B  }
0xc9: {  	_ =	sfence  }
0xca: {  	s30 =	sld [smem:$0x0];
	_ =	sdelay $0x2  }
0xcb: {  	s31 =	sshll.u32 s1, $0xD;
	s1 =	sshrl.u32 s1, $0x2  }
0xcc: {  	s4 =	sand.u32 $0x4000, s31;
	s1 =	sadd.s32 s1, s30  }
0xcd: {  	s0 =	sor.u32 s4, s0;
	s1 =	sshll.u32 s1, $0x11  }
0xce: {  	s0 =	sor.u32 s1, s0  }
0xcf: {  	s0 =	sadd.s32 $0x8F2B, s0  }
0xd0: {  	[sflag:s0] =	ssyncadd.remote.s32 $0x1  }
0xd1: {  	_ =	sfence.sel $0xFFFF  }
0xd2: {  	[dreg:$0x0] =	wrdreg $0xFFFFFFFF;
	(pc) =	sbr.abs _section_cstart, $3  }
0xd3: {  	[dreg:$0x1] =	wrdreg $0xFFFFFFFF  }
0xd4: {  	_ =	task.clear_ibuf [dreg:s22], $0x2FFFF;
	_ =	strace $0x9FFFFFFF  }
0xd5: {  	(tm) =	ssettm $0x7FFFFFFF  }
tec
execute0_lowered:
.L_overlay_start_1:
0x0: {  	(tag) =	ssettag $0x1  }
0x1: {  	s0 =	rddreg [dreg:$0x0]  }
0x2: {  	s1 =	rddreg [dreg:$0x1]  }
0x3: {  	s2 =	rddreg [dreg:$0x2];
	s3 =	srdreg.scid  }
0x4: {  	s13 =	stileid.u32;
	s5 =	rddreg [dreg:$0x3]  }
0x5: {  	s14 =	simm.s32 $0x3800;
	s16 =	simm.s32 $0x4000;
	s18 =	simm.s32 $0x4800  }
0x6: {  	s19 =	simm.s32 $0x5000;
	s6 =	sand.u32 $0x1, s3;
	s3 =	simm.s32 $0x0  }
0x7: {  	s20 =	simm.s32 $0x5800;
	s21 =	simm.s32 $0x6000;
	[smem:$0x7FF] =	sst s3  }
0x8: {  	s22 =	simm.s32 $0x6800;
	_ =	strace $0x8000004A;
	[dreg:$0x8] =	wrdreg s14  }
0x9: {  	s23 =	simm.s32 $0x7000;
	s24 =	simm.s32 $0x7800;
	[dreg:$0x9] =	wrdreg s16  }
0xa: {  	s25 =	simm.s32 $0x8000;
	s28 =	simm.s32 $0xC000;
	[dreg:$0xa] =	wrdreg s18  }
0xb: {  	s29 =	simm.s32 $0x0;
	s7 =	sshll.u32 s13, $0x1;
	[dreg:$0xb] =	wrdreg s19  }
0xc: {  	s11 =	sadd.s32 $0x3FEA, s13;
	s17 =	sshll.u32 s13, $0xA;
	[dreg:$0xc] =	wrdreg s20  }
0xd: {  	s4 =	sor.u32 s6, s7;
	s10 =	ssub.s32 $0x2, s6;
	[dreg:$0xd] =	wrdreg s21  }
0xe: {  	s6 =	sshll.u32 s6, $0x9;
	s8 =	sshll.u32 s4, $0x4;
	[dreg:$0xe] =	wrdreg s22  }
0xf: {  	s9 =	sshll.u32 s4, $0x9;
	s4 =	sadd.s32 $0x181E00, s5;
	[dreg:$0xf] =	wrdreg s23  }
0x10: {  	s26 =	sshrl.u32 s10, $0x1;
	s16 =	simm.s32 $0x80;
	[dreg:$0x10] =	wrdreg s24  }
0x11: {  	[dreg:$0x11] =	wrdreg s25;
	s19 =	simm.s32 $0x1;
	s20 =	simm.s32 $0x800  }
0x12: {  	s21 =	simm.s32 $0x1000;
	s22 =	simm.s32 $0x1800;
	s23 =	simm.s32 $0xA000  }
0x13: {  	s24 =	simm.s32 $0xA800;
	s25 =	simm.s32 $0xB000;
	s8 =	sadd.s32 s8, s5  }
0x14: {  	s7 =	sor.u32 s7, s9;
	s12 =	ssub.s32 s10, s26;
	s26 =	simm.s32 $0x8800  }
0x15: {  	s5 =	sadd.s32 $0x181600, s5;
	s8 =	sadd.s32 $0x181400, s8;
	[dreg:$0x12] =	wrdreg s26  }
0x16: {  	s7 =	sand.u32 $0x1E10, s7;
	s15 =	smax.u32 s12, $0x1;
	[dreg:$0x15] =	wrdreg s8  }
0x17: {  	s30 =	sor.u32 $0x40, s7;
	s7 =	simm.s32 $0x2800;
	[dreg:$0x18] =	wrdreg s15  }
0x18: {  	s9 =	sadd.s32 $0x100, s2;
	s8 =	simm.s32 $0x3000;
	[dreg:$0x6] =	wrdreg s7  }
0x19: {  	s10 =	sadd.s32 $0x200, s2;
	s0 =	sadd.s32 s0, s30;
	[dreg:$0x7] =	wrdreg s8  }
.Ltmp0:
0x1a: {  	s31 =	sadd.s32 s1, s30;
	[dreg:$0x16] =	wrdreg s0;
	(pc) =	sbr.rel .LBB2_1-.Ltmp0, $4  }
0x1b: {  	s26 =	simm.s32 $0xB800;
	s1 =	simm.s32 $0x2000;
	[dreg:$0x17] =	wrdreg s31  }
0x1c: {  	v0 =	vimm.s32 $0x0;
	v1 =	vlaneseq.u32;
	s15 =	simm.s32 $0x2;
	s30 =	simm.s32 $0x9000;
	[dreg:$0x5] =	wrdreg s1  }
0x1d: {  	vm0 =	vmmov $0xffff;
	v2 =	vor.u32 $0x80000000, v1;
	v4 =	vshrl.u32 v1, $0x3;
	s1 =	sor.u32 s6, s17;
	[dreg:$0x13] =	wrdreg s30;
	s31 =	simm.s32 $0x9800  }
0x1e: {  	v3 =	vand.u32 $0x7, v1;
	v5 =	vor.u32 $0x8, v1;
	v4 =	vmul.u32 $0x8, v4;
	s17 =	simm.s32 $0x400;
	s13 =	sand.u32 $0x1E00, s1;
	[dreg:$0x14] =	wrdreg s31  }
.LBB2_9:
0x1f: {  	[sflag:s15] =	ssyncadd.s32 $0xFFFFFFF8  }
.LBB2_10:
0x20: {  	s29 =	sadd.s32 $0x1, s29;
	s0 =	rddreg [dreg:$0x18]  }
0x21: {  	p0 =	sne.s32 s29, s0  }
.Ltmp1:
0x22: {  	_ = 	snop;
	(pc) =	sbr.rel @!p0 .LBB2_11-.Ltmp1, $1  }
0x23: {  	_ =	sdelay $0x3  }
.LBB2_1:
0x24: {  	s0 =	rddreg [dreg:$0x15];
	s1 =	simm.s32 $0xC800  }
0x25: {  	[tilespmem:s1], [sflag:$0x2] =	stream.linear.gather [hbm4b:s0+s3], $0x80, $0x38;
	[tilespmem:$0xC880] =	vst v63  }
0x26: {  	_ =	swait.ge [sflag:s15], $0x80  }
0x27: {  	[sflag:s15] =	ssyncset.done $0x0  }
0x28: {  	s12 =	rddreg [dreg:$0x16];
	[sflag:s15] =	ssyncadd.s32 $0xFFFFFF80  }
0x29: {  	v6 =	vld [tilespmem:$0xC800];
	[tilespmem:s3], [sflag:$0x2] =	stream.strided.gather [hbm4b:s12+s16], $0x200, s17, s16, $0x38  }
0x2a: {  	_ =	swait.ge [sflag:s15], $0x200  }
0x2b: {  	[sflag:s15] =	ssyncset.done $0x0  }
0x2c: {  	s18 =	simm.s32 $0x200;
	s14 =	rddreg [dreg:$0x17];
	[sflag:s15] =	ssyncadd.s32 $0xFFFFFE00  }
0x2d: {  	[tilespmem:s18], [sflag:$0x2] =	stream.strided.gather [hbm4b:s14+s16], $0x200, s17, s16, $0x38;
	[tilespmem:$0xC880] =	vst v63  }
0x2e: {  	_ =	swait.ge [sflag:s15], $0x200  }
0x2f: {  	[sflag:s15] =	ssyncset.done $0x0  }
0x30: {  	[sflag:s15] =	ssyncadd.s32 $0xFFFFFE00  }
0x31: {  	[tilespmem:$0x400] =	vst v0  }
0x32: {  	[tilespmem:$0x410] =	vst v0  }
0x33: {  	[tilespmem:$0x420] =	vst v0  }
0x34: {  	[tilespmem:$0x430] =	vst v0  }
0x35: {  	[tilespmem:$0x440] =	vst v0  }
0x36: {  	[tilespmem:$0x450] =	vst v0  }
0x37: {  	[tilespmem:$0x460] =	vst v0  }
0x38: {  	[tilespmem:$0x470] =	vst v0  }
0x39: {  	[tilespmem:$0x480] =	vst v0  }
0x3a: {  	[tilespmem:$0x490] =	vst v0  }
0x3b: {  	[tilespmem:$0x4A0] =	vst v0  }
0x3c: {  	[tilespmem:$0x4B0] =	vst v0  }
0x3d: {  	[tilespmem:$0x4C0] =	vst v0  }
0x3e: {  	[tilespmem:$0x4D0] =	vst v0  }
0x3f: {  	[tilespmem:$0x4E0] =	vst v0  }
0x40: {  	[tilespmem:$0x4F0] =	vst v0  }
0x41: {  	[tilespmem:$0x500] =	vst v0  }
0x42: {  	[tilespmem:$0x510] =	vst v0  }
0x43: {  	[tilespmem:$0x520] =	vst v0  }
0x44: {  	[tilespmem:$0x530] =	vst v0  }
0x45: {  	[tilespmem:$0x540] =	vst v0  }
0x46: {  	[tilespmem:$0x550] =	vst v0  }
0x47: {  	[tilespmem:$0x560] =	vst v0  }
0x48: {  	[tilespmem:$0x570] =	vst v0  }
0x49: {  	[tilespmem:$0x580] =	vst v0  }
0x4a: {  	[tilespmem:$0x590] =	vst v0  }
0x4b: {  	[tilespmem:$0x5A0] =	vst v0  }
0x4c: {  	[tilespmem:$0x5B0] =	vst v0  }
0x4d: {  	[tilespmem:$0x5C0] =	vst v0  }
0x4e: {  	[tilespmem:$0x5D0] =	vst v0  }
0x4f: {  	[tilespmem:$0x5E0] =	vst v0  }
0x50: {  	s30 =	simm.s32 $0x0;
	[tilespmem:$0x5F0] =	vst v0  }
0x51: {  	v7 =	vld [tilespmem:s30+$0x0];
	_ =	sdelay $0x4  }
0x52: {  	vm1 =	vgt.f32 v7, $0.0e+00;
	v7 =	vor.u32 s13, v1  }
0x53: {  	(xrf1) =	vsort.ascd.msk.u32 vm1, v2, v7;
	_ =	sdelay $0xd  }
0x54: {  	_, v7, _ =	vpop (xrf1)  }
0x55: {  	[tilespmem:s3+$0x400] =	vst v7  }
0x56: {  	v7 =	vld [tilespmem:s30+$0x200]  }
0x57: {  	v8 =	vmpcnt.ones.xlane vm1;
	_ =	sdelay $0x1  }
0x58: {  	(v2sf) =	vpush v8, $0x0;
	_ =	sdelay $0x1  }
0x59: {  	(xrf1) =	vsort.ascd.msk.u32 vm1, v2, v7;
	_ =	sdelay $0xc  }
0x5a: {  	s6 =	smov.u32 s13;
	s1 =	simm.s32 $0x40;
	s31 =	spop (v2sf)  }
0x5b: {  	s18 =	simm.s32 $0x80;
	s14 =	simm.s32 $0x0;
	s0 =	sadd.s32 $0x0, s31;
	_, v7, _ =	vpop (xrf1)  }
.LBB2_2:
0x5c: {  	s30 =	sshra.s32 s1, $0x2;
	s6 =	sadd.s32 $0x10, s6  }
0x5d: {  	[tilespmem:s14+$0x600] =	vst v7;
	s1 =	smov.u32 s18;
	s31 =	sadd.s32 $0x40, s18;
	s14 =	smov.u32 s0  }
0x5e: {  	p0 =	sne.s32 s18, $0x7C0;
	v7 =	vld [tilespmem:s30+$0x0];
	_ =	sdelay $0x4  }
0x5f: {  	vm1 =	vgt.f32 v7, $0.0e+00;
	v7 =	vor.u32 s6, v1  }
0x60: {  	v8 =	vmpcnt.ones.xlane vm1;
	(xrf1) =	vsort.ascd.msk.u32 vm1, v2, v7;
	_ =	sdelay $0x1  }
0x61: {  	(v2sf) =	vpush v8, $0x0;
	_ =	sdelay $0xb  }
0x62: {  	_, v7, _ =	vpop (xrf1)  }
0x63: {  	[tilespmem:s0+$0x400] =	vst v7  }
0x64: {  	v7 =	vld [tilespmem:s30+$0x200]  }
0x65: {  	s18 =	spop (v2sf)  }
0x66: {  	s0 =	sadd.s32 s0, s18;
	_ =	sdelay $0x2  }
0x67: {  	(xrf1) =	vsort.ascd.msk.u32 vm1, v2, v7;
	_ =	sdelay $0x9  }
.Ltmp2:
0x68: {  	(pc) =	sbr.rel @p0 .LBB2_2-.Ltmp2, $2  }
0x69: {  	_ =	sdelay $0x2  }
0x6a: {  	s18 =	smov.u32 s31;
	_, v7, _ =	vpop (xrf1)  }
0x6b: {  	s1 =	sshra.s32 s1, $0x2;
	[tilespmem:s14+$0x600] =	vst v7  }
0x6c: {  	v7 =	vld [tilespmem:s1+$0x0];
	_ =	sdelay $0x3  }
0x6d: {  	s6 =	sadd.s32 $0x10, s6  }
0x6e: {  	vm1 =	vgt.f32 v7, $0.0e+00;
	v7 =	vor.u32 s6, v1  }
0x6f: {  	(xrf1) =	vsort.ascd.msk.u32 vm1, v2, v7;
	_ =	sdelay $0x5  }
0x70: {  	v7 =	vmpcnt.ones.xlane vm1;
	_ =	sdelay $0x1  }
0x71: {  	(v2sf) =	vpush v7, $0x0;
	_ =	sdelay $0x5  }
0x72: {  	_, v7, _ =	vpop (xrf1)  }
0x73: {  	[tilespmem:s0+$0x400] =	vst v7  }
0x74: {  	v7 =	vld [tilespmem:s1+$0x200];
	_ =	sdelay $0x2  }
0x75: {  	(v2sf) =	vpush v6, $0x0;
	_ =	sdelay $0x1  }
0x76: {  	(xrf1) =	vsort.ascd.msk.u32 vm1, v2, v7;
	_ =	sdelay $0x1  }
0x77: {  	s12 =	spop (v2sf)  }
0x78: {  	s1 =	sadd.s32 s0, s12  }
0x79: {  	s14 =	sand.u32 $0x3F, s1  }
0x7a: {  	s18 =	sshra.s32 s1, $0x1F;
	p0 =	slt.s32 s1, $0x1;
	p1 =	sne.s32 s14, $0x0  }
0x7b: {  	s30 =	sshrl.u32 s18, $0x1A;
	p0 =	por !p0, !p1  }
0x7c: {  	s14 =	simm.s32 $0x1;
	s6 =	sadd.s32 s30, s1;
	p0 =	por !p0, !p0  }
0x7d: {  	s6 =	sshra.s32 s6, $0x6;
	s14 =	simm.s32 @!p0 $0x0  }
0x7e: {  	s6 =	ssub.s32 s6, s14  }
0x7f: {  	p1 =	slt.s32 s6, $0x1  }
.Ltmp3:
0x80: {  	_ = 	snop;
	(pc) =	sbr.rel @p1 .LBB2_6-.Ltmp3, $4  }
0x81: {  	_ = 	snop  }
0x82: {  	s18 =	spop (v2sf)  }
0x83: {  	s31 =	sand.u32 $0x7, s18;
	_, v6, _ =	vpop (xrf1)  }
0x84: {  	p0 =	seq.s32 s31, $0x0;
	[tilespmem:s0+$0x600] =	vst v6  }
0x85: {  	s0 =	simm.s32 $0x420  }
0x86: {  	s14 =	simm.s32 $0x600;
	s30 =	smov.u32 s18;
	s31 =	smov.u32 s6  }
.LBB2_5:
0x87: {  	v6 =	vld [tilespmem:s0+$0xFFFFFFE0];
	_ =	sdelay $0x4  }
0x88: {  	v7 =	vshrl.u32 v6, $0x3  }
0x89: {  	v7 =	vmul.u32 $0x30, v7  }
0x8a: {  	v6 =	vand.u32 $0x7, v6  }
0x8b: {  	v6 =	vor.u32 v6, v7  }
0x8c: {  	v7 =	vperm.xlane v6, v3;
	_ =	sdelay $0x1  }
0x8d: {  	v7 =	vadd.s32 v4, v7;
	_ =	sdelay $0x3  }
0x8e: {  	v6 =	vperm.xlane v6, v5  }
0x8f: {  	[tilespmem:s20], [sflag:$0x1] =	stream.indirect_vreg.gather [hbm4b:s2+s3], $0x80, v7, vm0, $0xb8;
	[tilespmem:$0xC880] =	vst v63  }
0x90: {  	v6 =	vadd.s32 v4, v6  }
0x91: {  	[tilespmem:s21], [sflag:$0x1] =	stream.indirect_vreg.gather [hbm4b:s9+s3], $0x80, v7, vm0, $0xb8;
	[tilespmem:$0xC880] =	vst v63  }
0x92: {  	_ = 	snop  }
0x93: {  	[tilespmem:s22], [sflag:$0x1] =	stream.indirect_vreg.gather [hbm4b:s10+s3], $0x80, v7, vm0, $0xb8;
	[tilespmem:$0xC880] =	vst v63  }
0x94: {  	s7 =	rddreg [dreg:$0x5]  }
0x95: {  	[tilespmem:s7], [sflag:$0x1] =	stream.indirect_vreg.gather [hbm4b:s2+s3], $0x80, v6, vm0, $0xb8;
	[tilespmem:$0xC880] =	vst v63  }
0x96: {  	s8 =	rddreg [dreg:$0x6]  }
0x97: {  	[tilespmem:s8], [sflag:$0x1] =	stream.indirect_vreg.gather [hbm4b:s9+s3], $0x80, v6, vm0, $0xb8;
	[tilespmem:$0xC880] =	vst v63  }
0x98: {  	s12 =	rddreg [dreg:$0x7]  }
0x99: {  	[tilespmem:s12], [sflag:$0x1] =	stream.indirect_vreg.gather [hbm4b:s10+s3], $0x80, v6, vm0, $0xb8;
	[tilespmem:$0xC880] =	vst v63  }
0x9a: {  	v6 =	vld [tilespmem:s0+$0xFFFFFFF0];
	_ =	sdelay $0x4  }
0x9b: {  	v7 =	vshrl.u32 v6, $0x3  }
0x9c: {  	v7 =	vmul.u32 $0x30, v7  }
0x9d: {  	v6 =	vand.u32 $0x7, v6  }
0x9e: {  	v6 =	vor.u32 v6, v7  }
0x9f: {  	v7 =	vperm.xlane v6, v3;
	_ =	sdelay $0x1  }
0xa0: {  	v7 =	vadd.s32 v4, v7;
	_ =	sdelay $0x3  }
0xa1: {  	s8 =	rddreg [dreg:$0x8];
	v6 =	vperm.xlane v6, v5  }
0xa2: {  	[tilespmem:s8], [sflag:$0x1] =	stream.indirect_vreg.gather [hbm4b:s2+s3], $0x80, v7, vm0, $0xb8;
	[tilespmem:$0xC880] =	vst v63  }
0xa3: {  	s12 =	rddreg [dreg:$0x9];
	v6 =	vadd.s32 v4, v6  }
0xa4: {  	[tilespmem:s12], [sflag:$0x1] =	stream.indirect_vreg.gather [hbm4b:s9+s3], $0x80, v7, vm0, $0xb8;
	[tilespmem:$0xC880] =	vst v63  }
0xa5: {  	s7 =	rddreg [dreg:$0xa]  }
0xa6: {  	[tilespmem:s7], [sflag:$0x1] =	stream.indirect_vreg.gather [hbm4b:s10+s3], $0x80, v7, vm0, $0xb8;
	[tilespmem:$0xC880] =	vst v63  }
0xa7: {  	s12 =	rddreg [dreg:$0xb]  }
0xa8: {  	[tilespmem:s12], [sflag:$0x1] =	stream.indirect_vreg.gather [hbm4b:s2+s3], $0x80, v6, vm0, $0xb8;
	[tilespmem:$0xC880] =	vst v63  }
0xa9: {  	s7 =	rddreg [dreg:$0xc]  }
0xaa: {  	[tilespmem:s7], [sflag:$0x1] =	stream.indirect_vreg.gather [hbm4b:s9+s3], $0x80, v6, vm0, $0xb8;
	[tilespmem:$0xC880] =	vst v63  }
0xab: {  	s12 =	rddreg [dreg:$0xd]  }
0xac: {  	[tilespmem:s12], [sflag:$0x1] =	stream.indirect_vreg.gather [hbm4b:s10+s3], $0x80, v6, vm0, $0xb8;
	[tilespmem:$0xC880] =	vst v63  }
0xad: {  	v6 =	vld [tilespmem:s0+$0x0];
	_ =	sdelay $0x4  }
0xae: {  	v7 =	vshrl.u32 v6, $0x3  }
0xaf: {  	v7 =	vmul.u32 $0x30, v7  }
0xb0: {  	v6 =	vand.u32 $0x7, v6  }
0xb1: {  	v6 =	vor.u32 v6, v7  }
0xb2: {  	v7 =	vperm.xlane v6, v3;
	_ =	sdelay $0x1  }
0xb3: {  	v7 =	vadd.s32 v4, v7;
	_ =	sdelay $0x3  }
0xb4: {  	s8 =	rddreg [dreg:$0xe];
	v6 =	vperm.xlane v6, v5  }
0xb5: {  	[tilespmem:s8], [sflag:$0x1] =	stream.indirect_vreg.gather [hbm4b:s2+s3], $0x80, v7, vm0, $0xb8;
	[tilespmem:$0xC880] =	vst v63  }
0xb6: {  	s12 =	rddreg [dreg:$0xf];
	v6 =	vadd.s32 v4, v6  }
0xb7: {  	[tilespmem:s12], [sflag:$0x1] =	stream.indirect_vreg.gather [hbm4b:s9+s3], $0x80, v7, vm0, $0xb8;
	[tilespmem:$0xC880] =	vst v63  }
0xb8: {  	s7 =	rddreg [dreg:$0x10]  }
0xb9: {  	[tilespmem:s7], [sflag:$0x1] =	stream.indirect_vreg.gather [hbm4b:s10+s3], $0x80, v7, vm0, $0xb8;
	[tilespmem:$0xC880] =	vst v63  }
0xba: {  	s12 =	rddreg [dreg:$0x11]  }
0xbb: {  	[tilespmem:s12], [sflag:$0x1] =	stream.indirect_vreg.gather [hbm4b:s2+s3], $0x80, v6, vm0, $0xb8;
	[tilespmem:$0xC880] =	vst v63  }
0xbc: {  	s7 =	rddreg [dreg:$0x12]  }
0xbd: {  	[tilespmem:s7], [sflag:$0x1] =	stream.indirect_vreg.gather [hbm4b:s9+s3], $0x80, v6, vm0, $0xb8;
	[tilespmem:$0xC880] =	vst v63  }
0xbe: {  	s12 =	rddreg [dreg:$0x13]  }
0xbf: {  	[tilespmem:s12], [sflag:$0x1] =	stream.indirect_vreg.gather [hbm4b:s10+s3], $0x80, v6, vm0, $0xb8;
	[tilespmem:$0xC880] =	vst v63  }
0xc0: {  	v6 =	vld [tilespmem:s0+$0x10];
	_ =	sdelay $0x4  }
0xc1: {  	v7 =	vshrl.u32 v6, $0x3  }
0xc2: {  	v7 =	vmul.u32 $0x30, v7  }
0xc3: {  	v6 =	vand.u32 $0x7, v6  }
0xc4: {  	v6 =	vor.u32 v6, v7  }
0xc5: {  	v7 =	vperm.xlane v6, v3;
	_ =	sdelay $0x1  }
0xc6: {  	v7 =	vadd.s32 v4, v7;
	_ =	sdelay $0x3  }
0xc7: {  	s8 =	rddreg [dreg:$0x14];
	v6 =	vperm.xlane v6, v5  }
0xc8: {  	[tilespmem:s8], [sflag:$0x1] =	stream.indirect_vreg.gather [hbm4b:s2+s3], $0x80, v7, vm0, $0xb8;
	[tilespmem:$0xC880] =	vst v63  }
0xc9: {  	v6 =	vadd.s32 v4, v6  }
0xca: {  	[tilespmem:s23], [sflag:$0x1] =	stream.indirect_vreg.gather [hbm4b:s9+s3], $0x80, v7, vm0, $0xb8;
	[tilespmem:$0xC880] =	vst v63  }
0xcb: {  	_ = 	snop  }
0xcc: {  	[tilespmem:s24], [sflag:$0x1] =	stream.indirect_vreg.gather [hbm4b:s10+s3], $0x80, v7, vm0, $0xb8;
	[tilespmem:$0xC880] =	vst v63  }
0xcd: {  	_ = 	snop  }
0xce: {  	[tilespmem:s25], [sflag:$0x1] =	stream.indirect_vreg.gather [hbm4b:s2+s3], $0x80, v6, vm0, $0xb8;
	[tilespmem:$0xC880] =	vst v63  }
0xcf: {  	_ = 	snop  }
0xd0: {  	[tilespmem:s26], [sflag:$0x1] =	stream.indirect_vreg.gather [hbm4b:s9+s3], $0x80, v6, vm0, $0xb8;
	[tilespmem:$0xC880] =	vst v63  }
0xd1: {  	s7 =	sshrl.u32 s30, $0x3  }
0xd2: {  	[tilespmem:s28], [sflag:$0x1] =	stream.indirect_vreg.gather [hbm4b:s10+s3], $0x80, v6, vm0, $0xb8;
	[tilespmem:$0xC880] =	vst v63  }
0xd3: {  	s12 =	smul.u32 $0x300, s7;
	_ =	swait.ge [sflag:s19], $0xC000  }
0xd4: {  	[sflag:s19] =	ssyncset.done $0x0  }
0xd5: {  	s8 =	sadd.s32 s4, s12;
	[sflag:s19] =	ssyncadd.s32 $0xFFFF4000  }
0xd6: {  	[hbm4b:s8+s3] =	stream.linear.scatter [tilespmem:s20], [sflag:$0x2], $0xC000, $0x38;
	[tilespmem:$0xC880] =	vst v63  }
0xd7: {  	_ =	swait.ge [sflag:s15], $0xC000  }
0xd8: {  	s8 =	sld [smem:$0x7FF];
	_ =	sdelay $0x2  }
0xd9: {  	p1 =	sne.s32 @!p0 s8, $0x1  }
0xda: {  	[sflag:s15] =	ssyncset.done $0x0;
	p1 =	por !p1, p0  }
0xdb: {  	[sflag:s15] =	ssyncadd.s32 $0xFFFF4000;
	s8 =	sor.u32 @!p1 $0x100000, s11  }
0xdc: {  	[smem:s8], [sflag:$0x0] =	smem.add.s32 @!p1 $0xA7;
	s8 =	simm.s32 @!p1 $0x0  }
0xdd: {  	s12 =	simm.s32 @!p1 $0x1;
	_ =	swait.done @!p1 [sflag:s8]  }
0xde: {  	[smem:$0x7FF] =	sst @!p1 s12  }
0xdf: {  	s31 =	sadd.s32 $0xFFFFFFFF, s31;
	_ =	sint @!p1 $0x2  }
0xe0: {  	_ =	swait.notdone @!p1 [sflag:s8];
	p1 =	sne.s32 s31, $0x0  }
.Ltmp4:
0xe1: {  	s7 =	sadd.s32 s5, s7;
	(pc) =	sbr.rel @p1 .LBB2_5-.Ltmp4, $4  }
0xe2: {  	[hbm4b:s7+s3] =	stream.linear.scatter [tilespmem:s14], [sflag:$0x2], $0x40, $0x38;
	[tilespmem:$0xC880] =	vst v63  }
0xe3: {  	_ =	swait.ge [sflag:s15], $0x40  }
0xe4: {  	s30 =	sadd.s32 $0x40, s30;
	[sflag:s15] =	ssyncset.done $0x0  }
0xe5: {  	s0 =	sadd.s32 $0x40, s0;
	s14 =	sadd.s32 $0x40, s14;
	[sflag:s15] =	ssyncadd.s32 $0xFFFFFFC0  }
.LBB2_6:
0xe6: {  	s0 =	sshll.u32 s6, $0x6  }
0xe7: {  	s1 =	ssub.s32 s1, s0  }
0xe8: {  	s1 =	sadd.s32 $0x7, s1  }
0xe9: {  	s7 =	sand.u32 $0x7, s1  }
0xea: {  	s31 =	sshra.s32 s1, $0x1F;
	p2 =	slt.s32 s1, $0x1;
	p1 =	sne.s32 s7, $0x0  }
0xeb: {  	s7 =	sshrl.u32 s31, $0x1D;
	p1 =	por !p2, !p1  }
0xec: {  	s1 =	sadd.s32 s7, s1;
	s7 =	simm.s32 $0x1;
	p1 =	por !p1, !p1  }
0xed: {  	s1 =	sshra.s32 s1, $0x3;
	s7 =	simm.s32 @!p1 $0x0  }
0xee: {  	s1 =	ssub.s32 s1, s7  }
0xef: {  	p1 =	slt.s32 s1, $0x1  }
.Ltmp5:
0xf0: {  	_ = 	snop;
	(pc) =	sbr.rel @p1 .LBB2_10-.Ltmp5, $1  }
0xf1: {  	_ =	sdelay $0x3  }
0xf2: {  	s6 =	sshll.u32 s6, $0x8  }
0xf3: {  	s6 =	sshra.s32 s6, $0x2  }
0xf4: {  	s7 =	sadd.s32 $0x400, s6  }
0xf5: {  	v6 =	vld.msk [tilespmem:s7+$0x0], $0xff;
	_ =	sdelay $0x4  }
0xf6: {  	v7 =	vshrl.u32 v6, $0x3  }
0xf7: {  	v7 =	vmul.u32 $0x30, v7  }
0xf8: {  	v6 =	vand.u32 $0x7, v6  }
0xf9: {  	v6 =	vor.u32 v6, v7  }
0xfa: {  	v6 =	vperm.xlane v6, v3;
	_ =	sdelay $0x1  }
0xfb: {  	v6 =	vadd.s32 v4, v6;
	_ =	sdelay $0x4  }
0xfc: {  	[tilespmem:s20], [sflag:$0x1] =	stream.indirect_vreg.gather [hbm4b:s2+s3], $0x80, v6, vm0, $0xb8;
	[tilespmem:$0xC880] =	vst v63  }
0xfd: {  	s8 =	sadd.s32 s0, s18  }
0xfe: {  	[tilespmem:s21], [sflag:$0x1] =	stream.indirect_vreg.gather [hbm4b:s9+s3], $0x80, v6, vm0, $0xb8;
	[tilespmem:$0xC880] =	vst v63  }
0xff: {  	s12 =	sshrl.u32 s8, $0x3  }
0x100: {  	[tilespmem:s22], [sflag:$0x1] =	stream.indirect_vreg.gather [hbm4b:s10+s3], $0x80, v6, vm0, $0xb8;
	[tilespmem:$0xC880] =	vst v63  }
0x101: {  	s30 =	smul.u32 $0x300, s12;
	_ =	swait.ge [sflag:s19], $0x1800  }
0x102: {  	[sflag:s19] =	ssyncset.done $0x0  }
0x103: {  	s0 =	sadd.s32 s4, s30;
	[sflag:s19] =	ssyncadd.s32 $0xFFFFE800  }
0x104: {  	[hbm4b:s0+s3] =	stream.linear.scatter [tilespmem:s20], [sflag:$0x2], $0x1800, $0x38;
	[tilespmem:$0xC880] =	vst v63  }
0x105: {  	_ =	swait.ge [sflag:s15], $0x1800  }
0x106: {  	s0 =	sld [smem:$0x7FF];
	_ =	sdelay $0x2  }
0x107: {  	p1 =	sne.s32 @!p0 s0, $0x1  }
0x108: {  	[sflag:s15] =	ssyncset.done $0x0;
	p1 =	por !p1, p0  }
0x109: {  	[sflag:s15] =	ssyncadd.s32 $0xFFFFE800;
	s0 =	sor.u32 @!p1 $0x100000, s11  }
0x10a: {  	s14 =	simm.s32 @!p1 $0x0;
	[smem:s0], [sflag:$0x0] =	smem.add.s32 @!p1 $0xE3  }
0x10b: {  	s0 =	simm.s32 @!p1 $0x1;
	_ =	swait.done @!p1 [sflag:s14]  }
0x10c: {  	[smem:$0x7FF] =	sst @!p1 s0  }
0x10d: {  	s1 =	sadd.s32 $0xFFFFFFFF, s1;
	_ =	sint @!p1 $0x2  }
0x10e: {  	_ =	swait.notdone @!p1 [sflag:s14];
	p1 =	sne.s32 s1, $0x0  }
.Ltmp6:
0x10f: {  	_ = 	snop;
	(pc) =	sbr.rel @!p1 .LBB2_9-.Ltmp6, $4  }
0x110: {  	s31 =	sadd.s32 s5, s12;
	s0 =	sadd.s32 $0x600, s6  }
0x111: {  	[hbm4b:s31+s3] =	stream.linear.scatter [tilespmem:s0], [sflag:$0x2], $0x8, $0x38;
	[tilespmem:$0xC880] =	vst v63  }
0x112: {  	_ =	swait.ge [sflag:s15], $0x8  }
0x113: {  	s6 =	sadd.s32 $0x8, s7;
	s14 =	sadd.s32 $0x8, s8;
	[sflag:s15] =	ssyncset.done $0x0  }
.LBB2_8:
0x114: {  	s1 =	sadd.s32 $0xFFFFFFFF, s1;
	[sflag:s15] =	ssyncadd.s32 $0xFFFFFFF8;
	s0 =	sadd.s32 $0x8, s0  }
0x115: {  	v6 =	vld.msk [tilespmem:s6+$0x0], $0xff;
	p1 =	sne.s32 s1, $0x0;
	_ =	sdelay $0x4  }
0x116: {  	v7 =	vshrl.u32 v6, $0x3  }
0x117: {  	v7 =	vmul.u32 $0x30, v7  }
0x118: {  	v6 =	vand.u32 $0x7, v6  }
0x119: {  	v6 =	vor.u32 v6, v7  }
0x11a: {  	v6 =	vperm.xlane v6, v3;
	_ =	sdelay $0x1  }
0x11b: {  	v6 =	vadd.s32 v4, v6;
	_ =	sdelay $0x4  }
0x11c: {  	[tilespmem:s20], [sflag:$0x1] =	stream.indirect_vreg.gather [hbm4b:s2+s3], $0x80, v6, vm0, $0xb8;
	[tilespmem:$0xC880] =	vst v63  }
0x11d: {  	_ = 	snop  }
0x11e: {  	[tilespmem:s21], [sflag:$0x1] =	stream.indirect_vreg.gather [hbm4b:s9+s3], $0x80, v6, vm0, $0xb8;
	[tilespmem:$0xC880] =	vst v63  }
0x11f: {  	s7 =	sshrl.u32 s14, $0x3  }
0x120: {  	[tilespmem:s22], [sflag:$0x1] =	stream.indirect_vreg.gather [hbm4b:s10+s3], $0x80, v6, vm0, $0xb8;
	[tilespmem:$0xC880] =	vst v63  }
0x121: {  	s8 =	smul.u32 $0x300, s7;
	_ =	swait.ge [sflag:s19], $0x1800  }
0x122: {  	[sflag:s19] =	ssyncset.done $0x0  }
0x123: {  	s8 =	sadd.s32 s4, s8;
	[sflag:s19] =	ssyncadd.s32 $0xFFFFE800  }
0x124: {  	[hbm4b:s8+s3] =	stream.linear.scatter [tilespmem:s20], [sflag:$0x2], $0x1800, $0x38;
	[tilespmem:$0xC880] =	vst v63  }
0x125: {  	_ =	swait.ge [sflag:s15], $0x1800  }
0x126: {  	s8 =	sld [smem:$0x7FF];
	_ =	sdelay $0x2  }
0x127: {  	p2 =	sne.s32 @!p0 s8, $0x1  }
0x128: {  	[sflag:s15] =	ssyncset.done $0x0;
	p2 =	por !p2, p0  }
0x129: {  	[sflag:s15] =	ssyncadd.s32 $0xFFFFE800;
	s8 =	sor.u32 @!p2 $0x100000, s11  }
0x12a: {  	[smem:s8], [sflag:$0x0] =	smem.add.s32 @!p2 $0xE3;
	s8 =	simm.s32 @!p2 $0x0  }
0x12b: {  	s12 =	simm.s32 @!p2 $0x1;
	_ =	swait.done @!p2 [sflag:s8]  }
0x12c: {  	[smem:$0x7FF] =	sst @!p2 s12  }
.Ltmp7:
0x12d: {  	_ =	sint @!p2 $0x2;
	(pc) =	sbr.rel @p1 .LBB2_8-.Ltmp7, $4  }
0x12e: {  	s7 =	sadd.s32 s5, s7;
	_ =	swait.notdone @!p2 [sflag:s8]  }
0x12f: {  	[hbm4b:s7+s3] =	stream.linear.scatter [tilespmem:s0], [sflag:$0x2], $0x8, $0x38;
	[tilespmem:$0xC880] =	vst v63  }
0x130: {  	_ =	swait.ge [sflag:s15], $0x8  }
0x131: {  	s14 =	sadd.s32 $0x8, s14;
	s6 =	sadd.s32 $0x8, s6;
	[sflag:s15] =	ssyncset.done $0x0  }
.Ltmp8:
0x132: {  	_ = 	snop;
	(pc) =	sbr.rel .LBB2_9-.Ltmp8, $1  }
0x133: {  	_ =	sdelay $0x3  }
.LBB2_11:
0x134: {  	_ =	sfence.sel $0x180000  }
0x135: {  	[bflag:$0x0] =	sbarrier.arrive $0xFFFF  }
0x136: {  	_ =	strace $0x9000004A  }
0x137: {  	s0 =	stileid.u32;
	[bflag:$0x2] =	sbarrier.arrive $0xFFFF  }
0x138: {  	p0 =	sne.s32 s0, $0x0;
	s0 =	rddreg [dreg:$0x4]  }
0x139: {  	s0 =	sadd.s32 @!p0 $0x100000, s0  }
0x13a: {  	[sflag:s0] =	ssyncadd.tile.s32 @!p0 $0x1;
	_ =	shalt  }
.Lfunc_end2:
_tile_overlayer_lowered:
.L_overlay_start_2:
0x13b: {  	(tag) =	ssettag $0x2  }
0x13c: {  	s0 =	rddreg [dreg:$0x0];
	s2 =	stileid.u32  }
0x13d: {  	s1 =	rddreg [dreg:$0x1];
	p0 =	sne.s32 s2, $0x0  }
0x13e: {  	s3 =	rddreg [dreg:$0x2];
	[bflag:$0x3] =	sbarrier.arrive $0xFFFF;
	s2 =	simm.s32 @!p0 $0x1C02  }
0x13f: {  	[timem:s3], [sflag:s2] =	dma.local @!p0 [hbm:s0], s1  }
0x140: {  	s0 =	simm.s32 @!p0 $0x2  }
0x141: {  	_ =	swait.ge @!p0 [sflag:s0], s1  }
0x142: {  	s1 =	ssub.s32 @!p0 $0x0, s1;
	[sflag:s0] =	ssyncset.done @!p0 $0x0  }
0x143: {  	[sflag:s0] =	ssyncadd.s32 @!p0 s1  }
0x144: {  	[bflag:$0x3] =	sbarrier.arrive $0xFFFF  }
0x145: {  	_ =	shalt  }

// kernel: kernel.19.cloned.1.call-start
scs
__scs_entry_jumppad:
0x0: {  	(pc) =	sbr.rel $0x88, $3  }
0x1: {  	(tag) =	ssettag $0x0;
	lr =	simm.s32 $0x1  }
0x2: {  	[smem:$0x3F9A] =	sst lr;
	_ =	strace $0xD0000000  }
0x3: {  	_ = 	snop  }
0x4: {  	_ = 	snop  }
0x5: {  	_ = 	snop  }
0x6: {  	_ = 	snop  }
0x7: {  	_ = 	snop  }
__scs_overlays_trampoline_lowered:
0x8: {  	[smem:$0x3FA9] =	sst s0  }
0x9: {  	[smem:$0x3FAA] =	sst s1  }
0xa: {  	[smem:$0x3FAB] =	sst s2  }
0xb: {  	[smem:$0x3FAC] =	sst s3  }
0xc: {  	[smem:$0x3FAD] =	sst s4  }
0xd: {  	[smem:$0x3FAE] =	sst s5  }
0xe: {  	[smem:$0x3FAF] =	sst s6  }
0xf: {  	[smem:$0x3FB0] =	sst s7  }
0x10: {  	[smem:$0x3FB1] =	sst s8  }
0x11: {  	[smem:$0x3FB2] =	sst s9;
	s0 =	simm.s32 @!p0 $0x0  }
0x12: {  	s1 =	sld [smem:$0x3F98];
	s0 =	simm.s32 @p0 $0x1  }
0x13: {  	[smem:$0x3FB3] =	sst s0;
	s0 =	simm.s32 @!p1 $0x0  }
0x14: {  	s2 =	sld [smem:$0x3F97];
	s0 =	simm.s32 @p1 $0x1  }
0x15: {  	[smem:$0x3FB4] =	sst s0;
	s0 =	simm.s32 @!p2 $0x0  }
0x16: {  	s3 =	sld [smem:$0x3FDB];
	s0 =	simm.s32 @p2 $0x1  }
0x17: {  	s4 =	simm.s32 $0x1BF5;
	[smem:$0x3FB6] =	sst s0  }
0x18: {  	s0 =	sld [smem:$0x3F99];
	_ =	swait.ge [sflag:s4], $0x0  }
0x19: {  	s7 =	sld [smem:$0x3F9A]  }
0x1a: {  	s8 =	sadd.s32 $0xFFFFE003, lr  }
0x1b: {  	s9 =	sadd.s32 $0xFFFFFEF7, lr;
	s5 =	simm.s32 $0xFFFFFFFF;
	p2 =	slt.u32 s8, $0xFFFFF086  }
0x1c: {  	p1 =	slt.u32 s9, $0xF7A;
	s5 =	simm.s32 @!p2 $0x0  }
0x1d: {  	s5 =	simm.s32 @p1 $0x1;
	p0 =	seq.s32 s7, s2  }
0x1e: {  	s7 =	smul.u32 @!p0 $0xF7A, s2;
	p2 =	seq.s32 @!p0 s5, $0x0  }
0x1f: {  	s9 =	smul.u32 $0xF7A, s1;
	s8 =	simm.s32 @!p0 $0x1BF5;
	p2 =	por !p2, p0  }
0x20: {  	[sflag:s8] =	ssyncset.s32 @!p0 $0xFFFFF086;
	s6 =	sadd.s32 @!p0 s3, s7;
	s7 =	simm.s32 @!p0 $0x108  }
0x21: {  	s3 =	sadd.s32 s3, s9;
	s6 =	sadd.s32 @!p0 $0x88, s6;
	s7 =	simm.s32 @p2 $0x1082  }
0x22: {  	[simem:s7], [sflag:s8] =	dma.local @!p0 [hbm:s6], $0xF7A  }
0x23: {  	s9 =	sor.u32 $0xD0000000, s2;
	s6 =	simm.s32 $0x108;
	_ =	swait.ge @!p0 [sflag:s8], $0x0  }
0x24: {  	s3 =	sadd.s32 $0x88, s3;
	s6 =	simm.s32 @!p1 $0x1082;
	[sflag:s4] =	ssyncset.s32 $0xFFFFF086  }
0x25: {  	[simem:s6], [sflag:s4] =	dma.local [hbm:s3], $0xF7A  }
0x26: {  	[smem:$0x3F9A] =	sst s1;
	(tag) =	ssettag s2;
	_ =	strace s9  }
0x27: {  	s1 =	sld [smem:$0x3FAA]  }
0x28: {  	s2 =	sld [smem:$0x3FAB]  }
0x29: {  	s4 =	sld [smem:$0x3FAD]  }
0x2a: {  	p0 =	seq.s32 s5, $0x0;
	s5 =	sld [smem:$0x3FAE]  }
0x2b: {  	s6 =	sld [smem:$0x3FAF]  }
0x2c: {  	s7 =	sld [smem:$0x3FB0]  }
0x2d: {  	s3 =	simm.s32 $0x108;
	s8 =	sld [smem:$0x3FB1]  }
0x2e: {  	s3 =	simm.s32 @!p0 $0x1082;
	s9 =	sld [smem:$0x3FB2]  }
0x2f: {  	lr =	sadd.s32 s0, s3;
	s0 =	sld [smem:$0x3FA9]  }
0x30: {  	s3 =	sld [smem:$0x3FAC]  }
0x31: {  	[smem:$0x3FB5] =	sst s10  }
0x32: {  	s10 =	sld [smem:$0x3FB3];
	_ =	sdelay $0x3  }
0x33: {  	p0 =	seq.s32 s10, $0x1;
	s10 =	sld [smem:$0x3FB5];
	_ =	sdelay $0x3  }
0x34: {  	[smem:$0x3FB5] =	sst s10  }
0x35: {  	s10 =	sld [smem:$0x3FB4];
	_ =	sdelay $0x3  }
0x36: {  	p1 =	seq.s32 s10, $0x1;
	s10 =	sld [smem:$0x3FB5];
	_ =	sdelay $0x3  }
0x37: {  	[smem:$0x3FB5] =	sst s10  }
0x38: {  	s10 =	sld [smem:$0x3FB6]  }
0x39: {  	_ = 	snop;
	(pc) =	sbr.ind lr, $3  }
0x3a: {  	_ = 	snop  }
0x3b: {  	_ = 	snop  }
0x3c: {  	p2 =	seq.s32 s10, $0x1;
	s10 =	sld [smem:$0x3FB5]  }
0x3d: {  	_ =	shalt  }
0x3e: {  	_ =	shalt  }
0x3f: {  	_ =	shalt  }
0x40: {  	_ =	shalt  }
0x41: {  	_ =	shalt  }
0x42: {  	_ =	shalt  }
0x43: {  	_ =	shalt  }
0x44: {  	_ =	shalt  }
0x45: {  	_ =	shalt  }
0x46: {  	_ =	shalt  }
0x47: {  	_ =	shalt  }
0x48: {  	_ =	shalt  }
0x49: {  	_ =	shalt  }
0x4a: {  	_ =	shalt  }
0x4b: {  	_ =	shalt  }
0x4c: {  	_ =	shalt  }
0x4d: {  	_ =	shalt  }
0x4e: {  	_ =	shalt  }
0x4f: {  	_ =	shalt  }
0x50: {  	_ =	shalt  }
0x51: {  	_ =	shalt  }
0x52: {  	_ =	shalt  }
0x53: {  	_ =	shalt  }
0x54: {  	_ =	shalt  }
0x55: {  	_ =	shalt  }
0x56: {  	_ =	shalt  }
0x57: {  	_ =	shalt  }
0x58: {  	_ =	shalt  }
0x59: {  	_ =	shalt  }
0x5a: {  	_ =	shalt  }
0x5b: {  	_ =	shalt  }
0x5c: {  	_ =	shalt  }
0x5d: {  	_ =	shalt  }
0x5e: {  	_ =	shalt  }
0x5f: {  	_ =	shalt  }
0x60: {  	_ =	shalt  }
0x61: {  	_ =	shalt  }
0x62: {  	_ =	shalt  }
0x63: {  	_ =	shalt  }
0x64: {  	_ =	shalt  }
0x65: {  	_ =	shalt  }
0x66: {  	_ =	shalt  }
0x67: {  	_ =	shalt  }
0x68: {  	_ =	shalt  }
0x69: {  	_ =	shalt  }
0x6a: {  	_ =	shalt  }
0x6b: {  	_ =	shalt  }
0x6c: {  	_ =	shalt  }
0x6d: {  	_ =	shalt  }
0x6e: {  	_ =	shalt  }
0x6f: {  	_ =	shalt  }
0x70: {  	_ =	shalt  }
0x71: {  	_ =	shalt  }
0x72: {  	_ =	shalt  }
0x73: {  	_ =	shalt  }
0x74: {  	_ =	shalt  }
0x75: {  	_ =	shalt  }
0x76: {  	_ =	shalt  }
0x77: {  	_ =	shalt  }
0x78: {  	_ =	shalt  }
0x79: {  	_ =	shalt  }
0x7a: {  	_ =	shalt  }
0x7b: {  	_ =	shalt  }
0x7c: {  	_ =	shalt  }
0x7d: {  	_ =	shalt  }
0x7e: {  	_ =	shalt  }
0x7f: {  	_ =	shalt  }
0x80: {  	_ =	shalt  }
0x81: {  	_ =	shalt  }
0x82: {  	_ =	shalt  }
0x83: {  	_ =	shalt  }
0x84: {  	_ =	shalt  }
0x85: {  	_ =	shalt  }
0x86: {  	_ =	shalt  }
0x87: {  	_ =	shalt  }
.Lfunc_end0:
.L_simem_size_0:
called_computation.11_lowered:
.L_overlay_start_0:
0x88: {  	s2 =	sld [smem:$0x3FD9]  }
0x89: {  	s3 =	sld [smem:$0x3FFE];
	_ =	sdelay $0x1  }
0x8a: {  	s1 =	srdreg.scid  }
0x8b: {  	s0 =	sand.u32 $0x1, s1  }
0x8c: {  	s17 =	sshll.u32 s0, $0xA;
	s2 =	sadd.s32 s3, s2  }
0x8d: {  	s2 =	sadd.s32 s2, s17  }
0x8e: {  	[smem:$0x3FC1] =	sst s2  }
0x8f: {  	_ = 	snop  }
0x90: {  	s2 =	sld [smem:$0x3FC9]  }
0x91: {  	s18 =	sld [smem:$0x3FC8]  }
0x92: {  	s4 =	sld [smem:$0x3FC7];
	(tm) =	ssettm $0x1  }
0x93: {  	s5 =	sld [smem:$0x3FFB];
	_ =	sdelay $0x3  }
0x94: {  	_ =	strace s5  }
0x95: {  	s5 =	sld [smem:$0x3FFC];
	_ =	sdelay $0x3  }
0x96: {  	_ =	strace s5  }
0x97: {  	s5 =	sld [smem:$0x3FFD];
	_ =	sdelay $0x3  }
0x98: {  	_ =	strace s5  }
0x99: {  	_ =	strace $0x8FFFFFFF  }
0x9a: {  	s19 =	sld [smem:$0x3FDB];
	_ =	sdelay $0x1  }
0x9b: {  	s6 =	simm.s32 $_scs_section_size  }
0x9c: {  	s7 =	simm.s32 $_size__tile_overlayer_lowered;
	s8 =	simm.s32 $_tile_overlayer_lowered  }
0x9d: {  	s22 =	simm.s32 $0x1BFF;
	s21 =	sshll.u32 s8, $0x1;
	s5 =	sadd.s32 s6, s19  }
0x9e: {  	s9 =	simm.s32 $0x0;
	s20 =	sshll.u32 s7, $0x1;
	s7 =	sadd.s32 s21, s5  }
0x9f: {  	[timem:s9], [sflag:s22] =	dma.local [hbm:s7], s20  }
0xa0: {  	_ =	swait.ge [sflag:s22], s20  }
0xa1: {  	s6 =	ssub.s32 $0x0, s20;
	[sflag:s22] =	ssyncset.done $0x0  }
0xa2: {  	[sflag:s22] =	ssyncadd.s32 s6;
	_ =	sdelay $0x1  }
0xa3: {  	s23 =	simm.s32 $0x1B8B  }
0xa4: {  	_ =	swait.ge [sflag:s23], $0x1  }
0xa5: {  	[sflag:s23] =	ssyncset.done $0x0  }
0xa6: {  	s25 =	simm.s32 $0x1B8E;
	s24 =	sld [smem:$0x3FFE];
	[sflag:s23] =	ssyncadd.s32 $0xFFFFFFFF  }
0xa7: {  	s26 =	simm.s32 $execute0_lowered;
	[smem:$0x3FD2] =	sst s25  }
0xa8: {  	s7 =	sshll.u32 s26, $0x1;
	_ =	strace $0x80000046;
	[dreg:$0x1] =	wrdreg $0xFFFFFFFF  }
0xa9: {  	s28 =	simm.s32 $_size_execute0_lowered;
	s5 =	sadd.s32 s5, s7;
	[dreg:$0x0] =	wrdreg $0x0  }
0xaa: {  	s7 =	sshll.u32 s28, $0x1;
	[dreg:$0x2] =	wrdreg s5  }
0xab: {  	[dreg:$0x3] =	wrdreg s7  }
0xac: {  	[dreg:$0x4] =	wrdreg $0xC0  }
0xad: {  	_ =	task [dreg:s9], $0x5FFFF  }
0xae: {  	[dreg:$0x1] =	wrdreg $0xFFFFFFFF  }
0xaf: {  	[dreg:$0x0] =	wrdreg $0x60  }
0xb0: {  	[dreg:$0x2] =	wrdreg s18  }
0xb1: {  	[dreg:$0x3] =	wrdreg s4  }
0xb2: {  	[dreg:$0x4] =	wrdreg s2  }
0xb3: {  	[dreg:$0x5] =	wrdreg s24  }
0xb4: {  	[dreg:$0x6] =	wrdreg $0xC  }
0xb5: {  	_ =	task.clear_ibuf [dreg:s9], $0x7FFFF;
	_ =	strace $0x90000046  }
0xb6: {  	s29 =	simm.s32 $0xC;
	_ =	strace $0x80000048  }
0xb7: {  	_ =	swait.ge [sflag:s29], $0x1  }
0xb8: {  	[sflag:s29] =	ssyncadd.s32 $0xFFFFFFFF  }
0xb9: {  	_ =	strace $0x90000048  }
0xba: {  	_ =	sfence  }
0xbb: {  	s30 =	sld [smem:$0x0];
	_ =	sdelay $0x2  }
0xbc: {  	s31 =	sshll.u32 s1, $0xD;
	s1 =	sshrl.u32 s1, $0x2  }
0xbd: {  	s3 =	sand.u32 $0x4000, s31;
	s1 =	sadd.s32 s1, s30  }
0xbe: {  	s0 =	sor.u32 s3, s0;
	s1 =	sshll.u32 s1, $0x11  }
0xbf: {  	s0 =	sor.u32 s1, s0  }
0xc0: {  	s0 =	sadd.s32 $0x8F2B, s0  }
0xc1: {  	[sflag:s0] =	ssyncadd.remote.s32 $0x1  }
0xc2: {  	_ =	sfence.sel $0xFFFF  }
0xc3: {  	[dreg:$0x0] =	wrdreg $0xFFFFFFFF;
	(pc) =	sbr.abs _section_cstart, $3  }
0xc4: {  	[dreg:$0x1] =	wrdreg $0xFFFFFFFF  }
0xc5: {  	_ =	task.clear_ibuf [dreg:s9], $0x2FFFF;
	_ =	strace $0x9FFFFFFF  }
0xc6: {  	(tm) =	ssettm $0x7FFFFFFF  }
0xc7: {  	_ =	shalt  }
tec
execute0_lowered:
.L_overlay_start_1:
0x0: {  	(tag) =	ssettag $0x1  }
0x1: {  	s0 =	rddreg [dreg:$0x0]  }
0x2: {  	s1 =	rddreg [dreg:$0x1]  }
0x3: {  	s2 =	rddreg [dreg:$0x2];
	s3 =	srdreg.scid  }
0x4: {  	s13 =	stileid.u32;
	s5 =	rddreg [dreg:$0x3]  }
0x5: {  	s14 =	simm.s32 $0x3800;
	s16 =	simm.s32 $0x4000;
	s18 =	simm.s32 $0x4800  }
0x6: {  	s19 =	simm.s32 $0x5000;
	s6 =	sand.u32 $0x1, s3;
	s3 =	simm.s32 $0x0  }
0x7: {  	s20 =	simm.s32 $0x5800;
	s21 =	simm.s32 $0x6000;
	[smem:$0x7FF] =	sst s3  }
0x8: {  	s22 =	simm.s32 $0x6800;
	_ =	strace $0x80000047;
	[dreg:$0x8] =	wrdreg s14  }
0x9: {  	s23 =	simm.s32 $0x7000;
	s24 =	simm.s32 $0x7800;
	[dreg:$0x9] =	wrdreg s16  }
0xa: {  	s25 =	simm.s32 $0x8000;
	s28 =	simm.s32 $0xC000;
	[dreg:$0xa] =	wrdreg s18  }
0xb: {  	s29 =	simm.s32 $0x0;
	s7 =	sshll.u32 s13, $0x1;
	[dreg:$0xb] =	wrdreg s19  }
0xc: {  	s11 =	sadd.s32 $0x3FEA, s13;
	s17 =	sshll.u32 s13, $0xA;
	[dreg:$0xc] =	wrdreg s20  }
0xd: {  	s4 =	sor.u32 s6, s7;
	s10 =	ssub.s32 $0x2, s6;
	[dreg:$0xd] =	wrdreg s21  }
0xe: {  	s6 =	sshll.u32 s6, $0x9;
	s8 =	sshll.u32 s4, $0x4;
	[dreg:$0xe] =	wrdreg s22  }
0xf: {  	s9 =	sshll.u32 s4, $0x9;
	s4 =	sadd.s32 $0x1400, s5;
	[dreg:$0xf] =	wrdreg s23  }
0x10: {  	s26 =	sshrl.u32 s10, $0x1;
	s16 =	simm.s32 $0x80;
	[dreg:$0x10] =	wrdreg s24  }
0x11: {  	[dreg:$0x11] =	wrdreg s25;
	s19 =	simm.s32 $0x1;
	s20 =	simm.s32 $0x800  }
0x12: {  	s21 =	simm.s32 $0x1000;
	s22 =	simm.s32 $0x1800;
	s23 =	simm.s32 $0xA000  }
0x13: {  	s24 =	simm.s32 $0xA800;
	s25 =	simm.s32 $0xB000;
	s8 =	sadd.s32 s8, s5  }
0x14: {  	s7 =	sor.u32 s9, s7;
	s12 =	ssub.s32 s10, s26;
	s26 =	simm.s32 $0x8800  }
0x15: {  	s5 =	sadd.s32 $0xC00, s5;
	s8 =	sadd.s32 $0xA00, s8;
	[dreg:$0x12] =	wrdreg s26  }
0x16: {  	s7 =	sand.u32 $0x1E10, s7;
	s15 =	smax.u32 s12, $0x1;
	[dreg:$0x15] =	wrdreg s8  }
0x17: {  	s30 =	sor.u32 $0x60, s7;
	s7 =	simm.s32 $0x2800;
	[dreg:$0x18] =	wrdreg s15  }
0x18: {  	s9 =	sadd.s32 $0x100, s2;
	s8 =	simm.s32 $0x3000;
	[dreg:$0x6] =	wrdreg s7  }
0x19: {  	s10 =	sadd.s32 $0x200, s2;
	s0 =	sadd.s32 s0, s30;
	[dreg:$0x7] =	wrdreg s8  }
.Ltmp0:
0x1a: {  	s31 =	sadd.s32 s1, s30;
	[dreg:$0x16] =	wrdreg s0;
	(pc) =	sbr.rel .LBB2_1-.Ltmp0, $4  }
0x1b: {  	s26 =	simm.s32 $0xB800;
	s1 =	simm.s32 $0x2000;
	[dreg:$0x17] =	wrdreg s31  }
0x1c: {  	v0 =	vimm.s32 $0x0;
	v1 =	vlaneseq.u32;
	s15 =	simm.s32 $0x2;
	s30 =	simm.s32 $0x9000;
	[dreg:$0x5] =	wrdreg s1  }
0x1d: {  	vm0 =	vmmov $0xffff;
	v2 =	vor.u32 $0x80000000, v1;
	v4 =	vshrl.u32 v1, $0x3;
	s1 =	sor.u32 s6, s17;
	[dreg:$0x13] =	wrdreg s30;
	s31 =	simm.s32 $0x9800  }
0x1e: {  	v3 =	vand.u32 $0x7, v1;
	v5 =	vor.u32 $0x8, v1;
	v4 =	vmul.u32 $0x8, v4;
	s17 =	simm.s32 $0x400;
	s13 =	sand.u32 $0x1E00, s1;
	[dreg:$0x14] =	wrdreg s31  }
.LBB2_9:
0x1f: {  	[sflag:s15] =	ssyncadd.s32 $0xFFFFFFF8  }
.LBB2_10:
0x20: {  	s29 =	sadd.s32 $0x1, s29;
	s0 =	rddreg [dreg:$0x18]  }
0x21: {  	p0 =	sne.s32 s29, s0  }
.Ltmp1:
0x22: {  	_ = 	snop;
	(pc) =	sbr.rel @!p0 .LBB2_11-.Ltmp1, $1  }
0x23: {  	_ =	sdelay $0x3  }
.LBB2_1:
0x24: {  	s0 =	rddreg [dreg:$0x15];
	s1 =	simm.s32 $0xC800  }
0x25: {  	[tilespmem:s1], [sflag:$0x2] =	stream.linear.gather [hbm4b:s0+s3], $0x80, $0x38;
	[tilespmem:$0xC880] =	vst v63  }
0x26: {  	_ =	swait.ge [sflag:s15], $0x80  }
0x27: {  	[sflag:s15] =	ssyncset.done $0x0  }
0x28: {  	s12 =	rddreg [dreg:$0x16];
	[sflag:s15] =	ssyncadd.s32 $0xFFFFFF80  }
0x29: {  	v6 =	vld [tilespmem:$0xC800];
	[tilespmem:s3], [sflag:$0x2] =	stream.strided.gather [hbm4b:s12+s16], $0x200, s17, s16, $0x38  }
0x2a: {  	_ =	swait.ge [sflag:s15], $0x200  }
0x2b: {  	[sflag:s15] =	ssyncset.done $0x0  }
0x2c: {  	s18 =	simm.s32 $0x200;
	s14 =	rddreg [dreg:$0x17];
	[sflag:s15] =	ssyncadd.s32 $0xFFFFFE00  }
0x2d: {  	[tilespmem:s18], [sflag:$0x2] =	stream.strided.gather [hbm4b:s14+s16], $0x200, s17, s16, $0x38;
	[tilespmem:$0xC880] =	vst v63  }
0x2e: {  	_ =	swait.ge [sflag:s15], $0x200  }
0x2f: {  	[sflag:s15] =	ssyncset.done $0x0  }
0x30: {  	[sflag:s15] =	ssyncadd.s32 $0xFFFFFE00  }
0x31: {  	[tilespmem:$0x400] =	vst v0  }
0x32: {  	[tilespmem:$0x410] =	vst v0  }
0x33: {  	[tilespmem:$0x420] =	vst v0  }
0x34: {  	[tilespmem:$0x430] =	vst v0  }
0x35: {  	[tilespmem:$0x440] =	vst v0  }
0x36: {  	[tilespmem:$0x450] =	vst v0  }
0x37: {  	[tilespmem:$0x460] =	vst v0  }
0x38: {  	[tilespmem:$0x470] =	vst v0  }
0x39: {  	[tilespmem:$0x480] =	vst v0  }
0x3a: {  	[tilespmem:$0x490] =	vst v0  }
0x3b: {  	[tilespmem:$0x4A0] =	vst v0  }
0x3c: {  	[tilespmem:$0x4B0] =	vst v0  }
0x3d: {  	[tilespmem:$0x4C0] =	vst v0  }
0x3e: {  	[tilespmem:$0x4D0] =	vst v0  }
0x3f: {  	[tilespmem:$0x4E0] =	vst v0  }
0x40: {  	[tilespmem:$0x4F0] =	vst v0  }
0x41: {  	[tilespmem:$0x500] =	vst v0  }
0x42: {  	[tilespmem:$0x510] =	vst v0  }
0x43: {  	[tilespmem:$0x520] =	vst v0  }
0x44: {  	[tilespmem:$0x530] =	vst v0  }
0x45: {  	[tilespmem:$0x540] =	vst v0  }
0x46: {  	[tilespmem:$0x550] =	vst v0  }
0x47: {  	[tilespmem:$0x560] =	vst v0  }
0x48: {  	[tilespmem:$0x570] =	vst v0  }
0x49: {  	[tilespmem:$0x580] =	vst v0  }
0x4a: {  	[tilespmem:$0x590] =	vst v0  }
0x4b: {  	[tilespmem:$0x5A0] =	vst v0  }
0x4c: {  	[tilespmem:$0x5B0] =	vst v0  }
0x4d: {  	[tilespmem:$0x5C0] =	vst v0  }
0x4e: {  	[tilespmem:$0x5D0] =	vst v0  }
0x4f: {  	[tilespmem:$0x5E0] =	vst v0  }
0x50: {  	s30 =	simm.s32 $0x0;
	[tilespmem:$0x5F0] =	vst v0  }
0x51: {  	v7 =	vld [tilespmem:s30+$0x0];
	_ =	sdelay $0x4  }
0x52: {  	vm1 =	vgt.f32 v7, $0.0e+00;
	v7 =	vor.u32 s13, v1  }
0x53: {  	(xrf1) =	vsort.ascd.msk.u32 vm1, v2, v7;
	_ =	sdelay $0xd  }
0x54: {  	_, v7, _ =	vpop (xrf1)  }
0x55: {  	[tilespmem:s3+$0x400] =	vst v7  }
0x56: {  	v7 =	vld [tilespmem:s30+$0x200]  }
0x57: {  	v8 =	vmpcnt.ones.xlane vm1;
	_ =	sdelay $0x1  }
0x58: {  	(v2sf) =	vpush v8, $0x0;
	_ =	sdelay $0x1  }
0x59: {  	(xrf1) =	vsort.ascd.msk.u32 vm1, v2, v7;
	_ =	sdelay $0xc  }
0x5a: {  	s6 =	smov.u32 s13;
	s1 =	simm.s32 $0x40;
	s31 =	spop (v2sf)  }
0x5b: {  	s18 =	simm.s32 $0x80;
	s14 =	simm.s32 $0x0;
	s0 =	sadd.s32 $0x0, s31;
	_, v7, _ =	vpop (xrf1)  }
.LBB2_2:
0x5c: {  	s30 =	sshra.s32 s1, $0x2;
	s6 =	sadd.s32 $0x10, s6  }
0x5d: {  	[tilespmem:s14+$0x600] =	vst v7;
	s1 =	smov.u32 s18;
	s31 =	sadd.s32 $0x40, s18;
	s14 =	smov.u32 s0  }
0x5e: {  	p0 =	sne.s32 s18, $0x7C0;
	v7 =	vld [tilespmem:s30+$0x0];
	_ =	sdelay $0x4  }
0x5f: {  	vm1 =	vgt.f32 v7, $0.0e+00;
	v7 =	vor.u32 s6, v1  }
0x60: {  	v8 =	vmpcnt.ones.xlane vm1;
	(xrf1) =	vsort.ascd.msk.u32 vm1, v2, v7;
	_ =	sdelay $0x1  }
0x61: {  	(v2sf) =	vpush v8, $0x0;
	_ =	sdelay $0xb  }
0x62: {  	_, v7, _ =	vpop (xrf1)  }
0x63: {  	[tilespmem:s0+$0x400] =	vst v7  }
0x64: {  	v7 =	vld [tilespmem:s30+$0x200]  }
0x65: {  	s18 =	spop (v2sf)  }
0x66: {  	s0 =	sadd.s32 s0, s18;
	_ =	sdelay $0x2  }
0x67: {  	(xrf1) =	vsort.ascd.msk.u32 vm1, v2, v7;
	_ =	sdelay $0x9  }
.Ltmp2:
0x68: {  	(pc) =	sbr.rel @p0 .LBB2_2-.Ltmp2, $2  }
0x69: {  	_ =	sdelay $0x2  }
0x6a: {  	s18 =	smov.u32 s31;
	_, v7, _ =	vpop (xrf1)  }
0x6b: {  	s1 =	sshra.s32 s1, $0x2;
	[tilespmem:s14+$0x600] =	vst v7  }
0x6c: {  	v7 =	vld [tilespmem:s1+$0x0];
	_ =	sdelay $0x3  }
0x6d: {  	s6 =	sadd.s32 $0x10, s6  }
0x6e: {  	vm1 =	vgt.f32 v7, $0.0e+00;
	v7 =	vor.u32 s6, v1  }
0x6f: {  	(xrf1) =	vsort.ascd.msk.u32 vm1, v2, v7;
	_ =	sdelay $0x5  }
0x70: {  	v7 =	vmpcnt.ones.xlane vm1;
	_ =	sdelay $0x1  }
0x71: {  	(v2sf) =	vpush v7, $0x0;
	_ =	sdelay $0x5  }
0x72: {  	_, v7, _ =	vpop (xrf1)  }
0x73: {  	[tilespmem:s0+$0x400] =	vst v7  }
0x74: {  	v7 =	vld [tilespmem:s1+$0x200];
	_ =	sdelay $0x2  }
0x75: {  	(v2sf) =	vpush v6, $0x0;
	_ =	sdelay $0x1  }
0x76: {  	(xrf1) =	vsort.ascd.msk.u32 vm1, v2, v7;
	_ =	sdelay $0x1  }
0x77: {  	s12 =	spop (v2sf)  }
0x78: {  	s1 =	sadd.s32 s0, s12  }
0x79: {  	s14 =	sand.u32 $0x3F, s1  }
0x7a: {  	s18 =	sshra.s32 s1, $0x1F;
	p0 =	slt.s32 s1, $0x1;
	p1 =	sne.s32 s14, $0x0  }
0x7b: {  	s30 =	sshrl.u32 s18, $0x1A;
	p0 =	por !p0, !p1  }
0x7c: {  	s14 =	simm.s32 $0x1;
	s6 =	sadd.s32 s30, s1;
	p0 =	por !p0, !p0  }
0x7d: {  	s6 =	sshra.s32 s6, $0x6;
	s14 =	simm.s32 @!p0 $0x0  }
0x7e: {  	s6 =	ssub.s32 s6, s14  }
0x7f: {  	p1 =	slt.s32 s6, $0x1  }
.Ltmp3:
0x80: {  	_ = 	snop;
	(pc) =	sbr.rel @p1 .LBB2_6-.Ltmp3, $4  }
0x81: {  	_ = 	snop  }
0x82: {  	s18 =	spop (v2sf)  }
0x83: {  	s31 =	sand.u32 $0x7, s18;
	_, v6, _ =	vpop (xrf1)  }
0x84: {  	p0 =	seq.s32 s31, $0x0;
	[tilespmem:s0+$0x600] =	vst v6  }
0x85: {  	s0 =	simm.s32 $0x420  }
0x86: {  	s14 =	simm.s32 $0x600;
	s30 =	smov.u32 s18;
	s31 =	smov.u32 s6  }
.LBB2_5:
0x87: {  	v6 =	vld [tilespmem:s0+$0xFFFFFFE0];
	_ =	sdelay $0x4  }
0x88: {  	v7 =	vshrl.u32 v6, $0x3  }
0x89: {  	v7 =	vmul.u32 $0x30, v7  }
0x8a: {  	v6 =	vand.u32 $0x7, v6  }
0x8b: {  	v6 =	vor.u32 v6, v7  }
0x8c: {  	v7 =	vperm.xlane v6, v3;
	_ =	sdelay $0x1  }
0x8d: {  	v7 =	vadd.s32 v4, v7;
	_ =	sdelay $0x3  }
0x8e: {  	v6 =	vperm.xlane v6, v5  }
0x8f: {  	[tilespmem:s20], [sflag:$0x1] =	stream.indirect_vreg.gather [hbm4b:s2+s3], $0x80, v7, vm0, $0xb8;
	[tilespmem:$0xC880] =	vst v63  }
0x90: {  	v6 =	vadd.s32 v4, v6  }
0x91: {  	[tilespmem:s21], [sflag:$0x1] =	stream.indirect_vreg.gather [hbm4b:s9+s3], $0x80, v7, vm0, $0xb8;
	[tilespmem:$0xC880] =	vst v63  }
0x92: {  	_ = 	snop  }
0x93: {  	[tilespmem:s22], [sflag:$0x1] =	stream.indirect_vreg.gather [hbm4b:s10+s3], $0x80, v7, vm0, $0xb8;
	[tilespmem:$0xC880] =	vst v63  }
0x94: {  	s7 =	rddreg [dreg:$0x5]  }
0x95: {  	[tilespmem:s7], [sflag:$0x1] =	stream.indirect_vreg.gather [hbm4b:s2+s3], $0x80, v6, vm0, $0xb8;
	[tilespmem:$0xC880] =	vst v63  }
0x96: {  	s8 =	rddreg [dreg:$0x6]  }
0x97: {  	[tilespmem:s8], [sflag:$0x1] =	stream.indirect_vreg.gather [hbm4b:s9+s3], $0x80, v6, vm0, $0xb8;
	[tilespmem:$0xC880] =	vst v63  }
0x98: {  	s12 =	rddreg [dreg:$0x7]  }
0x99: {  	[tilespmem:s12], [sflag:$0x1] =	stream.indirect_vreg.gather [hbm4b:s10+s3], $0x80, v6, vm0, $0xb8;
	[tilespmem:$0xC880] =	vst v63  }
0x9a: {  	v6 =	vld [tilespmem:s0+$0xFFFFFFF0];
	_ =	sdelay $0x4  }
0x9b: {  	v7 =	vshrl.u32 v6, $0x3  }
0x9c: {  	v7 =	vmul.u32 $0x30, v7  }
0x9d: {  	v6 =	vand.u32 $0x7, v6  }
0x9e: {  	v6 =	vor.u32 v6, v7  }
0x9f: {  	v7 =	vperm.xlane v6, v3;
	_ =	sdelay $0x1  }
0xa0: {  	v7 =	vadd.s32 v4, v7;
	_ =	sdelay $0x3  }
0xa1: {  	s8 =	rddreg [dreg:$0x8];
	v6 =	vperm.xlane v6, v5  }
0xa2: {  	[tilespmem:s8], [sflag:$0x1] =	stream.indirect_vreg.gather [hbm4b:s2+s3], $0x80, v7, vm0, $0xb8;
	[tilespmem:$0xC880] =	vst v63  }
0xa3: {  	s12 =	rddreg [dreg:$0x9];
	v6 =	vadd.s32 v4, v6  }
0xa4: {  	[tilespmem:s12], [sflag:$0x1] =	stream.indirect_vreg.gather [hbm4b:s9+s3], $0x80, v7, vm0, $0xb8;
	[tilespmem:$0xC880] =	vst v63  }
0xa5: {  	s7 =	rddreg [dreg:$0xa]  }
0xa6: {  	[tilespmem:s7], [sflag:$0x1] =	stream.indirect_vreg.gather [hbm4b:s10+s3], $0x80, v7, vm0, $0xb8;
	[tilespmem:$0xC880] =	vst v63  }
0xa7: {  	s12 =	rddreg [dreg:$0xb]  }
0xa8: {  	[tilespmem:s12], [sflag:$0x1] =	stream.indirect_vreg.gather [hbm4b:s2+s3], $0x80, v6, vm0, $0xb8;
	[tilespmem:$0xC880] =	vst v63  }
0xa9: {  	s7 =	rddreg [dreg:$0xc]  }
0xaa: {  	[tilespmem:s7], [sflag:$0x1] =	stream.indirect_vreg.gather [hbm4b:s9+s3], $0x80, v6, vm0, $0xb8;
	[tilespmem:$0xC880] =	vst v63  }
0xab: {  	s12 =	rddreg [dreg:$0xd]  }
0xac: {  	[tilespmem:s12], [sflag:$0x1] =	stream.indirect_vreg.gather [hbm4b:s10+s3], $0x80, v6, vm0, $0xb8;
	[tilespmem:$0xC880] =	vst v63  }
0xad: {  	v6 =	vld [tilespmem:s0+$0x0];
	_ =	sdelay $0x4  }
0xae: {  	v7 =	vshrl.u32 v6, $0x3  }
0xaf: {  	v7 =	vmul.u32 $0x30, v7  }
0xb0: {  	v6 =	vand.u32 $0x7, v6  }
0xb1: {  	v6 =	vor.u32 v6, v7  }
0xb2: {  	v7 =	vperm.xlane v6, v3;
	_ =	sdelay $0x1  }
0xb3: {  	v7 =	vadd.s32 v4, v7;
	_ =	sdelay $0x3  }
0xb4: {  	s8 =	rddreg [dreg:$0xe];
	v6 =	vperm.xlane v6, v5  }
0xb5: {  	[tilespmem:s8], [sflag:$0x1] =	stream.indirect_vreg.gather [hbm4b:s2+s3], $0x80, v7, vm0, $0xb8;
	[tilespmem:$0xC880] =	vst v63  }
0xb6: {  	s12 =	rddreg [dreg:$0xf];
	v6 =	vadd.s32 v4, v6  }
0xb7: {  	[tilespmem:s12], [sflag:$0x1] =	stream.indirect_vreg.gather [hbm4b:s9+s3], $0x80, v7, vm0, $0xb8;
	[tilespmem:$0xC880] =	vst v63  }
0xb8: {  	s7 =	rddreg [dreg:$0x10]  }
0xb9: {  	[tilespmem:s7], [sflag:$0x1] =	stream.indirect_vreg.gather [hbm4b:s10+s3], $0x80, v7, vm0, $0xb8;
	[tilespmem:$0xC880] =	vst v63  }
0xba: {  	s12 =	rddreg [dreg:$0x11]  }
0xbb: {  	[tilespmem:s12], [sflag:$0x1] =	stream.indirect_vreg.gather [hbm4b:s2+s3], $0x80, v6, vm0, $0xb8;
	[tilespmem:$0xC880] =	vst v63  }
0xbc: {  	s7 =	rddreg [dreg:$0x12]  }
0xbd: {  	[tilespmem:s7], [sflag:$0x1] =	stream.indirect_vreg.gather [hbm4b:s9+s3], $0x80, v6, vm0, $0xb8;
	[tilespmem:$0xC880] =	vst v63  }
0xbe: {  	s12 =	rddreg [dreg:$0x13]  }
0xbf: {  	[tilespmem:s12], [sflag:$0x1] =	stream.indirect_vreg.gather [hbm4b:s10+s3], $0x80, v6, vm0, $0xb8;
	[tilespmem:$0xC880] =	vst v63  }
0xc0: {  	v6 =	vld [tilespmem:s0+$0x10];
	_ =	sdelay $0x4  }
0xc1: {  	v7 =	vshrl.u32 v6, $0x3  }
0xc2: {  	v7 =	vmul.u32 $0x30, v7  }
0xc3: {  	v6 =	vand.u32 $0x7, v6  }
0xc4: {  	v6 =	vor.u32 v6, v7  }
0xc5: {  	v7 =	vperm.xlane v6, v3;
	_ =	sdelay $0x1  }
0xc6: {  	v7 =	vadd.s32 v4, v7;
	_ =	sdelay $0x3  }
0xc7: {  	s8 =	rddreg [dreg:$0x14];
	v6 =	vperm.xlane v6, v5  }
0xc8: {  	[tilespmem:s8], [sflag:$0x1] =	stream.indirect_vreg.gather [hbm4b:s2+s3], $0x80, v7, vm0, $0xb8;
	[tilespmem:$0xC880] =	vst v63  }
0xc9: {  	v6 =	vadd.s32 v4, v6  }
0xca: {  	[tilespmem:s23], [sflag:$0x1] =	stream.indirect_vreg.gather [hbm4b:s9+s3], $0x80, v7, vm0, $0xb8;
	[tilespmem:$0xC880] =	vst v63  }
0xcb: {  	_ = 	snop  }
0xcc: {  	[tilespmem:s24], [sflag:$0x1] =	stream.indirect_vreg.gather [hbm4b:s10+s3], $0x80, v7, vm0, $0xb8;
	[tilespmem:$0xC880] =	vst v63  }
0xcd: {  	_ = 	snop  }
0xce: {  	[tilespmem:s25], [sflag:$0x1] =	stream.indirect_vreg.gather [hbm4b:s2+s3], $0x80, v6, vm0, $0xb8;
	[tilespmem:$0xC880] =	vst v63  }
0xcf: {  	_ = 	snop  }
0xd0: {  	[tilespmem:s26], [sflag:$0x1] =	stream.indirect_vreg.gather [hbm4b:s9+s3], $0x80, v6, vm0, $0xb8;
	[tilespmem:$0xC880] =	vst v63  }
0xd1: {  	s7 =	sshrl.u32 s30, $0x3  }
0xd2: {  	[tilespmem:s28], [sflag:$0x1] =	stream.indirect_vreg.gather [hbm4b:s10+s3], $0x80, v6, vm0, $0xb8;
	[tilespmem:$0xC880] =	vst v63  }
0xd3: {  	s12 =	smul.u32 $0x300, s7;
	_ =	swait.ge [sflag:s19], $0xC000  }
0xd4: {  	[sflag:s19] =	ssyncset.done $0x0  }
0xd5: {  	s8 =	sadd.s32 s4, s12;
	[sflag:s19] =	ssyncadd.s32 $0xFFFF4000  }
0xd6: {  	[hbm4b:s8+s3] =	stream.linear.scatter [tilespmem:s20], [sflag:$0x2], $0xC000, $0x38;
	[tilespmem:$0xC880] =	vst v63  }
0xd7: {  	_ =	swait.ge [sflag:s15], $0xC000  }
0xd8: {  	s8 =	sld [smem:$0x7FF];
	_ =	sdelay $0x2  }
0xd9: {  	p1 =	sne.s32 @!p0 s8, $0x1  }
0xda: {  	[sflag:s15] =	ssyncset.done $0x0;
	p1 =	por !p1, p0  }
0xdb: {  	[sflag:s15] =	ssyncadd.s32 $0xFFFF4000;
	s8 =	sor.u32 @!p1 $0x100000, s11  }
0xdc: {  	[smem:s8], [sflag:$0x0] =	smem.add.s32 @!p1 $0xA7;
	s8 =	simm.s32 @!p1 $0x0  }
0xdd: {  	s12 =	simm.s32 @!p1 $0x1;
	_ =	swait.done @!p1 [sflag:s8]  }
0xde: {  	[smem:$0x7FF] =	sst @!p1 s12  }
0xdf: {  	s31 =	sadd.s32 $0xFFFFFFFF, s31;
	_ =	sint @!p1 $0x2  }
0xe0: {  	_ =	swait.notdone @!p1 [sflag:s8];
	p1 =	sne.s32 s31, $0x0  }
.Ltmp4:
0xe1: {  	s7 =	sadd.s32 s5, s7;
	(pc) =	sbr.rel @p1 .LBB2_5-.Ltmp4, $4  }
0xe2: {  	[hbm4b:s7+s3] =	stream.linear.scatter [tilespmem:s14], [sflag:$0x2], $0x40, $0x38;
	[tilespmem:$0xC880] =	vst v63  }
0xe3: {  	_ =	swait.ge [sflag:s15], $0x40  }
0xe4: {  	s30 =	sadd.s32 $0x40, s30;
	[sflag:s15] =	ssyncset.done $0x0  }
0xe5: {  	s0 =	sadd.s32 $0x40, s0;
	s14 =	sadd.s32 $0x40, s14;
	[sflag:s15] =	ssyncadd.s32 $0xFFFFFFC0  }
.LBB2_6:
0xe6: {  	s0 =	sshll.u32 s6, $0x6  }
0xe7: {  	s1 =	ssub.s32 s1, s0  }
0xe8: {  	s1 =	sadd.s32 $0x7, s1  }
0xe9: {  	s7 =	sand.u32 $0x7, s1  }
0xea: {  	s31 =	sshra.s32 s1, $0x1F;
	p2 =	slt.s32 s1, $0x1;
	p1 =	sne.s32 s7, $0x0  }
0xeb: {  	s7 =	sshrl.u32 s31, $0x1D;
	p1 =	por !p2, !p1  }
0xec: {  	s1 =	sadd.s32 s7, s1;
	s7 =	simm.s32 $0x1;
	p1 =	por !p1, !p1  }
0xed: {  	s1 =	sshra.s32 s1, $0x3;
	s7 =	simm.s32 @!p1 $0x0  }
0xee: {  	s1 =	ssub.s32 s1, s7  }
0xef: {  	p1 =	slt.s32 s1, $0x1  }
.Ltmp5:
0xf0: {  	_ = 	snop;
	(pc) =	sbr.rel @p1 .LBB2_10-.Ltmp5, $1  }
0xf1: {  	_ =	sdelay $0x3  }
0xf2: {  	s6 =	sshll.u32 s6, $0x8  }
0xf3: {  	s6 =	sshra.s32 s6, $0x2  }
0xf4: {  	s7 =	sadd.s32 $0x400, s6  }
0xf5: {  	v6 =	vld.msk [tilespmem:s7+$0x0], $0xff;
	_ =	sdelay $0x4  }
0xf6: {  	v7 =	vshrl.u32 v6, $0x3  }
0xf7: {  	v7 =	vmul.u32 $0x30, v7  }
0xf8: {  	v6 =	vand.u32 $0x7, v6  }
0xf9: {  	v6 =	vor.u32 v6, v7  }
0xfa: {  	v6 =	vperm.xlane v6, v3;
	_ =	sdelay $0x1  }
0xfb: {  	v6 =	vadd.s32 v4, v6;
	_ =	sdelay $0x4  }
0xfc: {  	[tilespmem:s20], [sflag:$0x1] =	stream.indirect_vreg.gather [hbm4b:s2+s3], $0x80, v6, vm0, $0xb8;
	[tilespmem:$0xC880] =	vst v63  }
0xfd: {  	s8 =	sadd.s32 s0, s18  }
0xfe: {  	[tilespmem:s21], [sflag:$0x1] =	stream.indirect_vreg.gather [hbm4b:s9+s3], $0x80, v6, vm0, $0xb8;
	[tilespmem:$0xC880] =	vst v63  }
0xff: {  	s12 =	sshrl.u32 s8, $0x3  }
0x100: {  	[tilespmem:s22], [sflag:$0x1] =	stream.indirect_vreg.gather [hbm4b:s10+s3], $0x80, v6, vm0, $0xb8;
	[tilespmem:$0xC880] =	vst v63  }
0x101: {  	s30 =	smul.u32 $0x300, s12;
	_ =	swait.ge [sflag:s19], $0x1800  }
0x102: {  	[sflag:s19] =	ssyncset.done $0x0  }
0x103: {  	s0 =	sadd.s32 s4, s30;
	[sflag:s19] =	ssyncadd.s32 $0xFFFFE800  }
0x104: {  	[hbm4b:s0+s3] =	stream.linear.scatter [tilespmem:s20], [sflag:$0x2], $0x1800, $0x38;
	[tilespmem:$0xC880] =	vst v63  }
0x105: {  	_ =	swait.ge [sflag:s15], $0x1800  }
0x106: {  	s0 =	sld [smem:$0x7FF];
	_ =	sdelay $0x2  }
0x107: {  	p1 =	sne.s32 @!p0 s0, $0x1  }
0x108: {  	[sflag:s15] =	ssyncset.done $0x0;
	p1 =	por !p1, p0  }
0x109: {  	[sflag:s15] =	ssyncadd.s32 $0xFFFFE800;
	s0 =	sor.u32 @!p1 $0x100000, s11  }
0x10a: {  	s14 =	simm.s32 @!p1 $0x0;
	[smem:s0], [sflag:$0x0] =	smem.add.s32 @!p1 $0xE3  }
0x10b: {  	s0 =	simm.s32 @!p1 $0x1;
	_ =	swait.done @!p1 [sflag:s14]  }
0x10c: {  	[smem:$0x7FF] =	sst @!p1 s0  }
0x10d: {  	s1 =	sadd.s32 $0xFFFFFFFF, s1;
	_ =	sint @!p1 $0x2  }
0x10e: {  	_ =	swait.notdone @!p1 [sflag:s14];
	p1 =	sne.s32 s1, $0x0  }
.Ltmp6:
0x10f: {  	_ = 	snop;
	(pc) =	sbr.rel @!p1 .LBB2_9-.Ltmp6, $4  }
0x110: {  	s31 =	sadd.s32 s5, s12;
	s0 =	sadd.s32 $0x600, s6  }
0x111: {  	[hbm4b:s31+s3] =	stream.linear.scatter [tilespmem:s0], [sflag:$0x2], $0x8, $0x38;
	[tilespmem:$0xC880] =	vst v63  }
0x112: {  	_ =	swait.ge [sflag:s15], $0x8  }
0x113: {  	s6 =	sadd.s32 $0x8, s7;
	s14 =	sadd.s32 $0x8, s8;
	[sflag:s15] =	ssyncset.done $0x0  }
.LBB2_8:
0x114: {  	s1 =	sadd.s32 $0xFFFFFFFF, s1;
	[sflag:s15] =	ssyncadd.s32 $0xFFFFFFF8;
	s0 =	sadd.s32 $0x8, s0  }
0x115: {  	v6 =	vld.msk [tilespmem:s6+$0x0], $0xff;
	p1 =	sne.s32 s1, $0x0;
	_ =	sdelay $0x4  }
0x116: {  	v7 =	vshrl.u32 v6, $0x3  }
0x117: {  	v7 =	vmul.u32 $0x30, v7  }
0x118: {  	v6 =	vand.u32 $0x7, v6  }
0x119: {  	v6 =	vor.u32 v6, v7  }
0x11a: {  	v6 =	vperm.xlane v6, v3;
	_ =	sdelay $0x1  }
0x11b: {  	v6 =	vadd.s32 v4, v6;
	_ =	sdelay $0x4  }
0x11c: {  	[tilespmem:s20], [sflag:$0x1] =	stream.indirect_vreg.gather [hbm4b:s2+s3], $0x80, v6, vm0, $0xb8;
	[tilespmem:$0xC880] =	vst v63  }
0x11d: {  	_ = 	snop  }
0x11e: {  	[tilespmem:s21], [sflag:$0x1] =	stream.indirect_vreg.gather [hbm4b:s9+s3], $0x80, v6, vm0, $0xb8;
	[tilespmem:$0xC880] =	vst v63  }
0x11f: {  	s7 =	sshrl.u32 s14, $0x3  }
0x120: {  	[tilespmem:s22], [sflag:$0x1] =	stream.indirect_vreg.gather [hbm4b:s10+s3], $0x80, v6, vm0, $0xb8;
	[tilespmem:$0xC880] =	vst v63  }
0x121: {  	s8 =	smul.u32 $0x300, s7;
	_ =	swait.ge [sflag:s19], $0x1800  }
0x122: {  	[sflag:s19] =	ssyncset.done $0x0  }
0x123: {  	s8 =	sadd.s32 s4, s8;
	[sflag:s19] =	ssyncadd.s32 $0xFFFFE800  }
0x124: {  	[hbm4b:s8+s3] =	stream.linear.scatter [tilespmem:s20], [sflag:$0x2], $0x1800, $0x38;
	[tilespmem:$0xC880] =	vst v63  }
0x125: {  	_ =	swait.ge [sflag:s15], $0x1800  }
0x126: {  	s8 =	sld [smem:$0x7FF];
	_ =	sdelay $0x2  }
0x127: {  	p2 =	sne.s32 @!p0 s8, $0x1  }
0x128: {  	[sflag:s15] =	ssyncset.done $0x0;
	p2 =	por !p2, p0  }
0x129: {  	[sflag:s15] =	ssyncadd.s32 $0xFFFFE800;
	s8 =	sor.u32 @!p2 $0x100000, s11  }
0x12a: {  	[smem:s8], [sflag:$0x0] =	smem.add.s32 @!p2 $0xE3;
	s8 =	simm.s32 @!p2 $0x0  }
0x12b: {  	s12 =	simm.s32 @!p2 $0x1;
	_ =	swait.done @!p2 [sflag:s8]  }
0x12c: {  	[smem:$0x7FF] =	sst @!p2 s12  }
.Ltmp7:
0x12d: {  	_ =	sint @!p2 $0x2;
	(pc) =	sbr.rel @p1 .LBB2_8-.Ltmp7, $4  }
0x12e: {  	s7 =	sadd.s32 s5, s7;
	_ =	swait.notdone @!p2 [sflag:s8]  }
0x12f: {  	[hbm4b:s7+s3] =	stream.linear.scatter [tilespmem:s0], [sflag:$0x2], $0x8, $0x38;
	[tilespmem:$0xC880] =	vst v63  }
0x130: {  	_ =	swait.ge [sflag:s15], $0x8  }
0x131: {  	s14 =	sadd.s32 $0x8, s14;
	s6 =	sadd.s32 $0x8, s6;
	[sflag:s15] =	ssyncset.done $0x0  }
.Ltmp8:
0x132: {  	_ = 	snop;
	(pc) =	sbr.rel .LBB2_9-.Ltmp8, $1  }
0x133: {  	_ =	sdelay $0x3  }
.LBB2_11:
0x134: {  	_ =	sfence.sel $0x180000  }
0x135: {  	[bflag:$0x0] =	sbarrier.arrive $0xFFFF  }
0x136: {  	_ =	strace $0x90000047  }
0x137: {  	s0 =	stileid.u32;
	[bflag:$0x2] =	sbarrier.arrive $0xFFFF  }
0x138: {  	p0 =	sne.s32 s0, $0x0;
	s0 =	rddreg [dreg:$0x4]  }
0x139: {  	s0 =	sadd.s32 @!p0 $0x100000, s0  }
0x13a: {  	[sflag:s0] =	ssyncadd.tile.s32 @!p0 $0x1;
	_ =	shalt  }
.Lfunc_end2:
_tile_overlayer_lowered:
.L_overlay_start_2:
0x13b: {  	(tag) =	ssettag $0x2  }
0x13c: {  	s0 =	rddreg [dreg:$0x0];
	s2 =	stileid.u32  }
0x13d: {  	s1 =	rddreg [dreg:$0x1];
	p0 =	sne.s32 s2, $0x0  }
0x13e: {  	s3 =	rddreg [dreg:$0x2];
	[bflag:$0x3] =	sbarrier.arrive $0xFFFF;
	s2 =	simm.s32 @!p0 $0x1C02  }
0x13f: {  	[timem:s3], [sflag:s2] =	dma.local @!p0 [hbm:s0], s1  }
0x140: {  	s0 =	simm.s32 @!p0 $0x2  }
0x141: {  	_ =	swait.ge @!p0 [sflag:s0], s1  }
0x142: {  	s1 =	ssub.s32 @!p0 $0x0, s1;
	[sflag:s0] =	ssyncset.done @!p0 $0x0  }
0x143: {  	[sflag:s0] =	ssyncadd.s32 @!p0 s1  }
0x144: {  	[bflag:$0x3] =	sbarrier.arrive $0xFFFF  }
0x145: {  	_ =	shalt  }

</sc_bundles>
